<compile_context>
chip_gen: v7x
topology: tpu7x:2x2x1
jax: 0.10.2.dev20260603
libtpu: 0.0.44.dev20260713+nightly
codegen_flags: <defaults>
</compile_context>

<pallas_src>
import functools

import jax
import jax.numpy as jnp
from jax import lax
from jax.experimental import pallas as pl
from jax.experimental.pallas import tpu as pltpu
from jax.experimental.pallas import tpu_sc as plsc

N = 10000
NP = 10240
E = 320000
D_IN = 128
H = 256
NQ = 2
FQ = H // NQ

NC = 2
NS = 16
EPT = E // NS
K = 80
NCHUNK = EPT // K

W = 5016
AGGR = 5024
TRASH = W
RT = 312
RT_LAST_I = AGGR - 15 * RT
RT_LAST_O = W - 15 * RT

_mesh = plsc.VectorSubcoreMesh(
    core_axis_name="c", subcore_axis_name="s", num_cores=NC, num_subcores=NS)


@functools.partial(
    pl.kernel,
    out_type=jax.ShapeDtypeStruct((NQ, NP, FQ), jnp.float32),
    mesh=_mesh,
    scratch_types=[
        pltpu.VMEM((NCHUNK, K), jnp.int32),
        pltpu.VMEM((NCHUNK, K), jnp.int32),
        pltpu.VMEM((2, K, FQ), jnp.float32),
        pltpu.VMEM_SHARED((AGGR, FQ), jnp.float32),
        pltpu.SemaphoreType.DMA,
    ],
)
def _sc_aggregate(h2, eis, eid, out, src_v, dst_v, rows_v, agg_sh, gsem):
    c = lax.axis_index("c")
    s = lax.axis_index("s")

    pltpu.sync_copy(eis.at[s], src_v)

    for r in range(2):
        base = r * W

        pltpu.sync_copy(eid.at[r].at[s], dst_v)

        @pl.when(s < 15)
        def _():
            pltpu.sync_copy(h2.at[c].at[pl.ds(base + s * RT, RT)],
                            agg_sh.at[pl.ds(s * RT, RT)])

        @pl.when(s == 15)
        def _():
            pltpu.sync_copy(h2.at[c].at[pl.ds(base + 15 * RT, RT_LAST_I)],
                            agg_sh.at[pl.ds(15 * RT, RT_LAST_I)])

        plsc.subcore_barrier()

        pltpu.async_copy(h2.at[c].at[src_v.at[0]], rows_v.at[0], gsem)

        def group_body(g, _):
            for b in range(2):
                j = g * 2 + b
                pltpu.make_async_copy(
                    h2.at[c].at[src_v.at[j]], rows_v.at[b], gsem).wait()

                @pl.when(j + 1 < NCHUNK)
                def _():
                    pltpu.async_copy(
                        h2.at[c].at[src_v.at[j + 1]], rows_v.at[1 - b], gsem)

                pltpu.sync_copy(rows_v.at[b], agg_sh.at[dst_v.at[j]], add=True)
            return 0

        lax.fori_loop(0, NCHUNK // 2, group_body, 0)
        plsc.subcore_barrier()

        @pl.when(s < 15)
        def _():
            pltpu.sync_copy(agg_sh.at[pl.ds(s * RT, RT)],
                            out.at[c].at[pl.ds(base + s * RT, RT)])

        @pl.when(s == 15)
        def _():
            pltpu.sync_copy(agg_sh.at[pl.ds(15 * RT, RT_LAST_O)],
                            out.at[c].at[pl.ds(base + 15 * RT, RT_LAST_O)])

        plsc.subcore_barrier()


_BN = 1024


def _splitq(y):
    return [y[:, i * FQ:(i + 1) * FQ] for i in range(NQ)]


def _encoder_body(x_ref, w_ref, b_ref, out_ref):
    h = jnp.dot(x_ref[...], w_ref[...], preferred_element_type=jnp.float32)
    h = jnp.maximum(h + b_ref[...], 0.0)
    for i, part in enumerate(_splitq(h)):
        out_ref[i] = part


_encoder = pl.pallas_call(
    _encoder_body,
    grid=(NP // _BN,),
    in_specs=[
        pl.BlockSpec((_BN, D_IN), lambda i: (i, 0)),
        pl.BlockSpec((D_IN, H), lambda i: (0, 0)),
        pl.BlockSpec((1, H), lambda i: (0, 0)),
    ],
    out_specs=pl.BlockSpec((NQ, _BN, FQ), lambda i: (0, i, 0)),
    out_shape=jax.ShapeDtypeStruct((NQ, NP, FQ), jnp.float32),
)


def _mlp_body(split_out, z_ref, w1_ref, b1_ref, w2_ref, b2_ref, out_ref):
    w1 = w1_ref[...]
    t = jnp.dot(z_ref[0], w1[:FQ, :], preferred_element_type=jnp.float32)
    for i in range(1, NQ):
        t += jnp.dot(z_ref[i], w1[i * FQ:(i + 1) * FQ, :],
                     preferred_element_type=jnp.float32)
    t = jnp.maximum(t + b1_ref[...], 0.0)
    y = jnp.dot(t, w2_ref[...], preferred_element_type=jnp.float32)
    y = jnp.maximum(y + b2_ref[...], 0.0)
    if split_out:
        for i, part in enumerate(_splitq(y)):
            out_ref[i] = part
    else:
        out_ref[...] = y


def _make_mlp(split_out):
    if split_out:
        out_specs = pl.BlockSpec((NQ, _BN, FQ), lambda i: (0, i, 0))
        out_shape = jax.ShapeDtypeStruct((NQ, NP, FQ), jnp.float32)
    else:
        out_specs = pl.BlockSpec((_BN, H), lambda i: (i, 0))
        out_shape = jax.ShapeDtypeStruct((NP, H), jnp.float32)
    return pl.pallas_call(
        functools.partial(_mlp_body, split_out),
        grid=(NP // _BN,),
        in_specs=[
            pl.BlockSpec((NQ, _BN, FQ), lambda i: (0, i, 0)),
            pl.BlockSpec((H, H), lambda i: (0, 0)),
            pl.BlockSpec((1, H), lambda i: (0, 0)),
            pl.BlockSpec((H, H), lambda i: (0, 0)),
            pl.BlockSpec((1, H), lambda i: (0, 0)),
        ],
        out_specs=out_specs,
        out_shape=out_shape,
    )


_mlp_split = _make_mlp(True)
_mlp_full = _make_mlp(False)


def kernel(x, edge_index, enc_W, enc_b, W1_0, b1_0, W2_0, b2_0,
           W1_1, b1_1, W2_1, b2_1, W1_2, b1_2, W2_2, b2_2):
    src = edge_index[0]
    dst = edge_index[1]
    eis = src.reshape(NS, NCHUNK, K)
    d0 = jnp.where(dst < W, dst, TRASH)
    d1 = jnp.where(dst >= W, dst - W, TRASH)
    eid = jnp.stack([d0, d1]).reshape(2, NS, NCHUNK, K)
    xp = jnp.pad(x, ((0, NP - N), (0, 0)))
    h2 = _encoder(xp, enc_W, enc_b.reshape(1, H))
    layers = [(W1_0, b1_0, W2_0, b2_0),
              (W1_1, b1_1, W2_1, b2_1),
              (W1_2, b1_2, W2_2, b2_2)]
    for l, (W1, b1, W2, b2) in enumerate(layers):
        zsum = _sc_aggregate(h2, eis, eid)
        if l < 2:
            h2 = _mlp_split(zsum, W1, b1.reshape(1, H), W2, b2.reshape(1, H))
        else:
            out = _mlp_full(zsum, W1, b1.reshape(1, H), W2, b2.reshape(1, H))
    return out[:N]

# --- scband reference (transcript-rebuilt; emitter-appended) ---
"""Pipeline reference for scband-pretrainable-gnn-70171175682177 (READ-ONLY COPY).

The authoritative reference and input builder live on the scoring server;
editing this copy changes nothing except your own understanding.
"""

import jax, jax.numpy as jnp
import numpy as np

N = 10000
E = 320000
D_IN = 128
H = 256

def _glorot(key, shape):
    fan_in = shape[0]
    return jax.random.normal(key, shape, dtype=jnp.float32) / np.sqrt(fan_in)

def setup_inputs(seed: int = 0):
    key = jax.random.key(seed)
    ks = jax.random.split(key, 20)
    inp = {}
    inp["x"] = jax.random.normal(ks[0], (N, D_IN), dtype=jnp.float32)
    inp["edge_index"] = jax.random.randint(ks[1], (2, E), 0, N, dtype=jnp.int32)
    inp["enc_W"] = _glorot(ks[2], (D_IN, H))
    inp["enc_b"] = jnp.zeros((H,), dtype=jnp.float32)
    for l in range(3):
        inp["W1_%d" % l] = _glorot(ks[3 + 4 * l], (H, H))
        inp["b1_%d" % l] = jnp.zeros((H,), dtype=jnp.float32)
        inp["W2_%d" % l] = _glorot(ks[4 + 4 * l], (H, H))
        inp["b2_%d" % l] = jnp.zeros((H,), dtype=jnp.float32)
    return inp

def _gin_layer(h, src, dst, W1, b1, W2, b2):
    # GIN aggregation: (1 + eps) * h + sum_{j in N(i)} h_j, with eps = 0
    msgs = jnp.take(h, src, axis=0)                       # gather (SparseCore)
    agg = jax.ops.segment_sum(msgs, dst, num_segments=N)  # scatter-add (SparseCore)
    z = h + agg
    z = jax.nn.relu(jnp.dot(z, W1) + b1)
    z = jnp.dot(z, W2) + b2
    return jax.nn.relu(z)

def reference(x, edge_index, enc_W, enc_b, W1_0, b1_0, W2_0, b2_0, W1_1, b1_1, W2_1, b2_1, W1_2, b1_2, W2_2, b2_2):
    # InputEncoder for domain 'molecule': Linear(128 -> 256) + ReLU
    src = edge_index[0]
    dst = edge_index[1]
    h = jax.nn.relu(jnp.dot(x, enc_W) + enc_b)
    # GIN_Backbone: 3 GIN layers with 2-layer MLPs, hidden dim 256
    h = _gin_layer(h, src, dst, W1_0, b1_0, W2_0, b2_0)
    h = _gin_layer(h, src, dst, W1_1, b1_1, W2_1, b2_1)
    h = _gin_layer(h, src, dst, W1_2, b1_2, W2_2, b2_2)
    return h

if __name__ == "__main__":
    import jax
    _d = setup_inputs()
    print(jax.jit(kernel)(*tuple(_d.values())))

</pallas_src>

<mosaic_0001>
#map = affine_map<(d0, d1) -> (0, 0, 0)>
#map1 = affine_map<(d0, d1) -> (0, 0, 0, 0)>
module attributes {stable_mosaic.version = 14 : i64} {
  func.func @_sc_aggregate(%arg0: i32, %arg1: i32, %arg2: memref<2x10240x128xf32, #tpu.memory_space<hbm>>, %arg3: memref<16x250x80xi32, #tpu.memory_space<hbm>>, %arg4: memref<2x16x250x80xi32, #tpu.memory_space<hbm>>, %arg5: memref<2x10240x128xf32, #tpu.memory_space<hbm>>, %arg6: memref<250x80xi32, #tpu.memory_space<vmem>>, %arg7: memref<250x80xi32, #tpu.memory_space<vmem>>, %arg8: memref<2x80x128xf32, #tpu.memory_space<vmem>>, %arg9: memref<5024x128xf32, #tpu.memory_space<vmem_shared>>, %arg10: memref<!tpu.dma_semaphore, #tpu.memory_space<semaphore_mem>>) attributes {dimension_semantics = [#tpu.dimension_semantics<core_parallel>, #tpu.dimension_semantics<subcore_parallel>], iteration_bounds = array<i64: 2, 16>, scalar_prefetch = 0 : i64, scratch_operands = 5 : i64, tpu.core_type = #tpu.core_type<sc_vector_subcore>, window_params = [{transform_indices = #map}, {transform_indices = #map}, {transform_indices = #map1}, {transform_indices = #map}]} {
    "tpu.region"() ({
      %run_scoped3A_86 = tpu.sem_alloc : memref<!tpu.dma_semaphore, #tpu.memory_space<semaphore_mem>>
      %dma_start3A_87 = arith.constant 0 : i32
      %dma_start3A_88 = arith.constant 0 : i32
      %dma_start3A_89 = tpu.memref_slice %arg3[%arg1, %dma_start3A_87, %dma_start3A_88] : memref<16x250x80xi32, #tpu.memory_space<hbm>> -> memref<1x250x80xi32, #tpu.memory_space<hbm>>
      %dma_start3A_90 = tpu.memref_squeeze %dma_start3A_89 : memref<1x250x80xi32, #tpu.memory_space<hbm>> -> memref<250x80xi32, #tpu.memory_space<hbm>>
      %dma_start3A_91 = arith.constant 0 : i32
      %dma_start3A_92 = arith.constant 0 : i32
      %dma_start3A_93 = tpu.memref_slice %arg3[%arg1, %dma_start3A_91, %dma_start3A_92] : memref<16x250x80xi32, #tpu.memory_space<hbm>> -> memref<1x250x80xi32, #tpu.memory_space<hbm>>
      %dma_start3A_94 = tpu.memref_squeeze %dma_start3A_93 : memref<1x250x80xi32, #tpu.memory_space<hbm>> -> memref<250x80xi32, #tpu.memory_space<hbm>>
      tpu.enqueue_dma source(%dma_start3A_94 : memref<250x80xi32, #tpu.memory_space<hbm>>) target(%arg6 : memref<250x80xi32, #tpu.memory_space<vmem>>) target_semaphore(%run_scoped3A_86 : memref<!tpu.dma_semaphore, #tpu.memory_space<semaphore_mem>>)
      %dma_wait3A = arith.constant 0 : i32
      %dma_wait3A_95 = arith.constant 0 : i32
      %dma_wait3A_96 = tpu.memref_slice %arg3[%arg1, %dma_wait3A, %dma_wait3A_95] : memref<16x250x80xi32, #tpu.memory_space<hbm>> -> memref<1x250x80xi32, #tpu.memory_space<hbm>>
      %dma_wait3A_97 = tpu.memref_squeeze %dma_wait3A_96 : memref<1x250x80xi32, #tpu.memory_space<hbm>> -> memref<250x80xi32, #tpu.memory_space<hbm>>
      %dma_wait3A_98 = arith.constant 0 : i32
      %dma_wait3A_99 = arith.constant 0 : i32
      %dma_wait3A_100 = tpu.memref_slice %arg3[%arg1, %dma_wait3A_98, %dma_wait3A_99] : memref<16x250x80xi32, #tpu.memory_space<hbm>> -> memref<1x250x80xi32, #tpu.memory_space<hbm>>
      %dma_wait3A_101 = tpu.memref_squeeze %dma_wait3A_100 : memref<1x250x80xi32, #tpu.memory_space<hbm>> -> memref<250x80xi32, #tpu.memory_space<hbm>>
      tpu.wait_dma2 semaphore(%run_scoped3A_86 : memref<!tpu.dma_semaphore, #tpu.memory_space<semaphore_mem>>) src(%dma_wait3A_101 : memref<250x80xi32, #tpu.memory_space<hbm>>) dst(%arg6 : memref<250x80xi32, #tpu.memory_space<vmem>>)
      tpu.yield
    }) : () -> ()
    %run_scoped3A = arith.constant 0 : i32
    "tpu.region"() ({
      %run_scoped3A_86 = tpu.sem_alloc : memref<!tpu.dma_semaphore, #tpu.memory_space<semaphore_mem>>
      %dma_start3A_87 = arith.constant 0 : i32
      %dma_start3A_88 = arith.constant 0 : i32
      %dma_start3A_89 = arith.constant 0 : i32
      %dma_start3A_90 = tpu.memref_slice %arg4[%run_scoped3A, %dma_start3A_87, %dma_start3A_88, %dma_start3A_89] : memref<2x16x250x80xi32, #tpu.memory_space<hbm>> -> memref<1x16x250x80xi32, #tpu.memory_space<hbm>>
      %dma_start3A_91 = tpu.memref_squeeze %dma_start3A_90 : memref<1x16x250x80xi32, #tpu.memory_space<hbm>> -> memref<16x250x80xi32, #tpu.memory_space<hbm>>
      %dma_start3A_92 = arith.constant 0 : i32
      %dma_start3A_93 = arith.constant 0 : i32
      %dma_start3A_94 = tpu.memref_slice %dma_start3A_91[%arg1, %dma_start3A_92, %dma_start3A_93] : memref<16x250x80xi32, #tpu.memory_space<hbm>> -> memref<1x250x80xi32, #tpu.memory_space<hbm>>
      %dma_start3A_95 = tpu.memref_squeeze %dma_start3A_94 : memref<1x250x80xi32, #tpu.memory_space<hbm>> -> memref<250x80xi32, #tpu.memory_space<hbm>>
      %dma_start3A_96 = arith.constant 0 : i32
      %dma_start3A_97 = arith.constant 0 : i32
      %dma_start3A_98 = arith.constant 0 : i32
      %dma_start3A_99 = tpu.memref_slice %arg4[%run_scoped3A, %dma_start3A_96, %dma_start3A_97, %dma_start3A_98] : memref<2x16x250x80xi32, #tpu.memory_space<hbm>> -> memref<1x16x250x80xi32, #tpu.memory_space<hbm>>
      %dma_start3A_100 = tpu.memref_squeeze %dma_start3A_99 : memref<1x16x250x80xi32, #tpu.memory_space<hbm>> -> memref<16x250x80xi32, #tpu.memory_space<hbm>>
      %dma_start3A_101 = arith.constant 0 : i32
      %dma_start3A_102 = arith.constant 0 : i32
      %dma_start3A_103 = tpu.memref_slice %dma_start3A_100[%arg1, %dma_start3A_101, %dma_start3A_102] : memref<16x250x80xi32, #tpu.memory_space<hbm>> -> memref<1x250x80xi32, #tpu.memory_space<hbm>>
      %dma_start3A_104 = tpu.memref_squeeze %dma_start3A_103 : memref<1x250x80xi32, #tpu.memory_space<hbm>> -> memref<250x80xi32, #tpu.memory_space<hbm>>
      tpu.enqueue_dma source(%dma_start3A_104 : memref<250x80xi32, #tpu.memory_space<hbm>>) target(%arg7 : memref<250x80xi32, #tpu.memory_space<vmem>>) target_semaphore(%run_scoped3A_86 : memref<!tpu.dma_semaphore, #tpu.memory_space<semaphore_mem>>)
      %dma_wait3A = arith.constant 0 : i32
      %dma_wait3A_105 = arith.constant 0 : i32
      %dma_wait3A_106 = arith.constant 0 : i32
      %dma_wait3A_107 = tpu.memref_slice %arg4[%run_scoped3A, %dma_wait3A, %dma_wait3A_105, %dma_wait3A_106] : memref<2x16x250x80xi32, #tpu.memory_space<hbm>> -> memref<1x16x250x80xi32, #tpu.memory_space<hbm>>
      %dma_wait3A_108 = tpu.memref_squeeze %dma_wait3A_107 : memref<1x16x250x80xi32, #tpu.memory_space<hbm>> -> memref<16x250x80xi32, #tpu.memory_space<hbm>>
      %dma_wait3A_109 = arith.constant 0 : i32
      %dma_wait3A_110 = arith.constant 0 : i32
      %dma_wait3A_111 = tpu.memref_slice %dma_wait3A_108[%arg1, %dma_wait3A_109, %dma_wait3A_110] : memref<16x250x80xi32, #tpu.memory_space<hbm>> -> memref<1x250x80xi32, #tpu.memory_space<hbm>>
      %dma_wait3A_112 = tpu.memref_squeeze %dma_wait3A_111 : memref<1x250x80xi32, #tpu.memory_space<hbm>> -> memref<250x80xi32, #tpu.memory_space<hbm>>
      %dma_wait3A_113 = arith.constant 0 : i32
      %dma_wait3A_114 = arith.constant 0 : i32
      %dma_wait3A_115 = arith.constant 0 : i32
      %dma_wait3A_116 = tpu.memref_slice %arg4[%run_scoped3A, %dma_wait3A_113, %dma_wait3A_114, %dma_wait3A_115] : memref<2x16x250x80xi32, #tpu.memory_space<hbm>> -> memref<1x16x250x80xi32, #tpu.memory_space<hbm>>
      %dma_wait3A_117 = tpu.memref_squeeze %dma_wait3A_116 : memref<1x16x250x80xi32, #tpu.memory_space<hbm>> -> memref<16x250x80xi32, #tpu.memory_space<hbm>>
      %dma_wait3A_118 = arith.constant 0 : i32
      %dma_wait3A_119 = arith.constant 0 : i32
      %dma_wait3A_120 = tpu.memref_slice %dma_wait3A_117[%arg1, %dma_wait3A_118, %dma_wait3A_119] : memref<16x250x80xi32, #tpu.memory_space<hbm>> -> memref<1x250x80xi32, #tpu.memory_space<hbm>>
      %dma_wait3A_121 = tpu.memref_squeeze %dma_wait3A_120 : memref<1x250x80xi32, #tpu.memory_space<hbm>> -> memref<250x80xi32, #tpu.memory_space<hbm>>
      tpu.wait_dma2 semaphore(%run_scoped3A_86 : memref<!tpu.dma_semaphore, #tpu.memory_space<semaphore_mem>>) src(%dma_wait3A_121 : memref<250x80xi32, #tpu.memory_space<hbm>>) dst(%arg7 : memref<250x80xi32, #tpu.memory_space<vmem>>)
      tpu.yield
    }) : () -> ()
    %lt3A = arith.constant 15 : i32
    %lt3A_0 = arith.cmpi slt, %arg1, %lt3A : i32
    %convert_element_type3A = arith.extui %lt3A_0 : i1 to i32
    %cond3A = arith.constant 0 : i32
    %cond3A_1 = arith.cmpi ne, %convert_element_type3A, %cond3A : i32
    scf.if %cond3A_1 {
      %mul3A = arith.constant 312 : i32
      %mul3A_86 = arith.muli %arg1, %mul3A : i32
      %add3A = arith.constant 0 : i32
      %add3A_87 = arith.addi %add3A, %mul3A_86 : i32
      %mul3A_88 = arith.constant 312 : i32
      %mul3A_89 = arith.muli %arg1, %mul3A_88 : i32
      "tpu.region"() ({
        %run_scoped3A_90 = tpu.sem_alloc : memref<!tpu.dma_semaphore, #tpu.memory_space<semaphore_mem>>
        %dma_start3A_91 = arith.constant 0 : i32
        %dma_start3A_92 = tpu.memref_slice %arg9[%mul3A_89, %dma_start3A_91] : memref<5024x128xf32, #tpu.memory_space<vmem_shared>> -> memref<312x128xf32, #tpu.memory_space<vmem_shared>>
        %dma_start3A_93 = arith.constant 0 : i32
        %dma_start3A_94 = arith.constant 0 : i32
        %dma_start3A_95 = tpu.memref_slice %arg2[%arg0, %dma_start3A_93, %dma_start3A_94] : memref<2x10240x128xf32, #tpu.memory_space<hbm>> -> memref<1x10240x128xf32, #tpu.memory_space<hbm>>
        %dma_start3A_96 = tpu.memref_squeeze %dma_start3A_95 : memref<1x10240x128xf32, #tpu.memory_space<hbm>> -> memref<10240x128xf32, #tpu.memory_space<hbm>>
        %dma_start3A_97 = arith.constant 0 : i32
        %dma_start3A_98 = tpu.memref_slice %dma_start3A_96[%add3A_87, %dma_start3A_97] : memref<10240x128xf32, #tpu.memory_space<hbm>> -> memref<312x128xf32, #tpu.memory_space<hbm>>
        tpu.enqueue_dma source(%dma_start3A_98 : memref<312x128xf32, #tpu.memory_space<hbm>>) target(%dma_start3A_92 : memref<312x128xf32, #tpu.memory_space<vmem_shared>>) target_semaphore(%run_scoped3A_90 : memref<!tpu.dma_semaphore, #tpu.memory_space<semaphore_mem>>)
        %dma_wait3A = arith.constant 0 : i32
        %dma_wait3A_99 = tpu.memref_slice %arg9[%mul3A_89, %dma_wait3A] : memref<5024x128xf32, #tpu.memory_space<vmem_shared>> -> memref<312x128xf32, #tpu.memory_space<vmem_shared>>
        %dma_wait3A_100 = arith.constant 0 : i32
        %dma_wait3A_101 = arith.constant 0 : i32
        %dma_wait3A_102 = tpu.memref_slice %arg2[%arg0, %dma_wait3A_100, %dma_wait3A_101] : memref<2x10240x128xf32, #tpu.memory_space<hbm>> -> memref<1x10240x128xf32, #tpu.memory_space<hbm>>
        %dma_wait3A_103 = tpu.memref_squeeze %dma_wait3A_102 : memref<1x10240x128xf32, #tpu.memory_space<hbm>> -> memref<10240x128xf32, #tpu.memory_space<hbm>>
        %dma_wait3A_104 = arith.constant 0 : i32
        %dma_wait3A_105 = tpu.memref_slice %dma_wait3A_103[%add3A_87, %dma_wait3A_104] : memref<10240x128xf32, #tpu.memory_space<hbm>> -> memref<312x128xf32, #tpu.memory_space<hbm>>
        tpu.wait_dma2 semaphore(%run_scoped3A_90 : memref<!tpu.dma_semaphore, #tpu.memory_space<semaphore_mem>>) src(%dma_wait3A_105 : memref<312x128xf32, #tpu.memory_space<hbm>>) dst(%dma_wait3A_99 : memref<312x128xf32, #tpu.memory_space<vmem_shared>>)
        tpu.yield
      }) : () -> ()
    } else {
    }
    %eq3A = arith.constant 15 : i32
    %eq3A_2 = arith.cmpi eq, %arg1, %eq3A : i32
    %convert_element_type3A_3 = arith.extui %eq3A_2 : i1 to i32
    %cond3A_4 = arith.constant 0 : i32
    %cond3A_5 = arith.cmpi ne, %convert_element_type3A_3, %cond3A_4 : i32
    scf.if %cond3A_5 {
      "tpu.region"() ({
        %run_scoped3A_86 = tpu.sem_alloc : memref<!tpu.dma_semaphore, #tpu.memory_space<semaphore_mem>>
        %dma_start3A_87 = arith.constant 4680 : i32
        %dma_start3A_88 = arith.constant 0 : i32
        %dma_start3A_89 = tpu.memref_slice %arg9[%dma_start3A_87, %dma_start3A_88] : memref<5024x128xf32, #tpu.memory_space<vmem_shared>> -> memref<344x128xf32, #tpu.memory_space<vmem_shared>>
        %dma_start3A_90 = arith.constant 0 : i32
        %dma_start3A_91 = arith.constant 0 : i32
        %dma_start3A_92 = tpu.memref_slice %arg2[%arg0, %dma_start3A_90, %dma_start3A_91] : memref<2x10240x128xf32, #tpu.memory_space<hbm>> -> memref<1x10240x128xf32, #tpu.memory_space<hbm>>
        %dma_start3A_93 = tpu.memref_squeeze %dma_start3A_92 : memref<1x10240x128xf32, #tpu.memory_space<hbm>> -> memref<10240x128xf32, #tpu.memory_space<hbm>>
        %dma_start3A_94 = arith.constant 4680 : i32
        %dma_start3A_95 = arith.constant 0 : i32
        %dma_start3A_96 = tpu.memref_slice %dma_start3A_93[%dma_start3A_94, %dma_start3A_95] : memref<10240x128xf32, #tpu.memory_space<hbm>> -> memref<344x128xf32, #tpu.memory_space<hbm>>
        tpu.enqueue_dma source(%dma_start3A_96 : memref<344x128xf32, #tpu.memory_space<hbm>>) target(%dma_start3A_89 : memref<344x128xf32, #tpu.memory_space<vmem_shared>>) target_semaphore(%run_scoped3A_86 : memref<!tpu.dma_semaphore, #tpu.memory_space<semaphore_mem>>)
        %dma_wait3A = arith.constant 4680 : i32
        %dma_wait3A_97 = arith.constant 0 : i32
        %dma_wait3A_98 = tpu.memref_slice %arg9[%dma_wait3A, %dma_wait3A_97] : memref<5024x128xf32, #tpu.memory_space<vmem_shared>> -> memref<344x128xf32, #tpu.memory_space<vmem_shared>>
        %dma_wait3A_99 = arith.constant 0 : i32
        %dma_wait3A_100 = arith.constant 0 : i32
        %dma_wait3A_101 = tpu.memref_slice %arg2[%arg0, %dma_wait3A_99, %dma_wait3A_100] : memref<2x10240x128xf32, #tpu.memory_space<hbm>> -> memref<1x10240x128xf32, #tpu.memory_space<hbm>>
        %dma_wait3A_102 = tpu.memref_squeeze %dma_wait3A_101 : memref<1x10240x128xf32, #tpu.memory_space<hbm>> -> memref<10240x128xf32, #tpu.memory_space<hbm>>
        %dma_wait3A_103 = arith.constant 4680 : i32
        %dma_wait3A_104 = arith.constant 0 : i32
        %dma_wait3A_105 = tpu.memref_slice %dma_wait3A_102[%dma_wait3A_103, %dma_wait3A_104] : memref<10240x128xf32, #tpu.memory_space<hbm>> -> memref<344x128xf32, #tpu.memory_space<hbm>>
        tpu.wait_dma2 semaphore(%run_scoped3A_86 : memref<!tpu.dma_semaphore, #tpu.memory_space<semaphore_mem>>) src(%dma_wait3A_105 : memref<344x128xf32, #tpu.memory_space<hbm>>) dst(%dma_wait3A_98 : memref<344x128xf32, #tpu.memory_space<vmem_shared>>)
        tpu.yield
      }) : () -> ()
    } else {
    }
    %barrier3A = arith.constant 0 : index
    tpu.barrier barrier_id(%barrier3A)
    %dma_start3A = arith.constant 0 : i32
    %dma_start3A_6 = arith.constant 0 : i32
    %dma_start3A_7 = arith.constant 0 : i32
    %dma_start3A_8 = arith.constant 0 : i32
    %dma_start3A_9 = tpu.memref_slice %arg8[%dma_start3A_6, %dma_start3A_7, %dma_start3A_8] : memref<2x80x128xf32, #tpu.memory_space<vmem>> -> memref<1x80x128xf32, #tpu.memory_space<vmem>>
    %dma_start3A_10 = tpu.memref_squeeze %dma_start3A_9 : memref<1x80x128xf32, #tpu.memory_space<vmem>> -> memref<80x128xf32, #tpu.memory_space<vmem>>
    %dma_start3A_11 = arith.constant 0 : i32
    %dma_start3A_12 = tpu.memref_slice %arg6[%dma_start3A, %dma_start3A_11] : memref<250x80xi32, #tpu.memory_space<vmem>> -> memref<1x80xi32, #tpu.memory_space<vmem>>
    %dma_start3A_13 = tpu.memref_squeeze %dma_start3A_12 : memref<1x80xi32, #tpu.memory_space<vmem>> -> memref<80xi32, #tpu.memory_space<vmem>>
    %dma_start3A_14 = arith.constant 0 : i32
    %dma_start3A_15 = arith.constant 0 : i32
    %dma_start3A_16 = tpu.memref_slice %arg2[%arg0, %dma_start3A_14, %dma_start3A_15] : memref<2x10240x128xf32, #tpu.memory_space<hbm>> -> memref<1x10240x128xf32, #tpu.memory_space<hbm>>
    %dma_start3A_17 = tpu.memref_squeeze %dma_start3A_16 : memref<1x10240x128xf32, #tpu.memory_space<hbm>> -> memref<10240x128xf32, #tpu.memory_space<hbm>>
    %dma_start3A_18 = arith.constant 0 : i32
    %dma_start3A_19 = arith.constant 0 : i32
    %dma_start3A_20 = tpu.memref_slice %dma_start3A_17[%dma_start3A_18, %dma_start3A_19] : memref<10240x128xf32, #tpu.memory_space<hbm>> -> memref<10240x128xf32, #tpu.memory_space<hbm>>
    tpu.enqueue_indirect_dma source(%dma_start3A_20 : memref<10240x128xf32, #tpu.memory_space<hbm>>) target(%dma_start3A_10 : memref<80x128xf32, #tpu.memory_space<vmem>>) offsets(%dma_start3A_13 : memref<80xi32, #tpu.memory_space<vmem>>) semaphore(%arg10 : memref<!tpu.dma_semaphore, #tpu.memory_space<semaphore_mem>>)
    %scan3A = arith.constant 0 : i32
    %scan3A_21 = arith.constant 0 : i32
    %scan3A_22 = arith.constant 125 : i32
    %scan3A_23 = arith.addi %scan3A_21, %scan3A_22 : i32
    %scan3A_24 = arith.constant 1 : i32
    %scan3A_25 = scf.for %scan3A_86 = %scan3A_21 to %scan3A_23 step %scan3A_24 iter_args(%scan3A_87 = %scan3A) -> (i32)  : i32 {
      %mul3A = arith.constant 2 : i32
      %mul3A_88 = arith.muli %scan3A_86, %mul3A : i32
      %add3A = arith.constant 0 : i32
      %add3A_89 = arith.addi %mul3A_88, %add3A : i32
      %dma_wait3A = arith.constant 0 : i32
      %dma_wait3A_90 = arith.constant 0 : i32
      %dma_wait3A_91 = arith.constant 0 : i32
      %dma_wait3A_92 = tpu.memref_slice %arg8[%dma_wait3A, %dma_wait3A_90, %dma_wait3A_91] : memref<2x80x128xf32, #tpu.memory_space<vmem>> -> memref<1x80x128xf32, #tpu.memory_space<vmem>>
      %dma_wait3A_93 = tpu.memref_squeeze %dma_wait3A_92 : memref<1x80x128xf32, #tpu.memory_space<vmem>> -> memref<80x128xf32, #tpu.memory_space<vmem>>
      %dma_wait3A_94 = arith.constant 0 : i32
      %dma_wait3A_95 = tpu.memref_slice %arg6[%add3A_89, %dma_wait3A_94] : memref<250x80xi32, #tpu.memory_space<vmem>> -> memref<1x80xi32, #tpu.memory_space<vmem>>
      %dma_wait3A_96 = tpu.memref_squeeze %dma_wait3A_95 : memref<1x80xi32, #tpu.memory_space<vmem>> -> memref<80xi32, #tpu.memory_space<vmem>>
      %dma_wait3A_97 = arith.constant 0 : i32
      %dma_wait3A_98 = arith.constant 0 : i32
      %dma_wait3A_99 = tpu.memref_slice %arg2[%arg0, %dma_wait3A_97, %dma_wait3A_98] : memref<2x10240x128xf32, #tpu.memory_space<hbm>> -> memref<1x10240x128xf32, #tpu.memory_space<hbm>>
      %dma_wait3A_100 = tpu.memref_squeeze %dma_wait3A_99 : memref<1x10240x128xf32, #tpu.memory_space<hbm>> -> memref<10240x128xf32, #tpu.memory_space<hbm>>
      %dma_wait3A_101 = arith.constant 0 : i32
      %dma_wait3A_102 = arith.constant 0 : i32
      %dma_wait3A_103 = tpu.memref_slice %dma_wait3A_100[%dma_wait3A_101, %dma_wait3A_102] : memref<10240x128xf32, #tpu.memory_space<hbm>> -> memref<10240x128xf32, #tpu.memory_space<hbm>>
      tpu.wait_indirect_dma semaphore(%arg10 : memref<!tpu.dma_semaphore, #tpu.memory_space<semaphore_mem>>) src(%dma_wait3A_103 : memref<10240x128xf32, #tpu.memory_space<hbm>>) dst(%dma_wait3A_93 : memref<80x128xf32, #tpu.memory_space<vmem>>)
      %add3A_104 = arith.constant 1 : i32
      %add3A_105 = arith.addi %add3A_89, %add3A_104 : i32
      %lt3A_106 = arith.constant 250 : i32
      %lt3A_107 = arith.cmpi slt, %add3A_105, %lt3A_106 : i32
      %convert_element_type3A_108 = arith.extui %lt3A_107 : i1 to i32
      %cond3A_109 = arith.constant 0 : i32
      %cond3A_110 = arith.cmpi ne, %convert_element_type3A_108, %cond3A_109 : i32
      scf.if %cond3A_110 {
        %add3A_140 = arith.constant 1 : i32
        %add3A_141 = arith.addi %add3A_89, %add3A_140 : i32
        %dma_start3A_142 = arith.constant 1 : i32
        %dma_start3A_143 = arith.constant 0 : i32
        %dma_start3A_144 = arith.constant 0 : i32
        %dma_start3A_145 = tpu.memref_slice %arg8[%dma_start3A_142, %dma_start3A_143, %dma_start3A_144] : memref<2x80x128xf32, #tpu.memory_space<vmem>> -> memref<1x80x128xf32, #tpu.memory_space<vmem>>
        %dma_start3A_146 = tpu.memref_squeeze %dma_start3A_145 : memref<1x80x128xf32, #tpu.memory_space<vmem>> -> memref<80x128xf32, #tpu.memory_space<vmem>>
        %dma_start3A_147 = arith.constant 0 : i32
        %dma_start3A_148 = tpu.memref_slice %arg6[%add3A_141, %dma_start3A_147] : memref<250x80xi32, #tpu.memory_space<vmem>> -> memref<1x80xi32, #tpu.memory_space<vmem>>
        %dma_start3A_149 = tpu.memref_squeeze %dma_start3A_148 : memref<1x80xi32, #tpu.memory_space<vmem>> -> memref<80xi32, #tpu.memory_space<vmem>>
        %dma_start3A_150 = arith.constant 0 : i32
        %dma_start3A_151 = arith.constant 0 : i32
        %dma_start3A_152 = tpu.memref_slice %arg2[%arg0, %dma_start3A_150, %dma_start3A_151] : memref<2x10240x128xf32, #tpu.memory_space<hbm>> -> memref<1x10240x128xf32, #tpu.memory_space<hbm>>
        %dma_start3A_153 = tpu.memref_squeeze %dma_start3A_152 : memref<1x10240x128xf32, #tpu.memory_space<hbm>> -> memref<10240x128xf32, #tpu.memory_space<hbm>>
        %dma_start3A_154 = arith.constant 0 : i32
        %dma_start3A_155 = arith.constant 0 : i32
        %dma_start3A_156 = tpu.memref_slice %dma_start3A_153[%dma_start3A_154, %dma_start3A_155] : memref<10240x128xf32, #tpu.memory_space<hbm>> -> memref<10240x128xf32, #tpu.memory_space<hbm>>
        tpu.enqueue_indirect_dma source(%dma_start3A_156 : memref<10240x128xf32, #tpu.memory_space<hbm>>) target(%dma_start3A_146 : memref<80x128xf32, #tpu.memory_space<vmem>>) offsets(%dma_start3A_149 : memref<80xi32, #tpu.memory_space<vmem>>) semaphore(%arg10 : memref<!tpu.dma_semaphore, #tpu.memory_space<semaphore_mem>>)
      } else {
      }
      %run_scoped3A_111 = arith.constant 0 : i32
      "tpu.region"() ({
        %run_scoped3A_140 = tpu.sem_alloc : memref<!tpu.dma_semaphore, #tpu.memory_space<semaphore_mem>>
        %dma_start3A_141 = arith.constant 0 : i32
        %dma_start3A_142 = arith.constant 0 : i32
        %dma_start3A_143 = tpu.memref_slice %arg8[%run_scoped3A_111, %dma_start3A_141, %dma_start3A_142] : memref<2x80x128xf32, #tpu.memory_space<vmem>> -> memref<1x80x128xf32, #tpu.memory_space<vmem>>
        %dma_start3A_144 = tpu.memref_squeeze %dma_start3A_143 : memref<1x80x128xf32, #tpu.memory_space<vmem>> -> memref<80x128xf32, #tpu.memory_space<vmem>>
        %dma_start3A_145 = arith.constant 0 : i32
        %dma_start3A_146 = tpu.memref_slice %arg7[%add3A_89, %dma_start3A_145] : memref<250x80xi32, #tpu.memory_space<vmem>> -> memref<1x80xi32, #tpu.memory_space<vmem>>
        %dma_start3A_147 = tpu.memref_squeeze %dma_start3A_146 : memref<1x80xi32, #tpu.memory_space<vmem>> -> memref<80xi32, #tpu.memory_space<vmem>>
        %dma_start3A_148 = arith.constant 0 : i32
        %dma_start3A_149 = arith.constant 0 : i32
        %dma_start3A_150 = tpu.memref_slice %arg9[%dma_start3A_148, %dma_start3A_149] : memref<5024x128xf32, #tpu.memory_space<vmem_shared>> -> memref<5024x128xf32, #tpu.memory_space<vmem_shared>>
        tpu.enqueue_indirect_dma source(%dma_start3A_144 : memref<80x128xf32, #tpu.memory_space<vmem>>) target(%dma_start3A_150 : memref<5024x128xf32, #tpu.memory_space<vmem_shared>>) offsets(%dma_start3A_147 : memref<80xi32, #tpu.memory_space<vmem>>) semaphore(%run_scoped3A_140 : memref<!tpu.dma_semaphore, #tpu.memory_space<semaphore_mem>>) {add = true}
        %dma_wait3A_151 = arith.constant 0 : i32
        %dma_wait3A_152 = arith.constant 0 : i32
        %dma_wait3A_153 = tpu.memref_slice %arg8[%run_scoped3A_111, %dma_wait3A_151, %dma_wait3A_152] : memref<2x80x128xf32, #tpu.memory_space<vmem>> -> memref<1x80x128xf32, #tpu.memory_space<vmem>>
        %dma_wait3A_154 = tpu.memref_squeeze %dma_wait3A_153 : memref<1x80x128xf32, #tpu.memory_space<vmem>> -> memref<80x128xf32, #tpu.memory_space<vmem>>
        %dma_wait3A_155 = arith.constant 0 : i32
        %dma_wait3A_156 = tpu.memref_slice %arg7[%add3A_89, %dma_wait3A_155] : memref<250x80xi32, #tpu.memory_space<vmem>> -> memref<1x80xi32, #tpu.memory_space<vmem>>
        %dma_wait3A_157 = tpu.memref_squeeze %dma_wait3A_156 : memref<1x80xi32, #tpu.memory_space<vmem>> -> memref<80xi32, #tpu.memory_space<vmem>>
        %dma_wait3A_158 = arith.constant 0 : i32
        %dma_wait3A_159 = arith.constant 0 : i32
        %dma_wait3A_160 = tpu.memref_slice %arg9[%dma_wait3A_158, %dma_wait3A_159] : memref<5024x128xf32, #tpu.memory_space<vmem_shared>> -> memref<5024x128xf32, #tpu.memory_space<vmem_shared>>
        tpu.wait_indirect_dma semaphore(%run_scoped3A_140 : memref<!tpu.dma_semaphore, #tpu.memory_space<semaphore_mem>>) src(%dma_wait3A_154 : memref<80x128xf32, #tpu.memory_space<vmem>>) dst(%dma_wait3A_160 : memref<5024x128xf32, #tpu.memory_space<vmem_shared>>)
        tpu.yield
      }) : () -> ()
      %mul3A_112 = arith.constant 2 : i32
      %mul3A_113 = arith.muli %scan3A_86, %mul3A_112 : i32
      %add3A_114 = arith.constant 1 : i32
      %add3A_115 = arith.addi %mul3A_113, %add3A_114 : i32
      %dma_wait3A_116 = arith.constant 1 : i32
      %dma_wait3A_117 = arith.constant 0 : i32
      %dma_wait3A_118 = arith.constant 0 : i32
      %dma_wait3A_119 = tpu.memref_slice %arg8[%dma_wait3A_116, %dma_wait3A_117, %dma_wait3A_118] : memref<2x80x128xf32, #tpu.memory_space<vmem>> -> memref<1x80x128xf32, #tpu.memory_space<vmem>>
      %dma_wait3A_120 = tpu.memref_squeeze %dma_wait3A_119 : memref<1x80x128xf32, #tpu.memory_space<vmem>> -> memref<80x128xf32, #tpu.memory_space<vmem>>
      %dma_wait3A_121 = arith.constant 0 : i32
      %dma_wait3A_122 = tpu.memref_slice %arg6[%add3A_115, %dma_wait3A_121] : memref<250x80xi32, #tpu.memory_space<vmem>> -> memref<1x80xi32, #tpu.memory_space<vmem>>
      %dma_wait3A_123 = tpu.memref_squeeze %dma_wait3A_122 : memref<1x80xi32, #tpu.memory_space<vmem>> -> memref<80xi32, #tpu.memory_space<vmem>>
      %dma_wait3A_124 = arith.constant 0 : i32
      %dma_wait3A_125 = arith.constant 0 : i32
      %dma_wait3A_126 = tpu.memref_slice %arg2[%arg0, %dma_wait3A_124, %dma_wait3A_125] : memref<2x10240x128xf32, #tpu.memory_space<hbm>> -> memref<1x10240x128xf32, #tpu.memory_space<hbm>>
      %dma_wait3A_127 = tpu.memref_squeeze %dma_wait3A_126 : memref<1x10240x128xf32, #tpu.memory_space<hbm>> -> memref<10240x128xf32, #tpu.memory_space<hbm>>
      %dma_wait3A_128 = arith.constant 0 : i32
      %dma_wait3A_129 = arith.constant 0 : i32
      %dma_wait3A_130 = tpu.memref_slice %dma_wait3A_127[%dma_wait3A_128, %dma_wait3A_129] : memref<10240x128xf32, #tpu.memory_space<hbm>> -> memref<10240x128xf32, #tpu.memory_space<hbm>>
      tpu.wait_indirect_dma semaphore(%arg10 : memref<!tpu.dma_semaphore, #tpu.memory_space<semaphore_mem>>) src(%dma_wait3A_130 : memref<10240x128xf32, #tpu.memory_space<hbm>>) dst(%dma_wait3A_120 : memref<80x128xf32, #tpu.memory_space<vmem>>)
      %add3A_131 = arith.constant 1 : i32
      %add3A_132 = arith.addi %add3A_115, %add3A_131 : i32
      %lt3A_133 = arith.constant 250 : i32
      %lt3A_134 = arith.cmpi slt, %add3A_132, %lt3A_133 : i32
      %convert_element_type3A_135 = arith.extui %lt3A_134 : i1 to i32
      %cond3A_136 = arith.constant 0 : i32
      %cond3A_137 = arith.cmpi ne, %convert_element_type3A_135, %cond3A_136 : i32
      scf.if %cond3A_137 {
        %add3A_140 = arith.constant 1 : i32
        %add3A_141 = arith.addi %add3A_115, %add3A_140 : i32
        %dma_start3A_142 = arith.constant 0 : i32
        %dma_start3A_143 = arith.constant 0 : i32
        %dma_start3A_144 = arith.constant 0 : i32
        %dma_start3A_145 = tpu.memref_slice %arg8[%dma_start3A_142, %dma_start3A_143, %dma_start3A_144] : memref<2x80x128xf32, #tpu.memory_space<vmem>> -> memref<1x80x128xf32, #tpu.memory_space<vmem>>
        %dma_start3A_146 = tpu.memref_squeeze %dma_start3A_145 : memref<1x80x128xf32, #tpu.memory_space<vmem>> -> memref<80x128xf32, #tpu.memory_space<vmem>>
        %dma_start3A_147 = arith.constant 0 : i32
        %dma_start3A_148 = tpu.memref_slice %arg6[%add3A_141, %dma_start3A_147] : memref<250x80xi32, #tpu.memory_space<vmem>> -> memref<1x80xi32, #tpu.memory_space<vmem>>
        %dma_start3A_149 = tpu.memref_squeeze %dma_start3A_148 : memref<1x80xi32, #tpu.memory_space<vmem>> -> memref<80xi32, #tpu.memory_space<vmem>>
        %dma_start3A_150 = arith.constant 0 : i32
        %dma_start3A_151 = arith.constant 0 : i32
        %dma_start3A_152 = tpu.memref_slice %arg2[%arg0, %dma_start3A_150, %dma_start3A_151] : memref<2x10240x128xf32, #tpu.memory_space<hbm>> -> memref<1x10240x128xf32, #tpu.memory_space<hbm>>
        %dma_start3A_153 = tpu.memref_squeeze %dma_start3A_152 : memref<1x10240x128xf32, #tpu.memory_space<hbm>> -> memref<10240x128xf32, #tpu.memory_space<hbm>>
        %dma_start3A_154 = arith.constant 0 : i32
        %dma_start3A_155 = arith.constant 0 : i32
        %dma_start3A_156 = tpu.memref_slice %dma_start3A_153[%dma_start3A_154, %dma_start3A_155] : memref<10240x128xf32, #tpu.memory_space<hbm>> -> memref<10240x128xf32, #tpu.memory_space<hbm>>
        tpu.enqueue_indirect_dma source(%dma_start3A_156 : memref<10240x128xf32, #tpu.memory_space<hbm>>) target(%dma_start3A_146 : memref<80x128xf32, #tpu.memory_space<vmem>>) offsets(%dma_start3A_149 : memref<80xi32, #tpu.memory_space<vmem>>) semaphore(%arg10 : memref<!tpu.dma_semaphore, #tpu.memory_space<semaphore_mem>>)
      } else {
      }
      %run_scoped3A_138 = arith.constant 1 : i32
      "tpu.region"() ({
        %run_scoped3A_140 = tpu.sem_alloc : memref<!tpu.dma_semaphore, #tpu.memory_space<semaphore_mem>>
        %dma_start3A_141 = arith.constant 0 : i32
        %dma_start3A_142 = arith.constant 0 : i32
        %dma_start3A_143 = tpu.memref_slice %arg8[%run_scoped3A_138, %dma_start3A_141, %dma_start3A_142] : memref<2x80x128xf32, #tpu.memory_space<vmem>> -> memref<1x80x128xf32, #tpu.memory_space<vmem>>
        %dma_start3A_144 = tpu.memref_squeeze %dma_start3A_143 : memref<1x80x128xf32, #tpu.memory_space<vmem>> -> memref<80x128xf32, #tpu.memory_space<vmem>>
        %dma_start3A_145 = arith.constant 0 : i32
        %dma_start3A_146 = tpu.memref_slice %arg7[%add3A_115, %dma_start3A_145] : memref<250x80xi32, #tpu.memory_space<vmem>> -> memref<1x80xi32, #tpu.memory_space<vmem>>
        %dma_start3A_147 = tpu.memref_squeeze %dma_start3A_146 : memref<1x80xi32, #tpu.memory_space<vmem>> -> memref<80xi32, #tpu.memory_space<vmem>>
        %dma_start3A_148 = arith.constant 0 : i32
        %dma_start3A_149 = arith.constant 0 : i32
        %dma_start3A_150 = tpu.memref_slice %arg9[%dma_start3A_148, %dma_start3A_149] : memref<5024x128xf32, #tpu.memory_space<vmem_shared>> -> memref<5024x128xf32, #tpu.memory_space<vmem_shared>>
        tpu.enqueue_indirect_dma source(%dma_start3A_144 : memref<80x128xf32, #tpu.memory_space<vmem>>) target(%dma_start3A_150 : memref<5024x128xf32, #tpu.memory_space<vmem_shared>>) offsets(%dma_start3A_147 : memref<80xi32, #tpu.memory_space<vmem>>) semaphore(%run_scoped3A_140 : memref<!tpu.dma_semaphore, #tpu.memory_space<semaphore_mem>>) {add = true}
        %dma_wait3A_151 = arith.constant 0 : i32
        %dma_wait3A_152 = arith.constant 0 : i32
        %dma_wait3A_153 = tpu.memref_slice %arg8[%run_scoped3A_138, %dma_wait3A_151, %dma_wait3A_152] : memref<2x80x128xf32, #tpu.memory_space<vmem>> -> memref<1x80x128xf32, #tpu.memory_space<vmem>>
        %dma_wait3A_154 = tpu.memref_squeeze %dma_wait3A_153 : memref<1x80x128xf32, #tpu.memory_space<vmem>> -> memref<80x128xf32, #tpu.memory_space<vmem>>
        %dma_wait3A_155 = arith.constant 0 : i32
        %dma_wait3A_156 = tpu.memref_slice %arg7[%add3A_115, %dma_wait3A_155] : memref<250x80xi32, #tpu.memory_space<vmem>> -> memref<1x80xi32, #tpu.memory_space<vmem>>
        %dma_wait3A_157 = tpu.memref_squeeze %dma_wait3A_156 : memref<1x80xi32, #tpu.memory_space<vmem>> -> memref<80xi32, #tpu.memory_space<vmem>>
        %dma_wait3A_158 = arith.constant 0 : i32
        %dma_wait3A_159 = arith.constant 0 : i32
        %dma_wait3A_160 = tpu.memref_slice %arg9[%dma_wait3A_158, %dma_wait3A_159] : memref<5024x128xf32, #tpu.memory_space<vmem_shared>> -> memref<5024x128xf32, #tpu.memory_space<vmem_shared>>
        tpu.wait_indirect_dma semaphore(%run_scoped3A_140 : memref<!tpu.dma_semaphore, #tpu.memory_space<semaphore_mem>>) src(%dma_wait3A_154 : memref<80x128xf32, #tpu.memory_space<vmem>>) dst(%dma_wait3A_160 : memref<5024x128xf32, #tpu.memory_space<vmem_shared>>)
        tpu.yield
      }) : () -> ()
      %scan3A_139 = arith.constant 0 : i32
      scf.yield %scan3A_139 : i32
    }
    %scan3A_26 = arith.constant 125 : i32
    %barrier3A_27 = arith.constant 0 : index
    tpu.barrier barrier_id(%barrier3A_27)
    %lt3A_28 = arith.constant 15 : i32
    %lt3A_29 = arith.cmpi slt, %arg1, %lt3A_28 : i32
    %convert_element_type3A_30 = arith.extui %lt3A_29 : i1 to i32
    %cond3A_31 = arith.constant 0 : i32
    %cond3A_32 = arith.cmpi ne, %convert_element_type3A_30, %cond3A_31 : i32
    scf.if %cond3A_32 {
      %mul3A = arith.constant 312 : i32
      %mul3A_86 = arith.muli %arg1, %mul3A : i32
      %mul3A_87 = arith.constant 312 : i32
      %mul3A_88 = arith.muli %arg1, %mul3A_87 : i32
      %add3A = arith.constant 0 : i32
      %add3A_89 = arith.addi %add3A, %mul3A_88 : i32
      "tpu.region"() ({
        %run_scoped3A_90 = tpu.sem_alloc : memref<!tpu.dma_semaphore, #tpu.memory_space<semaphore_mem>>
        %dma_start3A_91 = arith.constant 0 : i32
        %dma_start3A_92 = arith.constant 0 : i32
        %dma_start3A_93 = tpu.memref_slice %arg5[%arg0, %dma_start3A_91, %dma_start3A_92] : memref<2x10240x128xf32, #tpu.memory_space<hbm>> -> memref<1x10240x128xf32, #tpu.memory_space<hbm>>
        %dma_start3A_94 = tpu.memref_squeeze %dma_start3A_93 : memref<1x10240x128xf32, #tpu.memory_space<hbm>> -> memref<10240x128xf32, #tpu.memory_space<hbm>>
        %dma_start3A_95 = arith.constant 0 : i32
        %dma_start3A_96 = tpu.memref_slice %dma_start3A_94[%add3A_89, %dma_start3A_95] : memref<10240x128xf32, #tpu.memory_space<hbm>> -> memref<312x128xf32, #tpu.memory_space<hbm>>
        %dma_start3A_97 = arith.constant 0 : i32
        %dma_start3A_98 = tpu.memref_slice %arg9[%mul3A_86, %dma_start3A_97] : memref<5024x128xf32, #tpu.memory_space<vmem_shared>> -> memref<312x128xf32, #tpu.memory_space<vmem_shared>>
        tpu.enqueue_dma source(%dma_start3A_98 : memref<312x128xf32, #tpu.memory_space<vmem_shared>>) target(%dma_start3A_96 : memref<312x128xf32, #tpu.memory_space<hbm>>) target_semaphore(%run_scoped3A_90 : memref<!tpu.dma_semaphore, #tpu.memory_space<semaphore_mem>>)
        %dma_wait3A = arith.constant 0 : i32
        %dma_wait3A_99 = arith.constant 0 : i32
        %dma_wait3A_100 = tpu.memref_slice %arg5[%arg0, %dma_wait3A, %dma_wait3A_99] : memref<2x10240x128xf32, #tpu.memory_space<hbm>> -> memref<1x10240x128xf32, #tpu.memory_space<hbm>>
        %dma_wait3A_101 = tpu.memref_squeeze %dma_wait3A_100 : memref<1x10240x128xf32, #tpu.memory_space<hbm>> -> memref<10240x128xf32, #tpu.memory_space<hbm>>
        %dma_wait3A_102 = arith.constant 0 : i32
        %dma_wait3A_103 = tpu.memref_slice %dma_wait3A_101[%add3A_89, %dma_wait3A_102] : memref<10240x128xf32, #tpu.memory_space<hbm>> -> memref<312x128xf32, #tpu.memory_space<hbm>>
        %dma_wait3A_104 = arith.constant 0 : i32
        %dma_wait3A_105 = tpu.memref_slice %arg9[%mul3A_86, %dma_wait3A_104] : memref<5024x128xf32, #tpu.memory_space<vmem_shared>> -> memref<312x128xf32, #tpu.memory_space<vmem_shared>>
        tpu.wait_dma2 semaphore(%run_scoped3A_90 : memref<!tpu.dma_semaphore, #tpu.memory_space<semaphore_mem>>) src(%dma_wait3A_105 : memref<312x128xf32, #tpu.memory_space<vmem_shared>>) dst(%dma_wait3A_103 : memref<312x128xf32, #tpu.memory_space<hbm>>)
        tpu.yield
      }) : () -> ()
    } else {
    }
    %eq3A_33 = arith.constant 15 : i32
    %eq3A_34 = arith.cmpi eq, %arg1, %eq3A_33 : i32
    %convert_element_type3A_35 = arith.extui %eq3A_34 : i1 to i32
    %cond3A_36 = arith.constant 0 : i32
    %cond3A_37 = arith.cmpi ne, %convert_element_type3A_35, %cond3A_36 : i32
    scf.if %cond3A_37 {
      "tpu.region"() ({
        %run_scoped3A_86 = tpu.sem_alloc : memref<!tpu.dma_semaphore, #tpu.memory_space<semaphore_mem>>
        %dma_start3A_87 = arith.constant 0 : i32
        %dma_start3A_88 = arith.constant 0 : i32
        %dma_start3A_89 = tpu.memref_slice %arg5[%arg0, %dma_start3A_87, %dma_start3A_88] : memref<2x10240x128xf32, #tpu.memory_space<hbm>> -> memref<1x10240x128xf32, #tpu.memory_space<hbm>>
        %dma_start3A_90 = tpu.memref_squeeze %dma_start3A_89 : memref<1x10240x128xf32, #tpu.memory_space<hbm>> -> memref<10240x128xf32, #tpu.memory_space<hbm>>
        %dma_start3A_91 = arith.constant 4680 : i32
        %dma_start3A_92 = arith.constant 0 : i32
        %dma_start3A_93 = tpu.memref_slice %dma_start3A_90[%dma_start3A_91, %dma_start3A_92] : memref<10240x128xf32, #tpu.memory_space<hbm>> -> memref<336x128xf32, #tpu.memory_space<hbm>>
        %dma_start3A_94 = arith.constant 4680 : i32
        %dma_start3A_95 = arith.constant 0 : i32
        %dma_start3A_96 = tpu.memref_slice %arg9[%dma_start3A_94, %dma_start3A_95] : memref<5024x128xf32, #tpu.memory_space<vmem_shared>> -> memref<336x128xf32, #tpu.memory_space<vmem_shared>>
        tpu.enqueue_dma source(%dma_start3A_96 : memref<336x128xf32, #tpu.memory_space<vmem_shared>>) target(%dma_start3A_93 : memref<336x128xf32, #tpu.memory_space<hbm>>) target_semaphore(%run_scoped3A_86 : memref<!tpu.dma_semaphore, #tpu.memory_space<semaphore_mem>>)
        %dma_wait3A = arith.constant 0 : i32
        %dma_wait3A_97 = arith.constant 0 : i32
        %dma_wait3A_98 = tpu.memref_slice %arg5[%arg0, %dma_wait3A, %dma_wait3A_97] : memref<2x10240x128xf32, #tpu.memory_space<hbm>> -> memref<1x10240x128xf32, #tpu.memory_space<hbm>>
        %dma_wait3A_99 = tpu.memref_squeeze %dma_wait3A_98 : memref<1x10240x128xf32, #tpu.memory_space<hbm>> -> memref<10240x128xf32, #tpu.memory_space<hbm>>
        %dma_wait3A_100 = arith.constant 4680 : i32
        %dma_wait3A_101 = arith.constant 0 : i32
        %dma_wait3A_102 = tpu.memref_slice %dma_wait3A_99[%dma_wait3A_100, %dma_wait3A_101] : memref<10240x128xf32, #tpu.memory_space<hbm>> -> memref<336x128xf32, #tpu.memory_space<hbm>>
        %dma_wait3A_103 = arith.constant 4680 : i32
        %dma_wait3A_104 = arith.constant 0 : i32
        %dma_wait3A_105 = tpu.memref_slice %arg9[%dma_wait3A_103, %dma_wait3A_104] : memref<5024x128xf32, #tpu.memory_space<vmem_shared>> -> memref<336x128xf32, #tpu.memory_space<vmem_shared>>
        tpu.wait_dma2 semaphore(%run_scoped3A_86 : memref<!tpu.dma_semaphore, #tpu.memory_space<semaphore_mem>>) src(%dma_wait3A_105 : memref<336x128xf32, #tpu.memory_space<vmem_shared>>) dst(%dma_wait3A_102 : memref<336x128xf32, #tpu.memory_space<hbm>>)
        tpu.yield
      }) : () -> ()
    } else {
    }
    %barrier3A_38 = arith.constant 0 : index
    tpu.barrier barrier_id(%barrier3A_38)
    %run_scoped3A_39 = arith.constant 1 : i32
    "tpu.region"() ({
      %run_scoped3A_86 = tpu.sem_alloc : memref<!tpu.dma_semaphore, #tpu.memory_space<semaphore_mem>>
      %dma_start3A_87 = arith.constant 0 : i32
      %dma_start3A_88 = arith.constant 0 : i32
      %dma_start3A_89 = arith.constant 0 : i32
      %dma_start3A_90 = tpu.memref_slice %arg4[%run_scoped3A_39, %dma_start3A_87, %dma_start3A_88, %dma_start3A_89] : memref<2x16x250x80xi32, #tpu.memory_space<hbm>> -> memref<1x16x250x80xi32, #tpu.memory_space<hbm>>
      %dma_start3A_91 = tpu.memref_squeeze %dma_start3A_90 : memref<1x16x250x80xi32, #tpu.memory_space<hbm>> -> memref<16x250x80xi32, #tpu.memory_space<hbm>>
      %dma_start3A_92 = arith.constant 0 : i32
      %dma_start3A_93 = arith.constant 0 : i32
      %dma_start3A_94 = tpu.memref_slice %dma_start3A_91[%arg1, %dma_start3A_92, %dma_start3A_93] : memref<16x250x80xi32, #tpu.memory_space<hbm>> -> memref<1x250x80xi32, #tpu.memory_space<hbm>>
      %dma_start3A_95 = tpu.memref_squeeze %dma_start3A_94 : memref<1x250x80xi32, #tpu.memory_space<hbm>> -> memref<250x80xi32, #tpu.memory_space<hbm>>
      %dma_start3A_96 = arith.constant 0 : i32
      %dma_start3A_97 = arith.constant 0 : i32
      %dma_start3A_98 = arith.constant 0 : i32
      %dma_start3A_99 = tpu.memref_slice %arg4[%run_scoped3A_39, %dma_start3A_96, %dma_start3A_97, %dma_start3A_98] : memref<2x16x250x80xi32, #tpu.memory_space<hbm>> -> memref<1x16x250x80xi32, #tpu.memory_space<hbm>>
      %dma_start3A_100 = tpu.memref_squeeze %dma_start3A_99 : memref<1x16x250x80xi32, #tpu.memory_space<hbm>> -> memref<16x250x80xi32, #tpu.memory_space<hbm>>
      %dma_start3A_101 = arith.constant 0 : i32
      %dma_start3A_102 = arith.constant 0 : i32
      %dma_start3A_103 = tpu.memref_slice %dma_start3A_100[%arg1, %dma_start3A_101, %dma_start3A_102] : memref<16x250x80xi32, #tpu.memory_space<hbm>> -> memref<1x250x80xi32, #tpu.memory_space<hbm>>
      %dma_start3A_104 = tpu.memref_squeeze %dma_start3A_103 : memref<1x250x80xi32, #tpu.memory_space<hbm>> -> memref<250x80xi32, #tpu.memory_space<hbm>>
      tpu.enqueue_dma source(%dma_start3A_104 : memref<250x80xi32, #tpu.memory_space<hbm>>) target(%arg7 : memref<250x80xi32, #tpu.memory_space<vmem>>) target_semaphore(%run_scoped3A_86 : memref<!tpu.dma_semaphore, #tpu.memory_space<semaphore_mem>>)
      %dma_wait3A = arith.constant 0 : i32
      %dma_wait3A_105 = arith.constant 0 : i32
      %dma_wait3A_106 = arith.constant 0 : i32
      %dma_wait3A_107 = tpu.memref_slice %arg4[%run_scoped3A_39, %dma_wait3A, %dma_wait3A_105, %dma_wait3A_106] : memref<2x16x250x80xi32, #tpu.memory_space<hbm>> -> memref<1x16x250x80xi32, #tpu.memory_space<hbm>>
      %dma_wait3A_108 = tpu.memref_squeeze %dma_wait3A_107 : memref<1x16x250x80xi32, #tpu.memory_space<hbm>> -> memref<16x250x80xi32, #tpu.memory_space<hbm>>
      %dma_wait3A_109 = arith.constant 0 : i32
      %dma_wait3A_110 = arith.constant 0 : i32
      %dma_wait3A_111 = tpu.memref_slice %dma_wait3A_108[%arg1, %dma_wait3A_109, %dma_wait3A_110] : memref<16x250x80xi32, #tpu.memory_space<hbm>> -> memref<1x250x80xi32, #tpu.memory_space<hbm>>
      %dma_wait3A_112 = tpu.memref_squeeze %dma_wait3A_111 : memref<1x250x80xi32, #tpu.memory_space<hbm>> -> memref<250x80xi32, #tpu.memory_space<hbm>>
      %dma_wait3A_113 = arith.constant 0 : i32
      %dma_wait3A_114 = arith.constant 0 : i32
      %dma_wait3A_115 = arith.constant 0 : i32
      %dma_wait3A_116 = tpu.memref_slice %arg4[%run_scoped3A_39, %dma_wait3A_113, %dma_wait3A_114, %dma_wait3A_115] : memref<2x16x250x80xi32, #tpu.memory_space<hbm>> -> memref<1x16x250x80xi32, #tpu.memory_space<hbm>>
      %dma_wait3A_117 = tpu.memref_squeeze %dma_wait3A_116 : memref<1x16x250x80xi32, #tpu.memory_space<hbm>> -> memref<16x250x80xi32, #tpu.memory_space<hbm>>
      %dma_wait3A_118 = arith.constant 0 : i32
      %dma_wait3A_119 = arith.constant 0 : i32
      %dma_wait3A_120 = tpu.memref_slice %dma_wait3A_117[%arg1, %dma_wait3A_118, %dma_wait3A_119] : memref<16x250x80xi32, #tpu.memory_space<hbm>> -> memref<1x250x80xi32, #tpu.memory_space<hbm>>
      %dma_wait3A_121 = tpu.memref_squeeze %dma_wait3A_120 : memref<1x250x80xi32, #tpu.memory_space<hbm>> -> memref<250x80xi32, #tpu.memory_space<hbm>>
      tpu.wait_dma2 semaphore(%run_scoped3A_86 : memref<!tpu.dma_semaphore, #tpu.memory_space<semaphore_mem>>) src(%dma_wait3A_121 : memref<250x80xi32, #tpu.memory_space<hbm>>) dst(%arg7 : memref<250x80xi32, #tpu.memory_space<vmem>>)
      tpu.yield
    }) : () -> ()
    %lt3A_40 = arith.constant 15 : i32
    %lt3A_41 = arith.cmpi slt, %arg1, %lt3A_40 : i32
    %convert_element_type3A_42 = arith.extui %lt3A_41 : i1 to i32
    %cond3A_43 = arith.constant 0 : i32
    %cond3A_44 = arith.cmpi ne, %convert_element_type3A_42, %cond3A_43 : i32
    scf.if %cond3A_44 {
      %mul3A = arith.constant 312 : i32
      %mul3A_86 = arith.muli %arg1, %mul3A : i32
      %add3A = arith.constant 5016 : i32
      %add3A_87 = arith.addi %add3A, %mul3A_86 : i32
      %mul3A_88 = arith.constant 312 : i32
      %mul3A_89 = arith.muli %arg1, %mul3A_88 : i32
      "tpu.region"() ({
        %run_scoped3A_90 = tpu.sem_alloc : memref<!tpu.dma_semaphore, #tpu.memory_space<semaphore_mem>>
        %dma_start3A_91 = arith.constant 0 : i32
        %dma_start3A_92 = tpu.memref_slice %arg9[%mul3A_89, %dma_start3A_91] : memref<5024x128xf32, #tpu.memory_space<vmem_shared>> -> memref<312x128xf32, #tpu.memory_space<vmem_shared>>
        %dma_start3A_93 = arith.constant 0 : i32
        %dma_start3A_94 = arith.constant 0 : i32
        %dma_start3A_95 = tpu.memref_slice %arg2[%arg0, %dma_start3A_93, %dma_start3A_94] : memref<2x10240x128xf32, #tpu.memory_space<hbm>> -> memref<1x10240x128xf32, #tpu.memory_space<hbm>>
        %dma_start3A_96 = tpu.memref_squeeze %dma_start3A_95 : memref<1x10240x128xf32, #tpu.memory_space<hbm>> -> memref<10240x128xf32, #tpu.memory_space<hbm>>
        %dma_start3A_97 = arith.constant 0 : i32
        %dma_start3A_98 = tpu.memref_slice %dma_start3A_96[%add3A_87, %dma_start3A_97] : memref<10240x128xf32, #tpu.memory_space<hbm>> -> memref<312x128xf32, #tpu.memory_space<hbm>>
        tpu.enqueue_dma source(%dma_start3A_98 : memref<312x128xf32, #tpu.memory_space<hbm>>) target(%dma_start3A_92 : memref<312x128xf32, #tpu.memory_space<vmem_shared>>) target_semaphore(%run_scoped3A_90 : memref<!tpu.dma_semaphore, #tpu.memory_space<semaphore_mem>>)
        %dma_wait3A = arith.constant 0 : i32
        %dma_wait3A_99 = tpu.memref_slice %arg9[%mul3A_89, %dma_wait3A] : memref<5024x128xf32, #tpu.memory_space<vmem_shared>> -> memref<312x128xf32, #tpu.memory_space<vmem_shared>>
        %dma_wait3A_100 = arith.constant 0 : i32
        %dma_wait3A_101 = arith.constant 0 : i32
        %dma_wait3A_102 = tpu.memref_slice %arg2[%arg0, %dma_wait3A_100, %dma_wait3A_101] : memref<2x10240x128xf32, #tpu.memory_space<hbm>> -> memref<1x10240x128xf32, #tpu.memory_space<hbm>>
        %dma_wait3A_103 = tpu.memref_squeeze %dma_wait3A_102 : memref<1x10240x128xf32, #tpu.memory_space<hbm>> -> memref<10240x128xf32, #tpu.memory_space<hbm>>
        %dma_wait3A_104 = arith.constant 0 : i32
        %dma_wait3A_105 = tpu.memref_slice %dma_wait3A_103[%add3A_87, %dma_wait3A_104] : memref<10240x128xf32, #tpu.memory_space<hbm>> -> memref<312x128xf32, #tpu.memory_space<hbm>>
        tpu.wait_dma2 semaphore(%run_scoped3A_90 : memref<!tpu.dma_semaphore, #tpu.memory_space<semaphore_mem>>) src(%dma_wait3A_105 : memref<312x128xf32, #tpu.memory_space<hbm>>) dst(%dma_wait3A_99 : memref<312x128xf32, #tpu.memory_space<vmem_shared>>)
        tpu.yield
      }) : () -> ()
    } else {
    }
    %eq3A_45 = arith.constant 15 : i32
    %eq3A_46 = arith.cmpi eq, %arg1, %eq3A_45 : i32
    %convert_element_type3A_47 = arith.extui %eq3A_46 : i1 to i32
    %cond3A_48 = arith.constant 0 : i32
    %cond3A_49 = arith.cmpi ne, %convert_element_type3A_47, %cond3A_48 : i32
    scf.if %cond3A_49 {
      "tpu.region"() ({
        %run_scoped3A_86 = tpu.sem_alloc : memref<!tpu.dma_semaphore, #tpu.memory_space<semaphore_mem>>
        %dma_start3A_87 = arith.constant 4680 : i32
        %dma_start3A_88 = arith.constant 0 : i32
        %dma_start3A_89 = tpu.memref_slice %arg9[%dma_start3A_87, %dma_start3A_88] : memref<5024x128xf32, #tpu.memory_space<vmem_shared>> -> memref<344x128xf32, #tpu.memory_space<vmem_shared>>
        %dma_start3A_90 = arith.constant 0 : i32
        %dma_start3A_91 = arith.constant 0 : i32
        %dma_start3A_92 = tpu.memref_slice %arg2[%arg0, %dma_start3A_90, %dma_start3A_91] : memref<2x10240x128xf32, #tpu.memory_space<hbm>> -> memref<1x10240x128xf32, #tpu.memory_space<hbm>>
        %dma_start3A_93 = tpu.memref_squeeze %dma_start3A_92 : memref<1x10240x128xf32, #tpu.memory_space<hbm>> -> memref<10240x128xf32, #tpu.memory_space<hbm>>
        %dma_start3A_94 = arith.constant 9696 : i32
        %dma_start3A_95 = arith.constant 0 : i32
        %dma_start3A_96 = tpu.memref_slice %dma_start3A_93[%dma_start3A_94, %dma_start3A_95] : memref<10240x128xf32, #tpu.memory_space<hbm>> -> memref<344x128xf32, #tpu.memory_space<hbm>>
        tpu.enqueue_dma source(%dma_start3A_96 : memref<344x128xf32, #tpu.memory_space<hbm>>) target(%dma_start3A_89 : memref<344x128xf32, #tpu.memory_space<vmem_shared>>) target_semaphore(%run_scoped3A_86 : memref<!tpu.dma_semaphore, #tpu.memory_space<semaphore_mem>>)
        %dma_wait3A = arith.constant 4680 : i32
        %dma_wait3A_97 = arith.constant 0 : i32
        %dma_wait3A_98 = tpu.memref_slice %arg9[%dma_wait3A, %dma_wait3A_97] : memref<5024x128xf32, #tpu.memory_space<vmem_shared>> -> memref<344x128xf32, #tpu.memory_space<vmem_shared>>
        %dma_wait3A_99 = arith.constant 0 : i32
        %dma_wait3A_100 = arith.constant 0 : i32
        %dma_wait3A_101 = tpu.memref_slice %arg2[%arg0, %dma_wait3A_99, %dma_wait3A_100] : memref<2x10240x128xf32, #tpu.memory_space<hbm>> -> memref<1x10240x128xf32, #tpu.memory_space<hbm>>
        %dma_wait3A_102 = tpu.memref_squeeze %dma_wait3A_101 : memref<1x10240x128xf32, #tpu.memory_space<hbm>> -> memref<10240x128xf32, #tpu.memory_space<hbm>>
        %dma_wait3A_103 = arith.constant 9696 : i32
        %dma_wait3A_104 = arith.constant 0 : i32
        %dma_wait3A_105 = tpu.memref_slice %dma_wait3A_102[%dma_wait3A_103, %dma_wait3A_104] : memref<10240x128xf32, #tpu.memory_space<hbm>> -> memref<344x128xf32, #tpu.memory_space<hbm>>
        tpu.wait_dma2 semaphore(%run_scoped3A_86 : memref<!tpu.dma_semaphore, #tpu.memory_space<semaphore_mem>>) src(%dma_wait3A_105 : memref<344x128xf32, #tpu.memory_space<hbm>>) dst(%dma_wait3A_98 : memref<344x128xf32, #tpu.memory_space<vmem_shared>>)
        tpu.yield
      }) : () -> ()
    } else {
    }
    %barrier3A_50 = arith.constant 0 : index
    tpu.barrier barrier_id(%barrier3A_50)
    %dma_start3A_51 = arith.constant 0 : i32
    %dma_start3A_52 = arith.constant 0 : i32
    %dma_start3A_53 = arith.constant 0 : i32
    %dma_start3A_54 = arith.constant 0 : i32
    %dma_start3A_55 = tpu.memref_slice %arg8[%dma_start3A_52, %dma_start3A_53, %dma_start3A_54] : memref<2x80x128xf32, #tpu.memory_space<vmem>> -> memref<1x80x128xf32, #tpu.memory_space<vmem>>
    %dma_start3A_56 = tpu.memref_squeeze %dma_start3A_55 : memref<1x80x128xf32, #tpu.memory_space<vmem>> -> memref<80x128xf32, #tpu.memory_space<vmem>>
    %dma_start3A_57 = arith.constant 0 : i32
    %dma_start3A_58 = tpu.memref_slice %arg6[%dma_start3A_51, %dma_start3A_57] : memref<250x80xi32, #tpu.memory_space<vmem>> -> memref<1x80xi32, #tpu.memory_space<vmem>>
    %dma_start3A_59 = tpu.memref_squeeze %dma_start3A_58 : memref<1x80xi32, #tpu.memory_space<vmem>> -> memref<80xi32, #tpu.memory_space<vmem>>
    %dma_start3A_60 = arith.constant 0 : i32
    %dma_start3A_61 = arith.constant 0 : i32
    %dma_start3A_62 = tpu.memref_slice %arg2[%arg0, %dma_start3A_60, %dma_start3A_61] : memref<2x10240x128xf32, #tpu.memory_space<hbm>> -> memref<1x10240x128xf32, #tpu.memory_space<hbm>>
    %dma_start3A_63 = tpu.memref_squeeze %dma_start3A_62 : memref<1x10240x128xf32, #tpu.memory_space<hbm>> -> memref<10240x128xf32, #tpu.memory_space<hbm>>
    %dma_start3A_64 = arith.constant 0 : i32
    %dma_start3A_65 = arith.constant 0 : i32
    %dma_start3A_66 = tpu.memref_slice %dma_start3A_63[%dma_start3A_64, %dma_start3A_65] : memref<10240x128xf32, #tpu.memory_space<hbm>> -> memref<10240x128xf32, #tpu.memory_space<hbm>>
    tpu.enqueue_indirect_dma source(%dma_start3A_66 : memref<10240x128xf32, #tpu.memory_space<hbm>>) target(%dma_start3A_56 : memref<80x128xf32, #tpu.memory_space<vmem>>) offsets(%dma_start3A_59 : memref<80xi32, #tpu.memory_space<vmem>>) semaphore(%arg10 : memref<!tpu.dma_semaphore, #tpu.memory_space<semaphore_mem>>)
    %scan3A_67 = arith.constant 0 : i32
    %scan3A_68 = arith.constant 0 : i32
    %scan3A_69 = arith.constant 125 : i32
    %scan3A_70 = arith.addi %scan3A_68, %scan3A_69 : i32
    %scan3A_71 = arith.constant 1 : i32
    %scan3A_72 = scf.for %scan3A_86 = %scan3A_68 to %scan3A_70 step %scan3A_71 iter_args(%scan3A_87 = %scan3A_67) -> (i32)  : i32 {
      %mul3A = arith.constant 2 : i32
      %mul3A_88 = arith.muli %scan3A_86, %mul3A : i32
      %add3A = arith.constant 0 : i32
      %add3A_89 = arith.addi %mul3A_88, %add3A : i32
      %dma_wait3A = arith.constant 0 : i32
      %dma_wait3A_90 = arith.constant 0 : i32
      %dma_wait3A_91 = arith.constant 0 : i32
      %dma_wait3A_92 = tpu.memref_slice %arg8[%dma_wait3A, %dma_wait3A_90, %dma_wait3A_91] : memref<2x80x128xf32, #tpu.memory_space<vmem>> -> memref<1x80x128xf32, #tpu.memory_space<vmem>>
      %dma_wait3A_93 = tpu.memref_squeeze %dma_wait3A_92 : memref<1x80x128xf32, #tpu.memory_space<vmem>> -> memref<80x128xf32, #tpu.memory_space<vmem>>
      %dma_wait3A_94 = arith.constant 0 : i32
      %dma_wait3A_95 = tpu.memref_slice %arg6[%add3A_89, %dma_wait3A_94] : memref<250x80xi32, #tpu.memory_space<vmem>> -> memref<1x80xi32, #tpu.memory_space<vmem>>
      %dma_wait3A_96 = tpu.memref_squeeze %dma_wait3A_95 : memref<1x80xi32, #tpu.memory_space<vmem>> -> memref<80xi32, #tpu.memory_space<vmem>>
      %dma_wait3A_97 = arith.constant 0 : i32
      %dma_wait3A_98 = arith.constant 0 : i32
      %dma_wait3A_99 = tpu.memref_slice %arg2[%arg0, %dma_wait3A_97, %dma_wait3A_98] : memref<2x10240x128xf32, #tpu.memory_space<hbm>> -> memref<1x10240x128xf32, #tpu.memory_space<hbm>>
      %dma_wait3A_100 = tpu.memref_squeeze %dma_wait3A_99 : memref<1x10240x128xf32, #tpu.memory_space<hbm>> -> memref<10240x128xf32, #tpu.memory_space<hbm>>
      %dma_wait3A_101 = arith.constant 0 : i32
      %dma_wait3A_102 = arith.constant 0 : i32
      %dma_wait3A_103 = tpu.memref_slice %dma_wait3A_100[%dma_wait3A_101, %dma_wait3A_102] : memref<10240x128xf32, #tpu.memory_space<hbm>> -> memref<10240x128xf32, #tpu.memory_space<hbm>>
      tpu.wait_indirect_dma semaphore(%arg10 : memref<!tpu.dma_semaphore, #tpu.memory_space<semaphore_mem>>) src(%dma_wait3A_103 : memref<10240x128xf32, #tpu.memory_space<hbm>>) dst(%dma_wait3A_93 : memref<80x128xf32, #tpu.memory_space<vmem>>)
      %add3A_104 = arith.constant 1 : i32
      %add3A_105 = arith.addi %add3A_89, %add3A_104 : i32
      %lt3A_106 = arith.constant 250 : i32
      %lt3A_107 = arith.cmpi slt, %add3A_105, %lt3A_106 : i32
      %convert_element_type3A_108 = arith.extui %lt3A_107 : i1 to i32
      %cond3A_109 = arith.constant 0 : i32
      %cond3A_110 = arith.cmpi ne, %convert_element_type3A_108, %cond3A_109 : i32
      scf.if %cond3A_110 {
        %add3A_140 = arith.constant 1 : i32
        %add3A_141 = arith.addi %add3A_89, %add3A_140 : i32
        %dma_start3A_142 = arith.constant 1 : i32
        %dma_start3A_143 = arith.constant 0 : i32
        %dma_start3A_144 = arith.constant 0 : i32
        %dma_start3A_145 = tpu.memref_slice %arg8[%dma_start3A_142, %dma_start3A_143, %dma_start3A_144] : memref<2x80x128xf32, #tpu.memory_space<vmem>> -> memref<1x80x128xf32, #tpu.memory_space<vmem>>
        %dma_start3A_146 = tpu.memref_squeeze %dma_start3A_145 : memref<1x80x128xf32, #tpu.memory_space<vmem>> -> memref<80x128xf32, #tpu.memory_space<vmem>>
        %dma_start3A_147 = arith.constant 0 : i32
        %dma_start3A_148 = tpu.memref_slice %arg6[%add3A_141, %dma_start3A_147] : memref<250x80xi32, #tpu.memory_space<vmem>> -> memref<1x80xi32, #tpu.memory_space<vmem>>
        %dma_start3A_149 = tpu.memref_squeeze %dma_start3A_148 : memref<1x80xi32, #tpu.memory_space<vmem>> -> memref<80xi32, #tpu.memory_space<vmem>>
        %dma_start3A_150 = arith.constant 0 : i32
        %dma_start3A_151 = arith.constant 0 : i32
        %dma_start3A_152 = tpu.memref_slice %arg2[%arg0, %dma_start3A_150, %dma_start3A_151] : memref<2x10240x128xf32, #tpu.memory_space<hbm>> -> memref<1x10240x128xf32, #tpu.memory_space<hbm>>
        %dma_start3A_153 = tpu.memref_squeeze %dma_start3A_152 : memref<1x10240x128xf32, #tpu.memory_space<hbm>> -> memref<10240x128xf32, #tpu.memory_space<hbm>>
        %dma_start3A_154 = arith.constant 0 : i32
        %dma_start3A_155 = arith.constant 0 : i32
        %dma_start3A_156 = tpu.memref_slice %dma_start3A_153[%dma_start3A_154, %dma_start3A_155] : memref<10240x128xf32, #tpu.memory_space<hbm>> -> memref<10240x128xf32, #tpu.memory_space<hbm>>
        tpu.enqueue_indirect_dma source(%dma_start3A_156 : memref<10240x128xf32, #tpu.memory_space<hbm>>) target(%dma_start3A_146 : memref<80x128xf32, #tpu.memory_space<vmem>>) offsets(%dma_start3A_149 : memref<80xi32, #tpu.memory_space<vmem>>) semaphore(%arg10 : memref<!tpu.dma_semaphore, #tpu.memory_space<semaphore_mem>>)
      } else {
      }
      %run_scoped3A_111 = arith.constant 0 : i32
      "tpu.region"() ({
        %run_scoped3A_140 = tpu.sem_alloc : memref<!tpu.dma_semaphore, #tpu.memory_space<semaphore_mem>>
        %dma_start3A_141 = arith.constant 0 : i32
        %dma_start3A_142 = arith.constant 0 : i32
        %dma_start3A_143 = tpu.memref_slice %arg8[%run_scoped3A_111, %dma_start3A_141, %dma_start3A_142] : memref<2x80x128xf32, #tpu.memory_space<vmem>> -> memref<1x80x128xf32, #tpu.memory_space<vmem>>
        %dma_start3A_144 = tpu.memref_squeeze %dma_start3A_143 : memref<1x80x128xf32, #tpu.memory_space<vmem>> -> memref<80x128xf32, #tpu.memory_space<vmem>>
        %dma_start3A_145 = arith.constant 0 : i32
        %dma_start3A_146 = tpu.memref_slice %arg7[%add3A_89, %dma_start3A_145] : memref<250x80xi32, #tpu.memory_space<vmem>> -> memref<1x80xi32, #tpu.memory_space<vmem>>
        %dma_start3A_147 = tpu.memref_squeeze %dma_start3A_146 : memref<1x80xi32, #tpu.memory_space<vmem>> -> memref<80xi32, #tpu.memory_space<vmem>>
        %dma_start3A_148 = arith.constant 0 : i32
        %dma_start3A_149 = arith.constant 0 : i32
        %dma_start3A_150 = tpu.memref_slice %arg9[%dma_start3A_148, %dma_start3A_149] : memref<5024x128xf32, #tpu.memory_space<vmem_shared>> -> memref<5024x128xf32, #tpu.memory_space<vmem_shared>>
        tpu.enqueue_indirect_dma source(%dma_start3A_144 : memref<80x128xf32, #tpu.memory_space<vmem>>) target(%dma_start3A_150 : memref<5024x128xf32, #tpu.memory_space<vmem_shared>>) offsets(%dma_start3A_147 : memref<80xi32, #tpu.memory_space<vmem>>) semaphore(%run_scoped3A_140 : memref<!tpu.dma_semaphore, #tpu.memory_space<semaphore_mem>>) {add = true}
        %dma_wait3A_151 = arith.constant 0 : i32
        %dma_wait3A_152 = arith.constant 0 : i32
        %dma_wait3A_153 = tpu.memref_slice %arg8[%run_scoped3A_111, %dma_wait3A_151, %dma_wait3A_152] : memref<2x80x128xf32, #tpu.memory_space<vmem>> -> memref<1x80x128xf32, #tpu.memory_space<vmem>>
        %dma_wait3A_154 = tpu.memref_squeeze %dma_wait3A_153 : memref<1x80x128xf32, #tpu.memory_space<vmem>> -> memref<80x128xf32, #tpu.memory_space<vmem>>
        %dma_wait3A_155 = arith.constant 0 : i32
        %dma_wait3A_156 = tpu.memref_slice %arg7[%add3A_89, %dma_wait3A_155] : memref<250x80xi32, #tpu.memory_space<vmem>> -> memref<1x80xi32, #tpu.memory_space<vmem>>
        %dma_wait3A_157 = tpu.memref_squeeze %dma_wait3A_156 : memref<1x80xi32, #tpu.memory_space<vmem>> -> memref<80xi32, #tpu.memory_space<vmem>>
        %dma_wait3A_158 = arith.constant 0 : i32
        %dma_wait3A_159 = arith.constant 0 : i32
        %dma_wait3A_160 = tpu.memref_slice %arg9[%dma_wait3A_158, %dma_wait3A_159] : memref<5024x128xf32, #tpu.memory_space<vmem_shared>> -> memref<5024x128xf32, #tpu.memory_space<vmem_shared>>
        tpu.wait_indirect_dma semaphore(%run_scoped3A_140 : memref<!tpu.dma_semaphore, #tpu.memory_space<semaphore_mem>>) src(%dma_wait3A_154 : memref<80x128xf32, #tpu.memory_space<vmem>>) dst(%dma_wait3A_160 : memref<5024x128xf32, #tpu.memory_space<vmem_shared>>)
        tpu.yield
      }) : () -> ()
      %mul3A_112 = arith.constant 2 : i32
      %mul3A_113 = arith.muli %scan3A_86, %mul3A_112 : i32
      %add3A_114 = arith.constant 1 : i32
      %add3A_115 = arith.addi %mul3A_113, %add3A_114 : i32
      %dma_wait3A_116 = arith.constant 1 : i32
      %dma_wait3A_117 = arith.constant 0 : i32
      %dma_wait3A_118 = arith.constant 0 : i32
      %dma_wait3A_119 = tpu.memref_slice %arg8[%dma_wait3A_116, %dma_wait3A_117, %dma_wait3A_118] : memref<2x80x128xf32, #tpu.memory_space<vmem>> -> memref<1x80x128xf32, #tpu.memory_space<vmem>>
      %dma_wait3A_120 = tpu.memref_squeeze %dma_wait3A_119 : memref<1x80x128xf32, #tpu.memory_space<vmem>> -> memref<80x128xf32, #tpu.memory_space<vmem>>
      %dma_wait3A_121 = arith.constant 0 : i32
      %dma_wait3A_122 = tpu.memref_slice %arg6[%add3A_115, %dma_wait3A_121] : memref<250x80xi32, #tpu.memory_space<vmem>> -> memref<1x80xi32, #tpu.memory_space<vmem>>
      %dma_wait3A_123 = tpu.memref_squeeze %dma_wait3A_122 : memref<1x80xi32, #tpu.memory_space<vmem>> -> memref<80xi32, #tpu.memory_space<vmem>>
      %dma_wait3A_124 = arith.constant 0 : i32
      %dma_wait3A_125 = arith.constant 0 : i32
      %dma_wait3A_126 = tpu.memref_slice %arg2[%arg0, %dma_wait3A_124, %dma_wait3A_125] : memref<2x10240x128xf32, #tpu.memory_space<hbm>> -> memref<1x10240x128xf32, #tpu.memory_space<hbm>>
      %dma_wait3A_127 = tpu.memref_squeeze %dma_wait3A_126 : memref<1x10240x128xf32, #tpu.memory_space<hbm>> -> memref<10240x128xf32, #tpu.memory_space<hbm>>
      %dma_wait3A_128 = arith.constant 0 : i32
      %dma_wait3A_129 = arith.constant 0 : i32
      %dma_wait3A_130 = tpu.memref_slice %dma_wait3A_127[%dma_wait3A_128, %dma_wait3A_129] : memref<10240x128xf32, #tpu.memory_space<hbm>> -> memref<10240x128xf32, #tpu.memory_space<hbm>>
      tpu.wait_indirect_dma semaphore(%arg10 : memref<!tpu.dma_semaphore, #tpu.memory_space<semaphore_mem>>) src(%dma_wait3A_130 : memref<10240x128xf32, #tpu.memory_space<hbm>>) dst(%dma_wait3A_120 : memref<80x128xf32, #tpu.memory_space<vmem>>)
      %add3A_131 = arith.constant 1 : i32
      %add3A_132 = arith.addi %add3A_115, %add3A_131 : i32
      %lt3A_133 = arith.constant 250 : i32
      %lt3A_134 = arith.cmpi slt, %add3A_132, %lt3A_133 : i32
      %convert_element_type3A_135 = arith.extui %lt3A_134 : i1 to i32
      %cond3A_136 = arith.constant 0 : i32
      %cond3A_137 = arith.cmpi ne, %convert_element_type3A_135, %cond3A_136 : i32
      scf.if %cond3A_137 {
        %add3A_140 = arith.constant 1 : i32
        %add3A_141 = arith.addi %add3A_115, %add3A_140 : i32
        %dma_start3A_142 = arith.constant 0 : i32
        %dma_start3A_143 = arith.constant 0 : i32
        %dma_start3A_144 = arith.constant 0 : i32
        %dma_start3A_145 = tpu.memref_slice %arg8[%dma_start3A_142, %dma_start3A_143, %dma_start3A_144] : memref<2x80x128xf32, #tpu.memory_space<vmem>> -> memref<1x80x128xf32, #tpu.memory_space<vmem>>
        %dma_start3A_146 = tpu.memref_squeeze %dma_start3A_145 : memref<1x80x128xf32, #tpu.memory_space<vmem>> -> memref<80x128xf32, #tpu.memory_space<vmem>>
        %dma_start3A_147 = arith.constant 0 : i32
        %dma_start3A_148 = tpu.memref_slice %arg6[%add3A_141, %dma_start3A_147] : memref<250x80xi32, #tpu.memory_space<vmem>> -> memref<1x80xi32, #tpu.memory_space<vmem>>
        %dma_start3A_149 = tpu.memref_squeeze %dma_start3A_148 : memref<1x80xi32, #tpu.memory_space<vmem>> -> memref<80xi32, #tpu.memory_space<vmem>>
        %dma_start3A_150 = arith.constant 0 : i32
        %dma_start3A_151 = arith.constant 0 : i32
        %dma_start3A_152 = tpu.memref_slice %arg2[%arg0, %dma_start3A_150, %dma_start3A_151] : memref<2x10240x128xf32, #tpu.memory_space<hbm>> -> memref<1x10240x128xf32, #tpu.memory_space<hbm>>
        %dma_start3A_153 = tpu.memref_squeeze %dma_start3A_152 : memref<1x10240x128xf32, #tpu.memory_space<hbm>> -> memref<10240x128xf32, #tpu.memory_space<hbm>>
        %dma_start3A_154 = arith.constant 0 : i32
        %dma_start3A_155 = arith.constant 0 : i32
        %dma_start3A_156 = tpu.memref_slice %dma_start3A_153[%dma_start3A_154, %dma_start3A_155] : memref<10240x128xf32, #tpu.memory_space<hbm>> -> memref<10240x128xf32, #tpu.memory_space<hbm>>
        tpu.enqueue_indirect_dma source(%dma_start3A_156 : memref<10240x128xf32, #tpu.memory_space<hbm>>) target(%dma_start3A_146 : memref<80x128xf32, #tpu.memory_space<vmem>>) offsets(%dma_start3A_149 : memref<80xi32, #tpu.memory_space<vmem>>) semaphore(%arg10 : memref<!tpu.dma_semaphore, #tpu.memory_space<semaphore_mem>>)
      } else {
      }
      %run_scoped3A_138 = arith.constant 1 : i32
      "tpu.region"() ({
        %run_scoped3A_140 = tpu.sem_alloc : memref<!tpu.dma_semaphore, #tpu.memory_space<semaphore_mem>>
        %dma_start3A_141 = arith.constant 0 : i32
        %dma_start3A_142 = arith.constant 0 : i32
        %dma_start3A_143 = tpu.memref_slice %arg8[%run_scoped3A_138, %dma_start3A_141, %dma_start3A_142] : memref<2x80x128xf32, #tpu.memory_space<vmem>> -> memref<1x80x128xf32, #tpu.memory_space<vmem>>
        %dma_start3A_144 = tpu.memref_squeeze %dma_start3A_143 : memref<1x80x128xf32, #tpu.memory_space<vmem>> -> memref<80x128xf32, #tpu.memory_space<vmem>>
        %dma_start3A_145 = arith.constant 0 : i32
        %dma_start3A_146 = tpu.memref_slice %arg7[%add3A_115, %dma_start3A_145] : memref<250x80xi32, #tpu.memory_space<vmem>> -> memref<1x80xi32, #tpu.memory_space<vmem>>
        %dma_start3A_147 = tpu.memref_squeeze %dma_start3A_146 : memref<1x80xi32, #tpu.memory_space<vmem>> -> memref<80xi32, #tpu.memory_space<vmem>>
        %dma_start3A_148 = arith.constant 0 : i32
        %dma_start3A_149 = arith.constant 0 : i32
        %dma_start3A_150 = tpu.memref_slice %arg9[%dma_start3A_148, %dma_start3A_149] : memref<5024x128xf32, #tpu.memory_space<vmem_shared>> -> memref<5024x128xf32, #tpu.memory_space<vmem_shared>>
        tpu.enqueue_indirect_dma source(%dma_start3A_144 : memref<80x128xf32, #tpu.memory_space<vmem>>) target(%dma_start3A_150 : memref<5024x128xf32, #tpu.memory_space<vmem_shared>>) offsets(%dma_start3A_147 : memref<80xi32, #tpu.memory_space<vmem>>) semaphore(%run_scoped3A_140 : memref<!tpu.dma_semaphore, #tpu.memory_space<semaphore_mem>>) {add = true}
        %dma_wait3A_151 = arith.constant 0 : i32
        %dma_wait3A_152 = arith.constant 0 : i32
        %dma_wait3A_153 = tpu.memref_slice %arg8[%run_scoped3A_138, %dma_wait3A_151, %dma_wait3A_152] : memref<2x80x128xf32, #tpu.memory_space<vmem>> -> memref<1x80x128xf32, #tpu.memory_space<vmem>>
        %dma_wait3A_154 = tpu.memref_squeeze %dma_wait3A_153 : memref<1x80x128xf32, #tpu.memory_space<vmem>> -> memref<80x128xf32, #tpu.memory_space<vmem>>
        %dma_wait3A_155 = arith.constant 0 : i32
        %dma_wait3A_156 = tpu.memref_slice %arg7[%add3A_115, %dma_wait3A_155] : memref<250x80xi32, #tpu.memory_space<vmem>> -> memref<1x80xi32, #tpu.memory_space<vmem>>
        %dma_wait3A_157 = tpu.memref_squeeze %dma_wait3A_156 : memref<1x80xi32, #tpu.memory_space<vmem>> -> memref<80xi32, #tpu.memory_space<vmem>>
        %dma_wait3A_158 = arith.constant 0 : i32
        %dma_wait3A_159 = arith.constant 0 : i32
        %dma_wait3A_160 = tpu.memref_slice %arg9[%dma_wait3A_158, %dma_wait3A_159] : memref<5024x128xf32, #tpu.memory_space<vmem_shared>> -> memref<5024x128xf32, #tpu.memory_space<vmem_shared>>
        tpu.wait_indirect_dma semaphore(%run_scoped3A_140 : memref<!tpu.dma_semaphore, #tpu.memory_space<semaphore_mem>>) src(%dma_wait3A_154 : memref<80x128xf32, #tpu.memory_space<vmem>>) dst(%dma_wait3A_160 : memref<5024x128xf32, #tpu.memory_space<vmem_shared>>)
        tpu.yield
      }) : () -> ()
      %scan3A_139 = arith.constant 0 : i32
      scf.yield %scan3A_139 : i32
    }
    %scan3A_73 = arith.constant 125 : i32
    %barrier3A_74 = arith.constant 0 : index
    tpu.barrier barrier_id(%barrier3A_74)
    %lt3A_75 = arith.constant 15 : i32
    %lt3A_76 = arith.cmpi slt, %arg1, %lt3A_75 : i32
    %convert_element_type3A_77 = arith.extui %lt3A_76 : i1 to i32
    %cond3A_78 = arith.constant 0 : i32
    %cond3A_79 = arith.cmpi ne, %convert_element_type3A_77, %cond3A_78 : i32
    scf.if %cond3A_79 {
      %mul3A = arith.constant 312 : i32
      %mul3A_86 = arith.muli %arg1, %mul3A : i32
      %mul3A_87 = arith.constant 312 : i32
      %mul3A_88 = arith.muli %arg1, %mul3A_87 : i32
      %add3A = arith.constant 5016 : i32
      %add3A_89 = arith.addi %add3A, %mul3A_88 : i32
      "tpu.region"() ({
        %run_scoped3A_90 = tpu.sem_alloc : memref<!tpu.dma_semaphore, #tpu.memory_space<semaphore_mem>>
        %dma_start3A_91 = arith.constant 0 : i32
        %dma_start3A_92 = arith.constant 0 : i32
        %dma_start3A_93 = tpu.memref_slice %arg5[%arg0, %dma_start3A_91, %dma_start3A_92] : memref<2x10240x128xf32, #tpu.memory_space<hbm>> -> memref<1x10240x128xf32, #tpu.memory_space<hbm>>
        %dma_start3A_94 = tpu.memref_squeeze %dma_start3A_93 : memref<1x10240x128xf32, #tpu.memory_space<hbm>> -> memref<10240x128xf32, #tpu.memory_space<hbm>>
        %dma_start3A_95 = arith.constant 0 : i32
        %dma_start3A_96 = tpu.memref_slice %dma_start3A_94[%add3A_89, %dma_start3A_95] : memref<10240x128xf32, #tpu.memory_space<hbm>> -> memref<312x128xf32, #tpu.memory_space<hbm>>
        %dma_start3A_97 = arith.constant 0 : i32
        %dma_start3A_98 = tpu.memref_slice %arg9[%mul3A_86, %dma_start3A_97] : memref<5024x128xf32, #tpu.memory_space<vmem_shared>> -> memref<312x128xf32, #tpu.memory_space<vmem_shared>>
        tpu.enqueue_dma source(%dma_start3A_98 : memref<312x128xf32, #tpu.memory_space<vmem_shared>>) target(%dma_start3A_96 : memref<312x128xf32, #tpu.memory_space<hbm>>) target_semaphore(%run_scoped3A_90 : memref<!tpu.dma_semaphore, #tpu.memory_space<semaphore_mem>>)
        %dma_wait3A = arith.constant 0 : i32
        %dma_wait3A_99 = arith.constant 0 : i32
        %dma_wait3A_100 = tpu.memref_slice %arg5[%arg0, %dma_wait3A, %dma_wait3A_99] : memref<2x10240x128xf32, #tpu.memory_space<hbm>> -> memref<1x10240x128xf32, #tpu.memory_space<hbm>>
        %dma_wait3A_101 = tpu.memref_squeeze %dma_wait3A_100 : memref<1x10240x128xf32, #tpu.memory_space<hbm>> -> memref<10240x128xf32, #tpu.memory_space<hbm>>
        %dma_wait3A_102 = arith.constant 0 : i32
        %dma_wait3A_103 = tpu.memref_slice %dma_wait3A_101[%add3A_89, %dma_wait3A_102] : memref<10240x128xf32, #tpu.memory_space<hbm>> -> memref<312x128xf32, #tpu.memory_space<hbm>>
        %dma_wait3A_104 = arith.constant 0 : i32
        %dma_wait3A_105 = tpu.memref_slice %arg9[%mul3A_86, %dma_wait3A_104] : memref<5024x128xf32, #tpu.memory_space<vmem_shared>> -> memref<312x128xf32, #tpu.memory_space<vmem_shared>>
        tpu.wait_dma2 semaphore(%run_scoped3A_90 : memref<!tpu.dma_semaphore, #tpu.memory_space<semaphore_mem>>) src(%dma_wait3A_105 : memref<312x128xf32, #tpu.memory_space<vmem_shared>>) dst(%dma_wait3A_103 : memref<312x128xf32, #tpu.memory_space<hbm>>)
        tpu.yield
      }) : () -> ()
    } else {
    }
    %eq3A_80 = arith.constant 15 : i32
    %eq3A_81 = arith.cmpi eq, %arg1, %eq3A_80 : i32
    %convert_element_type3A_82 = arith.extui %eq3A_81 : i1 to i32
    %cond3A_83 = arith.constant 0 : i32
    %cond3A_84 = arith.cmpi ne, %convert_element_type3A_82, %cond3A_83 : i32
    scf.if %cond3A_84 {
      "tpu.region"() ({
        %run_scoped3A_86 = tpu.sem_alloc : memref<!tpu.dma_semaphore, #tpu.memory_space<semaphore_mem>>
        %dma_start3A_87 = arith.constant 0 : i32
        %dma_start3A_88 = arith.constant 0 : i32
        %dma_start3A_89 = tpu.memref_slice %arg5[%arg0, %dma_start3A_87, %dma_start3A_88] : memref<2x10240x128xf32, #tpu.memory_space<hbm>> -> memref<1x10240x128xf32, #tpu.memory_space<hbm>>
        %dma_start3A_90 = tpu.memref_squeeze %dma_start3A_89 : memref<1x10240x128xf32, #tpu.memory_space<hbm>> -> memref<10240x128xf32, #tpu.memory_space<hbm>>
        %dma_start3A_91 = arith.constant 9696 : i32
        %dma_start3A_92 = arith.constant 0 : i32
        %dma_start3A_93 = tpu.memref_slice %dma_start3A_90[%dma_start3A_91, %dma_start3A_92] : memref<10240x128xf32, #tpu.memory_space<hbm>> -> memref<336x128xf32, #tpu.memory_space<hbm>>
        %dma_start3A_94 = arith.constant 4680 : i32
        %dma_start3A_95 = arith.constant 0 : i32
        %dma_start3A_96 = tpu.memref_slice %arg9[%dma_start3A_94, %dma_start3A_95] : memref<5024x128xf32, #tpu.memory_space<vmem_shared>> -> memref<336x128xf32, #tpu.memory_space<vmem_shared>>
        tpu.enqueue_dma source(%dma_start3A_96 : memref<336x128xf32, #tpu.memory_space<vmem_shared>>) target(%dma_start3A_93 : memref<336x128xf32, #tpu.memory_space<hbm>>) target_semaphore(%run_scoped3A_86 : memref<!tpu.dma_semaphore, #tpu.memory_space<semaphore_mem>>)
        %dma_wait3A = arith.constant 0 : i32
        %dma_wait3A_97 = arith.constant 0 : i32
        %dma_wait3A_98 = tpu.memref_slice %arg5[%arg0, %dma_wait3A, %dma_wait3A_97] : memref<2x10240x128xf32, #tpu.memory_space<hbm>> -> memref<1x10240x128xf32, #tpu.memory_space<hbm>>
        %dma_wait3A_99 = tpu.memref_squeeze %dma_wait3A_98 : memref<1x10240x128xf32, #tpu.memory_space<hbm>> -> memref<10240x128xf32, #tpu.memory_space<hbm>>
        %dma_wait3A_100 = arith.constant 9696 : i32
        %dma_wait3A_101 = arith.constant 0 : i32
        %dma_wait3A_102 = tpu.memref_slice %dma_wait3A_99[%dma_wait3A_100, %dma_wait3A_101] : memref<10240x128xf32, #tpu.memory_space<hbm>> -> memref<336x128xf32, #tpu.memory_space<hbm>>
        %dma_wait3A_103 = arith.constant 4680 : i32
        %dma_wait3A_104 = arith.constant 0 : i32
        %dma_wait3A_105 = tpu.memref_slice %arg9[%dma_wait3A_103, %dma_wait3A_104] : memref<5024x128xf32, #tpu.memory_space<vmem_shared>> -> memref<336x128xf32, #tpu.memory_space<vmem_shared>>
        tpu.wait_dma2 semaphore(%run_scoped3A_86 : memref<!tpu.dma_semaphore, #tpu.memory_space<semaphore_mem>>) src(%dma_wait3A_105 : memref<336x128xf32, #tpu.memory_space<vmem_shared>>) dst(%dma_wait3A_102 : memref<336x128xf32, #tpu.memory_space<hbm>>)
        tpu.yield
      }) : () -> ()
    } else {
    }
    %barrier3A_85 = arith.constant 0 : index
    tpu.barrier barrier_id(%barrier3A_85)
    return
  }
}

#map = affine_map<(d0, d1) -> (0, 0, 0)>
#map1 = affine_map<(d0, d1) -> (0, 0, 0, 0)>
module attributes {stable_mosaic.version = 14 : i64} {
  func.func @_sc_aggregate(%arg0: i32, %arg1: i32, %arg2: memref<2x10240x128xf32, #tpu.memory_space<hbm>>, %arg3: memref<16x250x80xi32, #tpu.memory_space<hbm>>, %arg4: memref<2x16x250x80xi32, #tpu.memory_space<hbm>>, %arg5: memref<2x10240x128xf32, #tpu.memory_space<hbm>>, %arg6: memref<250x80xi32, #tpu.memory_space<vmem>>, %arg7: memref<250x80xi32, #tpu.memory_space<vmem>>, %arg8: memref<2x80x128xf32, #tpu.memory_space<vmem>>, %arg9: memref<5024x128xf32, #tpu.memory_space<vmem_shared>>, %arg10: memref<!tpu.dma_semaphore, #tpu.memory_space<semaphore_mem>>) attributes {dimension_semantics = [#tpu.dimension_semantics<core_parallel>, #tpu.dimension_semantics<subcore_parallel>], iteration_bounds = array<i64: 2, 16>, scalar_prefetch = 0 : i64, scratch_operands = 5 : i64, tpu.core_type = #tpu.core_type<sc_vector_subcore>, window_params = [{transform_indices = #map}, {transform_indices = #map}, {transform_indices = #map1}, {transform_indices = #map}]} {
    "tpu.region"() ({
      %run_scoped3A_86 = tpu.sem_alloc : memref<!tpu.dma_semaphore, #tpu.memory_space<semaphore_mem>>
      %dma_start3A_87 = arith.constant 0 : i32
      %dma_start3A_88 = arith.constant 0 : i32
      %dma_start3A_89 = tpu.memref_slice %arg3[%arg1, %dma_start3A_87, %dma_start3A_88] : memref<16x250x80xi32, #tpu.memory_space<hbm>> -> memref<1x250x80xi32, #tpu.memory_space<hbm>>
      %dma_start3A_90 = tpu.memref_squeeze %dma_start3A_89 : memref<1x250x80xi32, #tpu.memory_space<hbm>> -> memref<250x80xi32, #tpu.memory_space<hbm>>
      %dma_start3A_91 = arith.constant 0 : i32
      %dma_start3A_92 = arith.constant 0 : i32
      %dma_start3A_93 = tpu.memref_slice %arg3[%arg1, %dma_start3A_91, %dma_start3A_92] : memref<16x250x80xi32, #tpu.memory_space<hbm>> -> memref<1x250x80xi32, #tpu.memory_space<hbm>>
      %dma_start3A_94 = tpu.memref_squeeze %dma_start3A_93 : memref<1x250x80xi32, #tpu.memory_space<hbm>> -> memref<250x80xi32, #tpu.memory_space<hbm>>
      tpu.enqueue_dma source(%dma_start3A_94 : memref<250x80xi32, #tpu.memory_space<hbm>>) target(%arg6 : memref<250x80xi32, #tpu.memory_space<vmem>>) target_semaphore(%run_scoped3A_86 : memref<!tpu.dma_semaphore, #tpu.memory_space<semaphore_mem>>)
      %dma_wait3A = arith.constant 0 : i32
      %dma_wait3A_95 = arith.constant 0 : i32
      %dma_wait3A_96 = tpu.memref_slice %arg3[%arg1, %dma_wait3A, %dma_wait3A_95] : memref<16x250x80xi32, #tpu.memory_space<hbm>> -> memref<1x250x80xi32, #tpu.memory_space<hbm>>
      %dma_wait3A_97 = tpu.memref_squeeze %dma_wait3A_96 : memref<1x250x80xi32, #tpu.memory_space<hbm>> -> memref<250x80xi32, #tpu.memory_space<hbm>>
      %dma_wait3A_98 = arith.constant 0 : i32
      %dma_wait3A_99 = arith.constant 0 : i32
      %dma_wait3A_100 = tpu.memref_slice %arg3[%arg1, %dma_wait3A_98, %dma_wait3A_99] : memref<16x250x80xi32, #tpu.memory_space<hbm>> -> memref<1x250x80xi32, #tpu.memory_space<hbm>>
      %dma_wait3A_101 = tpu.memref_squeeze %dma_wait3A_100 : memref<1x250x80xi32, #tpu.memory_space<hbm>> -> memref<250x80xi32, #tpu.memory_space<hbm>>
      tpu.wait_dma2 semaphore(%run_scoped3A_86 : memref<!tpu.dma_semaphore, #tpu.memory_space<semaphore_mem>>) src(%dma_wait3A_101 : memref<250x80xi32, #tpu.memory_space<hbm>>) dst(%arg6 : memref<250x80xi32, #tpu.memory_space<vmem>>)
      tpu.yield
    }) : () -> ()
    %run_scoped3A = arith.constant 0 : i32
    "tpu.region"() ({
      %run_scoped3A_86 = tpu.sem_alloc : memref<!tpu.dma_semaphore, #tpu.memory_space<semaphore_mem>>
      %dma_start3A_87 = arith.constant 0 : i32
      %dma_start3A_88 = arith.constant 0 : i32
      %dma_start3A_89 = arith.constant 0 : i32
      %dma_start3A_90 = tpu.memref_slice %arg4[%run_scoped3A, %dma_start3A_87, %dma_start3A_88, %dma_start3A_89] : memref<2x16x250x80xi32, #tpu.memory_space<hbm>> -> memref<1x16x250x80xi32, #tpu.memory_space<hbm>>
      %dma_start3A_91 = tpu.memref_squeeze %dma_start3A_90 : memref<1x16x250x80xi32, #tpu.memory_space<hbm>> -> memref<16x250x80xi32, #tpu.memory_space<hbm>>
      %dma_start3A_92 = arith.constant 0 : i32
      %dma_start3A_93 = arith.constant 0 : i32
      %dma_start3A_94 = tpu.memref_slice %dma_start3A_91[%arg1, %dma_start3A_92, %dma_start3A_93] : memref<16x250x80xi32, #tpu.memory_space<hbm>> -> memref<1x250x80xi32, #tpu.memory_space<hbm>>
      %dma_start3A_95 = tpu.memref_squeeze %dma_start3A_94 : memref<1x250x80xi32, #tpu.memory_space<hbm>> -> memref<250x80xi32, #tpu.memory_space<hbm>>
      %dma_start3A_96 = arith.constant 0 : i32
      %dma_start3A_97 = arith.constant 0 : i32
      %dma_start3A_98 = arith.constant 0 : i32
      %dma_start3A_99 = tpu.memref_slice %arg4[%run_scoped3A, %dma_start3A_96, %dma_start3A_97, %dma_start3A_98] : memref<2x16x250x80xi32, #tpu.memory_space<hbm>> -> memref<1x16x250x80xi32, #tpu.memory_space<hbm>>
      %dma_start3A_100 = tpu.memref_squeeze %dma_start3A_99 : memref<1x16x250x80xi32, #tpu.memory_space<hbm>> -> memref<16x250x80xi32, #tpu.memory_space<hbm>>
      %dma_start3A_101 = arith.constant 0 : i32
      %dma_start3A_102 = arith.constant 0 : i32
      %dma_start3A_103 = tpu.memref_slice %dma_start3A_100[%arg1, %dma_start3A_101, %dma_start3A_102] : memref<16x250x80xi32, #tpu.memory_space<hbm>> -> memref<1x250x80xi32, #tpu.memory_space<hbm>>
      %dma_start3A_104 = tpu.memref_squeeze %dma_start3A_103 : memref<1x250x80xi32, #tpu.memory_space<hbm>> -> memref<250x80xi32, #tpu.memory_space<hbm>>
      tpu.enqueue_dma source(%dma_start3A_104 : memref<250x80xi32, #tpu.memory_space<hbm>>) target(%arg7 : memref<250x80xi32, #tpu.memory_space<vmem>>) target_semaphore(%run_scoped3A_86 : memref<!tpu.dma_semaphore, #tpu.memory_space<semaphore_mem>>)
      %dma_wait3A = arith.constant 0 : i32
      %dma_wait3A_105 = arith.constant 0 : i32
      %dma_wait3A_106 = arith.constant 0 : i32
      %dma_wait3A_107 = tpu.memref_slice %arg4[%run_scoped3A, %dma_wait3A, %dma_wait3A_105, %dma_wait3A_106] : memref<2x16x250x80xi32, #tpu.memory_space<hbm>> -> memref<1x16x250x80xi32, #tpu.memory_space<hbm>>
      %dma_wait3A_108 = tpu.memref_squeeze %dma_wait3A_107 : memref<1x16x250x80xi32, #tpu.memory_space<hbm>> -> memref<16x250x80xi32, #tpu.memory_space<hbm>>
      %dma_wait3A_109 = arith.constant 0 : i32
      %dma_wait3A_110 = arith.constant 0 : i32
      %dma_wait3A_111 = tpu.memref_slice %dma_wait3A_108[%arg1, %dma_wait3A_109, %dma_wait3A_110] : memref<16x250x80xi32, #tpu.memory_space<hbm>> -> memref<1x250x80xi32, #tpu.memory_space<hbm>>
      %dma_wait3A_112 = tpu.memref_squeeze %dma_wait3A_111 : memref<1x250x80xi32, #tpu.memory_space<hbm>> -> memref<250x80xi32, #tpu.memory_space<hbm>>
      %dma_wait3A_113 = arith.constant 0 : i32
      %dma_wait3A_114 = arith.constant 0 : i32
      %dma_wait3A_115 = arith.constant 0 : i32
      %dma_wait3A_116 = tpu.memref_slice %arg4[%run_scoped3A, %dma_wait3A_113, %dma_wait3A_114, %dma_wait3A_115] : memref<2x16x250x80xi32, #tpu.memory_space<hbm>> -> memref<1x16x250x80xi32, #tpu.memory_space<hbm>>
      %dma_wait3A_117 = tpu.memref_squeeze %dma_wait3A_116 : memref<1x16x250x80xi32, #tpu.memory_space<hbm>> -> memref<16x250x80xi32, #tpu.memory_space<hbm>>
      %dma_wait3A_118 = arith.constant 0 : i32
      %dma_wait3A_119 = arith.constant 0 : i32
      %dma_wait3A_120 = tpu.memref_slice %dma_wait3A_117[%arg1, %dma_wait3A_118, %dma_wait3A_119] : memref<16x250x80xi32, #tpu.memory_space<hbm>> -> memref<1x250x80xi32, #tpu.memory_space<hbm>>
      %dma_wait3A_121 = tpu.memref_squeeze %dma_wait3A_120 : memref<1x250x80xi32, #tpu.memory_space<hbm>> -> memref<250x80xi32, #tpu.memory_space<hbm>>
      tpu.wait_dma2 semaphore(%run_scoped3A_86 : memref<!tpu.dma_semaphore, #tpu.memory_space<semaphore_mem>>) src(%dma_wait3A_121 : memref<250x80xi32, #tpu.memory_space<hbm>>) dst(%arg7 : memref<250x80xi32, #tpu.memory_space<vmem>>)
      tpu.yield
    }) : () -> ()
    %lt3A = arith.constant 15 : i32
    %lt3A_0 = arith.cmpi slt, %arg1, %lt3A : i32
    %convert_element_type3A = arith.extui %lt3A_0 : i1 to i32
    %cond3A = arith.constant 0 : i32
    %cond3A_1 = arith.cmpi ne, %convert_element_type3A, %cond3A : i32
    scf.if %cond3A_1 {
      %mul3A = arith.constant 312 : i32
      %mul3A_86 = arith.muli %arg1, %mul3A : i32
      %add3A = arith.constant 0 : i32
      %add3A_87 = arith.addi %add3A, %mul3A_86 : i32
      %mul3A_88 = arith.constant 312 : i32
      %mul3A_89 = arith.muli %arg1, %mul3A_88 : i32
      "tpu.region"() ({
        %run_scoped3A_90 = tpu.sem_alloc : memref<!tpu.dma_semaphore, #tpu.memory_space<semaphore_mem>>
        %dma_start3A_91 = arith.constant 0 : i32
        %dma_start3A_92 = tpu.memref_slice %arg9[%mul3A_89, %dma_start3A_91] : memref<5024x128xf32, #tpu.memory_space<vmem_shared>> -> memref<312x128xf32, #tpu.memory_space<vmem_shared>>
        %dma_start3A_93 = arith.constant 0 : i32
        %dma_start3A_94 = arith.constant 0 : i32
        %dma_start3A_95 = tpu.memref_slice %arg2[%arg0, %dma_start3A_93, %dma_start3A_94] : memref<2x10240x128xf32, #tpu.memory_space<hbm>> -> memref<1x10240x128xf32, #tpu.memory_space<hbm>>
        %dma_start3A_96 = tpu.memref_squeeze %dma_start3A_95 : memref<1x10240x128xf32, #tpu.memory_space<hbm>> -> memref<10240x128xf32, #tpu.memory_space<hbm>>
        %dma_start3A_97 = arith.constant 0 : i32
        %dma_start3A_98 = tpu.memref_slice %dma_start3A_96[%add3A_87, %dma_start3A_97] : memref<10240x128xf32, #tpu.memory_space<hbm>> -> memref<312x128xf32, #tpu.memory_space<hbm>>
        tpu.enqueue_dma source(%dma_start3A_98 : memref<312x128xf32, #tpu.memory_space<hbm>>) target(%dma_start3A_92 : memref<312x128xf32, #tpu.memory_space<vmem_shared>>) target_semaphore(%run_scoped3A_90 : memref<!tpu.dma_semaphore, #tpu.memory_space<semaphore_mem>>)
        %dma_wait3A = arith.constant 0 : i32
        %dma_wait3A_99 = tpu.memref_slice %arg9[%mul3A_89, %dma_wait3A] : memref<5024x128xf32, #tpu.memory_space<vmem_shared>> -> memref<312x128xf32, #tpu.memory_space<vmem_shared>>
        %dma_wait3A_100 = arith.constant 0 : i32
        %dma_wait3A_101 = arith.constant 0 : i32
        %dma_wait3A_102 = tpu.memref_slice %arg2[%arg0, %dma_wait3A_100, %dma_wait3A_101] : memref<2x10240x128xf32, #tpu.memory_space<hbm>> -> memref<1x10240x128xf32, #tpu.memory_space<hbm>>
        %dma_wait3A_103 = tpu.memref_squeeze %dma_wait3A_102 : memref<1x10240x128xf32, #tpu.memory_space<hbm>> -> memref<10240x128xf32, #tpu.memory_space<hbm>>
        %dma_wait3A_104 = arith.constant 0 : i32
        %dma_wait3A_105 = tpu.memref_slice %dma_wait3A_103[%add3A_87, %dma_wait3A_104] : memref<10240x128xf32, #tpu.memory_space<hbm>> -> memref<312x128xf32, #tpu.memory_space<hbm>>
        tpu.wait_dma2 semaphore(%run_scoped3A_90 : memref<!tpu.dma_semaphore, #tpu.memory_space<semaphore_mem>>) src(%dma_wait3A_105 : memref<312x128xf32, #tpu.memory_space<hbm>>) dst(%dma_wait3A_99 : memref<312x128xf32, #tpu.memory_space<vmem_shared>>)
        tpu.yield
      }) : () -> ()
    } else {
    }
    %eq3A = arith.constant 15 : i32
    %eq3A_2 = arith.cmpi eq, %arg1, %eq3A : i32
    %convert_element_type3A_3 = arith.extui %eq3A_2 : i1 to i32
    %cond3A_4 = arith.constant 0 : i32
    %cond3A_5 = arith.cmpi ne, %convert_element_type3A_3, %cond3A_4 : i32
    scf.if %cond3A_5 {
      "tpu.region"() ({
        %run_scoped3A_86 = tpu.sem_alloc : memref<!tpu.dma_semaphore, #tpu.memory_space<semaphore_mem>>
        %dma_start3A_87 = arith.constant 4680 : i32
        %dma_start3A_88 = arith.constant 0 : i32
        %dma_start3A_89 = tpu.memref_slice %arg9[%dma_start3A_87, %dma_start3A_88] : memref<5024x128xf32, #tpu.memory_space<vmem_shared>> -> memref<344x128xf32, #tpu.memory_space<vmem_shared>>
        %dma_start3A_90 = arith.constant 0 : i32
        %dma_start3A_91 = arith.constant 0 : i32
        %dma_start3A_92 = tpu.memref_slice %arg2[%arg0, %dma_start3A_90, %dma_start3A_91] : memref<2x10240x128xf32, #tpu.memory_space<hbm>> -> memref<1x10240x128xf32, #tpu.memory_space<hbm>>
        %dma_start3A_93 = tpu.memref_squeeze %dma_start3A_92 : memref<1x10240x128xf32, #tpu.memory_space<hbm>> -> memref<10240x128xf32, #tpu.memory_space<hbm>>
        %dma_start3A_94 = arith.constant 4680 : i32
        %dma_start3A_95 = arith.constant 0 : i32
        %dma_start3A_96 = tpu.memref_slice %dma_start3A_93[%dma_start3A_94, %dma_start3A_95] : memref<10240x128xf32, #tpu.memory_space<hbm>> -> memref<344x128xf32, #tpu.memory_space<hbm>>
        tpu.enqueue_dma source(%dma_start3A_96 : memref<344x128xf32, #tpu.memory_space<hbm>>) target(%dma_start3A_89 : memref<344x128xf32, #tpu.memory_space<vmem_shared>>) target_semaphore(%run_scoped3A_86 : memref<!tpu.dma_semaphore, #tpu.memory_space<semaphore_mem>>)
        %dma_wait3A = arith.constant 4680 : i32
        %dma_wait3A_97 = arith.constant 0 : i32
        %dma_wait3A_98 = tpu.memref_slice %arg9[%dma_wait3A, %dma_wait3A_97] : memref<5024x128xf32, #tpu.memory_space<vmem_shared>> -> memref<344x128xf32, #tpu.memory_space<vmem_shared>>
        %dma_wait3A_99 = arith.constant 0 : i32
        %dma_wait3A_100 = arith.constant 0 : i32
        %dma_wait3A_101 = tpu.memref_slice %arg2[%arg0, %dma_wait3A_99, %dma_wait3A_100] : memref<2x10240x128xf32, #tpu.memory_space<hbm>> -> memref<1x10240x128xf32, #tpu.memory_space<hbm>>
        %dma_wait3A_102 = tpu.memref_squeeze %dma_wait3A_101 : memref<1x10240x128xf32, #tpu.memory_space<hbm>> -> memref<10240x128xf32, #tpu.memory_space<hbm>>
        %dma_wait3A_103 = arith.constant 4680 : i32
        %dma_wait3A_104 = arith.constant 0 : i32
        %dma_wait3A_105 = tpu.memref_slice %dma_wait3A_102[%dma_wait3A_103, %dma_wait3A_104] : memref<10240x128xf32, #tpu.memory_space<hbm>> -> memref<344x128xf32, #tpu.memory_space<hbm>>
        tpu.wait_dma2 semaphore(%run_scoped3A_86 : memref<!tpu.dma_semaphore, #tpu.memory_space<semaphore_mem>>) src(%dma_wait3A_105 : memref<344x128xf32, #tpu.memory_space<hbm>>) dst(%dma_wait3A_98 : memref<344x128xf32, #tpu.memory_space<vmem_shared>>)
        tpu.yield
      }) : () -> ()
    } else {
    }
    %barrier3A = arith.constant 0 : index
    tpu.barrier barrier_id(%barrier3A)
    %dma_start3A = arith.constant 0 : i32
    %dma_start3A_6 = arith.constant 0 : i32
    %dma_start3A_7 = arith.constant 0 : i32
    %dma_start3A_8 = arith.constant 0 : i32
    %dma_start3A_9 = tpu.memref_slice %arg8[%dma_start3A_6, %dma_start3A_7, %dma_start3A_8] : memref<2x80x128xf32, #tpu.memory_space<vmem>> -> memref<1x80x128xf32, #tpu.memory_space<vmem>>
    %dma_start3A_10 = tpu.memref_squeeze %dma_start3A_9 : memref<1x80x128xf32, #tpu.memory_space<vmem>> -> memref<80x128xf32, #tpu.memory_space<vmem>>
    %dma_start3A_11 = arith.constant 0 : i32
    %dma_start3A_12 = tpu.memref_slice %arg6[%dma_start3A, %dma_start3A_11] : memref<250x80xi32, #tpu.memory_space<vmem>> -> memref<1x80xi32, #tpu.memory_space<vmem>>
    %dma_start3A_13 = tpu.memref_squeeze %dma_start3A_12 : memref<1x80xi32, #tpu.memory_space<vmem>> -> memref<80xi32, #tpu.memory_space<vmem>>
    %dma_start3A_14 = arith.constant 0 : i32
    %dma_start3A_15 = arith.constant 0 : i32
    %dma_start3A_16 = tpu.memref_slice %arg2[%arg0, %dma_start3A_14, %dma_start3A_15] : memref<2x10240x128xf32, #tpu.memory_space<hbm>> -> memref<1x10240x128xf32, #tpu.memory_space<hbm>>
    %dma_start3A_17 = tpu.memref_squeeze %dma_start3A_16 : memref<1x10240x128xf32, #tpu.memory_space<hbm>> -> memref<10240x128xf32, #tpu.memory_space<hbm>>
    %dma_start3A_18 = arith.constant 0 : i32
    %dma_start3A_19 = arith.constant 0 : i32
    %dma_start3A_20 = tpu.memref_slice %dma_start3A_17[%dma_start3A_18, %dma_start3A_19] : memref<10240x128xf32, #tpu.memory_space<hbm>> -> memref<10240x128xf32, #tpu.memory_space<hbm>>
    tpu.enqueue_indirect_dma source(%dma_start3A_20 : memref<10240x128xf32, #tpu.memory_space<hbm>>) target(%dma_start3A_10 : memref<80x128xf32, #tpu.memory_space<vmem>>) offsets(%dma_start3A_13 : memref<80xi32, #tpu.memory_space<vmem>>) semaphore(%arg10 : memref<!tpu.dma_semaphore, #tpu.memory_space<semaphore_mem>>)
    %scan3A = arith.constant 0 : i32
    %scan3A_21 = arith.constant 0 : i32
    %scan3A_22 = arith.constant 125 : i32
    %scan3A_23 = arith.addi %scan3A_21, %scan3A_22 : i32
    %scan3A_24 = arith.constant 1 : i32
    %scan3A_25 = scf.for %scan3A_86 = %scan3A_21 to %scan3A_23 step %scan3A_24 iter_args(%scan3A_87 = %scan3A) -> (i32)  : i32 {
      %mul3A = arith.constant 2 : i32
      %mul3A_88 = arith.muli %scan3A_86, %mul3A : i32
      %add3A = arith.constant 0 : i32
      %add3A_89 = arith.addi %mul3A_88, %add3A : i32
      %dma_wait3A = arith.constant 0 : i32
      %dma_wait3A_90 = arith.constant 0 : i32
      %dma_wait3A_91 = arith.constant 0 : i32
      %dma_wait3A_92 = tpu.memref_slice %arg8[%dma_wait3A, %dma_wait3A_90, %dma_wait3A_91] : memref<2x80x128xf32, #tpu.memory_space<vmem>> -> memref<1x80x128xf32, #tpu.memory_space<vmem>>
      %dma_wait3A_93 = tpu.memref_squeeze %dma_wait3A_92 : memref<1x80x128xf32, #tpu.memory_space<vmem>> -> memref<80x128xf32, #tpu.memory_space<vmem>>
      %dma_wait3A_94 = arith.constant 0 : i32
      %dma_wait3A_95 = tpu.memref_slice %arg6[%add3A_89, %dma_wait3A_94] : memref<250x80xi32, #tpu.memory_space<vmem>> -> memref<1x80xi32, #tpu.memory_space<vmem>>
      %dma_wait3A_96 = tpu.memref_squeeze %dma_wait3A_95 : memref<1x80xi32, #tpu.memory_space<vmem>> -> memref<80xi32, #tpu.memory_space<vmem>>
      %dma_wait3A_97 = arith.constant 0 : i32
      %dma_wait3A_98 = arith.constant 0 : i32
      %dma_wait3A_99 = tpu.memref_slice %arg2[%arg0, %dma_wait3A_97, %dma_wait3A_98] : memref<2x10240x128xf32, #tpu.memory_space<hbm>> -> memref<1x10240x128xf32, #tpu.memory_space<hbm>>
      %dma_wait3A_100 = tpu.memref_squeeze %dma_wait3A_99 : memref<1x10240x128xf32, #tpu.memory_space<hbm>> -> memref<10240x128xf32, #tpu.memory_space<hbm>>
      %dma_wait3A_101 = arith.constant 0 : i32
      %dma_wait3A_102 = arith.constant 0 : i32
      %dma_wait3A_103 = tpu.memref_slice %dma_wait3A_100[%dma_wait3A_101, %dma_wait3A_102] : memref<10240x128xf32, #tpu.memory_space<hbm>> -> memref<10240x128xf32, #tpu.memory_space<hbm>>
      tpu.wait_indirect_dma semaphore(%arg10 : memref<!tpu.dma_semaphore, #tpu.memory_space<semaphore_mem>>) src(%dma_wait3A_103 : memref<10240x128xf32, #tpu.memory_space<hbm>>) dst(%dma_wait3A_93 : memref<80x128xf32, #tpu.memory_space<vmem>>)
      %add3A_104 = arith.constant 1 : i32
      %add3A_105 = arith.addi %add3A_89, %add3A_104 : i32
      %lt3A_106 = arith.constant 250 : i32
      %lt3A_107 = arith.cmpi slt, %add3A_105, %lt3A_106 : i32
      %convert_element_type3A_108 = arith.extui %lt3A_107 : i1 to i32
      %cond3A_109 = arith.constant 0 : i32
      %cond3A_110 = arith.cmpi ne, %convert_element_type3A_108, %cond3A_109 : i32
      scf.if %cond3A_110 {
        %add3A_140 = arith.constant 1 : i32
        %add3A_141 = arith.addi %add3A_89, %add3A_140 : i32
        %dma_start3A_142 = arith.constant 1 : i32
        %dma_start3A_143 = arith.constant 0 : i32
        %dma_start3A_144 = arith.constant 0 : i32
        %dma_start3A_145 = tpu.memref_slice %arg8[%dma_start3A_142, %dma_start3A_143, %dma_start3A_144] : memref<2x80x128xf32, #tpu.memory_space<vmem>> -> memref<1x80x128xf32, #tpu.memory_space<vmem>>
        %dma_start3A_146 = tpu.memref_squeeze %dma_start3A_145 : memref<1x80x128xf32, #tpu.memory_space<vmem>> -> memref<80x128xf32, #tpu.memory_space<vmem>>
        %dma_start3A_147 = arith.constant 0 : i32
        %dma_start3A_148 = tpu.memref_slice %arg6[%add3A_141, %dma_start3A_147] : memref<250x80xi32, #tpu.memory_space<vmem>> -> memref<1x80xi32, #tpu.memory_space<vmem>>
        %dma_start3A_149 = tpu.memref_squeeze %dma_start3A_148 : memref<1x80xi32, #tpu.memory_space<vmem>> -> memref<80xi32, #tpu.memory_space<vmem>>
        %dma_start3A_150 = arith.constant 0 : i32
        %dma_start3A_151 = arith.constant 0 : i32
        %dma_start3A_152 = tpu.memref_slice %arg2[%arg0, %dma_start3A_150, %dma_start3A_151] : memref<2x10240x128xf32, #tpu.memory_space<hbm>> -> memref<1x10240x128xf32, #tpu.memory_space<hbm>>
        %dma_start3A_153 = tpu.memref_squeeze %dma_start3A_152 : memref<1x10240x128xf32, #tpu.memory_space<hbm>> -> memref<10240x128xf32, #tpu.memory_space<hbm>>
        %dma_start3A_154 = arith.constant 0 : i32
        %dma_start3A_155 = arith.constant 0 : i32
        %dma_start3A_156 = tpu.memref_slice %dma_start3A_153[%dma_start3A_154, %dma_start3A_155] : memref<10240x128xf32, #tpu.memory_space<hbm>> -> memref<10240x128xf32, #tpu.memory_space<hbm>>
        tpu.enqueue_indirect_dma source(%dma_start3A_156 : memref<10240x128xf32, #tpu.memory_space<hbm>>) target(%dma_start3A_146 : memref<80x128xf32, #tpu.memory_space<vmem>>) offsets(%dma_start3A_149 : memref<80xi32, #tpu.memory_space<vmem>>) semaphore(%arg10 : memref<!tpu.dma_semaphore, #tpu.memory_space<semaphore_mem>>)
      } else {
      }
      %run_scoped3A_111 = arith.constant 0 : i32
      "tpu.region"() ({
        %run_scoped3A_140 = tpu.sem_alloc : memref<!tpu.dma_semaphore, #tpu.memory_space<semaphore_mem>>
        %dma_start3A_141 = arith.constant 0 : i32
        %dma_start3A_142 = arith.constant 0 : i32
        %dma_start3A_143 = tpu.memref_slice %arg8[%run_scoped3A_111, %dma_start3A_141, %dma_start3A_142] : memref<2x80x128xf32, #tpu.memory_space<vmem>> -> memref<1x80x128xf32, #tpu.memory_space<vmem>>
        %dma_start3A_144 = tpu.memref_squeeze %dma_start3A_143 : memref<1x80x128xf32, #tpu.memory_space<vmem>> -> memref<80x128xf32, #tpu.memory_space<vmem>>
        %dma_start3A_145 = arith.constant 0 : i32
        %dma_start3A_146 = tpu.memref_slice %arg7[%add3A_89, %dma_start3A_145] : memref<250x80xi32, #tpu.memory_space<vmem>> -> memref<1x80xi32, #tpu.memory_space<vmem>>
        %dma_start3A_147 = tpu.memref_squeeze %dma_start3A_146 : memref<1x80xi32, #tpu.memory_space<vmem>> -> memref<80xi32, #tpu.memory_space<vmem>>
        %dma_start3A_148 = arith.constant 0 : i32
        %dma_start3A_149 = arith.constant 0 : i32
        %dma_start3A_150 = tpu.memref_slice %arg9[%dma_start3A_148, %dma_start3A_149] : memref<5024x128xf32, #tpu.memory_space<vmem_shared>> -> memref<5024x128xf32, #tpu.memory_space<vmem_shared>>
        tpu.enqueue_indirect_dma source(%dma_start3A_144 : memref<80x128xf32, #tpu.memory_space<vmem>>) target(%dma_start3A_150 : memref<5024x128xf32, #tpu.memory_space<vmem_shared>>) offsets(%dma_start3A_147 : memref<80xi32, #tpu.memory_space<vmem>>) semaphore(%run_scoped3A_140 : memref<!tpu.dma_semaphore, #tpu.memory_space<semaphore_mem>>) {add = true}
        %dma_wait3A_151 = arith.constant 0 : i32
        %dma_wait3A_152 = arith.constant 0 : i32
        %dma_wait3A_153 = tpu.memref_slice %arg8[%run_scoped3A_111, %dma_wait3A_151, %dma_wait3A_152] : memref<2x80x128xf32, #tpu.memory_space<vmem>> -> memref<1x80x128xf32, #tpu.memory_space<vmem>>
        %dma_wait3A_154 = tpu.memref_squeeze %dma_wait3A_153 : memref<1x80x128xf32, #tpu.memory_space<vmem>> -> memref<80x128xf32, #tpu.memory_space<vmem>>
        %dma_wait3A_155 = arith.constant 0 : i32
        %dma_wait3A_156 = tpu.memref_slice %arg7[%add3A_89, %dma_wait3A_155] : memref<250x80xi32, #tpu.memory_space<vmem>> -> memref<1x80xi32, #tpu.memory_space<vmem>>
        %dma_wait3A_157 = tpu.memref_squeeze %dma_wait3A_156 : memref<1x80xi32, #tpu.memory_space<vmem>> -> memref<80xi32, #tpu.memory_space<vmem>>
        %dma_wait3A_158 = arith.constant 0 : i32
        %dma_wait3A_159 = arith.constant 0 : i32
        %dma_wait3A_160 = tpu.memref_slice %arg9[%dma_wait3A_158, %dma_wait3A_159] : memref<5024x128xf32, #tpu.memory_space<vmem_shared>> -> memref<5024x128xf32, #tpu.memory_space<vmem_shared>>
        tpu.wait_indirect_dma semaphore(%run_scoped3A_140 : memref<!tpu.dma_semaphore, #tpu.memory_space<semaphore_mem>>) src(%dma_wait3A_154 : memref<80x128xf32, #tpu.memory_space<vmem>>) dst(%dma_wait3A_160 : memref<5024x128xf32, #tpu.memory_space<vmem_shared>>)
        tpu.yield
      }) : () -> ()
      %mul3A_112 = arith.constant 2 : i32
      %mul3A_113 = arith.muli %scan3A_86, %mul3A_112 : i32
      %add3A_114 = arith.constant 1 : i32
      %add3A_115 = arith.addi %mul3A_113, %add3A_114 : i32
      %dma_wait3A_116 = arith.constant 1 : i32
      %dma_wait3A_117 = arith.constant 0 : i32
      %dma_wait3A_118 = arith.constant 0 : i32
      %dma_wait3A_119 = tpu.memref_slice %arg8[%dma_wait3A_116, %dma_wait3A_117, %dma_wait3A_118] : memref<2x80x128xf32, #tpu.memory_space<vmem>> -> memref<1x80x128xf32, #tpu.memory_space<vmem>>
      %dma_wait3A_120 = tpu.memref_squeeze %dma_wait3A_119 : memref<1x80x128xf32, #tpu.memory_space<vmem>> -> memref<80x128xf32, #tpu.memory_space<vmem>>
      %dma_wait3A_121 = arith.constant 0 : i32
      %dma_wait3A_122 = tpu.memref_slice %arg6[%add3A_115, %dma_wait3A_121] : memref<250x80xi32, #tpu.memory_space<vmem>> -> memref<1x80xi32, #tpu.memory_space<vmem>>
      %dma_wait3A_123 = tpu.memref_squeeze %dma_wait3A_122 : memref<1x80xi32, #tpu.memory_space<vmem>> -> memref<80xi32, #tpu.memory_space<vmem>>
      %dma_wait3A_124 = arith.constant 0 : i32
      %dma_wait3A_125 = arith.constant 0 : i32
      %dma_wait3A_126 = tpu.memref_slice %arg2[%arg0, %dma_wait3A_124, %dma_wait3A_125] : memref<2x10240x128xf32, #tpu.memory_space<hbm>> -> memref<1x10240x128xf32, #tpu.memory_space<hbm>>
      %dma_wait3A_127 = tpu.memref_squeeze %dma_wait3A_126 : memref<1x10240x128xf32, #tpu.memory_space<hbm>> -> memref<10240x128xf32, #tpu.memory_space<hbm>>
      %dma_wait3A_128 = arith.constant 0 : i32
      %dma_wait3A_129 = arith.constant 0 : i32
      %dma_wait3A_130 = tpu.memref_slice %dma_wait3A_127[%dma_wait3A_128, %dma_wait3A_129] : memref<10240x128xf32, #tpu.memory_space<hbm>> -> memref<10240x128xf32, #tpu.memory_space<hbm>>
      tpu.wait_indirect_dma semaphore(%arg10 : memref<!tpu.dma_semaphore, #tpu.memory_space<semaphore_mem>>) src(%dma_wait3A_130 : memref<10240x128xf32, #tpu.memory_space<hbm>>) dst(%dma_wait3A_120 : memref<80x128xf32, #tpu.memory_space<vmem>>)
      %add3A_131 = arith.constant 1 : i32
      %add3A_132 = arith.addi %add3A_115, %add3A_131 : i32
      %lt3A_133 = arith.constant 250 : i32
      %lt3A_134 = arith.cmpi slt, %add3A_132, %lt3A_133 : i32
      %convert_element_type3A_135 = arith.extui %lt3A_134 : i1 to i32
      %cond3A_136 = arith.constant 0 : i32
      %cond3A_137 = arith.cmpi ne, %convert_element_type3A_135, %cond3A_136 : i32
      scf.if %cond3A_137 {
        %add3A_140 = arith.constant 1 : i32
        %add3A_141 = arith.addi %add3A_115, %add3A_140 : i32
        %dma_start3A_142 = arith.constant 0 : i32
        %dma_start3A_143 = arith.constant 0 : i32
        %dma_start3A_144 = arith.constant 0 : i32
        %dma_start3A_145 = tpu.memref_slice %arg8[%dma_start3A_142, %dma_start3A_143, %dma_start3A_144] : memref<2x80x128xf32, #tpu.memory_space<vmem>> -> memref<1x80x128xf32, #tpu.memory_space<vmem>>
        %dma_start3A_146 = tpu.memref_squeeze %dma_start3A_145 : memref<1x80x128xf32, #tpu.memory_space<vmem>> -> memref<80x128xf32, #tpu.memory_space<vmem>>
        %dma_start3A_147 = arith.constant 0 : i32
        %dma_start3A_148 = tpu.memref_slice %arg6[%add3A_141, %dma_start3A_147] : memref<250x80xi32, #tpu.memory_space<vmem>> -> memref<1x80xi32, #tpu.memory_space<vmem>>
        %dma_start3A_149 = tpu.memref_squeeze %dma_start3A_148 : memref<1x80xi32, #tpu.memory_space<vmem>> -> memref<80xi32, #tpu.memory_space<vmem>>
        %dma_start3A_150 = arith.constant 0 : i32
        %dma_start3A_151 = arith.constant 0 : i32
        %dma_start3A_152 = tpu.memref_slice %arg2[%arg0, %dma_start3A_150, %dma_start3A_151] : memref<2x10240x128xf32, #tpu.memory_space<hbm>> -> memref<1x10240x128xf32, #tpu.memory_space<hbm>>
        %dma_start3A_153 = tpu.memref_squeeze %dma_start3A_152 : memref<1x10240x128xf32, #tpu.memory_space<hbm>> -> memref<10240x128xf32, #tpu.memory_space<hbm>>
        %dma_start3A_154 = arith.constant 0 : i32
        %dma_start3A_155 = arith.constant 0 : i32
        %dma_start3A_156 = tpu.memref_slice %dma_start3A_153[%dma_start3A_154, %dma_start3A_155] : memref<10240x128xf32, #tpu.memory_space<hbm>> -> memref<10240x128xf32, #tpu.memory_space<hbm>>
        tpu.enqueue_indirect_dma source(%dma_start3A_156 : memref<10240x128xf32, #tpu.memory_space<hbm>>) target(%dma_start3A_146 : memref<80x128xf32, #tpu.memory_space<vmem>>) offsets(%dma_start3A_149 : memref<80xi32, #tpu.memory_space<vmem>>) semaphore(%arg10 : memref<!tpu.dma_semaphore, #tpu.memory_space<semaphore_mem>>)
      } else {
      }
      %run_scoped3A_138 = arith.constant 1 : i32
      "tpu.region"() ({
        %run_scoped3A_140 = tpu.sem_alloc : memref<!tpu.dma_semaphore, #tpu.memory_space<semaphore_mem>>
        %dma_start3A_141 = arith.constant 0 : i32
        %dma_start3A_142 = arith.constant 0 : i32
        %dma_start3A_143 = tpu.memref_slice %arg8[%run_scoped3A_138, %dma_start3A_141, %dma_start3A_142] : memref<2x80x128xf32, #tpu.memory_space<vmem>> -> memref<1x80x128xf32, #tpu.memory_space<vmem>>
        %dma_start3A_144 = tpu.memref_squeeze %dma_start3A_143 : memref<1x80x128xf32, #tpu.memory_space<vmem>> -> memref<80x128xf32, #tpu.memory_space<vmem>>
        %dma_start3A_145 = arith.constant 0 : i32
        %dma_start3A_146 = tpu.memref_slice %arg7[%add3A_115, %dma_start3A_145] : memref<250x80xi32, #tpu.memory_space<vmem>> -> memref<1x80xi32, #tpu.memory_space<vmem>>
        %dma_start3A_147 = tpu.memref_squeeze %dma_start3A_146 : memref<1x80xi32, #tpu.memory_space<vmem>> -> memref<80xi32, #tpu.memory_space<vmem>>
        %dma_start3A_148 = arith.constant 0 : i32
        %dma_start3A_149 = arith.constant 0 : i32
        %dma_start3A_150 = tpu.memref_slice %arg9[%dma_start3A_148, %dma_start3A_149] : memref<5024x128xf32, #tpu.memory_space<vmem_shared>> -> memref<5024x128xf32, #tpu.memory_space<vmem_shared>>
        tpu.enqueue_indirect_dma source(%dma_start3A_144 : memref<80x128xf32, #tpu.memory_space<vmem>>) target(%dma_start3A_150 : memref<5024x128xf32, #tpu.memory_space<vmem_shared>>) offsets(%dma_start3A_147 : memref<80xi32, #tpu.memory_space<vmem>>) semaphore(%run_scoped3A_140 : memref<!tpu.dma_semaphore, #tpu.memory_space<semaphore_mem>>) {add = true}
        %dma_wait3A_151 = arith.constant 0 : i32
        %dma_wait3A_152 = arith.constant 0 : i32
        %dma_wait3A_153 = tpu.memref_slice %arg8[%run_scoped3A_138, %dma_wait3A_151, %dma_wait3A_152] : memref<2x80x128xf32, #tpu.memory_space<vmem>> -> memref<1x80x128xf32, #tpu.memory_space<vmem>>
        %dma_wait3A_154 = tpu.memref_squeeze %dma_wait3A_153 : memref<1x80x128xf32, #tpu.memory_space<vmem>> -> memref<80x128xf32, #tpu.memory_space<vmem>>
        %dma_wait3A_155 = arith.constant 0 : i32
        %dma_wait3A_156 = tpu.memref_slice %arg7[%add3A_115, %dma_wait3A_155] : memref<250x80xi32, #tpu.memory_space<vmem>> -> memref<1x80xi32, #tpu.memory_space<vmem>>
        %dma_wait3A_157 = tpu.memref_squeeze %dma_wait3A_156 : memref<1x80xi32, #tpu.memory_space<vmem>> -> memref<80xi32, #tpu.memory_space<vmem>>
        %dma_wait3A_158 = arith.constant 0 : i32
        %dma_wait3A_159 = arith.constant 0 : i32
        %dma_wait3A_160 = tpu.memref_slice %arg9[%dma_wait3A_158, %dma_wait3A_159] : memref<5024x128xf32, #tpu.memory_space<vmem_shared>> -> memref<5024x128xf32, #tpu.memory_space<vmem_shared>>
        tpu.wait_indirect_dma semaphore(%run_scoped3A_140 : memref<!tpu.dma_semaphore, #tpu.memory_space<semaphore_mem>>) src(%dma_wait3A_154 : memref<80x128xf32, #tpu.memory_space<vmem>>) dst(%dma_wait3A_160 : memref<5024x128xf32, #tpu.memory_space<vmem_shared>>)
        tpu.yield
      }) : () -> ()
      %scan3A_139 = arith.constant 0 : i32
      scf.yield %scan3A_139 : i32
    }
    %scan3A_26 = arith.constant 125 : i32
    %barrier3A_27 = arith.constant 0 : index
    tpu.barrier barrier_id(%barrier3A_27)
    %lt3A_28 = arith.constant 15 : i32
    %lt3A_29 = arith.cmpi slt, %arg1, %lt3A_28 : i32
    %convert_element_type3A_30 = arith.extui %lt3A_29 : i1 to i32
    %cond3A_31 = arith.constant 0 : i32
    %cond3A_32 = arith.cmpi ne, %convert_element_type3A_30, %cond3A_31 : i32
    scf.if %cond3A_32 {
      %mul3A = arith.constant 312 : i32
      %mul3A_86 = arith.muli %arg1, %mul3A : i32
      %mul3A_87 = arith.constant 312 : i32
      %mul3A_88 = arith.muli %arg1, %mul3A_87 : i32
      %add3A = arith.constant 0 : i32
      %add3A_89 = arith.addi %add3A, %mul3A_88 : i32
      "tpu.region"() ({
        %run_scoped3A_90 = tpu.sem_alloc : memref<!tpu.dma_semaphore, #tpu.memory_space<semaphore_mem>>
        %dma_start3A_91 = arith.constant 0 : i32
        %dma_start3A_92 = arith.constant 0 : i32
        %dma_start3A_93 = tpu.memref_slice %arg5[%arg0, %dma_start3A_91, %dma_start3A_92] : memref<2x10240x128xf32, #tpu.memory_space<hbm>> -> memref<1x10240x128xf32, #tpu.memory_space<hbm>>
        %dma_start3A_94 = tpu.memref_squeeze %dma_start3A_93 : memref<1x10240x128xf32, #tpu.memory_space<hbm>> -> memref<10240x128xf32, #tpu.memory_space<hbm>>
        %dma_start3A_95 = arith.constant 0 : i32
        %dma_start3A_96 = tpu.memref_slice %dma_start3A_94[%add3A_89, %dma_start3A_95] : memref<10240x128xf32, #tpu.memory_space<hbm>> -> memref<312x128xf32, #tpu.memory_space<hbm>>
        %dma_start3A_97 = arith.constant 0 : i32
        %dma_start3A_98 = tpu.memref_slice %arg9[%mul3A_86, %dma_start3A_97] : memref<5024x128xf32, #tpu.memory_space<vmem_shared>> -> memref<312x128xf32, #tpu.memory_space<vmem_shared>>
        tpu.enqueue_dma source(%dma_start3A_98 : memref<312x128xf32, #tpu.memory_space<vmem_shared>>) target(%dma_start3A_96 : memref<312x128xf32, #tpu.memory_space<hbm>>) target_semaphore(%run_scoped3A_90 : memref<!tpu.dma_semaphore, #tpu.memory_space<semaphore_mem>>)
        %dma_wait3A = arith.constant 0 : i32
        %dma_wait3A_99 = arith.constant 0 : i32
        %dma_wait3A_100 = tpu.memref_slice %arg5[%arg0, %dma_wait3A, %dma_wait3A_99] : memref<2x10240x128xf32, #tpu.memory_space<hbm>> -> memref<1x10240x128xf32, #tpu.memory_space<hbm>>
        %dma_wait3A_101 = tpu.memref_squeeze %dma_wait3A_100 : memref<1x10240x128xf32, #tpu.memory_space<hbm>> -> memref<10240x128xf32, #tpu.memory_space<hbm>>
        %dma_wait3A_102 = arith.constant 0 : i32
        %dma_wait3A_103 = tpu.memref_slice %dma_wait3A_101[%add3A_89, %dma_wait3A_102] : memref<10240x128xf32, #tpu.memory_space<hbm>> -> memref<312x128xf32, #tpu.memory_space<hbm>>
        %dma_wait3A_104 = arith.constant 0 : i32
        %dma_wait3A_105 = tpu.memref_slice %arg9[%mul3A_86, %dma_wait3A_104] : memref<5024x128xf32, #tpu.memory_space<vmem_shared>> -> memref<312x128xf32, #tpu.memory_space<vmem_shared>>
        tpu.wait_dma2 semaphore(%run_scoped3A_90 : memref<!tpu.dma_semaphore, #tpu.memory_space<semaphore_mem>>) src(%dma_wait3A_105 : memref<312x128xf32, #tpu.memory_space<vmem_shared>>) dst(%dma_wait3A_103 : memref<312x128xf32, #tpu.memory_space<hbm>>)
        tpu.yield
      }) : () -> ()
    } else {
    }
    %eq3A_33 = arith.constant 15 : i32
    %eq3A_34 = arith.cmpi eq, %arg1, %eq3A_33 : i32
    %convert_element_type3A_35 = arith.extui %eq3A_34 : i1 to i32
    %cond3A_36 = arith.constant 0 : i32
    %cond3A_37 = arith.cmpi ne, %convert_element_type3A_35, %cond3A_36 : i32
    scf.if %cond3A_37 {
      "tpu.region"() ({
        %run_scoped3A_86 = tpu.sem_alloc : memref<!tpu.dma_semaphore, #tpu.memory_space<semaphore_mem>>
        %dma_start3A_87 = arith.constant 0 : i32
        %dma_start3A_88 = arith.constant 0 : i32
        %dma_start3A_89 = tpu.memref_slice %arg5[%arg0, %dma_start3A_87, %dma_start3A_88] : memref<2x10240x128xf32, #tpu.memory_space<hbm>> -> memref<1x10240x128xf32, #tpu.memory_space<hbm>>
        %dma_start3A_90 = tpu.memref_squeeze %dma_start3A_89 : memref<1x10240x128xf32, #tpu.memory_space<hbm>> -> memref<10240x128xf32, #tpu.memory_space<hbm>>
        %dma_start3A_91 = arith.constant 4680 : i32
        %dma_start3A_92 = arith.constant 0 : i32
        %dma_start3A_93 = tpu.memref_slice %dma_start3A_90[%dma_start3A_91, %dma_start3A_92] : memref<10240x128xf32, #tpu.memory_space<hbm>> -> memref<336x128xf32, #tpu.memory_space<hbm>>
        %dma_start3A_94 = arith.constant 4680 : i32
        %dma_start3A_95 = arith.constant 0 : i32
        %dma_start3A_96 = tpu.memref_slice %arg9[%dma_start3A_94, %dma_start3A_95] : memref<5024x128xf32, #tpu.memory_space<vmem_shared>> -> memref<336x128xf32, #tpu.memory_space<vmem_shared>>
        tpu.enqueue_dma source(%dma_start3A_96 : memref<336x128xf32, #tpu.memory_space<vmem_shared>>) target(%dma_start3A_93 : memref<336x128xf32, #tpu.memory_space<hbm>>) target_semaphore(%run_scoped3A_86 : memref<!tpu.dma_semaphore, #tpu.memory_space<semaphore_mem>>)
        %dma_wait3A = arith.constant 0 : i32
        %dma_wait3A_97 = arith.constant 0 : i32
        %dma_wait3A_98 = tpu.memref_slice %arg5[%arg0, %dma_wait3A, %dma_wait3A_97] : memref<2x10240x128xf32, #tpu.memory_space<hbm>> -> memref<1x10240x128xf32, #tpu.memory_space<hbm>>
        %dma_wait3A_99 = tpu.memref_squeeze %dma_wait3A_98 : memref<1x10240x128xf32, #tpu.memory_space<hbm>> -> memref<10240x128xf32, #tpu.memory_space<hbm>>
        %dma_wait3A_100 = arith.constant 4680 : i32
        %dma_wait3A_101 = arith.constant 0 : i32
        %dma_wait3A_102 = tpu.memref_slice %dma_wait3A_99[%dma_wait3A_100, %dma_wait3A_101] : memref<10240x128xf32, #tpu.memory_space<hbm>> -> memref<336x128xf32, #tpu.memory_space<hbm>>
        %dma_wait3A_103 = arith.constant 4680 : i32
        %dma_wait3A_104 = arith.constant 0 : i32
        %dma_wait3A_105 = tpu.memref_slice %arg9[%dma_wait3A_103, %dma_wait3A_104] : memref<5024x128xf32, #tpu.memory_space<vmem_shared>> -> memref<336x128xf32, #tpu.memory_space<vmem_shared>>
        tpu.wait_dma2 semaphore(%run_scoped3A_86 : memref<!tpu.dma_semaphore, #tpu.memory_space<semaphore_mem>>) src(%dma_wait3A_105 : memref<336x128xf32, #tpu.memory_space<vmem_shared>>) dst(%dma_wait3A_102 : memref<336x128xf32, #tpu.memory_space<hbm>>)
        tpu.yield
      }) : () -> ()
    } else {
    }
    %barrier3A_38 = arith.constant 0 : index
    tpu.barrier barrier_id(%barrier3A_38)
    %run_scoped3A_39 = arith.constant 1 : i32
    "tpu.region"() ({
      %run_scoped3A_86 = tpu.sem_alloc : memref<!tpu.dma_semaphore, #tpu.memory_space<semaphore_mem>>
      %dma_start3A_87 = arith.constant 0 : i32
      %dma_start3A_88 = arith.constant 0 : i32
      %dma_start3A_89 = arith.constant 0 : i32
      %dma_start3A_90 = tpu.memref_slice %arg4[%run_scoped3A_39, %dma_start3A_87, %dma_start3A_88, %dma_start3A_89] : memref<2x16x250x80xi32, #tpu.memory_space<hbm>> -> memref<1x16x250x80xi32, #tpu.memory_space<hbm>>
      %dma_start3A_91 = tpu.memref_squeeze %dma_start3A_90 : memref<1x16x250x80xi32, #tpu.memory_space<hbm>> -> memref<16x250x80xi32, #tpu.memory_space<hbm>>
      %dma_start3A_92 = arith.constant 0 : i32
      %dma_start3A_93 = arith.constant 0 : i32
      %dma_start3A_94 = tpu.memref_slice %dma_start3A_91[%arg1, %dma_start3A_92, %dma_start3A_93] : memref<16x250x80xi32, #tpu.memory_space<hbm>> -> memref<1x250x80xi32, #tpu.memory_space<hbm>>
      %dma_start3A_95 = tpu.memref_squeeze %dma_start3A_94 : memref<1x250x80xi32, #tpu.memory_space<hbm>> -> memref<250x80xi32, #tpu.memory_space<hbm>>
      %dma_start3A_96 = arith.constant 0 : i32
      %dma_start3A_97 = arith.constant 0 : i32
      %dma_start3A_98 = arith.constant 0 : i32
      %dma_start3A_99 = tpu.memref_slice %arg4[%run_scoped3A_39, %dma_start3A_96, %dma_start3A_97, %dma_start3A_98] : memref<2x16x250x80xi32, #tpu.memory_space<hbm>> -> memref<1x16x250x80xi32, #tpu.memory_space<hbm>>
      %dma_start3A_100 = tpu.memref_squeeze %dma_start3A_99 : memref<1x16x250x80xi32, #tpu.memory_space<hbm>> -> memref<16x250x80xi32, #tpu.memory_space<hbm>>
      %dma_start3A_101 = arith.constant 0 : i32
      %dma_start3A_102 = arith.constant 0 : i32
      %dma_start3A_103 = tpu.memref_slice %dma_start3A_100[%arg1, %dma_start3A_101, %dma_start3A_102] : memref<16x250x80xi32, #tpu.memory_space<hbm>> -> memref<1x250x80xi32, #tpu.memory_space<hbm>>
      %dma_start3A_104 = tpu.memref_squeeze %dma_start3A_103 : memref<1x250x80xi32, #tpu.memory_space<hbm>> -> memref<250x80xi32, #tpu.memory_space<hbm>>
      tpu.enqueue_dma source(%dma_start3A_104 : memref<250x80xi32, #tpu.memory_space<hbm>>) target(%arg7 : memref<250x80xi32, #tpu.memory_space<vmem>>) target_semaphore(%run_scoped3A_86 : memref<!tpu.dma_semaphore, #tpu.memory_space<semaphore_mem>>)
      %dma_wait3A = arith.constant 0 : i32
      %dma_wait3A_105 = arith.constant 0 : i32
      %dma_wait3A_106 = arith.constant 0 : i32
      %dma_wait3A_107 = tpu.memref_slice %arg4[%run_scoped3A_39, %dma_wait3A, %dma_wait3A_105, %dma_wait3A_106] : memref<2x16x250x80xi32, #tpu.memory_space<hbm>> -> memref<1x16x250x80xi32, #tpu.memory_space<hbm>>
      %dma_wait3A_108 = tpu.memref_squeeze %dma_wait3A_107 : memref<1x16x250x80xi32, #tpu.memory_space<hbm>> -> memref<16x250x80xi32, #tpu.memory_space<hbm>>
      %dma_wait3A_109 = arith.constant 0 : i32
      %dma_wait3A_110 = arith.constant 0 : i32
      %dma_wait3A_111 = tpu.memref_slice %dma_wait3A_108[%arg1, %dma_wait3A_109, %dma_wait3A_110] : memref<16x250x80xi32, #tpu.memory_space<hbm>> -> memref<1x250x80xi32, #tpu.memory_space<hbm>>
      %dma_wait3A_112 = tpu.memref_squeeze %dma_wait3A_111 : memref<1x250x80xi32, #tpu.memory_space<hbm>> -> memref<250x80xi32, #tpu.memory_space<hbm>>
      %dma_wait3A_113 = arith.constant 0 : i32
      %dma_wait3A_114 = arith.constant 0 : i32
      %dma_wait3A_115 = arith.constant 0 : i32
      %dma_wait3A_116 = tpu.memref_slice %arg4[%run_scoped3A_39, %dma_wait3A_113, %dma_wait3A_114, %dma_wait3A_115] : memref<2x16x250x80xi32, #tpu.memory_space<hbm>> -> memref<1x16x250x80xi32, #tpu.memory_space<hbm>>
      %dma_wait3A_117 = tpu.memref_squeeze %dma_wait3A_116 : memref<1x16x250x80xi32, #tpu.memory_space<hbm>> -> memref<16x250x80xi32, #tpu.memory_space<hbm>>
      %dma_wait3A_118 = arith.constant 0 : i32
      %dma_wait3A_119 = arith.constant 0 : i32
      %dma_wait3A_120 = tpu.memref_slice %dma_wait3A_117[%arg1, %dma_wait3A_118, %dma_wait3A_119] : memref<16x250x80xi32, #tpu.memory_space<hbm>> -> memref<1x250x80xi32, #tpu.memory_space<hbm>>
      %dma_wait3A_121 = tpu.memref_squeeze %dma_wait3A_120 : memref<1x250x80xi32, #tpu.memory_space<hbm>> -> memref<250x80xi32, #tpu.memory_space<hbm>>
      tpu.wait_dma2 semaphore(%run_scoped3A_86 : memref<!tpu.dma_semaphore, #tpu.memory_space<semaphore_mem>>) src(%dma_wait3A_121 : memref<250x80xi32, #tpu.memory_space<hbm>>) dst(%arg7 : memref<250x80xi32, #tpu.memory_space<vmem>>)
      tpu.yield
    }) : () -> ()
    %lt3A_40 = arith.constant 15 : i32
    %lt3A_41 = arith.cmpi slt, %arg1, %lt3A_40 : i32
    %convert_element_type3A_42 = arith.extui %lt3A_41 : i1 to i32
    %cond3A_43 = arith.constant 0 : i32
    %cond3A_44 = arith.cmpi ne, %convert_element_type3A_42, %cond3A_43 : i32
    scf.if %cond3A_44 {
      %mul3A = arith.constant 312 : i32
      %mul3A_86 = arith.muli %arg1, %mul3A : i32
      %add3A = arith.constant 5016 : i32
      %add3A_87 = arith.addi %add3A, %mul3A_86 : i32
      %mul3A_88 = arith.constant 312 : i32
      %mul3A_89 = arith.muli %arg1, %mul3A_88 : i32
      "tpu.region"() ({
        %run_scoped3A_90 = tpu.sem_alloc : memref<!tpu.dma_semaphore, #tpu.memory_space<semaphore_mem>>
        %dma_start3A_91 = arith.constant 0 : i32
        %dma_start3A_92 = tpu.memref_slice %arg9[%mul3A_89, %dma_start3A_91] : memref<5024x128xf32, #tpu.memory_space<vmem_shared>> -> memref<312x128xf32, #tpu.memory_space<vmem_shared>>
        %dma_start3A_93 = arith.constant 0 : i32
        %dma_start3A_94 = arith.constant 0 : i32
        %dma_start3A_95 = tpu.memref_slice %arg2[%arg0, %dma_start3A_93, %dma_start3A_94] : memref<2x10240x128xf32, #tpu.memory_space<hbm>> -> memref<1x10240x128xf32, #tpu.memory_space<hbm>>
        %dma_start3A_96 = tpu.memref_squeeze %dma_start3A_95 : memref<1x10240x128xf32, #tpu.memory_space<hbm>> -> memref<10240x128xf32, #tpu.memory_space<hbm>>
        %dma_start3A_97 = arith.constant 0 : i32
        %dma_start3A_98 = tpu.memref_slice %dma_start3A_96[%add3A_87, %dma_start3A_97] : memref<10240x128xf32, #tpu.memory_space<hbm>> -> memref<312x128xf32, #tpu.memory_space<hbm>>
        tpu.enqueue_dma source(%dma_start3A_98 : memref<312x128xf32, #tpu.memory_space<hbm>>) target(%dma_start3A_92 : memref<312x128xf32, #tpu.memory_space<vmem_shared>>) target_semaphore(%run_scoped3A_90 : memref<!tpu.dma_semaphore, #tpu.memory_space<semaphore_mem>>)
        %dma_wait3A = arith.constant 0 : i32
        %dma_wait3A_99 = tpu.memref_slice %arg9[%mul3A_89, %dma_wait3A] : memref<5024x128xf32, #tpu.memory_space<vmem_shared>> -> memref<312x128xf32, #tpu.memory_space<vmem_shared>>
        %dma_wait3A_100 = arith.constant 0 : i32
        %dma_wait3A_101 = arith.constant 0 : i32
        %dma_wait3A_102 = tpu.memref_slice %arg2[%arg0, %dma_wait3A_100, %dma_wait3A_101] : memref<2x10240x128xf32, #tpu.memory_space<hbm>> -> memref<1x10240x128xf32, #tpu.memory_space<hbm>>
        %dma_wait3A_103 = tpu.memref_squeeze %dma_wait3A_102 : memref<1x10240x128xf32, #tpu.memory_space<hbm>> -> memref<10240x128xf32, #tpu.memory_space<hbm>>
        %dma_wait3A_104 = arith.constant 0 : i32
        %dma_wait3A_105 = tpu.memref_slice %dma_wait3A_103[%add3A_87, %dma_wait3A_104] : memref<10240x128xf32, #tpu.memory_space<hbm>> -> memref<312x128xf32, #tpu.memory_space<hbm>>
        tpu.wait_dma2 semaphore(%run_scoped3A_90 : memref<!tpu.dma_semaphore, #tpu.memory_space<semaphore_mem>>) src(%dma_wait3A_105 : memref<312x128xf32, #tpu.memory_space<hbm>>) dst(%dma_wait3A_99 : memref<312x128xf32, #tpu.memory_space<vmem_shared>>)
        tpu.yield
      }) : () -> ()
    } else {
    }
    %eq3A_45 = arith.constant 15 : i32
    %eq3A_46 = arith.cmpi eq, %arg1, %eq3A_45 : i32
    %convert_element_type3A_47 = arith.extui %eq3A_46 : i1 to i32
    %cond3A_48 = arith.constant 0 : i32
    %cond3A_49 = arith.cmpi ne, %convert_element_type3A_47, %cond3A_48 : i32
    scf.if %cond3A_49 {
      "tpu.region"() ({
        %run_scoped3A_86 = tpu.sem_alloc : memref<!tpu.dma_semaphore, #tpu.memory_space<semaphore_mem>>
        %dma_start3A_87 = arith.constant 4680 : i32
        %dma_start3A_88 = arith.constant 0 : i32
        %dma_start3A_89 = tpu.memref_slice %arg9[%dma_start3A_87, %dma_start3A_88] : memref<5024x128xf32, #tpu.memory_space<vmem_shared>> -> memref<344x128xf32, #tpu.memory_space<vmem_shared>>
        %dma_start3A_90 = arith.constant 0 : i32
        %dma_start3A_91 = arith.constant 0 : i32
        %dma_start3A_92 = tpu.memref_slice %arg2[%arg0, %dma_start3A_90, %dma_start3A_91] : memref<2x10240x128xf32, #tpu.memory_space<hbm>> -> memref<1x10240x128xf32, #tpu.memory_space<hbm>>
        %dma_start3A_93 = tpu.memref_squeeze %dma_start3A_92 : memref<1x10240x128xf32, #tpu.memory_space<hbm>> -> memref<10240x128xf32, #tpu.memory_space<hbm>>
        %dma_start3A_94 = arith.constant 9696 : i32
        %dma_start3A_95 = arith.constant 0 : i32
        %dma_start3A_96 = tpu.memref_slice %dma_start3A_93[%dma_start3A_94, %dma_start3A_95] : memref<10240x128xf32, #tpu.memory_space<hbm>> -> memref<344x128xf32, #tpu.memory_space<hbm>>
        tpu.enqueue_dma source(%dma_start3A_96 : memref<344x128xf32, #tpu.memory_space<hbm>>) target(%dma_start3A_89 : memref<344x128xf32, #tpu.memory_space<vmem_shared>>) target_semaphore(%run_scoped3A_86 : memref<!tpu.dma_semaphore, #tpu.memory_space<semaphore_mem>>)
        %dma_wait3A = arith.constant 4680 : i32
        %dma_wait3A_97 = arith.constant 0 : i32
        %dma_wait3A_98 = tpu.memref_slice %arg9[%dma_wait3A, %dma_wait3A_97] : memref<5024x128xf32, #tpu.memory_space<vmem_shared>> -> memref<344x128xf32, #tpu.memory_space<vmem_shared>>
        %dma_wait3A_99 = arith.constant 0 : i32
        %dma_wait3A_100 = arith.constant 0 : i32
        %dma_wait3A_101 = tpu.memref_slice %arg2[%arg0, %dma_wait3A_99, %dma_wait3A_100] : memref<2x10240x128xf32, #tpu.memory_space<hbm>> -> memref<1x10240x128xf32, #tpu.memory_space<hbm>>
        %dma_wait3A_102 = tpu.memref_squeeze %dma_wait3A_101 : memref<1x10240x128xf32, #tpu.memory_space<hbm>> -> memref<10240x128xf32, #tpu.memory_space<hbm>>
        %dma_wait3A_103 = arith.constant 9696 : i32
        %dma_wait3A_104 = arith.constant 0 : i32
        %dma_wait3A_105 = tpu.memref_slice %dma_wait3A_102[%dma_wait3A_103, %dma_wait3A_104] : memref<10240x128xf32, #tpu.memory_space<hbm>> -> memref<344x128xf32, #tpu.memory_space<hbm>>
        tpu.wait_dma2 semaphore(%run_scoped3A_86 : memref<!tpu.dma_semaphore, #tpu.memory_space<semaphore_mem>>) src(%dma_wait3A_105 : memref<344x128xf32, #tpu.memory_space<hbm>>) dst(%dma_wait3A_98 : memref<344x128xf32, #tpu.memory_space<vmem_shared>>)
        tpu.yield
      }) : () -> ()
    } else {
    }
    %barrier3A_50 = arith.constant 0 : index
    tpu.barrier barrier_id(%barrier3A_50)
    %dma_start3A_51 = arith.constant 0 : i32
    %dma_start3A_52 = arith.constant 0 : i32
    %dma_start3A_53 = arith.constant 0 : i32
    %dma_start3A_54 = arith.constant 0 : i32
    %dma_start3A_55 = tpu.memref_slice %arg8[%dma_start3A_52, %dma_start3A_53, %dma_start3A_54] : memref<2x80x128xf32, #tpu.memory_space<vmem>> -> memref<1x80x128xf32, #tpu.memory_space<vmem>>
    %dma_start3A_56 = tpu.memref_squeeze %dma_start3A_55 : memref<1x80x128xf32, #tpu.memory_space<vmem>> -> memref<80x128xf32, #tpu.memory_space<vmem>>
    %dma_start3A_57 = arith.constant 0 : i32
    %dma_start3A_58 = tpu.memref_slice %arg6[%dma_start3A_51, %dma_start3A_57] : memref<250x80xi32, #tpu.memory_space<vmem>> -> memref<1x80xi32, #tpu.memory_space<vmem>>
    %dma_start3A_59 = tpu.memref_squeeze %dma_start3A_58 : memref<1x80xi32, #tpu.memory_space<vmem>> -> memref<80xi32, #tpu.memory_space<vmem>>
    %dma_start3A_60 = arith.constant 0 : i32
    %dma_start3A_61 = arith.constant 0 : i32
    %dma_start3A_62 = tpu.memref_slice %arg2[%arg0, %dma_start3A_60, %dma_start3A_61] : memref<2x10240x128xf32, #tpu.memory_space<hbm>> -> memref<1x10240x128xf32, #tpu.memory_space<hbm>>
    %dma_start3A_63 = tpu.memref_squeeze %dma_start3A_62 : memref<1x10240x128xf32, #tpu.memory_space<hbm>> -> memref<10240x128xf32, #tpu.memory_space<hbm>>
    %dma_start3A_64 = arith.constant 0 : i32
    %dma_start3A_65 = arith.constant 0 : i32
    %dma_start3A_66 = tpu.memref_slice %dma_start3A_63[%dma_start3A_64, %dma_start3A_65] : memref<10240x128xf32, #tpu.memory_space<hbm>> -> memref<10240x128xf32, #tpu.memory_space<hbm>>
    tpu.enqueue_indirect_dma source(%dma_start3A_66 : memref<10240x128xf32, #tpu.memory_space<hbm>>) target(%dma_start3A_56 : memref<80x128xf32, #tpu.memory_space<vmem>>) offsets(%dma_start3A_59 : memref<80xi32, #tpu.memory_space<vmem>>) semaphore(%arg10 : memref<!tpu.dma_semaphore, #tpu.memory_space<semaphore_mem>>)
    %scan3A_67 = arith.constant 0 : i32
    %scan3A_68 = arith.constant 0 : i32
    %scan3A_69 = arith.constant 125 : i32
    %scan3A_70 = arith.addi %scan3A_68, %scan3A_69 : i32
    %scan3A_71 = arith.constant 1 : i32
    %scan3A_72 = scf.for %scan3A_86 = %scan3A_68 to %scan3A_70 step %scan3A_71 iter_args(%scan3A_87 = %scan3A_67) -> (i32)  : i32 {
      %mul3A = arith.constant 2 : i32
      %mul3A_88 = arith.muli %scan3A_86, %mul3A : i32
      %add3A = arith.constant 0 : i32
      %add3A_89 = arith.addi %mul3A_88, %add3A : i32
      %dma_wait3A = arith.constant 0 : i32
      %dma_wait3A_90 = arith.constant 0 : i32
      %dma_wait3A_91 = arith.constant 0 : i32
      %dma_wait3A_92 = tpu.memref_slice %arg8[%dma_wait3A, %dma_wait3A_90, %dma_wait3A_91] : memref<2x80x128xf32, #tpu.memory_space<vmem>> -> memref<1x80x128xf32, #tpu.memory_space<vmem>>
      %dma_wait3A_93 = tpu.memref_squeeze %dma_wait3A_92 : memref<1x80x128xf32, #tpu.memory_space<vmem>> -> memref<80x128xf32, #tpu.memory_space<vmem>>
      %dma_wait3A_94 = arith.constant 0 : i32
      %dma_wait3A_95 = tpu.memref_slice %arg6[%add3A_89, %dma_wait3A_94] : memref<250x80xi32, #tpu.memory_space<vmem>> -> memref<1x80xi32, #tpu.memory_space<vmem>>
      %dma_wait3A_96 = tpu.memref_squeeze %dma_wait3A_95 : memref<1x80xi32, #tpu.memory_space<vmem>> -> memref<80xi32, #tpu.memory_space<vmem>>
      %dma_wait3A_97 = arith.constant 0 : i32
      %dma_wait3A_98 = arith.constant 0 : i32
      %dma_wait3A_99 = tpu.memref_slice %arg2[%arg0, %dma_wait3A_97, %dma_wait3A_98] : memref<2x10240x128xf32, #tpu.memory_space<hbm>> -> memref<1x10240x128xf32, #tpu.memory_space<hbm>>
      %dma_wait3A_100 = tpu.memref_squeeze %dma_wait3A_99 : memref<1x10240x128xf32, #tpu.memory_space<hbm>> -> memref<10240x128xf32, #tpu.memory_space<hbm>>
      %dma_wait3A_101 = arith.constant 0 : i32
      %dma_wait3A_102 = arith.constant 0 : i32
      %dma_wait3A_103 = tpu.memref_slice %dma_wait3A_100[%dma_wait3A_101, %dma_wait3A_102] : memref<10240x128xf32, #tpu.memory_space<hbm>> -> memref<10240x128xf32, #tpu.memory_space<hbm>>
      tpu.wait_indirect_dma semaphore(%arg10 : memref<!tpu.dma_semaphore, #tpu.memory_space<semaphore_mem>>) src(%dma_wait3A_103 : memref<10240x128xf32, #tpu.memory_space<hbm>>) dst(%dma_wait3A_93 : memref<80x128xf32, #tpu.memory_space<vmem>>)
      %add3A_104 = arith.constant 1 : i32
      %add3A_105 = arith.addi %add3A_89, %add3A_104 : i32
      %lt3A_106 = arith.constant 250 : i32
      %lt3A_107 = arith.cmpi slt, %add3A_105, %lt3A_106 : i32
      %convert_element_type3A_108 = arith.extui %lt3A_107 : i1 to i32
      %cond3A_109 = arith.constant 0 : i32
      %cond3A_110 = arith.cmpi ne, %convert_element_type3A_108, %cond3A_109 : i32
      scf.if %cond3A_110 {
        %add3A_140 = arith.constant 1 : i32
        %add3A_141 = arith.addi %add3A_89, %add3A_140 : i32
        %dma_start3A_142 = arith.constant 1 : i32
        %dma_start3A_143 = arith.constant 0 : i32
        %dma_start3A_144 = arith.constant 0 : i32
        %dma_start3A_145 = tpu.memref_slice %arg8[%dma_start3A_142, %dma_start3A_143, %dma_start3A_144] : memref<2x80x128xf32, #tpu.memory_space<vmem>> -> memref<1x80x128xf32, #tpu.memory_space<vmem>>
        %dma_start3A_146 = tpu.memref_squeeze %dma_start3A_145 : memref<1x80x128xf32, #tpu.memory_space<vmem>> -> memref<80x128xf32, #tpu.memory_space<vmem>>
        %dma_start3A_147 = arith.constant 0 : i32
        %dma_start3A_148 = tpu.memref_slice %arg6[%add3A_141, %dma_start3A_147] : memref<250x80xi32, #tpu.memory_space<vmem>> -> memref<1x80xi32, #tpu.memory_space<vmem>>
        %dma_start3A_149 = tpu.memref_squeeze %dma_start3A_148 : memref<1x80xi32, #tpu.memory_space<vmem>> -> memref<80xi32, #tpu.memory_space<vmem>>
        %dma_start3A_150 = arith.constant 0 : i32
        %dma_start3A_151 = arith.constant 0 : i32
        %dma_start3A_152 = tpu.memref_slice %arg2[%arg0, %dma_start3A_150, %dma_start3A_151] : memref<2x10240x128xf32, #tpu.memory_space<hbm>> -> memref<1x10240x128xf32, #tpu.memory_space<hbm>>
        %dma_start3A_153 = tpu.memref_squeeze %dma_start3A_152 : memref<1x10240x128xf32, #tpu.memory_space<hbm>> -> memref<10240x128xf32, #tpu.memory_space<hbm>>
        %dma_start3A_154 = arith.constant 0 : i32
        %dma_start3A_155 = arith.constant 0 : i32
        %dma_start3A_156 = tpu.memref_slice %dma_start3A_153[%dma_start3A_154, %dma_start3A_155] : memref<10240x128xf32, #tpu.memory_space<hbm>> -> memref<10240x128xf32, #tpu.memory_space<hbm>>
        tpu.enqueue_indirect_dma source(%dma_start3A_156 : memref<10240x128xf32, #tpu.memory_space<hbm>>) target(%dma_start3A_146 : memref<80x128xf32, #tpu.memory_space<vmem>>) offsets(%dma_start3A_149 : memref<80xi32, #tpu.memory_space<vmem>>) semaphore(%arg10 : memref<!tpu.dma_semaphore, #tpu.memory_space<semaphore_mem>>)
      } else {
      }
      %run_scoped3A_111 = arith.constant 0 : i32
      "tpu.region"() ({
        %run_scoped3A_140 = tpu.sem_alloc : memref<!tpu.dma_semaphore, #tpu.memory_space<semaphore_mem>>
        %dma_start3A_141 = arith.constant 0 : i32
        %dma_start3A_142 = arith.constant 0 : i32
        %dma_start3A_143 = tpu.memref_slice %arg8[%run_scoped3A_111, %dma_start3A_141, %dma_start3A_142] : memref<2x80x128xf32, #tpu.memory_space<vmem>> -> memref<1x80x128xf32, #tpu.memory_space<vmem>>
        %dma_start3A_144 = tpu.memref_squeeze %dma_start3A_143 : memref<1x80x128xf32, #tpu.memory_space<vmem>> -> memref<80x128xf32, #tpu.memory_space<vmem>>
        %dma_start3A_145 = arith.constant 0 : i32
        %dma_start3A_146 = tpu.memref_slice %arg7[%add3A_89, %dma_start3A_145] : memref<250x80xi32, #tpu.memory_space<vmem>> -> memref<1x80xi32, #tpu.memory_space<vmem>>
        %dma_start3A_147 = tpu.memref_squeeze %dma_start3A_146 : memref<1x80xi32, #tpu.memory_space<vmem>> -> memref<80xi32, #tpu.memory_space<vmem>>
        %dma_start3A_148 = arith.constant 0 : i32
        %dma_start3A_149 = arith.constant 0 : i32
        %dma_start3A_150 = tpu.memref_slice %arg9[%dma_start3A_148, %dma_start3A_149] : memref<5024x128xf32, #tpu.memory_space<vmem_shared>> -> memref<5024x128xf32, #tpu.memory_space<vmem_shared>>
        tpu.enqueue_indirect_dma source(%dma_start3A_144 : memref<80x128xf32, #tpu.memory_space<vmem>>) target(%dma_start3A_150 : memref<5024x128xf32, #tpu.memory_space<vmem_shared>>) offsets(%dma_start3A_147 : memref<80xi32, #tpu.memory_space<vmem>>) semaphore(%run_scoped3A_140 : memref<!tpu.dma_semaphore, #tpu.memory_space<semaphore_mem>>) {add = true}
        %dma_wait3A_151 = arith.constant 0 : i32
        %dma_wait3A_152 = arith.constant 0 : i32
        %dma_wait3A_153 = tpu.memref_slice %arg8[%run_scoped3A_111, %dma_wait3A_151, %dma_wait3A_152] : memref<2x80x128xf32, #tpu.memory_space<vmem>> -> memref<1x80x128xf32, #tpu.memory_space<vmem>>
        %dma_wait3A_154 = tpu.memref_squeeze %dma_wait3A_153 : memref<1x80x128xf32, #tpu.memory_space<vmem>> -> memref<80x128xf32, #tpu.memory_space<vmem>>
        %dma_wait3A_155 = arith.constant 0 : i32
        %dma_wait3A_156 = tpu.memref_slice %arg7[%add3A_89, %dma_wait3A_155] : memref<250x80xi32, #tpu.memory_space<vmem>> -> memref<1x80xi32, #tpu.memory_space<vmem>>
        %dma_wait3A_157 = tpu.memref_squeeze %dma_wait3A_156 : memref<1x80xi32, #tpu.memory_space<vmem>> -> memref<80xi32, #tpu.memory_space<vmem>>
        %dma_wait3A_158 = arith.constant 0 : i32
        %dma_wait3A_159 = arith.constant 0 : i32
        %dma_wait3A_160 = tpu.memref_slice %arg9[%dma_wait3A_158, %dma_wait3A_159] : memref<5024x128xf32, #tpu.memory_space<vmem_shared>> -> memref<5024x128xf32, #tpu.memory_space<vmem_shared>>
        tpu.wait_indirect_dma semaphore(%run_scoped3A_140 : memref<!tpu.dma_semaphore, #tpu.memory_space<semaphore_mem>>) src(%dma_wait3A_154 : memref<80x128xf32, #tpu.memory_space<vmem>>) dst(%dma_wait3A_160 : memref<5024x128xf32, #tpu.memory_space<vmem_shared>>)
        tpu.yield
      }) : () -> ()
      %mul3A_112 = arith.constant 2 : i32
      %mul3A_113 = arith.muli %scan3A_86, %mul3A_112 : i32
      %add3A_114 = arith.constant 1 : i32
      %add3A_115 = arith.addi %mul3A_113, %add3A_114 : i32
      %dma_wait3A_116 = arith.constant 1 : i32
      %dma_wait3A_117 = arith.constant 0 : i32
      %dma_wait3A_118 = arith.constant 0 : i32
      %dma_wait3A_119 = tpu.memref_slice %arg8[%dma_wait3A_116, %dma_wait3A_117, %dma_wait3A_118] : memref<2x80x128xf32, #tpu.memory_space<vmem>> -> memref<1x80x128xf32, #tpu.memory_space<vmem>>
      %dma_wait3A_120 = tpu.memref_squeeze %dma_wait3A_119 : memref<1x80x128xf32, #tpu.memory_space<vmem>> -> memref<80x128xf32, #tpu.memory_space<vmem>>
      %dma_wait3A_121 = arith.constant 0 : i32
      %dma_wait3A_122 = tpu.memref_slice %arg6[%add3A_115, %dma_wait3A_121] : memref<250x80xi32, #tpu.memory_space<vmem>> -> memref<1x80xi32, #tpu.memory_space<vmem>>
      %dma_wait3A_123 = tpu.memref_squeeze %dma_wait3A_122 : memref<1x80xi32, #tpu.memory_space<vmem>> -> memref<80xi32, #tpu.memory_space<vmem>>
      %dma_wait3A_124 = arith.constant 0 : i32
      %dma_wait3A_125 = arith.constant 0 : i32
      %dma_wait3A_126 = tpu.memref_slice %arg2[%arg0, %dma_wait3A_124, %dma_wait3A_125] : memref<2x10240x128xf32, #tpu.memory_space<hbm>> -> memref<1x10240x128xf32, #tpu.memory_space<hbm>>
      %dma_wait3A_127 = tpu.memref_squeeze %dma_wait3A_126 : memref<1x10240x128xf32, #tpu.memory_space<hbm>> -> memref<10240x128xf32, #tpu.memory_space<hbm>>
      %dma_wait3A_128 = arith.constant 0 : i32
      %dma_wait3A_129 = arith.constant 0 : i32
      %dma_wait3A_130 = tpu.memref_slice %dma_wait3A_127[%dma_wait3A_128, %dma_wait3A_129] : memref<10240x128xf32, #tpu.memory_space<hbm>> -> memref<10240x128xf32, #tpu.memory_space<hbm>>
      tpu.wait_indirect_dma semaphore(%arg10 : memref<!tpu.dma_semaphore, #tpu.memory_space<semaphore_mem>>) src(%dma_wait3A_130 : memref<10240x128xf32, #tpu.memory_space<hbm>>) dst(%dma_wait3A_120 : memref<80x128xf32, #tpu.memory_space<vmem>>)
      %add3A_131 = arith.constant 1 : i32
      %add3A_132 = arith.addi %add3A_115, %add3A_131 : i32
      %lt3A_133 = arith.constant 250 : i32
      %lt3A_134 = arith.cmpi slt, %add3A_132, %lt3A_133 : i32
      %convert_element_type3A_135 = arith.extui %lt3A_134 : i1 to i32
      %cond3A_136 = arith.constant 0 : i32
      %cond3A_137 = arith.cmpi ne, %convert_element_type3A_135, %cond3A_136 : i32
      scf.if %cond3A_137 {
        %add3A_140 = arith.constant 1 : i32
        %add3A_141 = arith.addi %add3A_115, %add3A_140 : i32
        %dma_start3A_142 = arith.constant 0 : i32
        %dma_start3A_143 = arith.constant 0 : i32
        %dma_start3A_144 = arith.constant 0 : i32
        %dma_start3A_145 = tpu.memref_slice %arg8[%dma_start3A_142, %dma_start3A_143, %dma_start3A_144] : memref<2x80x128xf32, #tpu.memory_space<vmem>> -> memref<1x80x128xf32, #tpu.memory_space<vmem>>
        %dma_start3A_146 = tpu.memref_squeeze %dma_start3A_145 : memref<1x80x128xf32, #tpu.memory_space<vmem>> -> memref<80x128xf32, #tpu.memory_space<vmem>>
        %dma_start3A_147 = arith.constant 0 : i32
        %dma_start3A_148 = tpu.memref_slice %arg6[%add3A_141, %dma_start3A_147] : memref<250x80xi32, #tpu.memory_space<vmem>> -> memref<1x80xi32, #tpu.memory_space<vmem>>
        %dma_start3A_149 = tpu.memref_squeeze %dma_start3A_148 : memref<1x80xi32, #tpu.memory_space<vmem>> -> memref<80xi32, #tpu.memory_space<vmem>>
        %dma_start3A_150 = arith.constant 0 : i32
        %dma_start3A_151 = arith.constant 0 : i32
        %dma_start3A_152 = tpu.memref_slice %arg2[%arg0, %dma_start3A_150, %dma_start3A_151] : memref<2x10240x128xf32, #tpu.memory_space<hbm>> -> memref<1x10240x128xf32, #tpu.memory_space<hbm>>
        %dma_start3A_153 = tpu.memref_squeeze %dma_start3A_152 : memref<1x10240x128xf32, #tpu.memory_space<hbm>> -> memref<10240x128xf32, #tpu.memory_space<hbm>>
        %dma_start3A_154 = arith.constant 0 : i32
        %dma_start3A_155 = arith.constant 0 : i32
        %dma_start3A_156 = tpu.memref_slice %dma_start3A_153[%dma_start3A_154, %dma_start3A_155] : memref<10240x128xf32, #tpu.memory_space<hbm>> -> memref<10240x128xf32, #tpu.memory_space<hbm>>
        tpu.enqueue_indirect_dma source(%dma_start3A_156 : memref<10240x128xf32, #tpu.memory_space<hbm>>) target(%dma_start3A_146 : memref<80x128xf32, #tpu.memory_space<vmem>>) offsets(%dma_start3A_149 : memref<80xi32, #tpu.memory_space<vmem>>) semaphore(%arg10 : memref<!tpu.dma_semaphore, #tpu.memory_space<semaphore_mem>>)
      } else {
      }
      %run_scoped3A_138 = arith.constant 1 : i32
      "tpu.region"() ({
        %run_scoped3A_140 = tpu.sem_alloc : memref<!tpu.dma_semaphore, #tpu.memory_space<semaphore_mem>>
        %dma_start3A_141 = arith.constant 0 : i32
        %dma_start3A_142 = arith.constant 0 : i32
        %dma_start3A_143 = tpu.memref_slice %arg8[%run_scoped3A_138, %dma_start3A_141, %dma_start3A_142] : memref<2x80x128xf32, #tpu.memory_space<vmem>> -> memref<1x80x128xf32, #tpu.memory_space<vmem>>
        %dma_start3A_144 = tpu.memref_squeeze %dma_start3A_143 : memref<1x80x128xf32, #tpu.memory_space<vmem>> -> memref<80x128xf32, #tpu.memory_space<vmem>>
        %dma_start3A_145 = arith.constant 0 : i32
        %dma_start3A_146 = tpu.memref_slice %arg7[%add3A_115, %dma_start3A_145] : memref<250x80xi32, #tpu.memory_space<vmem>> -> memref<1x80xi32, #tpu.memory_space<vmem>>
        %dma_start3A_147 = tpu.memref_squeeze %dma_start3A_146 : memref<1x80xi32, #tpu.memory_space<vmem>> -> memref<80xi32, #tpu.memory_space<vmem>>
        %dma_start3A_148 = arith.constant 0 : i32
        %dma_start3A_149 = arith.constant 0 : i32
        %dma_start3A_150 = tpu.memref_slice %arg9[%dma_start3A_148, %dma_start3A_149] : memref<5024x128xf32, #tpu.memory_space<vmem_shared>> -> memref<5024x128xf32, #tpu.memory_space<vmem_shared>>
        tpu.enqueue_indirect_dma source(%dma_start3A_144 : memref<80x128xf32, #tpu.memory_space<vmem>>) target(%dma_start3A_150 : memref<5024x128xf32, #tpu.memory_space<vmem_shared>>) offsets(%dma_start3A_147 : memref<80xi32, #tpu.memory_space<vmem>>) semaphore(%run_scoped3A_140 : memref<!tpu.dma_semaphore, #tpu.memory_space<semaphore_mem>>) {add = true}
        %dma_wait3A_151 = arith.constant 0 : i32
        %dma_wait3A_152 = arith.constant 0 : i32
        %dma_wait3A_153 = tpu.memref_slice %arg8[%run_scoped3A_138, %dma_wait3A_151, %dma_wait3A_152] : memref<2x80x128xf32, #tpu.memory_space<vmem>> -> memref<1x80x128xf32, #tpu.memory_space<vmem>>
        %dma_wait3A_154 = tpu.memref_squeeze %dma_wait3A_153 : memref<1x80x128xf32, #tpu.memory_space<vmem>> -> memref<80x128xf32, #tpu.memory_space<vmem>>
        %dma_wait3A_155 = arith.constant 0 : i32
        %dma_wait3A_156 = tpu.memref_slice %arg7[%add3A_115, %dma_wait3A_155] : memref<250x80xi32, #tpu.memory_space<vmem>> -> memref<1x80xi32, #tpu.memory_space<vmem>>
        %dma_wait3A_157 = tpu.memref_squeeze %dma_wait3A_156 : memref<1x80xi32, #tpu.memory_space<vmem>> -> memref<80xi32, #tpu.memory_space<vmem>>
        %dma_wait3A_158 = arith.constant 0 : i32
        %dma_wait3A_159 = arith.constant 0 : i32
        %dma_wait3A_160 = tpu.memref_slice %arg9[%dma_wait3A_158, %dma_wait3A_159] : memref<5024x128xf32, #tpu.memory_space<vmem_shared>> -> memref<5024x128xf32, #tpu.memory_space<vmem_shared>>
        tpu.wait_indirect_dma semaphore(%run_scoped3A_140 : memref<!tpu.dma_semaphore, #tpu.memory_space<semaphore_mem>>) src(%dma_wait3A_154 : memref<80x128xf32, #tpu.memory_space<vmem>>) dst(%dma_wait3A_160 : memref<5024x128xf32, #tpu.memory_space<vmem_shared>>)
        tpu.yield
      }) : () -> ()
      %scan3A_139 = arith.constant 0 : i32
      scf.yield %scan3A_139 : i32
    }
    %scan3A_73 = arith.constant 125 : i32
    %barrier3A_74 = arith.constant 0 : index
    tpu.barrier barrier_id(%barrier3A_74)
    %lt3A_75 = arith.constant 15 : i32
    %lt3A_76 = arith.cmpi slt, %arg1, %lt3A_75 : i32
    %convert_element_type3A_77 = arith.extui %lt3A_76 : i1 to i32
    %cond3A_78 = arith.constant 0 : i32
    %cond3A_79 = arith.cmpi ne, %convert_element_type3A_77, %cond3A_78 : i32
    scf.if %cond3A_79 {
      %mul3A = arith.constant 312 : i32
      %mul3A_86 = arith.muli %arg1, %mul3A : i32
      %mul3A_87 = arith.constant 312 : i32
      %mul3A_88 = arith.muli %arg1, %mul3A_87 : i32
      %add3A = arith.constant 5016 : i32
      %add3A_89 = arith.addi %add3A, %mul3A_88 : i32
      "tpu.region"() ({
        %run_scoped3A_90 = tpu.sem_alloc : memref<!tpu.dma_semaphore, #tpu.memory_space<semaphore_mem>>
        %dma_start3A_91 = arith.constant 0 : i32
        %dma_start3A_92 = arith.constant 0 : i32
        %dma_start3A_93 = tpu.memref_slice %arg5[%arg0, %dma_start3A_91, %dma_start3A_92] : memref<2x10240x128xf32, #tpu.memory_space<hbm>> -> memref<1x10240x128xf32, #tpu.memory_space<hbm>>
        %dma_start3A_94 = tpu.memref_squeeze %dma_start3A_93 : memref<1x10240x128xf32, #tpu.memory_space<hbm>> -> memref<10240x128xf32, #tpu.memory_space<hbm>>
        %dma_start3A_95 = arith.constant 0 : i32
        %dma_start3A_96 = tpu.memref_slice %dma_start3A_94[%add3A_89, %dma_start3A_95] : memref<10240x128xf32, #tpu.memory_space<hbm>> -> memref<312x128xf32, #tpu.memory_space<hbm>>
        %dma_start3A_97 = arith.constant 0 : i32
        %dma_start3A_98 = tpu.memref_slice %arg9[%mul3A_86, %dma_start3A_97] : memref<5024x128xf32, #tpu.memory_space<vmem_shared>> -> memref<312x128xf32, #tpu.memory_space<vmem_shared>>
        tpu.enqueue_dma source(%dma_start3A_98 : memref<312x128xf32, #tpu.memory_space<vmem_shared>>) target(%dma_start3A_96 : memref<312x128xf32, #tpu.memory_space<hbm>>) target_semaphore(%run_scoped3A_90 : memref<!tpu.dma_semaphore, #tpu.memory_space<semaphore_mem>>)
        %dma_wait3A = arith.constant 0 : i32
        %dma_wait3A_99 = arith.constant 0 : i32
        %dma_wait3A_100 = tpu.memref_slice %arg5[%arg0, %dma_wait3A, %dma_wait3A_99] : memref<2x10240x128xf32, #tpu.memory_space<hbm>> -> memref<1x10240x128xf32, #tpu.memory_space<hbm>>
        %dma_wait3A_101 = tpu.memref_squeeze %dma_wait3A_100 : memref<1x10240x128xf32, #tpu.memory_space<hbm>> -> memref<10240x128xf32, #tpu.memory_space<hbm>>
        %dma_wait3A_102 = arith.constant 0 : i32
        %dma_wait3A_103 = tpu.memref_slice %dma_wait3A_101[%add3A_89, %dma_wait3A_102] : memref<10240x128xf32, #tpu.memory_space<hbm>> -> memref<312x128xf32, #tpu.memory_space<hbm>>
        %dma_wait3A_104 = arith.constant 0 : i32
        %dma_wait3A_105 = tpu.memref_slice %arg9[%mul3A_86, %dma_wait3A_104] : memref<5024x128xf32, #tpu.memory_space<vmem_shared>> -> memref<312x128xf32, #tpu.memory_space<vmem_shared>>
        tpu.wait_dma2 semaphore(%run_scoped3A_90 : memref<!tpu.dma_semaphore, #tpu.memory_space<semaphore_mem>>) src(%dma_wait3A_105 : memref<312x128xf32, #tpu.memory_space<vmem_shared>>) dst(%dma_wait3A_103 : memref<312x128xf32, #tpu.memory_space<hbm>>)
        tpu.yield
      }) : () -> ()
    } else {
    }
    %eq3A_80 = arith.constant 15 : i32
    %eq3A_81 = arith.cmpi eq, %arg1, %eq3A_80 : i32
    %convert_element_type3A_82 = arith.extui %eq3A_81 : i1 to i32
    %cond3A_83 = arith.constant 0 : i32
    %cond3A_84 = arith.cmpi ne, %convert_element_type3A_82, %cond3A_83 : i32
    scf.if %cond3A_84 {
      "tpu.region"() ({
        %run_scoped3A_86 = tpu.sem_alloc : memref<!tpu.dma_semaphore, #tpu.memory_space<semaphore_mem>>
        %dma_start3A_87 = arith.constant 0 : i32
        %dma_start3A_88 = arith.constant 0 : i32
        %dma_start3A_89 = tpu.memref_slice %arg5[%arg0, %dma_start3A_87, %dma_start3A_88] : memref<2x10240x128xf32, #tpu.memory_space<hbm>> -> memref<1x10240x128xf32, #tpu.memory_space<hbm>>
        %dma_start3A_90 = tpu.memref_squeeze %dma_start3A_89 : memref<1x10240x128xf32, #tpu.memory_space<hbm>> -> memref<10240x128xf32, #tpu.memory_space<hbm>>
        %dma_start3A_91 = arith.constant 9696 : i32
        %dma_start3A_92 = arith.constant 0 : i32
        %dma_start3A_93 = tpu.memref_slice %dma_start3A_90[%dma_start3A_91, %dma_start3A_92] : memref<10240x128xf32, #tpu.memory_space<hbm>> -> memref<336x128xf32, #tpu.memory_space<hbm>>
        %dma_start3A_94 = arith.constant 4680 : i32
        %dma_start3A_95 = arith.constant 0 : i32
        %dma_start3A_96 = tpu.memref_slice %arg9[%dma_start3A_94, %dma_start3A_95] : memref<5024x128xf32, #tpu.memory_space<vmem_shared>> -> memref<336x128xf32, #tpu.memory_space<vmem_shared>>
        tpu.enqueue_dma source(%dma_start3A_96 : memref<336x128xf32, #tpu.memory_space<vmem_shared>>) target(%dma_start3A_93 : memref<336x128xf32, #tpu.memory_space<hbm>>) target_semaphore(%run_scoped3A_86 : memref<!tpu.dma_semaphore, #tpu.memory_space<semaphore_mem>>)
        %dma_wait3A = arith.constant 0 : i32
        %dma_wait3A_97 = arith.constant 0 : i32
        %dma_wait3A_98 = tpu.memref_slice %arg5[%arg0, %dma_wait3A, %dma_wait3A_97] : memref<2x10240x128xf32, #tpu.memory_space<hbm>> -> memref<1x10240x128xf32, #tpu.memory_space<hbm>>
        %dma_wait3A_99 = tpu.memref_squeeze %dma_wait3A_98 : memref<1x10240x128xf32, #tpu.memory_space<hbm>> -> memref<10240x128xf32, #tpu.memory_space<hbm>>
        %dma_wait3A_100 = arith.constant 9696 : i32
        %dma_wait3A_101 = arith.constant 0 : i32
        %dma_wait3A_102 = tpu.memref_slice %dma_wait3A_99[%dma_wait3A_100, %dma_wait3A_101] : memref<10240x128xf32, #tpu.memory_space<hbm>> -> memref<336x128xf32, #tpu.memory_space<hbm>>
        %dma_wait3A_103 = arith.constant 4680 : i32
        %dma_wait3A_104 = arith.constant 0 : i32
        %dma_wait3A_105 = tpu.memref_slice %arg9[%dma_wait3A_103, %dma_wait3A_104] : memref<5024x128xf32, #tpu.memory_space<vmem_shared>> -> memref<336x128xf32, #tpu.memory_space<vmem_shared>>
        tpu.wait_dma2 semaphore(%run_scoped3A_86 : memref<!tpu.dma_semaphore, #tpu.memory_space<semaphore_mem>>) src(%dma_wait3A_105 : memref<336x128xf32, #tpu.memory_space<vmem_shared>>) dst(%dma_wait3A_102 : memref<336x128xf32, #tpu.memory_space<hbm>>)
        tpu.yield
      }) : () -> ()
    } else {
    }
    %barrier3A_85 = arith.constant 0 : index
    tpu.barrier barrier_id(%barrier3A_85)
    return
  }
}

#map = affine_map<(d0, d1) -> (0, 0, 0)>
#map1 = affine_map<(d0, d1) -> (0, 0, 0, 0)>
module attributes {stable_mosaic.version = 14 : i64} {
  func.func @_sc_aggregate(%arg0: i32, %arg1: i32, %arg2: memref<2x10240x128xf32, #tpu.memory_space<hbm>>, %arg3: memref<16x250x80xi32, #tpu.memory_space<hbm>>, %arg4: memref<2x16x250x80xi32, #tpu.memory_space<hbm>>, %arg5: memref<2x10240x128xf32, #tpu.memory_space<hbm>>, %arg6: memref<250x80xi32, #tpu.memory_space<vmem>>, %arg7: memref<250x80xi32, #tpu.memory_space<vmem>>, %arg8: memref<2x80x128xf32, #tpu.memory_space<vmem>>, %arg9: memref<5024x128xf32, #tpu.memory_space<vmem_shared>>, %arg10: memref<!tpu.dma_semaphore, #tpu.memory_space<semaphore_mem>>) attributes {dimension_semantics = [#tpu.dimension_semantics<core_parallel>, #tpu.dimension_semantics<subcore_parallel>], iteration_bounds = array<i64: 2, 16>, scalar_prefetch = 0 : i64, scratch_operands = 5 : i64, tpu.core_type = #tpu.core_type<sc_vector_subcore>, window_params = [{transform_indices = #map}, {transform_indices = #map}, {transform_indices = #map1}, {transform_indices = #map}]} {
    "tpu.region"() ({
      %run_scoped3A_86 = tpu.sem_alloc : memref<!tpu.dma_semaphore, #tpu.memory_space<semaphore_mem>>
      %dma_start3A_87 = arith.constant 0 : i32
      %dma_start3A_88 = arith.constant 0 : i32
      %dma_start3A_89 = tpu.memref_slice %arg3[%arg1, %dma_start3A_87, %dma_start3A_88] : memref<16x250x80xi32, #tpu.memory_space<hbm>> -> memref<1x250x80xi32, #tpu.memory_space<hbm>>
      %dma_start3A_90 = tpu.memref_squeeze %dma_start3A_89 : memref<1x250x80xi32, #tpu.memory_space<hbm>> -> memref<250x80xi32, #tpu.memory_space<hbm>>
      %dma_start3A_91 = arith.constant 0 : i32
      %dma_start3A_92 = arith.constant 0 : i32
      %dma_start3A_93 = tpu.memref_slice %arg3[%arg1, %dma_start3A_91, %dma_start3A_92] : memref<16x250x80xi32, #tpu.memory_space<hbm>> -> memref<1x250x80xi32, #tpu.memory_space<hbm>>
      %dma_start3A_94 = tpu.memref_squeeze %dma_start3A_93 : memref<1x250x80xi32, #tpu.memory_space<hbm>> -> memref<250x80xi32, #tpu.memory_space<hbm>>
      tpu.enqueue_dma source(%dma_start3A_94 : memref<250x80xi32, #tpu.memory_space<hbm>>) target(%arg6 : memref<250x80xi32, #tpu.memory_space<vmem>>) target_semaphore(%run_scoped3A_86 : memref<!tpu.dma_semaphore, #tpu.memory_space<semaphore_mem>>)
      %dma_wait3A = arith.constant 0 : i32
      %dma_wait3A_95 = arith.constant 0 : i32
      %dma_wait3A_96 = tpu.memref_slice %arg3[%arg1, %dma_wait3A, %dma_wait3A_95] : memref<16x250x80xi32, #tpu.memory_space<hbm>> -> memref<1x250x80xi32, #tpu.memory_space<hbm>>
      %dma_wait3A_97 = tpu.memref_squeeze %dma_wait3A_96 : memref<1x250x80xi32, #tpu.memory_space<hbm>> -> memref<250x80xi32, #tpu.memory_space<hbm>>
      %dma_wait3A_98 = arith.constant 0 : i32
      %dma_wait3A_99 = arith.constant 0 : i32
      %dma_wait3A_100 = tpu.memref_slice %arg3[%arg1, %dma_wait3A_98, %dma_wait3A_99] : memref<16x250x80xi32, #tpu.memory_space<hbm>> -> memref<1x250x80xi32, #tpu.memory_space<hbm>>
      %dma_wait3A_101 = tpu.memref_squeeze %dma_wait3A_100 : memref<1x250x80xi32, #tpu.memory_space<hbm>> -> memref<250x80xi32, #tpu.memory_space<hbm>>
      tpu.wait_dma2 semaphore(%run_scoped3A_86 : memref<!tpu.dma_semaphore, #tpu.memory_space<semaphore_mem>>) src(%dma_wait3A_101 : memref<250x80xi32, #tpu.memory_space<hbm>>) dst(%arg6 : memref<250x80xi32, #tpu.memory_space<vmem>>)
      tpu.yield
    }) : () -> ()
    %run_scoped3A = arith.constant 0 : i32
    "tpu.region"() ({
      %run_scoped3A_86 = tpu.sem_alloc : memref<!tpu.dma_semaphore, #tpu.memory_space<semaphore_mem>>
      %dma_start3A_87 = arith.constant 0 : i32
      %dma_start3A_88 = arith.constant 0 : i32
      %dma_start3A_89 = arith.constant 0 : i32
      %dma_start3A_90 = tpu.memref_slice %arg4[%run_scoped3A, %dma_start3A_87, %dma_start3A_88, %dma_start3A_89] : memref<2x16x250x80xi32, #tpu.memory_space<hbm>> -> memref<1x16x250x80xi32, #tpu.memory_space<hbm>>
      %dma_start3A_91 = tpu.memref_squeeze %dma_start3A_90 : memref<1x16x250x80xi32, #tpu.memory_space<hbm>> -> memref<16x250x80xi32, #tpu.memory_space<hbm>>
      %dma_start3A_92 = arith.constant 0 : i32
      %dma_start3A_93 = arith.constant 0 : i32
      %dma_start3A_94 = tpu.memref_slice %dma_start3A_91[%arg1, %dma_start3A_92, %dma_start3A_93] : memref<16x250x80xi32, #tpu.memory_space<hbm>> -> memref<1x250x80xi32, #tpu.memory_space<hbm>>
      %dma_start3A_95 = tpu.memref_squeeze %dma_start3A_94 : memref<1x250x80xi32, #tpu.memory_space<hbm>> -> memref<250x80xi32, #tpu.memory_space<hbm>>
      %dma_start3A_96 = arith.constant 0 : i32
      %dma_start3A_97 = arith.constant 0 : i32
      %dma_start3A_98 = arith.constant 0 : i32
      %dma_start3A_99 = tpu.memref_slice %arg4[%run_scoped3A, %dma_start3A_96, %dma_start3A_97, %dma_start3A_98] : memref<2x16x250x80xi32, #tpu.memory_space<hbm>> -> memref<1x16x250x80xi32, #tpu.memory_space<hbm>>
      %dma_start3A_100 = tpu.memref_squeeze %dma_start3A_99 : memref<1x16x250x80xi32, #tpu.memory_space<hbm>> -> memref<16x250x80xi32, #tpu.memory_space<hbm>>
      %dma_start3A_101 = arith.constant 0 : i32
      %dma_start3A_102 = arith.constant 0 : i32
      %dma_start3A_103 = tpu.memref_slice %dma_start3A_100[%arg1, %dma_start3A_101, %dma_start3A_102] : memref<16x250x80xi32, #tpu.memory_space<hbm>> -> memref<1x250x80xi32, #tpu.memory_space<hbm>>
      %dma_start3A_104 = tpu.memref_squeeze %dma_start3A_103 : memref<1x250x80xi32, #tpu.memory_space<hbm>> -> memref<250x80xi32, #tpu.memory_space<hbm>>
      tpu.enqueue_dma source(%dma_start3A_104 : memref<250x80xi32, #tpu.memory_space<hbm>>) target(%arg7 : memref<250x80xi32, #tpu.memory_space<vmem>>) target_semaphore(%run_scoped3A_86 : memref<!tpu.dma_semaphore, #tpu.memory_space<semaphore_mem>>)
      %dma_wait3A = arith.constant 0 : i32
      %dma_wait3A_105 = arith.constant 0 : i32
      %dma_wait3A_106 = arith.constant 0 : i32
      %dma_wait3A_107 = tpu.memref_slice %arg4[%run_scoped3A, %dma_wait3A, %dma_wait3A_105, %dma_wait3A_106] : memref<2x16x250x80xi32, #tpu.memory_space<hbm>> -> memref<1x16x250x80xi32, #tpu.memory_space<hbm>>
      %dma_wait3A_108 = tpu.memref_squeeze %dma_wait3A_107 : memref<1x16x250x80xi32, #tpu.memory_space<hbm>> -> memref<16x250x80xi32, #tpu.memory_space<hbm>>
      %dma_wait3A_109 = arith.constant 0 : i32
      %dma_wait3A_110 = arith.constant 0 : i32
      %dma_wait3A_111 = tpu.memref_slice %dma_wait3A_108[%arg1, %dma_wait3A_109, %dma_wait3A_110] : memref<16x250x80xi32, #tpu.memory_space<hbm>> -> memref<1x250x80xi32, #tpu.memory_space<hbm>>
      %dma_wait3A_112 = tpu.memref_squeeze %dma_wait3A_111 : memref<1x250x80xi32, #tpu.memory_space<hbm>> -> memref<250x80xi32, #tpu.memory_space<hbm>>
      %dma_wait3A_113 = arith.constant 0 : i32
      %dma_wait3A_114 = arith.constant 0 : i32
      %dma_wait3A_115 = arith.constant 0 : i32
      %dma_wait3A_116 = tpu.memref_slice %arg4[%run_scoped3A, %dma_wait3A_113, %dma_wait3A_114, %dma_wait3A_115] : memref<2x16x250x80xi32, #tpu.memory_space<hbm>> -> memref<1x16x250x80xi32, #tpu.memory_space<hbm>>
      %dma_wait3A_117 = tpu.memref_squeeze %dma_wait3A_116 : memref<1x16x250x80xi32, #tpu.memory_space<hbm>> -> memref<16x250x80xi32, #tpu.memory_space<hbm>>
      %dma_wait3A_118 = arith.constant 0 : i32
      %dma_wait3A_119 = arith.constant 0 : i32
      %dma_wait3A_120 = tpu.memref_slice %dma_wait3A_117[%arg1, %dma_wait3A_118, %dma_wait3A_119] : memref<16x250x80xi32, #tpu.memory_space<hbm>> -> memref<1x250x80xi32, #tpu.memory_space<hbm>>
      %dma_wait3A_121 = tpu.memref_squeeze %dma_wait3A_120 : memref<1x250x80xi32, #tpu.memory_space<hbm>> -> memref<250x80xi32, #tpu.memory_space<hbm>>
      tpu.wait_dma2 semaphore(%run_scoped3A_86 : memref<!tpu.dma_semaphore, #tpu.memory_space<semaphore_mem>>) src(%dma_wait3A_121 : memref<250x80xi32, #tpu.memory_space<hbm>>) dst(%arg7 : memref<250x80xi32, #tpu.memory_space<vmem>>)
      tpu.yield
    }) : () -> ()
    %lt3A = arith.constant 15 : i32
    %lt3A_0 = arith.cmpi slt, %arg1, %lt3A : i32
    %convert_element_type3A = arith.extui %lt3A_0 : i1 to i32
    %cond3A = arith.constant 0 : i32
    %cond3A_1 = arith.cmpi ne, %convert_element_type3A, %cond3A : i32
    scf.if %cond3A_1 {
      %mul3A = arith.constant 312 : i32
      %mul3A_86 = arith.muli %arg1, %mul3A : i32
      %add3A = arith.constant 0 : i32
      %add3A_87 = arith.addi %add3A, %mul3A_86 : i32
      %mul3A_88 = arith.constant 312 : i32
      %mul3A_89 = arith.muli %arg1, %mul3A_88 : i32
      "tpu.region"() ({
        %run_scoped3A_90 = tpu.sem_alloc : memref<!tpu.dma_semaphore, #tpu.memory_space<semaphore_mem>>
        %dma_start3A_91 = arith.constant 0 : i32
        %dma_start3A_92 = tpu.memref_slice %arg9[%mul3A_89, %dma_start3A_91] : memref<5024x128xf32, #tpu.memory_space<vmem_shared>> -> memref<312x128xf32, #tpu.memory_space<vmem_shared>>
        %dma_start3A_93 = arith.constant 0 : i32
        %dma_start3A_94 = arith.constant 0 : i32
        %dma_start3A_95 = tpu.memref_slice %arg2[%arg0, %dma_start3A_93, %dma_start3A_94] : memref<2x10240x128xf32, #tpu.memory_space<hbm>> -> memref<1x10240x128xf32, #tpu.memory_space<hbm>>
        %dma_start3A_96 = tpu.memref_squeeze %dma_start3A_95 : memref<1x10240x128xf32, #tpu.memory_space<hbm>> -> memref<10240x128xf32, #tpu.memory_space<hbm>>
        %dma_start3A_97 = arith.constant 0 : i32
        %dma_start3A_98 = tpu.memref_slice %dma_start3A_96[%add3A_87, %dma_start3A_97] : memref<10240x128xf32, #tpu.memory_space<hbm>> -> memref<312x128xf32, #tpu.memory_space<hbm>>
        tpu.enqueue_dma source(%dma_start3A_98 : memref<312x128xf32, #tpu.memory_space<hbm>>) target(%dma_start3A_92 : memref<312x128xf32, #tpu.memory_space<vmem_shared>>) target_semaphore(%run_scoped3A_90 : memref<!tpu.dma_semaphore, #tpu.memory_space<semaphore_mem>>)
        %dma_wait3A = arith.constant 0 : i32
        %dma_wait3A_99 = tpu.memref_slice %arg9[%mul3A_89, %dma_wait3A] : memref<5024x128xf32, #tpu.memory_space<vmem_shared>> -> memref<312x128xf32, #tpu.memory_space<vmem_shared>>
        %dma_wait3A_100 = arith.constant 0 : i32
        %dma_wait3A_101 = arith.constant 0 : i32
        %dma_wait3A_102 = tpu.memref_slice %arg2[%arg0, %dma_wait3A_100, %dma_wait3A_101] : memref<2x10240x128xf32, #tpu.memory_space<hbm>> -> memref<1x10240x128xf32, #tpu.memory_space<hbm>>
        %dma_wait3A_103 = tpu.memref_squeeze %dma_wait3A_102 : memref<1x10240x128xf32, #tpu.memory_space<hbm>> -> memref<10240x128xf32, #tpu.memory_space<hbm>>
        %dma_wait3A_104 = arith.constant 0 : i32
        %dma_wait3A_105 = tpu.memref_slice %dma_wait3A_103[%add3A_87, %dma_wait3A_104] : memref<10240x128xf32, #tpu.memory_space<hbm>> -> memref<312x128xf32, #tpu.memory_space<hbm>>
        tpu.wait_dma2 semaphore(%run_scoped3A_90 : memref<!tpu.dma_semaphore, #tpu.memory_space<semaphore_mem>>) src(%dma_wait3A_105 : memref<312x128xf32, #tpu.memory_space<hbm>>) dst(%dma_wait3A_99 : memref<312x128xf32, #tpu.memory_space<vmem_shared>>)
        tpu.yield
      }) : () -> ()
    } else {
    }
    %eq3A = arith.constant 15 : i32
    %eq3A_2 = arith.cmpi eq, %arg1, %eq3A : i32
    %convert_element_type3A_3 = arith.extui %eq3A_2 : i1 to i32
    %cond3A_4 = arith.constant 0 : i32
    %cond3A_5 = arith.cmpi ne, %convert_element_type3A_3, %cond3A_4 : i32
    scf.if %cond3A_5 {
      "tpu.region"() ({
        %run_scoped3A_86 = tpu.sem_alloc : memref<!tpu.dma_semaphore, #tpu.memory_space<semaphore_mem>>
        %dma_start3A_87 = arith.constant 4680 : i32
        %dma_start3A_88 = arith.constant 0 : i32
        %dma_start3A_89 = tpu.memref_slice %arg9[%dma_start3A_87, %dma_start3A_88] : memref<5024x128xf32, #tpu.memory_space<vmem_shared>> -> memref<344x128xf32, #tpu.memory_space<vmem_shared>>
        %dma_start3A_90 = arith.constant 0 : i32
        %dma_start3A_91 = arith.constant 0 : i32
        %dma_start3A_92 = tpu.memref_slice %arg2[%arg0, %dma_start3A_90, %dma_start3A_91] : memref<2x10240x128xf32, #tpu.memory_space<hbm>> -> memref<1x10240x128xf32, #tpu.memory_space<hbm>>
        %dma_start3A_93 = tpu.memref_squeeze %dma_start3A_92 : memref<1x10240x128xf32, #tpu.memory_space<hbm>> -> memref<10240x128xf32, #tpu.memory_space<hbm>>
        %dma_start3A_94 = arith.constant 4680 : i32
        %dma_start3A_95 = arith.constant 0 : i32
        %dma_start3A_96 = tpu.memref_slice %dma_start3A_93[%dma_start3A_94, %dma_start3A_95] : memref<10240x128xf32, #tpu.memory_space<hbm>> -> memref<344x128xf32, #tpu.memory_space<hbm>>
        tpu.enqueue_dma source(%dma_start3A_96 : memref<344x128xf32, #tpu.memory_space<hbm>>) target(%dma_start3A_89 : memref<344x128xf32, #tpu.memory_space<vmem_shared>>) target_semaphore(%run_scoped3A_86 : memref<!tpu.dma_semaphore, #tpu.memory_space<semaphore_mem>>)
        %dma_wait3A = arith.constant 4680 : i32
        %dma_wait3A_97 = arith.constant 0 : i32
        %dma_wait3A_98 = tpu.memref_slice %arg9[%dma_wait3A, %dma_wait3A_97] : memref<5024x128xf32, #tpu.memory_space<vmem_shared>> -> memref<344x128xf32, #tpu.memory_space<vmem_shared>>
        %dma_wait3A_99 = arith.constant 0 : i32
        %dma_wait3A_100 = arith.constant 0 : i32
        %dma_wait3A_101 = tpu.memref_slice %arg2[%arg0, %dma_wait3A_99, %dma_wait3A_100] : memref<2x10240x128xf32, #tpu.memory_space<hbm>> -> memref<1x10240x128xf32, #tpu.memory_space<hbm>>
        %dma_wait3A_102 = tpu.memref_squeeze %dma_wait3A_101 : memref<1x10240x128xf32, #tpu.memory_space<hbm>> -> memref<10240x128xf32, #tpu.memory_space<hbm>>
        %dma_wait3A_103 = arith.constant 4680 : i32
        %dma_wait3A_104 = arith.constant 0 : i32
        %dma_wait3A_105 = tpu.memref_slice %dma_wait3A_102[%dma_wait3A_103, %dma_wait3A_104] : memref<10240x128xf32, #tpu.memory_space<hbm>> -> memref<344x128xf32, #tpu.memory_space<hbm>>
        tpu.wait_dma2 semaphore(%run_scoped3A_86 : memref<!tpu.dma_semaphore, #tpu.memory_space<semaphore_mem>>) src(%dma_wait3A_105 : memref<344x128xf32, #tpu.memory_space<hbm>>) dst(%dma_wait3A_98 : memref<344x128xf32, #tpu.memory_space<vmem_shared>>)
        tpu.yield
      }) : () -> ()
    } else {
    }
    %barrier3A = arith.constant 0 : index
    tpu.barrier barrier_id(%barrier3A)
    %dma_start3A = arith.constant 0 : i32
    %dma_start3A_6 = arith.constant 0 : i32
    %dma_start3A_7 = arith.constant 0 : i32
    %dma_start3A_8 = arith.constant 0 : i32
    %dma_start3A_9 = tpu.memref_slice %arg8[%dma_start3A_6, %dma_start3A_7, %dma_start3A_8] : memref<2x80x128xf32, #tpu.memory_space<vmem>> -> memref<1x80x128xf32, #tpu.memory_space<vmem>>
    %dma_start3A_10 = tpu.memref_squeeze %dma_start3A_9 : memref<1x80x128xf32, #tpu.memory_space<vmem>> -> memref<80x128xf32, #tpu.memory_space<vmem>>
    %dma_start3A_11 = arith.constant 0 : i32
    %dma_start3A_12 = tpu.memref_slice %arg6[%dma_start3A, %dma_start3A_11] : memref<250x80xi32, #tpu.memory_space<vmem>> -> memref<1x80xi32, #tpu.memory_space<vmem>>
    %dma_start3A_13 = tpu.memref_squeeze %dma_start3A_12 : memref<1x80xi32, #tpu.memory_space<vmem>> -> memref<80xi32, #tpu.memory_space<vmem>>
    %dma_start3A_14 = arith.constant 0 : i32
    %dma_start3A_15 = arith.constant 0 : i32
    %dma_start3A_16 = tpu.memref_slice %arg2[%arg0, %dma_start3A_14, %dma_start3A_15] : memref<2x10240x128xf32, #tpu.memory_space<hbm>> -> memref<1x10240x128xf32, #tpu.memory_space<hbm>>
    %dma_start3A_17 = tpu.memref_squeeze %dma_start3A_16 : memref<1x10240x128xf32, #tpu.memory_space<hbm>> -> memref<10240x128xf32, #tpu.memory_space<hbm>>
    %dma_start3A_18 = arith.constant 0 : i32
    %dma_start3A_19 = arith.constant 0 : i32
    %dma_start3A_20 = tpu.memref_slice %dma_start3A_17[%dma_start3A_18, %dma_start3A_19] : memref<10240x128xf32, #tpu.memory_space<hbm>> -> memref<10240x128xf32, #tpu.memory_space<hbm>>
    tpu.enqueue_indirect_dma source(%dma_start3A_20 : memref<10240x128xf32, #tpu.memory_space<hbm>>) target(%dma_start3A_10 : memref<80x128xf32, #tpu.memory_space<vmem>>) offsets(%dma_start3A_13 : memref<80xi32, #tpu.memory_space<vmem>>) semaphore(%arg10 : memref<!tpu.dma_semaphore, #tpu.memory_space<semaphore_mem>>)
    %scan3A = arith.constant 0 : i32
    %scan3A_21 = arith.constant 0 : i32
    %scan3A_22 = arith.constant 125 : i32
    %scan3A_23 = arith.addi %scan3A_21, %scan3A_22 : i32
    %scan3A_24 = arith.constant 1 : i32
    %scan3A_25 = scf.for %scan3A_86 = %scan3A_21 to %scan3A_23 step %scan3A_24 iter_args(%scan3A_87 = %scan3A) -> (i32)  : i32 {
      %mul3A = arith.constant 2 : i32
      %mul3A_88 = arith.muli %scan3A_86, %mul3A : i32
      %add3A = arith.constant 0 : i32
      %add3A_89 = arith.addi %mul3A_88, %add3A : i32
      %dma_wait3A = arith.constant 0 : i32
      %dma_wait3A_90 = arith.constant 0 : i32
      %dma_wait3A_91 = arith.constant 0 : i32
      %dma_wait3A_92 = tpu.memref_slice %arg8[%dma_wait3A, %dma_wait3A_90, %dma_wait3A_91] : memref<2x80x128xf32, #tpu.memory_space<vmem>> -> memref<1x80x128xf32, #tpu.memory_space<vmem>>
      %dma_wait3A_93 = tpu.memref_squeeze %dma_wait3A_92 : memref<1x80x128xf32, #tpu.memory_space<vmem>> -> memref<80x128xf32, #tpu.memory_space<vmem>>
      %dma_wait3A_94 = arith.constant 0 : i32
      %dma_wait3A_95 = tpu.memref_slice %arg6[%add3A_89, %dma_wait3A_94] : memref<250x80xi32, #tpu.memory_space<vmem>> -> memref<1x80xi32, #tpu.memory_space<vmem>>
      %dma_wait3A_96 = tpu.memref_squeeze %dma_wait3A_95 : memref<1x80xi32, #tpu.memory_space<vmem>> -> memref<80xi32, #tpu.memory_space<vmem>>
      %dma_wait3A_97 = arith.constant 0 : i32
      %dma_wait3A_98 = arith.constant 0 : i32
      %dma_wait3A_99 = tpu.memref_slice %arg2[%arg0, %dma_wait3A_97, %dma_wait3A_98] : memref<2x10240x128xf32, #tpu.memory_space<hbm>> -> memref<1x10240x128xf32, #tpu.memory_space<hbm>>
      %dma_wait3A_100 = tpu.memref_squeeze %dma_wait3A_99 : memref<1x10240x128xf32, #tpu.memory_space<hbm>> -> memref<10240x128xf32, #tpu.memory_space<hbm>>
      %dma_wait3A_101 = arith.constant 0 : i32
      %dma_wait3A_102 = arith.constant 0 : i32
      %dma_wait3A_103 = tpu.memref_slice %dma_wait3A_100[%dma_wait3A_101, %dma_wait3A_102] : memref<10240x128xf32, #tpu.memory_space<hbm>> -> memref<10240x128xf32, #tpu.memory_space<hbm>>
      tpu.wait_indirect_dma semaphore(%arg10 : memref<!tpu.dma_semaphore, #tpu.memory_space<semaphore_mem>>) src(%dma_wait3A_103 : memref<10240x128xf32, #tpu.memory_space<hbm>>) dst(%dma_wait3A_93 : memref<80x128xf32, #tpu.memory_space<vmem>>)
      %add3A_104 = arith.constant 1 : i32
      %add3A_105 = arith.addi %add3A_89, %add3A_104 : i32
      %lt3A_106 = arith.constant 250 : i32
      %lt3A_107 = arith.cmpi slt, %add3A_105, %lt3A_106 : i32
      %convert_element_type3A_108 = arith.extui %lt3A_107 : i1 to i32
      %cond3A_109 = arith.constant 0 : i32
      %cond3A_110 = arith.cmpi ne, %convert_element_type3A_108, %cond3A_109 : i32
      scf.if %cond3A_110 {
        %add3A_140 = arith.constant 1 : i32
        %add3A_141 = arith.addi %add3A_89, %add3A_140 : i32
        %dma_start3A_142 = arith.constant 1 : i32
        %dma_start3A_143 = arith.constant 0 : i32
        %dma_start3A_144 = arith.constant 0 : i32
        %dma_start3A_145 = tpu.memref_slice %arg8[%dma_start3A_142, %dma_start3A_143, %dma_start3A_144] : memref<2x80x128xf32, #tpu.memory_space<vmem>> -> memref<1x80x128xf32, #tpu.memory_space<vmem>>
        %dma_start3A_146 = tpu.memref_squeeze %dma_start3A_145 : memref<1x80x128xf32, #tpu.memory_space<vmem>> -> memref<80x128xf32, #tpu.memory_space<vmem>>
        %dma_start3A_147 = arith.constant 0 : i32
        %dma_start3A_148 = tpu.memref_slice %arg6[%add3A_141, %dma_start3A_147] : memref<250x80xi32, #tpu.memory_space<vmem>> -> memref<1x80xi32, #tpu.memory_space<vmem>>
        %dma_start3A_149 = tpu.memref_squeeze %dma_start3A_148 : memref<1x80xi32, #tpu.memory_space<vmem>> -> memref<80xi32, #tpu.memory_space<vmem>>
        %dma_start3A_150 = arith.constant 0 : i32
        %dma_start3A_151 = arith.constant 0 : i32
        %dma_start3A_152 = tpu.memref_slice %arg2[%arg0, %dma_start3A_150, %dma_start3A_151] : memref<2x10240x128xf32, #tpu.memory_space<hbm>> -> memref<1x10240x128xf32, #tpu.memory_space<hbm>>
        %dma_start3A_153 = tpu.memref_squeeze %dma_start3A_152 : memref<1x10240x128xf32, #tpu.memory_space<hbm>> -> memref<10240x128xf32, #tpu.memory_space<hbm>>
        %dma_start3A_154 = arith.constant 0 : i32
        %dma_start3A_155 = arith.constant 0 : i32
        %dma_start3A_156 = tpu.memref_slice %dma_start3A_153[%dma_start3A_154, %dma_start3A_155] : memref<10240x128xf32, #tpu.memory_space<hbm>> -> memref<10240x128xf32, #tpu.memory_space<hbm>>
        tpu.enqueue_indirect_dma source(%dma_start3A_156 : memref<10240x128xf32, #tpu.memory_space<hbm>>) target(%dma_start3A_146 : memref<80x128xf32, #tpu.memory_space<vmem>>) offsets(%dma_start3A_149 : memref<80xi32, #tpu.memory_space<vmem>>) semaphore(%arg10 : memref<!tpu.dma_semaphore, #tpu.memory_space<semaphore_mem>>)
      } else {
      }
      %run_scoped3A_111 = arith.constant 0 : i32
      "tpu.region"() ({
        %run_scoped3A_140 = tpu.sem_alloc : memref<!tpu.dma_semaphore, #tpu.memory_space<semaphore_mem>>
        %dma_start3A_141 = arith.constant 0 : i32
        %dma_start3A_142 = arith.constant 0 : i32
        %dma_start3A_143 = tpu.memref_slice %arg8[%run_scoped3A_111, %dma_start3A_141, %dma_start3A_142] : memref<2x80x128xf32, #tpu.memory_space<vmem>> -> memref<1x80x128xf32, #tpu.memory_space<vmem>>
        %dma_start3A_144 = tpu.memref_squeeze %dma_start3A_143 : memref<1x80x128xf32, #tpu.memory_space<vmem>> -> memref<80x128xf32, #tpu.memory_space<vmem>>
        %dma_start3A_145 = arith.constant 0 : i32
        %dma_start3A_146 = tpu.memref_slice %arg7[%add3A_89, %dma_start3A_145] : memref<250x80xi32, #tpu.memory_space<vmem>> -> memref<1x80xi32, #tpu.memory_space<vmem>>
        %dma_start3A_147 = tpu.memref_squeeze %dma_start3A_146 : memref<1x80xi32, #tpu.memory_space<vmem>> -> memref<80xi32, #tpu.memory_space<vmem>>
        %dma_start3A_148 = arith.constant 0 : i32
        %dma_start3A_149 = arith.constant 0 : i32
        %dma_start3A_150 = tpu.memref_slice %arg9[%dma_start3A_148, %dma_start3A_149] : memref<5024x128xf32, #tpu.memory_space<vmem_shared>> -> memref<5024x128xf32, #tpu.memory_space<vmem_shared>>
        tpu.enqueue_indirect_dma source(%dma_start3A_144 : memref<80x128xf32, #tpu.memory_space<vmem>>) target(%dma_start3A_150 : memref<5024x128xf32, #tpu.memory_space<vmem_shared>>) offsets(%dma_start3A_147 : memref<80xi32, #tpu.memory_space<vmem>>) semaphore(%run_scoped3A_140 : memref<!tpu.dma_semaphore, #tpu.memory_space<semaphore_mem>>) {add = true}
        %dma_wait3A_151 = arith.constant 0 : i32
        %dma_wait3A_152 = arith.constant 0 : i32
        %dma_wait3A_153 = tpu.memref_slice %arg8[%run_scoped3A_111, %dma_wait3A_151, %dma_wait3A_152] : memref<2x80x128xf32, #tpu.memory_space<vmem>> -> memref<1x80x128xf32, #tpu.memory_space<vmem>>
        %dma_wait3A_154 = tpu.memref_squeeze %dma_wait3A_153 : memref<1x80x128xf32, #tpu.memory_space<vmem>> -> memref<80x128xf32, #tpu.memory_space<vmem>>
        %dma_wait3A_155 = arith.constant 0 : i32
        %dma_wait3A_156 = tpu.memref_slice %arg7[%add3A_89, %dma_wait3A_155] : memref<250x80xi32, #tpu.memory_space<vmem>> -> memref<1x80xi32, #tpu.memory_space<vmem>>
        %dma_wait3A_157 = tpu.memref_squeeze %dma_wait3A_156 : memref<1x80xi32, #tpu.memory_space<vmem>> -> memref<80xi32, #tpu.memory_space<vmem>>
        %dma_wait3A_158 = arith.constant 0 : i32
        %dma_wait3A_159 = arith.constant 0 : i32
        %dma_wait3A_160 = tpu.memref_slice %arg9[%dma_wait3A_158, %dma_wait3A_159] : memref<5024x128xf32, #tpu.memory_space<vmem_shared>> -> memref<5024x128xf32, #tpu.memory_space<vmem_shared>>
        tpu.wait_indirect_dma semaphore(%run_scoped3A_140 : memref<!tpu.dma_semaphore, #tpu.memory_space<semaphore_mem>>) src(%dma_wait3A_154 : memref<80x128xf32, #tpu.memory_space<vmem>>) dst(%dma_wait3A_160 : memref<5024x128xf32, #tpu.memory_space<vmem_shared>>)
        tpu.yield
      }) : () -> ()
      %mul3A_112 = arith.constant 2 : i32
      %mul3A_113 = arith.muli %scan3A_86, %mul3A_112 : i32
      %add3A_114 = arith.constant 1 : i32
      %add3A_115 = arith.addi %mul3A_113, %add3A_114 : i32
      %dma_wait3A_116 = arith.constant 1 : i32
      %dma_wait3A_117 = arith.constant 0 : i32
      %dma_wait3A_118 = arith.constant 0 : i32
      %dma_wait3A_119 = tpu.memref_slice %arg8[%dma_wait3A_116, %dma_wait3A_117, %dma_wait3A_118] : memref<2x80x128xf32, #tpu.memory_space<vmem>> -> memref<1x80x128xf32, #tpu.memory_space<vmem>>
      %dma_wait3A_120 = tpu.memref_squeeze %dma_wait3A_119 : memref<1x80x128xf32, #tpu.memory_space<vmem>> -> memref<80x128xf32, #tpu.memory_space<vmem>>
      %dma_wait3A_121 = arith.constant 0 : i32
      %dma_wait3A_122 = tpu.memref_slice %arg6[%add3A_115, %dma_wait3A_121] : memref<250x80xi32, #tpu.memory_space<vmem>> -> memref<1x80xi32, #tpu.memory_space<vmem>>
      %dma_wait3A_123 = tpu.memref_squeeze %dma_wait3A_122 : memref<1x80xi32, #tpu.memory_space<vmem>> -> memref<80xi32, #tpu.memory_space<vmem>>
      %dma_wait3A_124 = arith.constant 0 : i32
      %dma_wait3A_125 = arith.constant 0 : i32
      %dma_wait3A_126 = tpu.memref_slice %arg2[%arg0, %dma_wait3A_124, %dma_wait3A_125] : memref<2x10240x128xf32, #tpu.memory_space<hbm>> -> memref<1x10240x128xf32, #tpu.memory_space<hbm>>
      %dma_wait3A_127 = tpu.memref_squeeze %dma_wait3A_126 : memref<1x10240x128xf32, #tpu.memory_space<hbm>> -> memref<10240x128xf32, #tpu.memory_space<hbm>>
      %dma_wait3A_128 = arith.constant 0 : i32
      %dma_wait3A_129 = arith.constant 0 : i32
      %dma_wait3A_130 = tpu.memref_slice %dma_wait3A_127[%dma_wait3A_128, %dma_wait3A_129] : memref<10240x128xf32, #tpu.memory_space<hbm>> -> memref<10240x128xf32, #tpu.memory_space<hbm>>
      tpu.wait_indirect_dma semaphore(%arg10 : memref<!tpu.dma_semaphore, #tpu.memory_space<semaphore_mem>>) src(%dma_wait3A_130 : memref<10240x128xf32, #tpu.memory_space<hbm>>) dst(%dma_wait3A_120 : memref<80x128xf32, #tpu.memory_space<vmem>>)
      %add3A_131 = arith.constant 1 : i32
      %add3A_132 = arith.addi %add3A_115, %add3A_131 : i32
      %lt3A_133 = arith.constant 250 : i32
      %lt3A_134 = arith.cmpi slt, %add3A_132, %lt3A_133 : i32
      %convert_element_type3A_135 = arith.extui %lt3A_134 : i1 to i32
      %cond3A_136 = arith.constant 0 : i32
      %cond3A_137 = arith.cmpi ne, %convert_element_type3A_135, %cond3A_136 : i32
      scf.if %cond3A_137 {
        %add3A_140 = arith.constant 1 : i32
        %add3A_141 = arith.addi %add3A_115, %add3A_140 : i32
        %dma_start3A_142 = arith.constant 0 : i32
        %dma_start3A_143 = arith.constant 0 : i32
        %dma_start3A_144 = arith.constant 0 : i32
        %dma_start3A_145 = tpu.memref_slice %arg8[%dma_start3A_142, %dma_start3A_143, %dma_start3A_144] : memref<2x80x128xf32, #tpu.memory_space<vmem>> -> memref<1x80x128xf32, #tpu.memory_space<vmem>>
        %dma_start3A_146 = tpu.memref_squeeze %dma_start3A_145 : memref<1x80x128xf32, #tpu.memory_space<vmem>> -> memref<80x128xf32, #tpu.memory_space<vmem>>
        %dma_start3A_147 = arith.constant 0 : i32
        %dma_start3A_148 = tpu.memref_slice %arg6[%add3A_141, %dma_start3A_147] : memref<250x80xi32, #tpu.memory_space<vmem>> -> memref<1x80xi32, #tpu.memory_space<vmem>>
        %dma_start3A_149 = tpu.memref_squeeze %dma_start3A_148 : memref<1x80xi32, #tpu.memory_space<vmem>> -> memref<80xi32, #tpu.memory_space<vmem>>
        %dma_start3A_150 = arith.constant 0 : i32
        %dma_start3A_151 = arith.constant 0 : i32
        %dma_start3A_152 = tpu.memref_slice %arg2[%arg0, %dma_start3A_150, %dma_start3A_151] : memref<2x10240x128xf32, #tpu.memory_space<hbm>> -> memref<1x10240x128xf32, #tpu.memory_space<hbm>>
        %dma_start3A_153 = tpu.memref_squeeze %dma_start3A_152 : memref<1x10240x128xf32, #tpu.memory_space<hbm>> -> memref<10240x128xf32, #tpu.memory_space<hbm>>
        %dma_start3A_154 = arith.constant 0 : i32
        %dma_start3A_155 = arith.constant 0 : i32
        %dma_start3A_156 = tpu.memref_slice %dma_start3A_153[%dma_start3A_154, %dma_start3A_155] : memref<10240x128xf32, #tpu.memory_space<hbm>> -> memref<10240x128xf32, #tpu.memory_space<hbm>>
        tpu.enqueue_indirect_dma source(%dma_start3A_156 : memref<10240x128xf32, #tpu.memory_space<hbm>>) target(%dma_start3A_146 : memref<80x128xf32, #tpu.memory_space<vmem>>) offsets(%dma_start3A_149 : memref<80xi32, #tpu.memory_space<vmem>>) semaphore(%arg10 : memref<!tpu.dma_semaphore, #tpu.memory_space<semaphore_mem>>)
      } else {
      }
      %run_scoped3A_138 = arith.constant 1 : i32
      "tpu.region"() ({
        %run_scoped3A_140 = tpu.sem_alloc : memref<!tpu.dma_semaphore, #tpu.memory_space<semaphore_mem>>
        %dma_start3A_141 = arith.constant 0 : i32
        %dma_start3A_142 = arith.constant 0 : i32
        %dma_start3A_143 = tpu.memref_slice %arg8[%run_scoped3A_138, %dma_start3A_141, %dma_start3A_142] : memref<2x80x128xf32, #tpu.memory_space<vmem>> -> memref<1x80x128xf32, #tpu.memory_space<vmem>>
        %dma_start3A_144 = tpu.memref_squeeze %dma_start3A_143 : memref<1x80x128xf32, #tpu.memory_space<vmem>> -> memref<80x128xf32, #tpu.memory_space<vmem>>
        %dma_start3A_145 = arith.constant 0 : i32
        %dma_start3A_146 = tpu.memref_slice %arg7[%add3A_115, %dma_start3A_145] : memref<250x80xi32, #tpu.memory_space<vmem>> -> memref<1x80xi32, #tpu.memory_space<vmem>>
        %dma_start3A_147 = tpu.memref_squeeze %dma_start3A_146 : memref<1x80xi32, #tpu.memory_space<vmem>> -> memref<80xi32, #tpu.memory_space<vmem>>
        %dma_start3A_148 = arith.constant 0 : i32
        %dma_start3A_149 = arith.constant 0 : i32
        %dma_start3A_150 = tpu.memref_slice %arg9[%dma_start3A_148, %dma_start3A_149] : memref<5024x128xf32, #tpu.memory_space<vmem_shared>> -> memref<5024x128xf32, #tpu.memory_space<vmem_shared>>
        tpu.enqueue_indirect_dma source(%dma_start3A_144 : memref<80x128xf32, #tpu.memory_space<vmem>>) target(%dma_start3A_150 : memref<5024x128xf32, #tpu.memory_space<vmem_shared>>) offsets(%dma_start3A_147 : memref<80xi32, #tpu.memory_space<vmem>>) semaphore(%run_scoped3A_140 : memref<!tpu.dma_semaphore, #tpu.memory_space<semaphore_mem>>) {add = true}
        %dma_wait3A_151 = arith.constant 0 : i32
        %dma_wait3A_152 = arith.constant 0 : i32
        %dma_wait3A_153 = tpu.memref_slice %arg8[%run_scoped3A_138, %dma_wait3A_151, %dma_wait3A_152] : memref<2x80x128xf32, #tpu.memory_space<vmem>> -> memref<1x80x128xf32, #tpu.memory_space<vmem>>
        %dma_wait3A_154 = tpu.memref_squeeze %dma_wait3A_153 : memref<1x80x128xf32, #tpu.memory_space<vmem>> -> memref<80x128xf32, #tpu.memory_space<vmem>>
        %dma_wait3A_155 = arith.constant 0 : i32
        %dma_wait3A_156 = tpu.memref_slice %arg7[%add3A_115, %dma_wait3A_155] : memref<250x80xi32, #tpu.memory_space<vmem>> -> memref<1x80xi32, #tpu.memory_space<vmem>>
        %dma_wait3A_157 = tpu.memref_squeeze %dma_wait3A_156 : memref<1x80xi32, #tpu.memory_space<vmem>> -> memref<80xi32, #tpu.memory_space<vmem>>
        %dma_wait3A_158 = arith.constant 0 : i32
        %dma_wait3A_159 = arith.constant 0 : i32
        %dma_wait3A_160 = tpu.memref_slice %arg9[%dma_wait3A_158, %dma_wait3A_159] : memref<5024x128xf32, #tpu.memory_space<vmem_shared>> -> memref<5024x128xf32, #tpu.memory_space<vmem_shared>>
        tpu.wait_indirect_dma semaphore(%run_scoped3A_140 : memref<!tpu.dma_semaphore, #tpu.memory_space<semaphore_mem>>) src(%dma_wait3A_154 : memref<80x128xf32, #tpu.memory_space<vmem>>) dst(%dma_wait3A_160 : memref<5024x128xf32, #tpu.memory_space<vmem_shared>>)
        tpu.yield
      }) : () -> ()
      %scan3A_139 = arith.constant 0 : i32
      scf.yield %scan3A_139 : i32
    }
    %scan3A_26 = arith.constant 125 : i32
    %barrier3A_27 = arith.constant 0 : index
    tpu.barrier barrier_id(%barrier3A_27)
    %lt3A_28 = arith.constant 15 : i32
    %lt3A_29 = arith.cmpi slt, %arg1, %lt3A_28 : i32
    %convert_element_type3A_30 = arith.extui %lt3A_29 : i1 to i32
    %cond3A_31 = arith.constant 0 : i32
    %cond3A_32 = arith.cmpi ne, %convert_element_type3A_30, %cond3A_31 : i32
    scf.if %cond3A_32 {
      %mul3A = arith.constant 312 : i32
      %mul3A_86 = arith.muli %arg1, %mul3A : i32
      %mul3A_87 = arith.constant 312 : i32
      %mul3A_88 = arith.muli %arg1, %mul3A_87 : i32
      %add3A = arith.constant 0 : i32
      %add3A_89 = arith.addi %add3A, %mul3A_88 : i32
      "tpu.region"() ({
        %run_scoped3A_90 = tpu.sem_alloc : memref<!tpu.dma_semaphore, #tpu.memory_space<semaphore_mem>>
        %dma_start3A_91 = arith.constant 0 : i32
        %dma_start3A_92 = arith.constant 0 : i32
        %dma_start3A_93 = tpu.memref_slice %arg5[%arg0, %dma_start3A_91, %dma_start3A_92] : memref<2x10240x128xf32, #tpu.memory_space<hbm>> -> memref<1x10240x128xf32, #tpu.memory_space<hbm>>
        %dma_start3A_94 = tpu.memref_squeeze %dma_start3A_93 : memref<1x10240x128xf32, #tpu.memory_space<hbm>> -> memref<10240x128xf32, #tpu.memory_space<hbm>>
        %dma_start3A_95 = arith.constant 0 : i32
        %dma_start3A_96 = tpu.memref_slice %dma_start3A_94[%add3A_89, %dma_start3A_95] : memref<10240x128xf32, #tpu.memory_space<hbm>> -> memref<312x128xf32, #tpu.memory_space<hbm>>
        %dma_start3A_97 = arith.constant 0 : i32
        %dma_start3A_98 = tpu.memref_slice %arg9[%mul3A_86, %dma_start3A_97] : memref<5024x128xf32, #tpu.memory_space<vmem_shared>> -> memref<312x128xf32, #tpu.memory_space<vmem_shared>>
        tpu.enqueue_dma source(%dma_start3A_98 : memref<312x128xf32, #tpu.memory_space<vmem_shared>>) target(%dma_start3A_96 : memref<312x128xf32, #tpu.memory_space<hbm>>) target_semaphore(%run_scoped3A_90 : memref<!tpu.dma_semaphore, #tpu.memory_space<semaphore_mem>>)
        %dma_wait3A = arith.constant 0 : i32
        %dma_wait3A_99 = arith.constant 0 : i32
        %dma_wait3A_100 = tpu.memref_slice %arg5[%arg0, %dma_wait3A, %dma_wait3A_99] : memref<2x10240x128xf32, #tpu.memory_space<hbm>> -> memref<1x10240x128xf32, #tpu.memory_space<hbm>>
        %dma_wait3A_101 = tpu.memref_squeeze %dma_wait3A_100 : memref<1x10240x128xf32, #tpu.memory_space<hbm>> -> memref<10240x128xf32, #tpu.memory_space<hbm>>
        %dma_wait3A_102 = arith.constant 0 : i32
        %dma_wait3A_103 = tpu.memref_slice %dma_wait3A_101[%add3A_89, %dma_wait3A_102] : memref<10240x128xf32, #tpu.memory_space<hbm>> -> memref<312x128xf32, #tpu.memory_space<hbm>>
        %dma_wait3A_104 = arith.constant 0 : i32
        %dma_wait3A_105 = tpu.memref_slice %arg9[%mul3A_86, %dma_wait3A_104] : memref<5024x128xf32, #tpu.memory_space<vmem_shared>> -> memref<312x128xf32, #tpu.memory_space<vmem_shared>>
        tpu.wait_dma2 semaphore(%run_scoped3A_90 : memref<!tpu.dma_semaphore, #tpu.memory_space<semaphore_mem>>) src(%dma_wait3A_105 : memref<312x128xf32, #tpu.memory_space<vmem_shared>>) dst(%dma_wait3A_103 : memref<312x128xf32, #tpu.memory_space<hbm>>)
        tpu.yield
      }) : () -> ()
    } else {
    }
    %eq3A_33 = arith.constant 15 : i32
    %eq3A_34 = arith.cmpi eq, %arg1, %eq3A_33 : i32
    %convert_element_type3A_35 = arith.extui %eq3A_34 : i1 to i32
    %cond3A_36 = arith.constant 0 : i32
    %cond3A_37 = arith.cmpi ne, %convert_element_type3A_35, %cond3A_36 : i32
    scf.if %cond3A_37 {
      "tpu.region"() ({
        %run_scoped3A_86 = tpu.sem_alloc : memref<!tpu.dma_semaphore, #tpu.memory_space<semaphore_mem>>
        %dma_start3A_87 = arith.constant 0 : i32
        %dma_start3A_88 = arith.constant 0 : i32
        %dma_start3A_89 = tpu.memref_slice %arg5[%arg0, %dma_start3A_87, %dma_start3A_88] : memref<2x10240x128xf32, #tpu.memory_space<hbm>> -> memref<1x10240x128xf32, #tpu.memory_space<hbm>>
        %dma_start3A_90 = tpu.memref_squeeze %dma_start3A_89 : memref<1x10240x128xf32, #tpu.memory_space<hbm>> -> memref<10240x128xf32, #tpu.memory_space<hbm>>
        %dma_start3A_91 = arith.constant 4680 : i32
        %dma_start3A_92 = arith.constant 0 : i32
        %dma_start3A_93 = tpu.memref_slice %dma_start3A_90[%dma_start3A_91, %dma_start3A_92] : memref<10240x128xf32, #tpu.memory_space<hbm>> -> memref<336x128xf32, #tpu.memory_space<hbm>>
        %dma_start3A_94 = arith.constant 4680 : i32
        %dma_start3A_95 = arith.constant 0 : i32
        %dma_start3A_96 = tpu.memref_slice %arg9[%dma_start3A_94, %dma_start3A_95] : memref<5024x128xf32, #tpu.memory_space<vmem_shared>> -> memref<336x128xf32, #tpu.memory_space<vmem_shared>>
        tpu.enqueue_dma source(%dma_start3A_96 : memref<336x128xf32, #tpu.memory_space<vmem_shared>>) target(%dma_start3A_93 : memref<336x128xf32, #tpu.memory_space<hbm>>) target_semaphore(%run_scoped3A_86 : memref<!tpu.dma_semaphore, #tpu.memory_space<semaphore_mem>>)
        %dma_wait3A = arith.constant 0 : i32
        %dma_wait3A_97 = arith.constant 0 : i32
        %dma_wait3A_98 = tpu.memref_slice %arg5[%arg0, %dma_wait3A, %dma_wait3A_97] : memref<2x10240x128xf32, #tpu.memory_space<hbm>> -> memref<1x10240x128xf32, #tpu.memory_space<hbm>>
        %dma_wait3A_99 = tpu.memref_squeeze %dma_wait3A_98 : memref<1x10240x128xf32, #tpu.memory_space<hbm>> -> memref<10240x128xf32, #tpu.memory_space<hbm>>
        %dma_wait3A_100 = arith.constant 4680 : i32
        %dma_wait3A_101 = arith.constant 0 : i32
        %dma_wait3A_102 = tpu.memref_slice %dma_wait3A_99[%dma_wait3A_100, %dma_wait3A_101] : memref<10240x128xf32, #tpu.memory_space<hbm>> -> memref<336x128xf32, #tpu.memory_space<hbm>>
        %dma_wait3A_103 = arith.constant 4680 : i32
        %dma_wait3A_104 = arith.constant 0 : i32
        %dma_wait3A_105 = tpu.memref_slice %arg9[%dma_wait3A_103, %dma_wait3A_104] : memref<5024x128xf32, #tpu.memory_space<vmem_shared>> -> memref<336x128xf32, #tpu.memory_space<vmem_shared>>
        tpu.wait_dma2 semaphore(%run_scoped3A_86 : memref<!tpu.dma_semaphore, #tpu.memory_space<semaphore_mem>>) src(%dma_wait3A_105 : memref<336x128xf32, #tpu.memory_space<vmem_shared>>) dst(%dma_wait3A_102 : memref<336x128xf32, #tpu.memory_space<hbm>>)
        tpu.yield
      }) : () -> ()
    } else {
    }
    %barrier3A_38 = arith.constant 0 : index
    tpu.barrier barrier_id(%barrier3A_38)
    %run_scoped3A_39 = arith.constant 1 : i32
    "tpu.region"() ({
      %run_scoped3A_86 = tpu.sem_alloc : memref<!tpu.dma_semaphore, #tpu.memory_space<semaphore_mem>>
      %dma_start3A_87 = arith.constant 0 : i32
      %dma_start3A_88 = arith.constant 0 : i32
      %dma_start3A_89 = arith.constant 0 : i32
      %dma_start3A_90 = tpu.memref_slice %arg4[%run_scoped3A_39, %dma_start3A_87, %dma_start3A_88, %dma_start3A_89] : memref<2x16x250x80xi32, #tpu.memory_space<hbm>> -> memref<1x16x250x80xi32, #tpu.memory_space<hbm>>
      %dma_start3A_91 = tpu.memref_squeeze %dma_start3A_90 : memref<1x16x250x80xi32, #tpu.memory_space<hbm>> -> memref<16x250x80xi32, #tpu.memory_space<hbm>>
      %dma_start3A_92 = arith.constant 0 : i32
      %dma_start3A_93 = arith.constant 0 : i32
      %dma_start3A_94 = tpu.memref_slice %dma_start3A_91[%arg1, %dma_start3A_92, %dma_start3A_93] : memref<16x250x80xi32, #tpu.memory_space<hbm>> -> memref<1x250x80xi32, #tpu.memory_space<hbm>>
      %dma_start3A_95 = tpu.memref_squeeze %dma_start3A_94 : memref<1x250x80xi32, #tpu.memory_space<hbm>> -> memref<250x80xi32, #tpu.memory_space<hbm>>
      %dma_start3A_96 = arith.constant 0 : i32
      %dma_start3A_97 = arith.constant 0 : i32
      %dma_start3A_98 = arith.constant 0 : i32
      %dma_start3A_99 = tpu.memref_slice %arg4[%run_scoped3A_39, %dma_start3A_96, %dma_start3A_97, %dma_start3A_98] : memref<2x16x250x80xi32, #tpu.memory_space<hbm>> -> memref<1x16x250x80xi32, #tpu.memory_space<hbm>>
      %dma_start3A_100 = tpu.memref_squeeze %dma_start3A_99 : memref<1x16x250x80xi32, #tpu.memory_space<hbm>> -> memref<16x250x80xi32, #tpu.memory_space<hbm>>
      %dma_start3A_101 = arith.constant 0 : i32
      %dma_start3A_102 = arith.constant 0 : i32
      %dma_start3A_103 = tpu.memref_slice %dma_start3A_100[%arg1, %dma_start3A_101, %dma_start3A_102] : memref<16x250x80xi32, #tpu.memory_space<hbm>> -> memref<1x250x80xi32, #tpu.memory_space<hbm>>
      %dma_start3A_104 = tpu.memref_squeeze %dma_start3A_103 : memref<1x250x80xi32, #tpu.memory_space<hbm>> -> memref<250x80xi32, #tpu.memory_space<hbm>>
      tpu.enqueue_dma source(%dma_start3A_104 : memref<250x80xi32, #tpu.memory_space<hbm>>) target(%arg7 : memref<250x80xi32, #tpu.memory_space<vmem>>) target_semaphore(%run_scoped3A_86 : memref<!tpu.dma_semaphore, #tpu.memory_space<semaphore_mem>>)
      %dma_wait3A = arith.constant 0 : i32
      %dma_wait3A_105 = arith.constant 0 : i32
      %dma_wait3A_106 = arith.constant 0 : i32
      %dma_wait3A_107 = tpu.memref_slice %arg4[%run_scoped3A_39, %dma_wait3A, %dma_wait3A_105, %dma_wait3A_106] : memref<2x16x250x80xi32, #tpu.memory_space<hbm>> -> memref<1x16x250x80xi32, #tpu.memory_space<hbm>>
      %dma_wait3A_108 = tpu.memref_squeeze %dma_wait3A_107 : memref<1x16x250x80xi32, #tpu.memory_space<hbm>> -> memref<16x250x80xi32, #tpu.memory_space<hbm>>
      %dma_wait3A_109 = arith.constant 0 : i32
      %dma_wait3A_110 = arith.constant 0 : i32
      %dma_wait3A_111 = tpu.memref_slice %dma_wait3A_108[%arg1, %dma_wait3A_109, %dma_wait3A_110] : memref<16x250x80xi32, #tpu.memory_space<hbm>> -> memref<1x250x80xi32, #tpu.memory_space<hbm>>
      %dma_wait3A_112 = tpu.memref_squeeze %dma_wait3A_111 : memref<1x250x80xi32, #tpu.memory_space<hbm>> -> memref<250x80xi32, #tpu.memory_space<hbm>>
      %dma_wait3A_113 = arith.constant 0 : i32
      %dma_wait3A_114 = arith.constant 0 : i32
      %dma_wait3A_115 = arith.constant 0 : i32
      %dma_wait3A_116 = tpu.memref_slice %arg4[%run_scoped3A_39, %dma_wait3A_113, %dma_wait3A_114, %dma_wait3A_115] : memref<2x16x250x80xi32, #tpu.memory_space<hbm>> -> memref<1x16x250x80xi32, #tpu.memory_space<hbm>>
      %dma_wait3A_117 = tpu.memref_squeeze %dma_wait3A_116 : memref<1x16x250x80xi32, #tpu.memory_space<hbm>> -> memref<16x250x80xi32, #tpu.memory_space<hbm>>
      %dma_wait3A_118 = arith.constant 0 : i32
      %dma_wait3A_119 = arith.constant 0 : i32
      %dma_wait3A_120 = tpu.memref_slice %dma_wait3A_117[%arg1, %dma_wait3A_118, %dma_wait3A_119] : memref<16x250x80xi32, #tpu.memory_space<hbm>> -> memref<1x250x80xi32, #tpu.memory_space<hbm>>
      %dma_wait3A_121 = tpu.memref_squeeze %dma_wait3A_120 : memref<1x250x80xi32, #tpu.memory_space<hbm>> -> memref<250x80xi32, #tpu.memory_space<hbm>>
      tpu.wait_dma2 semaphore(%run_scoped3A_86 : memref<!tpu.dma_semaphore, #tpu.memory_space<semaphore_mem>>) src(%dma_wait3A_121 : memref<250x80xi32, #tpu.memory_space<hbm>>) dst(%arg7 : memref<250x80xi32, #tpu.memory_space<vmem>>)
      tpu.yield
    }) : () -> ()
    %lt3A_40 = arith.constant 15 : i32
    %lt3A_41 = arith.cmpi slt, %arg1, %lt3A_40 : i32
    %convert_element_type3A_42 = arith.extui %lt3A_41 : i1 to i32
    %cond3A_43 = arith.constant 0 : i32
    %cond3A_44 = arith.cmpi ne, %convert_element_type3A_42, %cond3A_43 : i32
    scf.if %cond3A_44 {
      %mul3A = arith.constant 312 : i32
      %mul3A_86 = arith.muli %arg1, %mul3A : i32
      %add3A = arith.constant 5016 : i32
      %add3A_87 = arith.addi %add3A, %mul3A_86 : i32
      %mul3A_88 = arith.constant 312 : i32
      %mul3A_89 = arith.muli %arg1, %mul3A_88 : i32
      "tpu.region"() ({
        %run_scoped3A_90 = tpu.sem_alloc : memref<!tpu.dma_semaphore, #tpu.memory_space<semaphore_mem>>
        %dma_start3A_91 = arith.constant 0 : i32
        %dma_start3A_92 = tpu.memref_slice %arg9[%mul3A_89, %dma_start3A_91] : memref<5024x128xf32, #tpu.memory_space<vmem_shared>> -> memref<312x128xf32, #tpu.memory_space<vmem_shared>>
        %dma_start3A_93 = arith.constant 0 : i32
        %dma_start3A_94 = arith.constant 0 : i32
        %dma_start3A_95 = tpu.memref_slice %arg2[%arg0, %dma_start3A_93, %dma_start3A_94] : memref<2x10240x128xf32, #tpu.memory_space<hbm>> -> memref<1x10240x128xf32, #tpu.memory_space<hbm>>
        %dma_start3A_96 = tpu.memref_squeeze %dma_start3A_95 : memref<1x10240x128xf32, #tpu.memory_space<hbm>> -> memref<10240x128xf32, #tpu.memory_space<hbm>>
        %dma_start3A_97 = arith.constant 0 : i32
        %dma_start3A_98 = tpu.memref_slice %dma_start3A_96[%add3A_87, %dma_start3A_97] : memref<10240x128xf32, #tpu.memory_space<hbm>> -> memref<312x128xf32, #tpu.memory_space<hbm>>
        tpu.enqueue_dma source(%dma_start3A_98 : memref<312x128xf32, #tpu.memory_space<hbm>>) target(%dma_start3A_92 : memref<312x128xf32, #tpu.memory_space<vmem_shared>>) target_semaphore(%run_scoped3A_90 : memref<!tpu.dma_semaphore, #tpu.memory_space<semaphore_mem>>)
        %dma_wait3A = arith.constant 0 : i32
        %dma_wait3A_99 = tpu.memref_slice %arg9[%mul3A_89, %dma_wait3A] : memref<5024x128xf32, #tpu.memory_space<vmem_shared>> -> memref<312x128xf32, #tpu.memory_space<vmem_shared>>
        %dma_wait3A_100 = arith.constant 0 : i32
        %dma_wait3A_101 = arith.constant 0 : i32
        %dma_wait3A_102 = tpu.memref_slice %arg2[%arg0, %dma_wait3A_100, %dma_wait3A_101] : memref<2x10240x128xf32, #tpu.memory_space<hbm>> -> memref<1x10240x128xf32, #tpu.memory_space<hbm>>
        %dma_wait3A_103 = tpu.memref_squeeze %dma_wait3A_102 : memref<1x10240x128xf32, #tpu.memory_space<hbm>> -> memref<10240x128xf32, #tpu.memory_space<hbm>>
        %dma_wait3A_104 = arith.constant 0 : i32
        %dma_wait3A_105 = tpu.memref_slice %dma_wait3A_103[%add3A_87, %dma_wait3A_104] : memref<10240x128xf32, #tpu.memory_space<hbm>> -> memref<312x128xf32, #tpu.memory_space<hbm>>
        tpu.wait_dma2 semaphore(%run_scoped3A_90 : memref<!tpu.dma_semaphore, #tpu.memory_space<semaphore_mem>>) src(%dma_wait3A_105 : memref<312x128xf32, #tpu.memory_space<hbm>>) dst(%dma_wait3A_99 : memref<312x128xf32, #tpu.memory_space<vmem_shared>>)
        tpu.yield
      }) : () -> ()
    } else {
    }
    %eq3A_45 = arith.constant 15 : i32
    %eq3A_46 = arith.cmpi eq, %arg1, %eq3A_45 : i32
    %convert_element_type3A_47 = arith.extui %eq3A_46 : i1 to i32
    %cond3A_48 = arith.constant 0 : i32
    %cond3A_49 = arith.cmpi ne, %convert_element_type3A_47, %cond3A_48 : i32
    scf.if %cond3A_49 {
      "tpu.region"() ({
        %run_scoped3A_86 = tpu.sem_alloc : memref<!tpu.dma_semaphore, #tpu.memory_space<semaphore_mem>>
        %dma_start3A_87 = arith.constant 4680 : i32
        %dma_start3A_88 = arith.constant 0 : i32
        %dma_start3A_89 = tpu.memref_slice %arg9[%dma_start3A_87, %dma_start3A_88] : memref<5024x128xf32, #tpu.memory_space<vmem_shared>> -> memref<344x128xf32, #tpu.memory_space<vmem_shared>>
        %dma_start3A_90 = arith.constant 0 : i32
        %dma_start3A_91 = arith.constant 0 : i32
        %dma_start3A_92 = tpu.memref_slice %arg2[%arg0, %dma_start3A_90, %dma_start3A_91] : memref<2x10240x128xf32, #tpu.memory_space<hbm>> -> memref<1x10240x128xf32, #tpu.memory_space<hbm>>
        %dma_start3A_93 = tpu.memref_squeeze %dma_start3A_92 : memref<1x10240x128xf32, #tpu.memory_space<hbm>> -> memref<10240x128xf32, #tpu.memory_space<hbm>>
        %dma_start3A_94 = arith.constant 9696 : i32
        %dma_start3A_95 = arith.constant 0 : i32
        %dma_start3A_96 = tpu.memref_slice %dma_start3A_93[%dma_start3A_94, %dma_start3A_95] : memref<10240x128xf32, #tpu.memory_space<hbm>> -> memref<344x128xf32, #tpu.memory_space<hbm>>
        tpu.enqueue_dma source(%dma_start3A_96 : memref<344x128xf32, #tpu.memory_space<hbm>>) target(%dma_start3A_89 : memref<344x128xf32, #tpu.memory_space<vmem_shared>>) target_semaphore(%run_scoped3A_86 : memref<!tpu.dma_semaphore, #tpu.memory_space<semaphore_mem>>)
        %dma_wait3A = arith.constant 4680 : i32
        %dma_wait3A_97 = arith.constant 0 : i32
        %dma_wait3A_98 = tpu.memref_slice %arg9[%dma_wait3A, %dma_wait3A_97] : memref<5024x128xf32, #tpu.memory_space<vmem_shared>> -> memref<344x128xf32, #tpu.memory_space<vmem_shared>>
        %dma_wait3A_99 = arith.constant 0 : i32
        %dma_wait3A_100 = arith.constant 0 : i32
        %dma_wait3A_101 = tpu.memref_slice %arg2[%arg0, %dma_wait3A_99, %dma_wait3A_100] : memref<2x10240x128xf32, #tpu.memory_space<hbm>> -> memref<1x10240x128xf32, #tpu.memory_space<hbm>>
        %dma_wait3A_102 = tpu.memref_squeeze %dma_wait3A_101 : memref<1x10240x128xf32, #tpu.memory_space<hbm>> -> memref<10240x128xf32, #tpu.memory_space<hbm>>
        %dma_wait3A_103 = arith.constant 9696 : i32
        %dma_wait3A_104 = arith.constant 0 : i32
        %dma_wait3A_105 = tpu.memref_slice %dma_wait3A_102[%dma_wait3A_103, %dma_wait3A_104] : memref<10240x128xf32, #tpu.memory_space<hbm>> -> memref<344x128xf32, #tpu.memory_space<hbm>>
        tpu.wait_dma2 semaphore(%run_scoped3A_86 : memref<!tpu.dma_semaphore, #tpu.memory_space<semaphore_mem>>) src(%dma_wait3A_105 : memref<344x128xf32, #tpu.memory_space<hbm>>) dst(%dma_wait3A_98 : memref<344x128xf32, #tpu.memory_space<vmem_shared>>)
        tpu.yield
      }) : () -> ()
    } else {
    }
    %barrier3A_50 = arith.constant 0 : index
    tpu.barrier barrier_id(%barrier3A_50)
    %dma_start3A_51 = arith.constant 0 : i32
    %dma_start3A_52 = arith.constant 0 : i32
    %dma_start3A_53 = arith.constant 0 : i32
    %dma_start3A_54 = arith.constant 0 : i32
    %dma_start3A_55 = tpu.memref_slice %arg8[%dma_start3A_52, %dma_start3A_53, %dma_start3A_54] : memref<2x80x128xf32, #tpu.memory_space<vmem>> -> memref<1x80x128xf32, #tpu.memory_space<vmem>>
    %dma_start3A_56 = tpu.memref_squeeze %dma_start3A_55 : memref<1x80x128xf32, #tpu.memory_space<vmem>> -> memref<80x128xf32, #tpu.memory_space<vmem>>
    %dma_start3A_57 = arith.constant 0 : i32
    %dma_start3A_58 = tpu.memref_slice %arg6[%dma_start3A_51, %dma_start3A_57] : memref<250x80xi32, #tpu.memory_space<vmem>> -> memref<1x80xi32, #tpu.memory_space<vmem>>
    %dma_start3A_59 = tpu.memref_squeeze %dma_start3A_58 : memref<1x80xi32, #tpu.memory_space<vmem>> -> memref<80xi32, #tpu.memory_space<vmem>>
    %dma_start3A_60 = arith.constant 0 : i32
    %dma_start3A_61 = arith.constant 0 : i32
    %dma_start3A_62 = tpu.memref_slice %arg2[%arg0, %dma_start3A_60, %dma_start3A_61] : memref<2x10240x128xf32, #tpu.memory_space<hbm>> -> memref<1x10240x128xf32, #tpu.memory_space<hbm>>
    %dma_start3A_63 = tpu.memref_squeeze %dma_start3A_62 : memref<1x10240x128xf32, #tpu.memory_space<hbm>> -> memref<10240x128xf32, #tpu.memory_space<hbm>>
    %dma_start3A_64 = arith.constant 0 : i32
    %dma_start3A_65 = arith.constant 0 : i32
    %dma_start3A_66 = tpu.memref_slice %dma_start3A_63[%dma_start3A_64, %dma_start3A_65] : memref<10240x128xf32, #tpu.memory_space<hbm>> -> memref<10240x128xf32, #tpu.memory_space<hbm>>
    tpu.enqueue_indirect_dma source(%dma_start3A_66 : memref<10240x128xf32, #tpu.memory_space<hbm>>) target(%dma_start3A_56 : memref<80x128xf32, #tpu.memory_space<vmem>>) offsets(%dma_start3A_59 : memref<80xi32, #tpu.memory_space<vmem>>) semaphore(%arg10 : memref<!tpu.dma_semaphore, #tpu.memory_space<semaphore_mem>>)
    %scan3A_67 = arith.constant 0 : i32
    %scan3A_68 = arith.constant 0 : i32
    %scan3A_69 = arith.constant 125 : i32
    %scan3A_70 = arith.addi %scan3A_68, %scan3A_69 : i32
    %scan3A_71 = arith.constant 1 : i32
    %scan3A_72 = scf.for %scan3A_86 = %scan3A_68 to %scan3A_70 step %scan3A_71 iter_args(%scan3A_87 = %scan3A_67) -> (i32)  : i32 {
      %mul3A = arith.constant 2 : i32
      %mul3A_88 = arith.muli %scan3A_86, %mul3A : i32
      %add3A = arith.constant 0 : i32
      %add3A_89 = arith.addi %mul3A_88, %add3A : i32
      %dma_wait3A = arith.constant 0 : i32
      %dma_wait3A_90 = arith.constant 0 : i32
      %dma_wait3A_91 = arith.constant 0 : i32
      %dma_wait3A_92 = tpu.memref_slice %arg8[%dma_wait3A, %dma_wait3A_90, %dma_wait3A_91] : memref<2x80x128xf32, #tpu.memory_space<vmem>> -> memref<1x80x128xf32, #tpu.memory_space<vmem>>
      %dma_wait3A_93 = tpu.memref_squeeze %dma_wait3A_92 : memref<1x80x128xf32, #tpu.memory_space<vmem>> -> memref<80x128xf32, #tpu.memory_space<vmem>>
      %dma_wait3A_94 = arith.constant 0 : i32
      %dma_wait3A_95 = tpu.memref_slice %arg6[%add3A_89, %dma_wait3A_94] : memref<250x80xi32, #tpu.memory_space<vmem>> -> memref<1x80xi32, #tpu.memory_space<vmem>>
      %dma_wait3A_96 = tpu.memref_squeeze %dma_wait3A_95 : memref<1x80xi32, #tpu.memory_space<vmem>> -> memref<80xi32, #tpu.memory_space<vmem>>
      %dma_wait3A_97 = arith.constant 0 : i32
      %dma_wait3A_98 = arith.constant 0 : i32
      %dma_wait3A_99 = tpu.memref_slice %arg2[%arg0, %dma_wait3A_97, %dma_wait3A_98] : memref<2x10240x128xf32, #tpu.memory_space<hbm>> -> memref<1x10240x128xf32, #tpu.memory_space<hbm>>
      %dma_wait3A_100 = tpu.memref_squeeze %dma_wait3A_99 : memref<1x10240x128xf32, #tpu.memory_space<hbm>> -> memref<10240x128xf32, #tpu.memory_space<hbm>>
      %dma_wait3A_101 = arith.constant 0 : i32
      %dma_wait3A_102 = arith.constant 0 : i32
      %dma_wait3A_103 = tpu.memref_slice %dma_wait3A_100[%dma_wait3A_101, %dma_wait3A_102] : memref<10240x128xf32, #tpu.memory_space<hbm>> -> memref<10240x128xf32, #tpu.memory_space<hbm>>
      tpu.wait_indirect_dma semaphore(%arg10 : memref<!tpu.dma_semaphore, #tpu.memory_space<semaphore_mem>>) src(%dma_wait3A_103 : memref<10240x128xf32, #tpu.memory_space<hbm>>) dst(%dma_wait3A_93 : memref<80x128xf32, #tpu.memory_space<vmem>>)
      %add3A_104 = arith.constant 1 : i32
      %add3A_105 = arith.addi %add3A_89, %add3A_104 : i32
      %lt3A_106 = arith.constant 250 : i32
      %lt3A_107 = arith.cmpi slt, %add3A_105, %lt3A_106 : i32
      %convert_element_type3A_108 = arith.extui %lt3A_107 : i1 to i32
      %cond3A_109 = arith.constant 0 : i32
      %cond3A_110 = arith.cmpi ne, %convert_element_type3A_108, %cond3A_109 : i32
      scf.if %cond3A_110 {
        %add3A_140 = arith.constant 1 : i32
        %add3A_141 = arith.addi %add3A_89, %add3A_140 : i32
        %dma_start3A_142 = arith.constant 1 : i32
        %dma_start3A_143 = arith.constant 0 : i32
        %dma_start3A_144 = arith.constant 0 : i32
        %dma_start3A_145 = tpu.memref_slice %arg8[%dma_start3A_142, %dma_start3A_143, %dma_start3A_144] : memref<2x80x128xf32, #tpu.memory_space<vmem>> -> memref<1x80x128xf32, #tpu.memory_space<vmem>>
        %dma_start3A_146 = tpu.memref_squeeze %dma_start3A_145 : memref<1x80x128xf32, #tpu.memory_space<vmem>> -> memref<80x128xf32, #tpu.memory_space<vmem>>
        %dma_start3A_147 = arith.constant 0 : i32
        %dma_start3A_148 = tpu.memref_slice %arg6[%add3A_141, %dma_start3A_147] : memref<250x80xi32, #tpu.memory_space<vmem>> -> memref<1x80xi32, #tpu.memory_space<vmem>>
        %dma_start3A_149 = tpu.memref_squeeze %dma_start3A_148 : memref<1x80xi32, #tpu.memory_space<vmem>> -> memref<80xi32, #tpu.memory_space<vmem>>
        %dma_start3A_150 = arith.constant 0 : i32
        %dma_start3A_151 = arith.constant 0 : i32
        %dma_start3A_152 = tpu.memref_slice %arg2[%arg0, %dma_start3A_150, %dma_start3A_151] : memref<2x10240x128xf32, #tpu.memory_space<hbm>> -> memref<1x10240x128xf32, #tpu.memory_space<hbm>>
        %dma_start3A_153 = tpu.memref_squeeze %dma_start3A_152 : memref<1x10240x128xf32, #tpu.memory_space<hbm>> -> memref<10240x128xf32, #tpu.memory_space<hbm>>
        %dma_start3A_154 = arith.constant 0 : i32
        %dma_start3A_155 = arith.constant 0 : i32
        %dma_start3A_156 = tpu.memref_slice %dma_start3A_153[%dma_start3A_154, %dma_start3A_155] : memref<10240x128xf32, #tpu.memory_space<hbm>> -> memref<10240x128xf32, #tpu.memory_space<hbm>>
        tpu.enqueue_indirect_dma source(%dma_start3A_156 : memref<10240x128xf32, #tpu.memory_space<hbm>>) target(%dma_start3A_146 : memref<80x128xf32, #tpu.memory_space<vmem>>) offsets(%dma_start3A_149 : memref<80xi32, #tpu.memory_space<vmem>>) semaphore(%arg10 : memref<!tpu.dma_semaphore, #tpu.memory_space<semaphore_mem>>)
      } else {
      }
      %run_scoped3A_111 = arith.constant 0 : i32
      "tpu.region"() ({
        %run_scoped3A_140 = tpu.sem_alloc : memref<!tpu.dma_semaphore, #tpu.memory_space<semaphore_mem>>
        %dma_start3A_141 = arith.constant 0 : i32
        %dma_start3A_142 = arith.constant 0 : i32
        %dma_start3A_143 = tpu.memref_slice %arg8[%run_scoped3A_111, %dma_start3A_141, %dma_start3A_142] : memref<2x80x128xf32, #tpu.memory_space<vmem>> -> memref<1x80x128xf32, #tpu.memory_space<vmem>>
        %dma_start3A_144 = tpu.memref_squeeze %dma_start3A_143 : memref<1x80x128xf32, #tpu.memory_space<vmem>> -> memref<80x128xf32, #tpu.memory_space<vmem>>
        %dma_start3A_145 = arith.constant 0 : i32
        %dma_start3A_146 = tpu.memref_slice %arg7[%add3A_89, %dma_start3A_145] : memref<250x80xi32, #tpu.memory_space<vmem>> -> memref<1x80xi32, #tpu.memory_space<vmem>>
        %dma_start3A_147 = tpu.memref_squeeze %dma_start3A_146 : memref<1x80xi32, #tpu.memory_space<vmem>> -> memref<80xi32, #tpu.memory_space<vmem>>
        %dma_start3A_148 = arith.constant 0 : i32
        %dma_start3A_149 = arith.constant 0 : i32
        %dma_start3A_150 = tpu.memref_slice %arg9[%dma_start3A_148, %dma_start3A_149] : memref<5024x128xf32, #tpu.memory_space<vmem_shared>> -> memref<5024x128xf32, #tpu.memory_space<vmem_shared>>
        tpu.enqueue_indirect_dma source(%dma_start3A_144 : memref<80x128xf32, #tpu.memory_space<vmem>>) target(%dma_start3A_150 : memref<5024x128xf32, #tpu.memory_space<vmem_shared>>) offsets(%dma_start3A_147 : memref<80xi32, #tpu.memory_space<vmem>>) semaphore(%run_scoped3A_140 : memref<!tpu.dma_semaphore, #tpu.memory_space<semaphore_mem>>) {add = true}
        %dma_wait3A_151 = arith.constant 0 : i32
        %dma_wait3A_152 = arith.constant 0 : i32
        %dma_wait3A_153 = tpu.memref_slice %arg8[%run_scoped3A_111, %dma_wait3A_151, %dma_wait3A_152] : memref<2x80x128xf32, #tpu.memory_space<vmem>> -> memref<1x80x128xf32, #tpu.memory_space<vmem>>
        %dma_wait3A_154 = tpu.memref_squeeze %dma_wait3A_153 : memref<1x80x128xf32, #tpu.memory_space<vmem>> -> memref<80x128xf32, #tpu.memory_space<vmem>>
        %dma_wait3A_155 = arith.constant 0 : i32
        %dma_wait3A_156 = tpu.memref_slice %arg7[%add3A_89, %dma_wait3A_155] : memref<250x80xi32, #tpu.memory_space<vmem>> -> memref<1x80xi32, #tpu.memory_space<vmem>>
        %dma_wait3A_157 = tpu.memref_squeeze %dma_wait3A_156 : memref<1x80xi32, #tpu.memory_space<vmem>> -> memref<80xi32, #tpu.memory_space<vmem>>
        %dma_wait3A_158 = arith.constant 0 : i32
        %dma_wait3A_159 = arith.constant 0 : i32
        %dma_wait3A_160 = tpu.memref_slice %arg9[%dma_wait3A_158, %dma_wait3A_159] : memref<5024x128xf32, #tpu.memory_space<vmem_shared>> -> memref<5024x128xf32, #tpu.memory_space<vmem_shared>>
        tpu.wait_indirect_dma semaphore(%run_scoped3A_140 : memref<!tpu.dma_semaphore, #tpu.memory_space<semaphore_mem>>) src(%dma_wait3A_154 : memref<80x128xf32, #tpu.memory_space<vmem>>) dst(%dma_wait3A_160 : memref<5024x128xf32, #tpu.memory_space<vmem_shared>>)
        tpu.yield
      }) : () -> ()
      %mul3A_112 = arith.constant 2 : i32
      %mul3A_113 = arith.muli %scan3A_86, %mul3A_112 : i32
      %add3A_114 = arith.constant 1 : i32
      %add3A_115 = arith.addi %mul3A_113, %add3A_114 : i32
      %dma_wait3A_116 = arith.constant 1 : i32
      %dma_wait3A_117 = arith.constant 0 : i32
      %dma_wait3A_118 = arith.constant 0 : i32
      %dma_wait3A_119 = tpu.memref_slice %arg8[%dma_wait3A_116, %dma_wait3A_117, %dma_wait3A_118] : memref<2x80x128xf32, #tpu.memory_space<vmem>> -> memref<1x80x128xf32, #tpu.memory_space<vmem>>
      %dma_wait3A_120 = tpu.memref_squeeze %dma_wait3A_119 : memref<1x80x128xf32, #tpu.memory_space<vmem>> -> memref<80x128xf32, #tpu.memory_space<vmem>>
      %dma_wait3A_121 = arith.constant 0 : i32
      %dma_wait3A_122 = tpu.memref_slice %arg6[%add3A_115, %dma_wait3A_121] : memref<250x80xi32, #tpu.memory_space<vmem>> -> memref<1x80xi32, #tpu.memory_space<vmem>>
      %dma_wait3A_123 = tpu.memref_squeeze %dma_wait3A_122 : memref<1x80xi32, #tpu.memory_space<vmem>> -> memref<80xi32, #tpu.memory_space<vmem>>
      %dma_wait3A_124 = arith.constant 0 : i32
      %dma_wait3A_125 = arith.constant 0 : i32
      %dma_wait3A_126 = tpu.memref_slice %arg2[%arg0, %dma_wait3A_124, %dma_wait3A_125] : memref<2x10240x128xf32, #tpu.memory_space<hbm>> -> memref<1x10240x128xf32, #tpu.memory_space<hbm>>
      %dma_wait3A_127 = tpu.memref_squeeze %dma_wait3A_126 : memref<1x10240x128xf32, #tpu.memory_space<hbm>> -> memref<10240x128xf32, #tpu.memory_space<hbm>>
      %dma_wait3A_128 = arith.constant 0 : i32
      %dma_wait3A_129 = arith.constant 0 : i32
      %dma_wait3A_130 = tpu.memref_slice %dma_wait3A_127[%dma_wait3A_128, %dma_wait3A_129] : memref<10240x128xf32, #tpu.memory_space<hbm>> -> memref<10240x128xf32, #tpu.memory_space<hbm>>
      tpu.wait_indirect_dma semaphore(%arg10 : memref<!tpu.dma_semaphore, #tpu.memory_space<semaphore_mem>>) src(%dma_wait3A_130 : memref<10240x128xf32, #tpu.memory_space<hbm>>) dst(%dma_wait3A_120 : memref<80x128xf32, #tpu.memory_space<vmem>>)
      %add3A_131 = arith.constant 1 : i32
      %add3A_132 = arith.addi %add3A_115, %add3A_131 : i32
      %lt3A_133 = arith.constant 250 : i32
      %lt3A_134 = arith.cmpi slt, %add3A_132, %lt3A_133 : i32
      %convert_element_type3A_135 = arith.extui %lt3A_134 : i1 to i32
      %cond3A_136 = arith.constant 0 : i32
      %cond3A_137 = arith.cmpi ne, %convert_element_type3A_135, %cond3A_136 : i32
      scf.if %cond3A_137 {
        %add3A_140 = arith.constant 1 : i32
        %add3A_141 = arith.addi %add3A_115, %add3A_140 : i32
        %dma_start3A_142 = arith.constant 0 : i32
        %dma_start3A_143 = arith.constant 0 : i32
        %dma_start3A_144 = arith.constant 0 : i32
        %dma_start3A_145 = tpu.memref_slice %arg8[%dma_start3A_142, %dma_start3A_143, %dma_start3A_144] : memref<2x80x128xf32, #tpu.memory_space<vmem>> -> memref<1x80x128xf32, #tpu.memory_space<vmem>>
        %dma_start3A_146 = tpu.memref_squeeze %dma_start3A_145 : memref<1x80x128xf32, #tpu.memory_space<vmem>> -> memref<80x128xf32, #tpu.memory_space<vmem>>
        %dma_start3A_147 = arith.constant 0 : i32
        %dma_start3A_148 = tpu.memref_slice %arg6[%add3A_141, %dma_start3A_147] : memref<250x80xi32, #tpu.memory_space<vmem>> -> memref<1x80xi32, #tpu.memory_space<vmem>>
        %dma_start3A_149 = tpu.memref_squeeze %dma_start3A_148 : memref<1x80xi32, #tpu.memory_space<vmem>> -> memref<80xi32, #tpu.memory_space<vmem>>
        %dma_start3A_150 = arith.constant 0 : i32
        %dma_start3A_151 = arith.constant 0 : i32
        %dma_start3A_152 = tpu.memref_slice %arg2[%arg0, %dma_start3A_150, %dma_start3A_151] : memref<2x10240x128xf32, #tpu.memory_space<hbm>> -> memref<1x10240x128xf32, #tpu.memory_space<hbm>>
        %dma_start3A_153 = tpu.memref_squeeze %dma_start3A_152 : memref<1x10240x128xf32, #tpu.memory_space<hbm>> -> memref<10240x128xf32, #tpu.memory_space<hbm>>
        %dma_start3A_154 = arith.constant 0 : i32
        %dma_start3A_155 = arith.constant 0 : i32
        %dma_start3A_156 = tpu.memref_slice %dma_start3A_153[%dma_start3A_154, %dma_start3A_155] : memref<10240x128xf32, #tpu.memory_space<hbm>> -> memref<10240x128xf32, #tpu.memory_space<hbm>>
        tpu.enqueue_indirect_dma source(%dma_start3A_156 : memref<10240x128xf32, #tpu.memory_space<hbm>>) target(%dma_start3A_146 : memref<80x128xf32, #tpu.memory_space<vmem>>) offsets(%dma_start3A_149 : memref<80xi32, #tpu.memory_space<vmem>>) semaphore(%arg10 : memref<!tpu.dma_semaphore, #tpu.memory_space<semaphore_mem>>)
      } else {
      }
      %run_scoped3A_138 = arith.constant 1 : i32
      "tpu.region"() ({
        %run_scoped3A_140 = tpu.sem_alloc : memref<!tpu.dma_semaphore, #tpu.memory_space<semaphore_mem>>
        %dma_start3A_141 = arith.constant 0 : i32
        %dma_start3A_142 = arith.constant 0 : i32
        %dma_start3A_143 = tpu.memref_slice %arg8[%run_scoped3A_138, %dma_start3A_141, %dma_start3A_142] : memref<2x80x128xf32, #tpu.memory_space<vmem>> -> memref<1x80x128xf32, #tpu.memory_space<vmem>>
        %dma_start3A_144 = tpu.memref_squeeze %dma_start3A_143 : memref<1x80x128xf32, #tpu.memory_space<vmem>> -> memref<80x128xf32, #tpu.memory_space<vmem>>
        %dma_start3A_145 = arith.constant 0 : i32
        %dma_start3A_146 = tpu.memref_slice %arg7[%add3A_115, %dma_start3A_145] : memref<250x80xi32, #tpu.memory_space<vmem>> -> memref<1x80xi32, #tpu.memory_space<vmem>>
        %dma_start3A_147 = tpu.memref_squeeze %dma_start3A_146 : memref<1x80xi32, #tpu.memory_space<vmem>> -> memref<80xi32, #tpu.memory_space<vmem>>
        %dma_start3A_148 = arith.constant 0 : i32
        %dma_start3A_149 = arith.constant 0 : i32
        %dma_start3A_150 = tpu.memref_slice %arg9[%dma_start3A_148, %dma_start3A_149] : memref<5024x128xf32, #tpu.memory_space<vmem_shared>> -> memref<5024x128xf32, #tpu.memory_space<vmem_shared>>
        tpu.enqueue_indirect_dma source(%dma_start3A_144 : memref<80x128xf32, #tpu.memory_space<vmem>>) target(%dma_start3A_150 : memref<5024x128xf32, #tpu.memory_space<vmem_shared>>) offsets(%dma_start3A_147 : memref<80xi32, #tpu.memory_space<vmem>>) semaphore(%run_scoped3A_140 : memref<!tpu.dma_semaphore, #tpu.memory_space<semaphore_mem>>) {add = true}
        %dma_wait3A_151 = arith.constant 0 : i32
        %dma_wait3A_152 = arith.constant 0 : i32
        %dma_wait3A_153 = tpu.memref_slice %arg8[%run_scoped3A_138, %dma_wait3A_151, %dma_wait3A_152] : memref<2x80x128xf32, #tpu.memory_space<vmem>> -> memref<1x80x128xf32, #tpu.memory_space<vmem>>
        %dma_wait3A_154 = tpu.memref_squeeze %dma_wait3A_153 : memref<1x80x128xf32, #tpu.memory_space<vmem>> -> memref<80x128xf32, #tpu.memory_space<vmem>>
        %dma_wait3A_155 = arith.constant 0 : i32
        %dma_wait3A_156 = tpu.memref_slice %arg7[%add3A_115, %dma_wait3A_155] : memref<250x80xi32, #tpu.memory_space<vmem>> -> memref<1x80xi32, #tpu.memory_space<vmem>>
        %dma_wait3A_157 = tpu.memref_squeeze %dma_wait3A_156 : memref<1x80xi32, #tpu.memory_space<vmem>> -> memref<80xi32, #tpu.memory_space<vmem>>
        %dma_wait3A_158 = arith.constant 0 : i32
        %dma_wait3A_159 = arith.constant 0 : i32
        %dma_wait3A_160 = tpu.memref_slice %arg9[%dma_wait3A_158, %dma_wait3A_159] : memref<5024x128xf32, #tpu.memory_space<vmem_shared>> -> memref<5024x128xf32, #tpu.memory_space<vmem_shared>>
        tpu.wait_indirect_dma semaphore(%run_scoped3A_140 : memref<!tpu.dma_semaphore, #tpu.memory_space<semaphore_mem>>) src(%dma_wait3A_154 : memref<80x128xf32, #tpu.memory_space<vmem>>) dst(%dma_wait3A_160 : memref<5024x128xf32, #tpu.memory_space<vmem_shared>>)
        tpu.yield
      }) : () -> ()
      %scan3A_139 = arith.constant 0 : i32
      scf.yield %scan3A_139 : i32
    }
    %scan3A_73 = arith.constant 125 : i32
    %barrier3A_74 = arith.constant 0 : index
    tpu.barrier barrier_id(%barrier3A_74)
    %lt3A_75 = arith.constant 15 : i32
    %lt3A_76 = arith.cmpi slt, %arg1, %lt3A_75 : i32
    %convert_element_type3A_77 = arith.extui %lt3A_76 : i1 to i32
    %cond3A_78 = arith.constant 0 : i32
    %cond3A_79 = arith.cmpi ne, %convert_element_type3A_77, %cond3A_78 : i32
    scf.if %cond3A_79 {
      %mul3A = arith.constant 312 : i32
      %mul3A_86 = arith.muli %arg1, %mul3A : i32
      %mul3A_87 = arith.constant 312 : i32
      %mul3A_88 = arith.muli %arg1, %mul3A_87 : i32
      %add3A = arith.constant 5016 : i32
      %add3A_89 = arith.addi %add3A, %mul3A_88 : i32
      "tpu.region"() ({
        %run_scoped3A_90 = tpu.sem_alloc : memref<!tpu.dma_semaphore, #tpu.memory_space<semaphore_mem>>
        %dma_start3A_91 = arith.constant 0 : i32
        %dma_start3A_92 = arith.constant 0 : i32
        %dma_start3A_93 = tpu.memref_slice %arg5[%arg0, %dma_start3A_91, %dma_start3A_92] : memref<2x10240x128xf32, #tpu.memory_space<hbm>> -> memref<1x10240x128xf32, #tpu.memory_space<hbm>>
        %dma_start3A_94 = tpu.memref_squeeze %dma_start3A_93 : memref<1x10240x128xf32, #tpu.memory_space<hbm>> -> memref<10240x128xf32, #tpu.memory_space<hbm>>
        %dma_start3A_95 = arith.constant 0 : i32
        %dma_start3A_96 = tpu.memref_slice %dma_start3A_94[%add3A_89, %dma_start3A_95] : memref<10240x128xf32, #tpu.memory_space<hbm>> -> memref<312x128xf32, #tpu.memory_space<hbm>>
        %dma_start3A_97 = arith.constant 0 : i32
        %dma_start3A_98 = tpu.memref_slice %arg9[%mul3A_86, %dma_start3A_97] : memref<5024x128xf32, #tpu.memory_space<vmem_shared>> -> memref<312x128xf32, #tpu.memory_space<vmem_shared>>
        tpu.enqueue_dma source(%dma_start3A_98 : memref<312x128xf32, #tpu.memory_space<vmem_shared>>) target(%dma_start3A_96 : memref<312x128xf32, #tpu.memory_space<hbm>>) target_semaphore(%run_scoped3A_90 : memref<!tpu.dma_semaphore, #tpu.memory_space<semaphore_mem>>)
        %dma_wait3A = arith.constant 0 : i32
        %dma_wait3A_99 = arith.constant 0 : i32
        %dma_wait3A_100 = tpu.memref_slice %arg5[%arg0, %dma_wait3A, %dma_wait3A_99] : memref<2x10240x128xf32, #tpu.memory_space<hbm>> -> memref<1x10240x128xf32, #tpu.memory_space<hbm>>
        %dma_wait3A_101 = tpu.memref_squeeze %dma_wait3A_100 : memref<1x10240x128xf32, #tpu.memory_space<hbm>> -> memref<10240x128xf32, #tpu.memory_space<hbm>>
        %dma_wait3A_102 = arith.constant 0 : i32
        %dma_wait3A_103 = tpu.memref_slice %dma_wait3A_101[%add3A_89, %dma_wait3A_102] : memref<10240x128xf32, #tpu.memory_space<hbm>> -> memref<312x128xf32, #tpu.memory_space<hbm>>
        %dma_wait3A_104 = arith.constant 0 : i32
        %dma_wait3A_105 = tpu.memref_slice %arg9[%mul3A_86, %dma_wait3A_104] : memref<5024x128xf32, #tpu.memory_space<vmem_shared>> -> memref<312x128xf32, #tpu.memory_space<vmem_shared>>
        tpu.wait_dma2 semaphore(%run_scoped3A_90 : memref<!tpu.dma_semaphore, #tpu.memory_space<semaphore_mem>>) src(%dma_wait3A_105 : memref<312x128xf32, #tpu.memory_space<vmem_shared>>) dst(%dma_wait3A_103 : memref<312x128xf32, #tpu.memory_space<hbm>>)
        tpu.yield
      }) : () -> ()
    } else {
    }
    %eq3A_80 = arith.constant 15 : i32
    %eq3A_81 = arith.cmpi eq, %arg1, %eq3A_80 : i32
    %convert_element_type3A_82 = arith.extui %eq3A_81 : i1 to i32
    %cond3A_83 = arith.constant 0 : i32
    %cond3A_84 = arith.cmpi ne, %convert_element_type3A_82, %cond3A_83 : i32
    scf.if %cond3A_84 {
      "tpu.region"() ({
        %run_scoped3A_86 = tpu.sem_alloc : memref<!tpu.dma_semaphore, #tpu.memory_space<semaphore_mem>>
        %dma_start3A_87 = arith.constant 0 : i32
        %dma_start3A_88 = arith.constant 0 : i32
        %dma_start3A_89 = tpu.memref_slice %arg5[%arg0, %dma_start3A_87, %dma_start3A_88] : memref<2x10240x128xf32, #tpu.memory_space<hbm>> -> memref<1x10240x128xf32, #tpu.memory_space<hbm>>
        %dma_start3A_90 = tpu.memref_squeeze %dma_start3A_89 : memref<1x10240x128xf32, #tpu.memory_space<hbm>> -> memref<10240x128xf32, #tpu.memory_space<hbm>>
        %dma_start3A_91 = arith.constant 9696 : i32
        %dma_start3A_92 = arith.constant 0 : i32
        %dma_start3A_93 = tpu.memref_slice %dma_start3A_90[%dma_start3A_91, %dma_start3A_92] : memref<10240x128xf32, #tpu.memory_space<hbm>> -> memref<336x128xf32, #tpu.memory_space<hbm>>
        %dma_start3A_94 = arith.constant 4680 : i32
        %dma_start3A_95 = arith.constant 0 : i32
        %dma_start3A_96 = tpu.memref_slice %arg9[%dma_start3A_94, %dma_start3A_95] : memref<5024x128xf32, #tpu.memory_space<vmem_shared>> -> memref<336x128xf32, #tpu.memory_space<vmem_shared>>
        tpu.enqueue_dma source(%dma_start3A_96 : memref<336x128xf32, #tpu.memory_space<vmem_shared>>) target(%dma_start3A_93 : memref<336x128xf32, #tpu.memory_space<hbm>>) target_semaphore(%run_scoped3A_86 : memref<!tpu.dma_semaphore, #tpu.memory_space<semaphore_mem>>)
        %dma_wait3A = arith.constant 0 : i32
        %dma_wait3A_97 = arith.constant 0 : i32
        %dma_wait3A_98 = tpu.memref_slice %arg5[%arg0, %dma_wait3A, %dma_wait3A_97] : memref<2x10240x128xf32, #tpu.memory_space<hbm>> -> memref<1x10240x128xf32, #tpu.memory_space<hbm>>
        %dma_wait3A_99 = tpu.memref_squeeze %dma_wait3A_98 : memref<1x10240x128xf32, #tpu.memory_space<hbm>> -> memref<10240x128xf32, #tpu.memory_space<hbm>>
        %dma_wait3A_100 = arith.constant 9696 : i32
        %dma_wait3A_101 = arith.constant 0 : i32
        %dma_wait3A_102 = tpu.memref_slice %dma_wait3A_99[%dma_wait3A_100, %dma_wait3A_101] : memref<10240x128xf32, #tpu.memory_space<hbm>> -> memref<336x128xf32, #tpu.memory_space<hbm>>
        %dma_wait3A_103 = arith.constant 4680 : i32
        %dma_wait3A_104 = arith.constant 0 : i32
        %dma_wait3A_105 = tpu.memref_slice %arg9[%dma_wait3A_103, %dma_wait3A_104] : memref<5024x128xf32, #tpu.memory_space<vmem_shared>> -> memref<336x128xf32, #tpu.memory_space<vmem_shared>>
        tpu.wait_dma2 semaphore(%run_scoped3A_86 : memref<!tpu.dma_semaphore, #tpu.memory_space<semaphore_mem>>) src(%dma_wait3A_105 : memref<336x128xf32, #tpu.memory_space<vmem_shared>>) dst(%dma_wait3A_102 : memref<336x128xf32, #tpu.memory_space<hbm>>)
        tpu.yield
      }) : () -> ()
    } else {
    }
    %barrier3A_85 = arith.constant 0 : index
    tpu.barrier barrier_id(%barrier3A_85)
    return
  }
}

module attributes {stable_mosaic.version = 14 : i64} {
  func.func @_encoder_body(%arg0: i32, %arg1: memref<1024x128xf32, #tpu.memory_space<vmem>>, %arg2: memref<128x256xf32, #tpu.memory_space<vmem>>, %arg3: memref<1x256xf32, #tpu.memory_space<vmem>>, %arg4: memref<2x1024x128xf32, #tpu.memory_space<vmem>>) attributes {dimension_semantics = [#tpu.dimension_semantics<arbitrary>], iteration_bounds = array<i64: 10>, scalar_prefetch = 0 : i64, scratch_operands = 0 : i64, tpu.core_type = #tpu.core_type<tc>, window_params = [{transform_indices = @transform_0, window_bounds = array<i64: 1024, 128>}, {pipeline_mode = #tpu.pipeline_mode<synchronous>, transform_indices = @transform_1, window_bounds = array<i64: 128, 256>}, {pipeline_mode = #tpu.pipeline_mode<synchronous>, transform_indices = @transform_2, window_bounds = array<i64: 1, 256>}, {transform_indices = @transform_3, window_bounds = array<i64: 2, 1024, 128>}]} {
    %get3A = arith.constant 0 : index
    %get3A_0 = arith.constant 0 : index
    %get3A_1 = vector.load %arg1[%get3A, %get3A_0] : memref<1024x128xf32, #tpu.memory_space<vmem>>, vector<1024x128xf32>
    %get3A_2 = arith.constant 0 : index
    %get3A_3 = arith.constant 0 : index
    %get3A_4 = vector.load %arg2[%get3A_2, %get3A_3] : memref<128x256xf32, #tpu.memory_space<vmem>>, vector<128x256xf32>
    %dot_general3A = arith.constant dense<0.000000e+00> : vector<1024x256xf32>
    %dot_general3A_5 = tpu.matmul %get3A_1, %get3A_4, %dot_general3A {dimension_numbers = #tpu.dot_dimension_numbers<[1], [0], [0], [1], [0, 0, 1, 1], [], []>, transpose_lhs_hint = false} : vector<1024x128xf32>, vector<128x256xf32>, vector<1024x256xf32> -> vector<1024x256xf32>
    %get3A_6 = arith.constant 0 : index
    %get3A_7 = arith.constant 0 : index
    %get3A_8 = vector.load %arg3[%get3A_6, %get3A_7] : memref<1x256xf32, #tpu.memory_space<vmem>>, vector<1x256xf32>
    %add3A = vector.broadcast %get3A_8 : vector<1x256xf32> to vector<1024x256xf32>
    %add3A_9 = arith.addf %dot_general3A_5, %add3A : vector<1024x256xf32>
    %max3A = arith.constant 0.000000e+00 : f32
    %max3A_10 = vector.broadcast %max3A : f32 to vector<1024x256xf32>
    %max3A_11 = arith.maximumf %add3A_9, %max3A_10 : vector<1024x256xf32>
    %slice3A = vector.extract_strided_slice %max3A_11 {offsets = [0, 0], sizes = [1024, 128], strides = [1, 1]} : vector<1024x256xf32> to vector<1024x128xf32>
    %slice3A_12 = vector.extract_strided_slice %max3A_11 {offsets = [0, 128], sizes = [1024, 128], strides = [1, 1]} : vector<1024x256xf32> to vector<1024x128xf32>
    %swap3A = arith.constant 0 : index
    %swap3A_13 = arith.constant 0 : index
    %swap3A_14 = arith.constant 0 : index
    %swap3A_15 = vector.load %arg4[%swap3A, %swap3A_13, %swap3A_14] : memref<2x1024x128xf32, #tpu.memory_space<vmem>>, vector<1x1024x128xf32>
    %swap3A_16 = vector.shape_cast %swap3A_15 : vector<1x1024x128xf32> to vector<1024x128xf32>
    %swap3A_17 = vector.shape_cast %slice3A : vector<1024x128xf32> to vector<1x1024x128xf32>
    tpu.vector_store %arg4[%swap3A, %swap3A_13, %swap3A_14], %swap3A_17 {strides = array<i32>} : memref<2x1024x128xf32, #tpu.memory_space<vmem>>, vector<1x1024x128xf32>,
    %swap3A_18 = arith.constant 1 : index
    %swap3A_19 = arith.constant 0 : index
    %swap3A_20 = arith.constant 0 : index
    %swap3A_21 = vector.load %arg4[%swap3A_18, %swap3A_19, %swap3A_20] : memref<2x1024x128xf32, #tpu.memory_space<vmem>>, vector<1x1024x128xf32>
    %swap3A_22 = vector.shape_cast %swap3A_21 : vector<1x1024x128xf32> to vector<1024x128xf32>
    %swap3A_23 = vector.shape_cast %slice3A_12 : vector<1024x128xf32> to vector<1x1024x128xf32>
    tpu.vector_store %arg4[%swap3A_18, %swap3A_19, %swap3A_20], %swap3A_23 {strides = array<i32>} : memref<2x1024x128xf32, #tpu.memory_space<vmem>>, vector<1x1024x128xf32>,
    return
  }
  func.func @transform_0(%arg0: i32) -> (i32, i32) {
    %c0_i32 = arith.constant 0 : i32
    %c0_i32_0 = arith.constant 0 : i32
    return %arg0, %c0_i32 : i32, i32
  }
  func.func @transform_1(%arg0: i32) -> (i32, i32) {
    %c0_i32 = arith.constant 0 : i32
    %c0_i32_0 = arith.constant 0 : i32
    %c0_i32_1 = arith.constant 0 : i32
    return %c0_i32, %c0_i32_0 : i32, i32
  }
  func.func @transform_2(%arg0: i32) -> (i32, i32) {
    %c0_i32 = arith.constant 0 : i32
    %c0_i32_0 = arith.constant 0 : i32
    %c0_i32_1 = arith.constant 0 : i32
    return %c0_i32, %c0_i32_0 : i32, i32
  }
  func.func @transform_3(%arg0: i32) -> (i32, i32, i32) {
    %c0_i32 = arith.constant 0 : i32
    %c0_i32_0 = arith.constant 0 : i32
    %c0_i32_1 = arith.constant 0 : i32
    return %c0_i32, %arg0, %c0_i32_0 : i32, i32, i32
  }
}

module attributes {stable_mosaic.version = 14 : i64} {
  func.func @_mlp_body(%arg0: i32, %arg1: memref<2x1024x128xf32, #tpu.memory_space<vmem>>, %arg2: memref<256x256xf32, #tpu.memory_space<vmem>>, %arg3: memref<1x256xf32, #tpu.memory_space<vmem>>, %arg4: memref<256x256xf32, #tpu.memory_space<vmem>>, %arg5: memref<1x256xf32, #tpu.memory_space<vmem>>, %arg6: memref<2x1024x128xf32, #tpu.memory_space<vmem>>) attributes {dimension_semantics = [#tpu.dimension_semantics<arbitrary>], iteration_bounds = array<i64: 10>, scalar_prefetch = 0 : i64, scratch_operands = 0 : i64, tpu.core_type = #tpu.core_type<tc>, window_params = [{transform_indices = @transform_0, window_bounds = array<i64: 2, 1024, 128>}, {pipeline_mode = #tpu.pipeline_mode<synchronous>, transform_indices = @transform_1, window_bounds = array<i64: 256, 256>}, {pipeline_mode = #tpu.pipeline_mode<synchronous>, transform_indices = @transform_2, window_bounds = array<i64: 1, 256>}, {pipeline_mode = #tpu.pipeline_mode<synchronous>, transform_indices = @transform_3, window_bounds = array<i64: 256, 256>}, {pipeline_mode = #tpu.pipeline_mode<synchronous>, transform_indices = @transform_4, window_bounds = array<i64: 1, 256>}, {transform_indices = @transform_5, window_bounds = array<i64: 2, 1024, 128>}]} {
    %get3A = arith.constant 0 : index
    %get3A_0 = arith.constant 0 : index
    %get3A_1 = vector.load %arg2[%get3A, %get3A_0] : memref<256x256xf32, #tpu.memory_space<vmem>>, vector<256x256xf32>
    %get3A_2 = arith.constant 0 : index
    %get3A_3 = arith.constant 0 : index
    %get3A_4 = arith.constant 0 : index
    %get3A_5 = vector.load %arg1[%get3A_2, %get3A_3, %get3A_4] : memref<2x1024x128xf32, #tpu.memory_space<vmem>>, vector<1x1024x128xf32>
    %get3A_6 = vector.shape_cast %get3A_5 : vector<1x1024x128xf32> to vector<1024x128xf32>
    %slice3A = vector.extract_strided_slice %get3A_1 {offsets = [0, 0], sizes = [128, 256], strides = [1, 1]} : vector<256x256xf32> to vector<128x256xf32>
    %dot_general3A = arith.constant dense<0.000000e+00> : vector<1024x256xf32>
    %dot_general3A_7 = tpu.matmul %get3A_6, %slice3A, %dot_general3A {dimension_numbers = #tpu.dot_dimension_numbers<[1], [0], [0], [1], [0, 0, 1, 1], [], []>, transpose_lhs_hint = false} : vector<1024x128xf32>, vector<128x256xf32>, vector<1024x256xf32> -> vector<1024x256xf32>
    %get3A_8 = arith.constant 1 : index
    %get3A_9 = arith.constant 0 : index
    %get3A_10 = arith.constant 0 : index
    %get3A_11 = vector.load %arg1[%get3A_8, %get3A_9, %get3A_10] : memref<2x1024x128xf32, #tpu.memory_space<vmem>>, vector<1x1024x128xf32>
    %get3A_12 = vector.shape_cast %get3A_11 : vector<1x1024x128xf32> to vector<1024x128xf32>
    %slice3A_13 = vector.extract_strided_slice %get3A_1 {offsets = [128, 0], sizes = [128, 256], strides = [1, 1]} : vector<256x256xf32> to vector<128x256xf32>
    %dot_general3A_14 = arith.constant dense<0.000000e+00> : vector<1024x256xf32>
    %dot_general3A_15 = tpu.matmul %get3A_12, %slice3A_13, %dot_general3A_14 {dimension_numbers = #tpu.dot_dimension_numbers<[1], [0], [0], [1], [0, 0, 1, 1], [], []>, transpose_lhs_hint = false} : vector<1024x128xf32>, vector<128x256xf32>, vector<1024x256xf32> -> vector<1024x256xf32>
    %add3A = arith.addf %dot_general3A_7, %dot_general3A_15 : vector<1024x256xf32>
    %get3A_16 = arith.constant 0 : index
    %get3A_17 = arith.constant 0 : index
    %get3A_18 = vector.load %arg3[%get3A_16, %get3A_17] : memref<1x256xf32, #tpu.memory_space<vmem>>, vector<1x256xf32>
    %add3A_19 = vector.broadcast %get3A_18 : vector<1x256xf32> to vector<1024x256xf32>
    %add3A_20 = arith.addf %add3A, %add3A_19 : vector<1024x256xf32>
    %max3A = arith.constant 0.000000e+00 : f32
    %max3A_21 = vector.broadcast %max3A : f32 to vector<1024x256xf32>
    %max3A_22 = arith.maximumf %add3A_20, %max3A_21 : vector<1024x256xf32>
    %get3A_23 = arith.constant 0 : index
    %get3A_24 = arith.constant 0 : index
    %get3A_25 = vector.load %arg4[%get3A_23, %get3A_24] : memref<256x256xf32, #tpu.memory_space<vmem>>, vector<256x256xf32>
    %dot_general3A_26 = arith.constant dense<0.000000e+00> : vector<1024x256xf32>
    %dot_general3A_27 = tpu.matmul %max3A_22, %get3A_25, %dot_general3A_26 {dimension_numbers = #tpu.dot_dimension_numbers<[1], [0], [0], [1], [0, 0, 1, 1], [], []>, transpose_lhs_hint = false} : vector<1024x256xf32>, vector<256x256xf32>, vector<1024x256xf32> -> vector<1024x256xf32>
    %get3A_28 = arith.constant 0 : index
    %get3A_29 = arith.constant 0 : index
    %get3A_30 = vector.load %arg5[%get3A_28, %get3A_29] : memref<1x256xf32, #tpu.memory_space<vmem>>, vector<1x256xf32>
    %add3A_31 = vector.broadcast %get3A_30 : vector<1x256xf32> to vector<1024x256xf32>
    %add3A_32 = arith.addf %dot_general3A_27, %add3A_31 : vector<1024x256xf32>
    %max3A_33 = arith.constant 0.000000e+00 : f32
    %max3A_34 = vector.broadcast %max3A_33 : f32 to vector<1024x256xf32>
    %max3A_35 = arith.maximumf %add3A_32, %max3A_34 : vector<1024x256xf32>
    %slice3A_36 = vector.extract_strided_slice %max3A_35 {offsets = [0, 0], sizes = [1024, 128], strides = [1, 1]} : vector<1024x256xf32> to vector<1024x128xf32>
    %slice3A_37 = vector.extract_strided_slice %max3A_35 {offsets = [0, 128], sizes = [1024, 128], strides = [1, 1]} : vector<1024x256xf32> to vector<1024x128xf32>
    %swap3A = arith.constant 0 : index
    %swap3A_38 = arith.constant 0 : index
    %swap3A_39 = arith.constant 0 : index
    %swap3A_40 = vector.load %arg6[%swap3A, %swap3A_38, %swap3A_39] : memref<2x1024x128xf32, #tpu.memory_space<vmem>>, vector<1x1024x128xf32>
    %swap3A_41 = vector.shape_cast %swap3A_40 : vector<1x1024x128xf32> to vector<1024x128xf32>
    %swap3A_42 = vector.shape_cast %slice3A_36 : vector<1024x128xf32> to vector<1x1024x128xf32>
    tpu.vector_store %arg6[%swap3A, %swap3A_38, %swap3A_39], %swap3A_42 {strides = array<i32>} : memref<2x1024x128xf32, #tpu.memory_space<vmem>>, vector<1x1024x128xf32>,
    %swap3A_43 = arith.constant 1 : index
    %swap3A_44 = arith.constant 0 : index
    %swap3A_45 = arith.constant 0 : index
    %swap3A_46 = vector.load %arg6[%swap3A_43, %swap3A_44, %swap3A_45] : memref<2x1024x128xf32, #tpu.memory_space<vmem>>, vector<1x1024x128xf32>
    %swap3A_47 = vector.shape_cast %swap3A_46 : vector<1x1024x128xf32> to vector<1024x128xf32>
    %swap3A_48 = vector.shape_cast %slice3A_37 : vector<1024x128xf32> to vector<1x1024x128xf32>
    tpu.vector_store %arg6[%swap3A_43, %swap3A_44, %swap3A_45], %swap3A_48 {strides = array<i32>} : memref<2x1024x128xf32, #tpu.memory_space<vmem>>, vector<1x1024x128xf32>,
    return
  }
  func.func @transform_0(%arg0: i32) -> (i32, i32, i32) {
    %c0_i32 = arith.constant 0 : i32
    %c0_i32_0 = arith.constant 0 : i32
    %c0_i32_1 = arith.constant 0 : i32
    return %c0_i32, %arg0, %c0_i32_0 : i32, i32, i32
  }
  func.func @transform_1(%arg0: i32) -> (i32, i32) {
    %c0_i32 = arith.constant 0 : i32
    %c0_i32_0 = arith.constant 0 : i32
    %c0_i32_1 = arith.constant 0 : i32
    return %c0_i32, %c0_i32_0 : i32, i32
  }
  func.func @transform_2(%arg0: i32) -> (i32, i32) {
    %c0_i32 = arith.constant 0 : i32
    %c0_i32_0 = arith.constant 0 : i32
    %c0_i32_1 = arith.constant 0 : i32
    return %c0_i32, %c0_i32_0 : i32, i32
  }
  func.func @transform_3(%arg0: i32) -> (i32, i32) {
    %c0_i32 = arith.constant 0 : i32
    %c0_i32_0 = arith.constant 0 : i32
    %c0_i32_1 = arith.constant 0 : i32
    return %c0_i32, %c0_i32_0 : i32, i32
  }
  func.func @transform_4(%arg0: i32) -> (i32, i32) {
    %c0_i32 = arith.constant 0 : i32
    %c0_i32_0 = arith.constant 0 : i32
    %c0_i32_1 = arith.constant 0 : i32
    return %c0_i32, %c0_i32_0 : i32, i32
  }
  func.func @transform_5(%arg0: i32) -> (i32, i32, i32) {
    %c0_i32 = arith.constant 0 : i32
    %c0_i32_0 = arith.constant 0 : i32
    %c0_i32_1 = arith.constant 0 : i32
    return %c0_i32, %arg0, %c0_i32_0 : i32, i32, i32
  }
}

module attributes {stable_mosaic.version = 14 : i64} {
  func.func @_mlp_body(%arg0: i32, %arg1: memref<2x1024x128xf32, #tpu.memory_space<vmem>>, %arg2: memref<256x256xf32, #tpu.memory_space<vmem>>, %arg3: memref<1x256xf32, #tpu.memory_space<vmem>>, %arg4: memref<256x256xf32, #tpu.memory_space<vmem>>, %arg5: memref<1x256xf32, #tpu.memory_space<vmem>>, %arg6: memref<1024x256xf32, #tpu.memory_space<vmem>>) attributes {dimension_semantics = [#tpu.dimension_semantics<arbitrary>], iteration_bounds = array<i64: 10>, scalar_prefetch = 0 : i64, scratch_operands = 0 : i64, tpu.core_type = #tpu.core_type<tc>, window_params = [{transform_indices = @transform_0, window_bounds = array<i64: 2, 1024, 128>}, {pipeline_mode = #tpu.pipeline_mode<synchronous>, transform_indices = @transform_1, window_bounds = array<i64: 256, 256>}, {pipeline_mode = #tpu.pipeline_mode<synchronous>, transform_indices = @transform_2, window_bounds = array<i64: 1, 256>}, {pipeline_mode = #tpu.pipeline_mode<synchronous>, transform_indices = @transform_3, window_bounds = array<i64: 256, 256>}, {pipeline_mode = #tpu.pipeline_mode<synchronous>, transform_indices = @transform_4, window_bounds = array<i64: 1, 256>}, {transform_indices = @transform_5, window_bounds = array<i64: 1024, 256>}]} {
    %get3A = arith.constant 0 : index
    %get3A_0 = arith.constant 0 : index
    %get3A_1 = vector.load %arg2[%get3A, %get3A_0] : memref<256x256xf32, #tpu.memory_space<vmem>>, vector<256x256xf32>
    %get3A_2 = arith.constant 0 : index
    %get3A_3 = arith.constant 0 : index
    %get3A_4 = arith.constant 0 : index
    %get3A_5 = vector.load %arg1[%get3A_2, %get3A_3, %get3A_4] : memref<2x1024x128xf32, #tpu.memory_space<vmem>>, vector<1x1024x128xf32>
    %get3A_6 = vector.shape_cast %get3A_5 : vector<1x1024x128xf32> to vector<1024x128xf32>
    %slice3A = vector.extract_strided_slice %get3A_1 {offsets = [0, 0], sizes = [128, 256], strides = [1, 1]} : vector<256x256xf32> to vector<128x256xf32>
    %dot_general3A = arith.constant dense<0.000000e+00> : vector<1024x256xf32>
    %dot_general3A_7 = tpu.matmul %get3A_6, %slice3A, %dot_general3A {dimension_numbers = #tpu.dot_dimension_numbers<[1], [0], [0], [1], [0, 0, 1, 1], [], []>, transpose_lhs_hint = false} : vector<1024x128xf32>, vector<128x256xf32>, vector<1024x256xf32> -> vector<1024x256xf32>
    %get3A_8 = arith.constant 1 : index
    %get3A_9 = arith.constant 0 : index
    %get3A_10 = arith.constant 0 : index
    %get3A_11 = vector.load %arg1[%get3A_8, %get3A_9, %get3A_10] : memref<2x1024x128xf32, #tpu.memory_space<vmem>>, vector<1x1024x128xf32>
    %get3A_12 = vector.shape_cast %get3A_11 : vector<1x1024x128xf32> to vector<1024x128xf32>
    %slice3A_13 = vector.extract_strided_slice %get3A_1 {offsets = [128, 0], sizes = [128, 256], strides = [1, 1]} : vector<256x256xf32> to vector<128x256xf32>
    %dot_general3A_14 = arith.constant dense<0.000000e+00> : vector<1024x256xf32>
    %dot_general3A_15 = tpu.matmul %get3A_12, %slice3A_13, %dot_general3A_14 {dimension_numbers = #tpu.dot_dimension_numbers<[1], [0], [0], [1], [0, 0, 1, 1], [], []>, transpose_lhs_hint = false} : vector<1024x128xf32>, vector<128x256xf32>, vector<1024x256xf32> -> vector<1024x256xf32>
    %add3A = arith.addf %dot_general3A_7, %dot_general3A_15 : vector<1024x256xf32>
    %get3A_16 = arith.constant 0 : index
    %get3A_17 = arith.constant 0 : index
    %get3A_18 = vector.load %arg3[%get3A_16, %get3A_17] : memref<1x256xf32, #tpu.memory_space<vmem>>, vector<1x256xf32>
    %add3A_19 = vector.broadcast %get3A_18 : vector<1x256xf32> to vector<1024x256xf32>
    %add3A_20 = arith.addf %add3A, %add3A_19 : vector<1024x256xf32>
    %max3A = arith.constant 0.000000e+00 : f32
    %max3A_21 = vector.broadcast %max3A : f32 to vector<1024x256xf32>
    %max3A_22 = arith.maximumf %add3A_20, %max3A_21 : vector<1024x256xf32>
    %get3A_23 = arith.constant 0 : index
    %get3A_24 = arith.constant 0 : index
    %get3A_25 = vector.load %arg4[%get3A_23, %get3A_24] : memref<256x256xf32, #tpu.memory_space<vmem>>, vector<256x256xf32>
    %dot_general3A_26 = arith.constant dense<0.000000e+00> : vector<1024x256xf32>
    %dot_general3A_27 = tpu.matmul %max3A_22, %get3A_25, %dot_general3A_26 {dimension_numbers = #tpu.dot_dimension_numbers<[1], [0], [0], [1], [0, 0, 1, 1], [], []>, transpose_lhs_hint = false} : vector<1024x256xf32>, vector<256x256xf32>, vector<1024x256xf32> -> vector<1024x256xf32>
    %get3A_28 = arith.constant 0 : index
    %get3A_29 = arith.constant 0 : index
    %get3A_30 = vector.load %arg5[%get3A_28, %get3A_29] : memref<1x256xf32, #tpu.memory_space<vmem>>, vector<1x256xf32>
    %add3A_31 = vector.broadcast %get3A_30 : vector<1x256xf32> to vector<1024x256xf32>
    %add3A_32 = arith.addf %dot_general3A_27, %add3A_31 : vector<1024x256xf32>
    %max3A_33 = arith.constant 0.000000e+00 : f32
    %max3A_34 = vector.broadcast %max3A_33 : f32 to vector<1024x256xf32>
    %max3A_35 = arith.maximumf %add3A_32, %max3A_34 : vector<1024x256xf32>
    %swap3A = arith.constant 0 : index
    %swap3A_36 = arith.constant 0 : index
    %swap3A_37 = vector.load %arg6[%swap3A, %swap3A_36] : memref<1024x256xf32, #tpu.memory_space<vmem>>, vector<1024x256xf32>
    tpu.vector_store %arg6[%swap3A, %swap3A_36], %max3A_35 {strides = array<i32>} : memref<1024x256xf32, #tpu.memory_space<vmem>>, vector<1024x256xf32>,
    return
  }
  func.func @transform_0(%arg0: i32) -> (i32, i32, i32) {
    %c0_i32 = arith.constant 0 : i32
    %c0_i32_0 = arith.constant 0 : i32
    %c0_i32_1 = arith.constant 0 : i32
    return %c0_i32, %arg0, %c0_i32_0 : i32, i32, i32
  }
  func.func @transform_1(%arg0: i32) -> (i32, i32) {
    %c0_i32 = arith.constant 0 : i32
    %c0_i32_0 = arith.constant 0 : i32
    %c0_i32_1 = arith.constant 0 : i32
    return %c0_i32, %c0_i32_0 : i32, i32
  }
  func.func @transform_2(%arg0: i32) -> (i32, i32) {
    %c0_i32 = arith.constant 0 : i32
    %c0_i32_0 = arith.constant 0 : i32
    %c0_i32_1 = arith.constant 0 : i32
    return %c0_i32, %c0_i32_0 : i32, i32
  }
  func.func @transform_3(%arg0: i32) -> (i32, i32) {
    %c0_i32 = arith.constant 0 : i32
    %c0_i32_0 = arith.constant 0 : i32
    %c0_i32_1 = arith.constant 0 : i32
    return %c0_i32, %c0_i32_0 : i32, i32
  }
  func.func @transform_4(%arg0: i32) -> (i32, i32) {
    %c0_i32 = arith.constant 0 : i32
    %c0_i32_0 = arith.constant 0 : i32
    %c0_i32_1 = arith.constant 0 : i32
    return %c0_i32, %c0_i32_0 : i32, i32
  }
  func.func @transform_5(%arg0: i32) -> (i32, i32) {
    %c0_i32 = arith.constant 0 : i32
    %c0_i32_0 = arith.constant 0 : i32
    return %arg0, %c0_i32 : i32, i32
  }
}

</mosaic_0001>

<sc_bundles>
// kernel: kernel.12.cloned.1.call-start
scs
__scs_entry_jumppad:
0x0: {  	(pc) =	sbr.rel $0x88, $3  }
0x1: {  	(tag) =	ssettag $0x0;
	lr =	simm.s32 $0x1  }
0x2: {  	[smem:$0x3F91] =	sst lr;
	_ =	strace $0xD0000000  }
0x3: {  	_ = 	snop  }
0x4: {  	_ = 	snop  }
0x5: {  	_ = 	snop  }
0x6: {  	_ = 	snop  }
0x7: {  	_ = 	snop  }
__scs_overlays_trampoline_lowered:
0x8: {  	[smem:$0x3FA0] =	sst s0  }
0x9: {  	[smem:$0x3FA1] =	sst s1  }
0xa: {  	[smem:$0x3FA2] =	sst s2  }
0xb: {  	[smem:$0x3FA3] =	sst s3  }
0xc: {  	[smem:$0x3FA4] =	sst s4  }
0xd: {  	[smem:$0x3FA5] =	sst s5  }
0xe: {  	[smem:$0x3FA6] =	sst s6  }
0xf: {  	[smem:$0x3FA7] =	sst s7  }
0x10: {  	[smem:$0x3FA8] =	sst s8  }
0x11: {  	[smem:$0x3FA9] =	sst s9;
	s0 =	simm.s32 @!p0 $0x0  }
0x12: {  	s1 =	sld [smem:$0x3F8F];
	s0 =	simm.s32 @p0 $0x1  }
0x13: {  	[smem:$0x3FAA] =	sst s0;
	s0 =	simm.s32 @!p1 $0x0  }
0x14: {  	s2 =	sld [smem:$0x3F8E];
	s0 =	simm.s32 @p1 $0x1  }
0x15: {  	[smem:$0x3FAB] =	sst s0;
	s0 =	simm.s32 @!p2 $0x0  }
0x16: {  	s3 =	sld [smem:$0x3FDB];
	s0 =	simm.s32 @p2 $0x1  }
0x17: {  	s4 =	simm.s32 $0x1BF5;
	[smem:$0x3FAD] =	sst s0  }
0x18: {  	s0 =	sld [smem:$0x3F90];
	_ =	swait.ge [sflag:s4], $0x0  }
0x19: {  	s7 =	sld [smem:$0x3F91]  }
0x1a: {  	s8 =	sadd.s32 $0xFFFFE003, lr  }
0x1b: {  	s9 =	sadd.s32 $0xFFFFFEF7, lr;
	s5 =	simm.s32 $0xFFFFFFFF;
	p2 =	slt.u32 s8, $0xFFFFF086  }
0x1c: {  	p1 =	slt.u32 s9, $0xF7A;
	s5 =	simm.s32 @!p2 $0x0  }
0x1d: {  	s5 =	simm.s32 @p1 $0x1;
	p0 =	seq.s32 s7, s2  }
0x1e: {  	s7 =	smul.u32 @!p0 $0xF7A, s2;
	p2 =	seq.s32 @!p0 s5, $0x0  }
0x1f: {  	s9 =	smul.u32 $0xF7A, s1;
	s8 =	simm.s32 @!p0 $0x1BF5;
	p2 =	por !p2, p0  }
0x20: {  	[sflag:s8] =	ssyncset.s32 @!p0 $0xFFFFF086;
	s6 =	sadd.s32 @!p0 s3, s7;
	s7 =	simm.s32 @!p0 $0x108  }
0x21: {  	s3 =	sadd.s32 s3, s9;
	s6 =	sadd.s32 @!p0 $0x88, s6;
	s7 =	simm.s32 @p2 $0x1082  }
0x22: {  	[simem:s7], [sflag:s8] =	dma.local @!p0 [hbm:s6], $0xF7A  }
0x23: {  	s9 =	sor.u32 $0xD0000000, s2;
	s6 =	simm.s32 $0x108;
	_ =	swait.ge @!p0 [sflag:s8], $0x0  }
0x24: {  	s3 =	sadd.s32 $0x88, s3;
	s6 =	simm.s32 @!p1 $0x1082;
	[sflag:s4] =	ssyncset.s32 $0xFFFFF086  }
0x25: {  	[simem:s6], [sflag:s4] =	dma.local [hbm:s3], $0xF7A  }
0x26: {  	[smem:$0x3F91] =	sst s1;
	(tag) =	ssettag s2;
	_ =	strace s9  }
0x27: {  	s1 =	sld [smem:$0x3FA1]  }
0x28: {  	s2 =	sld [smem:$0x3FA2]  }
0x29: {  	s4 =	sld [smem:$0x3FA4]  }
0x2a: {  	p0 =	seq.s32 s5, $0x0;
	s5 =	sld [smem:$0x3FA5]  }
0x2b: {  	s6 =	sld [smem:$0x3FA6]  }
0x2c: {  	s7 =	sld [smem:$0x3FA7]  }
0x2d: {  	s3 =	simm.s32 $0x108;
	s8 =	sld [smem:$0x3FA8]  }
0x2e: {  	s3 =	simm.s32 @!p0 $0x1082;
	s9 =	sld [smem:$0x3FA9]  }
0x2f: {  	lr =	sadd.s32 s0, s3;
	s0 =	sld [smem:$0x3FA0]  }
0x30: {  	s3 =	sld [smem:$0x3FA3]  }
0x31: {  	[smem:$0x3FAC] =	sst s10  }
0x32: {  	s10 =	sld [smem:$0x3FAA];
	_ =	sdelay $0x3  }
0x33: {  	p0 =	seq.s32 s10, $0x1;
	s10 =	sld [smem:$0x3FAC];
	_ =	sdelay $0x3  }
0x34: {  	[smem:$0x3FAC] =	sst s10  }
0x35: {  	s10 =	sld [smem:$0x3FAB];
	_ =	sdelay $0x3  }
0x36: {  	p1 =	seq.s32 s10, $0x1;
	s10 =	sld [smem:$0x3FAC];
	_ =	sdelay $0x3  }
0x37: {  	[smem:$0x3FAC] =	sst s10  }
0x38: {  	s10 =	sld [smem:$0x3FAD]  }
0x39: {  	_ = 	snop;
	(pc) =	sbr.ind lr, $3  }
0x3a: {  	_ = 	snop  }
0x3b: {  	_ = 	snop  }
0x3c: {  	p2 =	seq.s32 s10, $0x1;
	s10 =	sld [smem:$0x3FAC]  }
0x3d: {  	_ =	shalt  }
0x3e: {  	_ =	shalt  }
0x3f: {  	_ =	shalt  }
0x40: {  	_ =	shalt  }
0x41: {  	_ =	shalt  }
0x42: {  	_ =	shalt  }
0x43: {  	_ =	shalt  }
0x44: {  	_ =	shalt  }
0x45: {  	_ =	shalt  }
0x46: {  	_ =	shalt  }
0x47: {  	_ =	shalt  }
0x48: {  	_ =	shalt  }
0x49: {  	_ =	shalt  }
0x4a: {  	_ =	shalt  }
0x4b: {  	_ =	shalt  }
0x4c: {  	_ =	shalt  }
0x4d: {  	_ =	shalt  }
0x4e: {  	_ =	shalt  }
0x4f: {  	_ =	shalt  }
0x50: {  	_ =	shalt  }
0x51: {  	_ =	shalt  }
0x52: {  	_ =	shalt  }
0x53: {  	_ =	shalt  }
0x54: {  	_ =	shalt  }
0x55: {  	_ =	shalt  }
0x56: {  	_ =	shalt  }
0x57: {  	_ =	shalt  }
0x58: {  	_ =	shalt  }
0x59: {  	_ =	shalt  }
0x5a: {  	_ =	shalt  }
0x5b: {  	_ =	shalt  }
0x5c: {  	_ =	shalt  }
0x5d: {  	_ =	shalt  }
0x5e: {  	_ =	shalt  }
0x5f: {  	_ =	shalt  }
0x60: {  	_ =	shalt  }
0x61: {  	_ =	shalt  }
0x62: {  	_ =	shalt  }
0x63: {  	_ =	shalt  }
0x64: {  	_ =	shalt  }
0x65: {  	_ =	shalt  }
0x66: {  	_ =	shalt  }
0x67: {  	_ =	shalt  }
0x68: {  	_ =	shalt  }
0x69: {  	_ =	shalt  }
0x6a: {  	_ =	shalt  }
0x6b: {  	_ =	shalt  }
0x6c: {  	_ =	shalt  }
0x6d: {  	_ =	shalt  }
0x6e: {  	_ =	shalt  }
0x6f: {  	_ =	shalt  }
0x70: {  	_ =	shalt  }
0x71: {  	_ =	shalt  }
0x72: {  	_ =	shalt  }
0x73: {  	_ =	shalt  }
0x74: {  	_ =	shalt  }
0x75: {  	_ =	shalt  }
0x76: {  	_ =	shalt  }
0x77: {  	_ =	shalt  }
0x78: {  	_ =	shalt  }
0x79: {  	_ =	shalt  }
0x7a: {  	_ =	shalt  }
0x7b: {  	_ =	shalt  }
0x7c: {  	_ =	shalt  }
0x7d: {  	_ =	shalt  }
0x7e: {  	_ =	shalt  }
0x7f: {  	_ =	shalt  }
0x80: {  	_ =	shalt  }
0x81: {  	_ =	shalt  }
0x82: {  	_ =	shalt  }
0x83: {  	_ =	shalt  }
0x84: {  	_ =	shalt  }
0x85: {  	_ =	shalt  }
0x86: {  	_ =	shalt  }
0x87: {  	_ =	shalt  }
.Lfunc_end0:
.L_simem_size_0:
called_computation.1_lowered:
.L_overlay_start_0:
0x88: {  	s2 =	sld [smem:$0x3FD9]  }
0x89: {  	s3 =	sld [smem:$0x3FFE];
	_ =	sdelay $0x1  }
0x8a: {  	s1 =	srdreg.scid  }
0x8b: {  	s0 =	sand.u32 $0x1, s1  }
0x8c: {  	s17 =	sshll.u32 s0, $0xA;
	s2 =	sadd.s32 s3, s2  }
0x8d: {  	s2 =	sadd.s32 s2, s17  }
0x8e: {  	[smem:$0x3FB8] =	sst s2  }
0x8f: {  	_ = 	snop  }
0x90: {  	s2 =	sld [smem:$0x3FD0];
	(tm) =	ssettm $0x1  }
0x91: {  	s18 =	sld [smem:$0x3FFB];
	_ =	sdelay $0x3  }
0x92: {  	_ =	strace s18  }
0x93: {  	s3 =	sld [smem:$0x3FFC];
	_ =	sdelay $0x3  }
0x94: {  	_ =	strace s3  }
0x95: {  	s3 =	sld [smem:$0x3FFD];
	_ =	sdelay $0x3  }
0x96: {  	_ =	strace s3  }
0x97: {  	_ =	strace $0x8FFFFFFF  }
0x98: {  	s19 =	sld [smem:$0x3FDB];
	_ =	sdelay $0x1  }
0x99: {  	s4 =	simm.s32 $_scs_section_size  }
0x9a: {  	s5 =	simm.s32 $_size__tile_overlayer_lowered;
	s6 =	simm.s32 $_tile_overlayer_lowered  }
0x9b: {  	s22 =	simm.s32 $0x1BFF;
	s21 =	sshll.u32 s6, $0x1;
	s3 =	sadd.s32 s4, s19  }
0x9c: {  	s7 =	simm.s32 $0x0;
	s20 =	sshll.u32 s5, $0x1;
	s5 =	sadd.s32 s21, s3  }
0x9d: {  	[timem:s7], [sflag:s22] =	dma.local [hbm:s5], s20  }
0x9e: {  	_ =	swait.ge [sflag:s22], s20  }
0x9f: {  	s4 =	ssub.s32 $0x0, s20;
	[sflag:s22] =	ssyncset.done $0x0  }
0xa0: {  	[sflag:s22] =	ssyncadd.s32 s4;
	_ =	sdelay $0x1  }
0xa1: {  	s23 =	simm.s32 $0x1B8B  }
0xa2: {  	_ =	swait.ge [sflag:s23], $0x1  }
0xa3: {  	[sflag:s23] =	ssyncset.done $0x0  }
0xa4: {  	s25 =	simm.s32 $0x1B8E;
	s24 =	sld [smem:$0x3FFE];
	[sflag:s23] =	ssyncadd.s32 $0xFFFFFFFF  }
0xa5: {  	s26 =	simm.s32 $execute0_lowered;
	[smem:$0x3FD2] =	sst s25  }
0xa6: {  	s5 =	sshll.u32 s26, $0x1;
	_ =	strace $0x80000049;
	[dreg:$0x1] =	wrdreg $0xFFFFFFFF  }
0xa7: {  	s28 =	simm.s32 $_size_execute0_lowered;
	s3 =	sadd.s32 s3, s5;
	[dreg:$0x0] =	wrdreg $0x0  }
0xa8: {  	s5 =	sshll.u32 s28, $0x1;
	[dreg:$0x2] =	wrdreg s3  }
0xa9: {  	[dreg:$0x3] =	wrdreg s5  }
0xaa: {  	[dreg:$0x4] =	wrdreg $0xC0  }
0xab: {  	_ =	task [dreg:s7], $0x5FFFF  }
0xac: {  	[dreg:$0x1] =	wrdreg $0xFFFFFFFF  }
0xad: {  	[dreg:$0x0] =	wrdreg $0x60  }
0xae: {  	[dreg:$0x2] =	wrdreg s24  }
0xaf: {  	[dreg:$0x3] =	wrdreg s2  }
0xb0: {  	[dreg:$0x4] =	wrdreg $0x150000  }
0xb1: {  	[dreg:$0x5] =	wrdreg $0x9  }
0xb2: {  	_ =	task.clear_ibuf [dreg:s7], $0x6FFFF;
	_ =	strace $0x90000049  }
0xb3: {  	s29 =	simm.s32 $0x9;
	_ =	strace $0x8000004B  }
0xb4: {  	_ =	swait.ge [sflag:s29], $0x1  }
0xb5: {  	[sflag:s29] =	ssyncadd.s32 $0xFFFFFFFF  }
0xb6: {  	_ =	strace $0x9000004B  }
0xb7: {  	_ =	sfence  }
0xb8: {  	s30 =	sld [smem:$0x0];
	_ =	sdelay $0x2  }
0xb9: {  	s31 =	sshll.u32 s1, $0xD;
	s1 =	sshrl.u32 s1, $0x2  }
0xba: {  	s3 =	sand.u32 $0x4000, s31;
	s1 =	sadd.s32 s1, s30  }
0xbb: {  	s0 =	sor.u32 s3, s0;
	s1 =	sshll.u32 s1, $0x11  }
0xbc: {  	s0 =	sor.u32 s1, s0  }
0xbd: {  	s0 =	sadd.s32 $0x8F2B, s0  }
0xbe: {  	[sflag:s0] =	ssyncadd.remote.s32 $0x1  }
0xbf: {  	_ =	sfence.sel $0xFFFF  }
0xc0: {  	[dreg:$0x0] =	wrdreg $0xFFFFFFFF;
	(pc) =	sbr.abs _section_cstart, $3  }
0xc1: {  	[dreg:$0x1] =	wrdreg $0xFFFFFFFF  }
0xc2: {  	_ =	task.clear_ibuf [dreg:s7], $0x2FFFF;
	_ =	strace $0x9FFFFFFF  }
0xc3: {  	(tm) =	ssettm $0x7FFFFFFF  }
tec
execute0_lowered:
.L_overlay_start_1:
0x0: {  	(tag) =	ssettag $0x1  }
0x1: {  	s4 =	rddreg [dreg:$0x0]  }
0x2: {  	s9 =	rddreg [dreg:$0x1]  }
0x3: {  	s1 =	rddreg [dreg:$0x2]  }
0x4: {  	s0 =	rddreg [dreg:$0x3]  }
0x5: {  	s3 =	simm.s32 $0x0;
	s5 =	srdreg.scid;
	s2 =	stileid.u32  }
0x6: {  	s18 =	simm.s32 $0x50;
	s19 =	simm.s32 $0x10000;
	s20 =	simm.s32 $0x1  }
0x7: {  	s21 =	simm.s32 $0x12800;
	s22 =	simm.s32 $0x7C80;
	s23 =	simm.s32 $0xFC00  }
0x8: {  	s26 =	simm.s32 $0x0;
	[smem:$0x7FF] =	sst s3;
	s10 =	smul.u32 $0x27000, s2  }
0x9: {  	s5 =	sand.u32 $0x1, s5;
	s24 =	sshll.u32 s2, $0xC;
	s31 =	smul.u32 $0x9C00, s2  }
0xa: {  	s14 =	sadd.s32 $0x92400, s1;
	s25 =	sadd.s32 $0x10000, s9;
	p0 =	seq.s32 s2, $0xF  }
0xb: {  	_ =	strace $0x8000004A;
	s6 =	smul.u32 $0x28000, s5;
	s5 =	ssub.s32 $0x2, s5  }
0xc: {  	s7 =	sadd.s32 s24, s4;
	s14 =	sshrl.u32 @p0 s14, $0x3;
	s16 =	sshll.u32 @!p0 s2, $0x6  }
0xd: {  	s8 =	sshrl.u32 s5, $0x1;
	s30 =	sshrl.u32 s10, $0x2;
	s10 =	sshrl.u32 s31, $0x3  }
0xe: {  	s16 =	sor.u32 @!p0 $0x1C02, s16;
	s11 =	sadd.s32 s6, s4;
	s12 =	ssub.s32 s5, s8  }
0xf: {  	s4 =	sadd.s32 $0x3000, s7;
	s5 =	sadd.s32 s9, s24;
	s17 =	sadd.s32 s30, s1  }
0x10: {  	s7 =	smul.u32 $0x1380, s2;
	s9 =	sadd.s32 $0x13980, s10;
	s24 =	sadd.s32 s24, s25  }
0x11: {  	s25 =	simm.s32 $0xFC80;
	s6 =	sadd.s32 $0x13000, s11;
	s8 =	sadd.s32 $0x63000, s11  }
0x12: {  	s10 =	smax.u32 s12, $0x1;
	s11 =	simm.s32 $0x2;
	s12 =	simm.s32 $0x8000  }
0x13: {  	s17 =	sshrl.u32 @!p0 s17, $0x3;
	s13 =	sadd.s32 @p0 $0x12480, s6;
	s15 =	sadd.s32 @!p0 s7, s6  }
.LBB2_1:
0x14: {  	[tilespmem:s3], [sflag:$0x2] =	stream.linear.gather [hbm4b:s4+s3], $0x7D00, $0x38;
	[tilespmem:$0x1ED00] =	vst v63  }
0x15: {  	_ =	swait.ge [sflag:s11], $0x7D00  }
0x16: {  	[sflag:s11] =	ssyncset.done $0x0  }
0x17: {  	[sflag:s11] =	ssyncadd.s32 $0xFFFF8300  }
0x18: {  	[tilespmem:s12], [sflag:$0x2] =	stream.linear.gather [hbm4b:s5+s3], $0x7D00, $0x38;
	[tilespmem:$0x1ED00] =	vst v63  }
0x19: {  	_ =	swait.ge [sflag:s11], $0x7D00  }
0x1a: {  	[sflag:s11] =	ssyncset.done $0x0  }
0x1b: {  	s28 =	simm.s32 @p0 $0x1FC2;
	[sflag:s11] =	ssyncadd.s32 $0xFFFF8300  }
0x1c: {  	[spmem:s14], [sflag:s28] =	dma.local @p0 [hbm:s13], $0x1580  }
0x1d: {  	s28 =	simm.s32 @p0 $0x2  }
0x1e: {  	_ =	swait.ge @p0 [sflag:s28], $0x1580  }
0x1f: {  	[sflag:s28] =	ssyncset.done @p0 $0x0  }
0x20: {  	[sflag:s28] =	ssyncadd.s32 @p0 $0xFFFFEA80;
	s28 =	simm.s32 @!p0 $0x2  }
0x21: {  	[spmem:s17], [sflag:s16] =	dma.local @!p0 [hbm:s15], $0x1380  }
0x22: {  	_ =	swait.ge @!p0 [sflag:s28], $0x1380  }
0x23: {  	[sflag:s28] =	ssyncset.done @!p0 $0x0  }
0x24: {  	[sflag:s28] =	ssyncadd.s32 @!p0 $0xFFFFEC80  }
0x25: {  	[bflag:$0x0] =	sbarrier.arrive $0xFFFF  }
0x26: {  	[tilespmem:s19], [sflag:$0x1] =	stream.indirect.gather [hbm4b:s6+s18], $0x80, s3, s18, $0xb8;
	[tilespmem:$0x1ED00] =	vst v63  }
0x27: {  	_ =	swait.ge [sflag:s20], $0x2800  }
0x28: {  	[sflag:s20] =	ssyncset.done $0x0  }
0x29: {  	s28 =	simm.s32 $0x80;
	[sflag:s20] =	ssyncadd.s32 $0xFFFFD800  }
0x2a: {  	[tilespmem:s21], [sflag:$0x1] =	stream.indirect.gather [hbm4b:s6+s18], $0x80, s28, s18, $0xb8;
	[tilespmem:$0x1ED00] =	vst v63  }
0x2b: {  	s28 =	simm.s32 $0x8000  }
0x2c: {  	[spmem:s1] =	stream.indirect.scatter.add.f32 [tilespmem:s19], [sflag:$0x2], $0x80, s28, s18, $0xb8;
	[tilespmem:$0x1ED00] =	vst v63  }
0x2d: {  	_ =	swait.ge [sflag:s11], $0x2800  }
0x2e: {  	[sflag:s11] =	ssyncset.done $0x0  }
0x2f: {  	[sflag:s11] =	ssyncadd.s32 $0xFFFFD800  }
0x30: {  	_ =	swait.ge [sflag:s20], $0x2800  }
0x31: {  	[sflag:s20] =	ssyncset.done $0x0  }
0x32: {  	s28 =	simm.s32 $0x100;
	[sflag:s20] =	ssyncadd.s32 $0xFFFFD800  }
0x33: {  	[tilespmem:s19], [sflag:$0x1] =	stream.indirect.gather [hbm4b:s6+s18], $0x80, s28, s18, $0xb8;
	[tilespmem:$0x1ED00] =	vst v63  }
0x34: {  	s28 =	simm.s32 $0x8080  }
0x35: {  	[spmem:s1] =	stream.indirect.scatter.add.f32 [tilespmem:s21], [sflag:$0x2], $0x80, s28, s18, $0xb8;
	[tilespmem:$0x1ED00] =	vst v63  }
0x36: {  	_ =	swait.ge [sflag:s11], $0x2800  }
0x37: {  	s28 =	simm.s32 $0x400;
	[sflag:s11] =	ssyncset.done $0x0  }
.LBB2_2:
0x38: {  	p1 =	sne.s32 s28, $0x1EC00  }
0x39: {  	[sflag:s11] =	ssyncadd.s32 $0xFFFFD800;
	s29 =	smov.u32 s28;
	s28 =	sadd.s32 $0x400, s28  }
0x3a: {  	_ = 	snop  }
0x3b: {  	_ =	swait.ge [sflag:s20], $0x2800  }
0x3c: {  	s29 =	sshra.s32 s29, $0x2;
	[sflag:s20] =	ssyncset.done $0x0  }
0x3d: {  	s30 =	sadd.s32 $0x80, s29;
	[sflag:s20] =	ssyncadd.s32 $0xFFFFD800  }
0x3e: {  	[tilespmem:s21], [sflag:$0x1] =	stream.indirect.gather [hbm4b:s6+s18], $0x80, s30, s18, $0xb8;
	[tilespmem:$0x1ED00] =	vst v63  }
0x3f: {  	s30 =	sadd.s32 $0x8000, s29  }
0x40: {  	[spmem:s1] =	stream.indirect.scatter.add.f32 [tilespmem:s19], [sflag:$0x2], $0x80, s30, s18, $0xb8;
	[tilespmem:$0x1ED00] =	vst v63  }
0x41: {  	_ =	swait.ge [sflag:s11], $0x2800  }
0x42: {  	[sflag:s11] =	ssyncset.done $0x0  }
0x43: {  	[sflag:s11] =	ssyncadd.s32 $0xFFFFD800  }
0x44: {  	_ =	swait.ge [sflag:s20], $0x2800  }
0x45: {  	[sflag:s20] =	ssyncset.done $0x0  }
0x46: {  	s30 =	sadd.s32 $0x100, s29;
	[sflag:s20] =	ssyncadd.s32 $0xFFFFD800  }
0x47: {  	[tilespmem:s19], [sflag:$0x1] =	stream.indirect.gather [hbm4b:s6+s18], $0x80, s30, s18, $0xb8;
	[tilespmem:$0x1ED00] =	vst v63  }
.Ltmp0:
0x48: {  	_ = 	snop;
	(pc) =	sbr.rel @p1 .LBB2_2-.Ltmp0, $4  }
0x49: {  	s29 =	sadd.s32 $0x8080, s29  }
0x4a: {  	[spmem:s1] =	stream.indirect.scatter.add.f32 [tilespmem:s21], [sflag:$0x2], $0x80, s29, s18, $0xb8;
	[tilespmem:$0x1ED00] =	vst v63  }
0x4b: {  	_ =	swait.ge [sflag:s11], $0x2800  }
0x4c: {  	[sflag:s11] =	ssyncset.done $0x0  }
0x4d: {  	[sflag:s11] =	ssyncadd.s32 $0xFFFFD800  }
0x4e: {  	_ =	swait.ge [sflag:s20], $0x2800  }
0x4f: {  	[sflag:s20] =	ssyncset.done $0x0  }
0x50: {  	[sflag:s20] =	ssyncadd.s32 $0xFFFFD800  }
0x51: {  	[tilespmem:s21], [sflag:$0x1] =	stream.indirect.gather [hbm4b:s6+s18], $0x80, s22, s18, $0xb8;
	[tilespmem:$0x1ED00] =	vst v63  }
0x52: {  	_ = 	snop  }
0x53: {  	[spmem:s1] =	stream.indirect.scatter.add.f32 [tilespmem:s19], [sflag:$0x2], $0x80, s23, s18, $0xb8;
	[tilespmem:$0x1ED00] =	vst v63  }
0x54: {  	_ =	swait.ge [sflag:s11], $0x2800  }
0x55: {  	[sflag:s11] =	ssyncset.done $0x0  }
0x56: {  	[sflag:s11] =	ssyncadd.s32 $0xFFFFD800  }
0x57: {  	_ =	swait.ge [sflag:s20], $0x2800  }
0x58: {  	[sflag:s20] =	ssyncset.done $0x0  }
0x59: {  	[sflag:s20] =	ssyncadd.s32 $0xFFFFD800  }
0x5a: {  	[spmem:s1] =	stream.indirect.scatter.add.f32 [tilespmem:s21], [sflag:$0x2], $0x80, s25, s18, $0xb8;
	[tilespmem:$0x1ED00] =	vst v63  }
0x5b: {  	_ =	swait.ge [sflag:s11], $0x2800  }
0x5c: {  	[sflag:s11] =	ssyncset.done $0x0  }
0x5d: {  	[sflag:s11] =	ssyncadd.s32 $0xFFFFD800  }
0x5e: {  	s28 =	sadd.s32 @p0 $0x12480, s8;
	s29 =	simm.s32 @p0 $0x1FC2;
	[bflag:$0x0] =	sbarrier.arrive $0xFFFF  }
0x5f: {  	[hbm:s28], [sflag:s29] =	dma.local @p0 [spmem:s14], $0x1500  }
0x60: {  	s28 =	simm.s32 @p0 $0x2  }
0x61: {  	_ =	swait.ge @p0 [sflag:s28], $0x1500  }
0x62: {  	[sflag:s28] =	ssyncset.done @p0 $0x0  }
0x63: {  	s30 =	sadd.s32 @!p0 s7, s8;
	[sflag:s28] =	ssyncadd.s32 @p0 $0xFFFFEB00  }
0x64: {  	[hbm:s30], [sflag:s16] =	dma.local @!p0 [spmem:s17], $0x1380  }
0x65: {  	s30 =	simm.s32 @!p0 $0x2  }
0x66: {  	_ =	swait.ge @!p0 [sflag:s30], $0x1380  }
0x67: {  	[sflag:s30] =	ssyncset.done @!p0 $0x0  }
0x68: {  	[sflag:s30] =	ssyncadd.s32 @!p0 $0xFFFFEC80  }
0x69: {  	[bflag:$0x0] =	sbarrier.arrive $0xFFFF  }
0x6a: {  	[tilespmem:s12], [sflag:$0x2] =	stream.linear.gather [hbm4b:s24+s3], $0x7D00, $0x38;
	[tilespmem:$0x1ED00] =	vst v63  }
0x6b: {  	_ =	swait.ge [sflag:s11], $0x7D00  }
0x6c: {  	[sflag:s11] =	ssyncset.done $0x0  }
0x6d: {  	s31 =	sadd.s32 @p0 $0x25E00, s6;
	[sflag:s11] =	ssyncadd.s32 $0xFFFF8300  }
0x6e: {  	[spmem:s14], [sflag:s29] =	dma.local @p0 [hbm:s31], $0x1580  }
0x6f: {  	_ =	swait.ge @p0 [sflag:s28], $0x1580  }
0x70: {  	[sflag:s28] =	ssyncset.done @p0 $0x0  }
0x71: {  	[sflag:s28] =	ssyncadd.s32 @p0 $0xFFFFEA80;
	s28 =	sadd.s32 @!p0 s9, s6  }
0x72: {  	[spmem:s17], [sflag:s16] =	dma.local @!p0 [hbm:s28], $0x1380  }
0x73: {  	_ =	swait.ge @!p0 [sflag:s30], $0x1380  }
0x74: {  	[sflag:s30] =	ssyncset.done @!p0 $0x0  }
0x75: {  	[sflag:s30] =	ssyncadd.s32 @!p0 $0xFFFFEC80  }
0x76: {  	s28 =	simm.s32 $0x0;
	[bflag:$0x0] =	sbarrier.arrive $0xFFFF  }
0x77: {  	[tilespmem:s19], [sflag:$0x1] =	stream.indirect.gather [hbm4b:s6+s18], $0x80, s28, s18, $0xb8;
	[tilespmem:$0x1ED00] =	vst v63  }
0x78: {  	_ =	swait.ge [sflag:s20], $0x2800  }
0x79: {  	[sflag:s20] =	ssyncset.done $0x0  }
0x7a: {  	s28 =	simm.s32 $0x80;
	[sflag:s20] =	ssyncadd.s32 $0xFFFFD800  }
0x7b: {  	[tilespmem:s21], [sflag:$0x1] =	stream.indirect.gather [hbm4b:s6+s18], $0x80, s28, s18, $0xb8;
	[tilespmem:$0x1ED00] =	vst v63  }
0x7c: {  	s28 =	simm.s32 $0x8000  }
0x7d: {  	[spmem:s1] =	stream.indirect.scatter.add.f32 [tilespmem:s19], [sflag:$0x2], $0x80, s28, s18, $0xb8;
	[tilespmem:$0x1ED00] =	vst v63  }
0x7e: {  	_ =	swait.ge [sflag:s11], $0x2800  }
0x7f: {  	[sflag:s11] =	ssyncset.done $0x0  }
0x80: {  	[sflag:s11] =	ssyncadd.s32 $0xFFFFD800  }
0x81: {  	_ =	swait.ge [sflag:s20], $0x2800  }
0x82: {  	[sflag:s20] =	ssyncset.done $0x0  }
0x83: {  	s28 =	simm.s32 $0x100;
	[sflag:s20] =	ssyncadd.s32 $0xFFFFD800  }
0x84: {  	[tilespmem:s19], [sflag:$0x1] =	stream.indirect.gather [hbm4b:s6+s18], $0x80, s28, s18, $0xb8;
	[tilespmem:$0x1ED00] =	vst v63  }
0x85: {  	s28 =	simm.s32 $0x8080  }
0x86: {  	[spmem:s1] =	stream.indirect.scatter.add.f32 [tilespmem:s21], [sflag:$0x2], $0x80, s28, s18, $0xb8;
	[tilespmem:$0x1ED00] =	vst v63  }
0x87: {  	_ =	swait.ge [sflag:s11], $0x2800  }
0x88: {  	s28 =	simm.s32 $0x400;
	[sflag:s11] =	ssyncset.done $0x0  }
.LBB2_4:
0x89: {  	p1 =	sne.s32 s28, $0x1EC00  }
0x8a: {  	[sflag:s11] =	ssyncadd.s32 $0xFFFFD800;
	s29 =	smov.u32 s28;
	s28 =	sadd.s32 $0x400, s28  }
0x8b: {  	_ = 	snop  }
0x8c: {  	_ =	swait.ge [sflag:s20], $0x2800  }
0x8d: {  	s29 =	sshra.s32 s29, $0x2;
	[sflag:s20] =	ssyncset.done $0x0  }
0x8e: {  	s30 =	sadd.s32 $0x80, s29;
	[sflag:s20] =	ssyncadd.s32 $0xFFFFD800  }
0x8f: {  	[tilespmem:s21], [sflag:$0x1] =	stream.indirect.gather [hbm4b:s6+s18], $0x80, s30, s18, $0xb8;
	[tilespmem:$0x1ED00] =	vst v63  }
0x90: {  	s30 =	sadd.s32 $0x8000, s29  }
0x91: {  	[spmem:s1] =	stream.indirect.scatter.add.f32 [tilespmem:s19], [sflag:$0x2], $0x80, s30, s18, $0xb8;
	[tilespmem:$0x1ED00] =	vst v63  }
0x92: {  	_ =	swait.ge [sflag:s11], $0x2800  }
0x93: {  	[sflag:s11] =	ssyncset.done $0x0  }
0x94: {  	[sflag:s11] =	ssyncadd.s32 $0xFFFFD800  }
0x95: {  	_ =	swait.ge [sflag:s20], $0x2800  }
0x96: {  	[sflag:s20] =	ssyncset.done $0x0  }
0x97: {  	s30 =	sadd.s32 $0x100, s29;
	[sflag:s20] =	ssyncadd.s32 $0xFFFFD800  }
0x98: {  	[tilespmem:s19], [sflag:$0x1] =	stream.indirect.gather [hbm4b:s6+s18], $0x80, s30, s18, $0xb8;
	[tilespmem:$0x1ED00] =	vst v63  }
.Ltmp1:
0x99: {  	_ = 	snop;
	(pc) =	sbr.rel @p1 .LBB2_4-.Ltmp1, $4  }
0x9a: {  	s29 =	sadd.s32 $0x8080, s29  }
0x9b: {  	[spmem:s1] =	stream.indirect.scatter.add.f32 [tilespmem:s21], [sflag:$0x2], $0x80, s29, s18, $0xb8;
	[tilespmem:$0x1ED00] =	vst v63  }
0x9c: {  	_ =	swait.ge [sflag:s11], $0x2800  }
0x9d: {  	[sflag:s11] =	ssyncset.done $0x0  }
0x9e: {  	[sflag:s11] =	ssyncadd.s32 $0xFFFFD800  }
0x9f: {  	_ =	swait.ge [sflag:s20], $0x2800  }
0xa0: {  	[sflag:s20] =	ssyncset.done $0x0  }
0xa1: {  	[sflag:s20] =	ssyncadd.s32 $0xFFFFD800  }
0xa2: {  	[tilespmem:s21], [sflag:$0x1] =	stream.indirect.gather [hbm4b:s6+s18], $0x80, s22, s18, $0xb8;
	[tilespmem:$0x1ED00] =	vst v63  }
0xa3: {  	_ = 	snop  }
0xa4: {  	[spmem:s1] =	stream.indirect.scatter.add.f32 [tilespmem:s19], [sflag:$0x2], $0x80, s23, s18, $0xb8;
	[tilespmem:$0x1ED00] =	vst v63  }
0xa5: {  	_ =	swait.ge [sflag:s11], $0x2800  }
0xa6: {  	[sflag:s11] =	ssyncset.done $0x0  }
0xa7: {  	[sflag:s11] =	ssyncadd.s32 $0xFFFFD800  }
0xa8: {  	_ =	swait.ge [sflag:s20], $0x2800  }
0xa9: {  	[sflag:s20] =	ssyncset.done $0x0  }
0xaa: {  	[sflag:s20] =	ssyncadd.s32 $0xFFFFD800  }
0xab: {  	[spmem:s1] =	stream.indirect.scatter.add.f32 [tilespmem:s21], [sflag:$0x2], $0x80, s25, s18, $0xb8;
	[tilespmem:$0x1ED00] =	vst v63  }
0xac: {  	_ =	swait.ge [sflag:s11], $0x2800  }
0xad: {  	[sflag:s11] =	ssyncset.done $0x0  }
0xae: {  	[sflag:s11] =	ssyncadd.s32 $0xFFFFD800  }
0xaf: {  	s28 =	sadd.s32 @p0 $0x25E00, s8;
	s29 =	simm.s32 @p0 $0x1FC2;
	[bflag:$0x0] =	sbarrier.arrive $0xFFFF  }
0xb0: {  	[hbm:s28], [sflag:s29] =	dma.local @p0 [spmem:s14], $0x1500  }
0xb1: {  	s28 =	simm.s32 @p0 $0x2  }
0xb2: {  	_ =	swait.ge @p0 [sflag:s28], $0x1500  }
0xb3: {  	[sflag:s28] =	ssyncset.done @p0 $0x0  }
0xb4: {  	s26 =	sadd.s32 $0x1, s26;
	[sflag:s28] =	ssyncadd.s32 @p0 $0xFFFFEB00;
	s28 =	sadd.s32 @!p0 s9, s8  }
0xb5: {  	[hbm:s28], [sflag:s16] =	dma.local @!p0 [spmem:s17], $0x1380  }
0xb6: {  	p1 =	sne.s32 s26, s10;
	s28 =	simm.s32 @!p0 $0x2  }
.Ltmp2:
0xb7: {  	_ =	swait.ge @!p0 [sflag:s28], $0x1380;
	(pc) =	sbr.rel @p1 .LBB2_1-.Ltmp2, $3  }
0xb8: {  	[sflag:s28] =	ssyncset.done @!p0 $0x0  }
0xb9: {  	[sflag:s28] =	ssyncadd.s32 @!p0 $0xFFFFEC80  }
0xba: {  	[bflag:$0x0] =	sbarrier.arrive $0xFFFF;
	_ =	sdelay $0x1  }
0xbb: {  	_ =	sfence.sel $0x180000  }
0xbc: {  	[bflag:$0x0] =	sbarrier.arrive $0xFFFF  }
0xbd: {  	p0 =	sne.s32 s2, $0x0;
	_ =	strace $0x9000004A  }
0xbe: {  	s0 =	sadd.s32 @!p0 $0x100000, s0;
	[bflag:$0x2] =	sbarrier.arrive $0xFFFF  }
0xbf: {  	[sflag:s0] =	ssyncadd.tile.s32 @!p0 $0x1;
	_ =	shalt  }
.Lfunc_end2:
_tile_overlayer_lowered:
.L_overlay_start_2:
0xc0: {  	(tag) =	ssettag $0x2  }
0xc1: {  	s0 =	rddreg [dreg:$0x0];
	s2 =	stileid.u32  }
0xc2: {  	s1 =	rddreg [dreg:$0x1];
	p0 =	sne.s32 s2, $0x0  }
0xc3: {  	s3 =	rddreg [dreg:$0x2];
	[bflag:$0x3] =	sbarrier.arrive $0xFFFF;
	s2 =	simm.s32 @!p0 $0x1C02  }
0xc4: {  	[timem:s3], [sflag:s2] =	dma.local @!p0 [hbm:s0], s1  }
0xc5: {  	s0 =	simm.s32 @!p0 $0x2  }
0xc6: {  	_ =	swait.ge @!p0 [sflag:s0], s1  }
0xc7: {  	s1 =	ssub.s32 @!p0 $0x0, s1;
	[sflag:s0] =	ssyncset.done @!p0 $0x0  }
0xc8: {  	[sflag:s0] =	ssyncadd.s32 @!p0 s1  }
0xc9: {  	[bflag:$0x3] =	sbarrier.arrive $0xFFFF  }
0xca: {  	_ =	shalt  }

// kernel: kernel.15.cloned.1.call-start
scs
__scs_entry_jumppad:
0x0: {  	(pc) =	sbr.rel $0x88, $3  }
0x1: {  	(tag) =	ssettag $0x0;
	lr =	simm.s32 $0x1  }
0x2: {  	[smem:$0x3F91] =	sst lr;
	_ =	strace $0xD0000000  }
0x3: {  	_ = 	snop  }
0x4: {  	_ = 	snop  }
0x5: {  	_ = 	snop  }
0x6: {  	_ = 	snop  }
0x7: {  	_ = 	snop  }
__scs_overlays_trampoline_lowered:
0x8: {  	[smem:$0x3FA0] =	sst s0  }
0x9: {  	[smem:$0x3FA1] =	sst s1  }
0xa: {  	[smem:$0x3FA2] =	sst s2  }
0xb: {  	[smem:$0x3FA3] =	sst s3  }
0xc: {  	[smem:$0x3FA4] =	sst s4  }
0xd: {  	[smem:$0x3FA5] =	sst s5  }
0xe: {  	[smem:$0x3FA6] =	sst s6  }
0xf: {  	[smem:$0x3FA7] =	sst s7  }
0x10: {  	[smem:$0x3FA8] =	sst s8  }
0x11: {  	[smem:$0x3FA9] =	sst s9;
	s0 =	simm.s32 @!p0 $0x0  }
0x12: {  	s1 =	sld [smem:$0x3F8F];
	s0 =	simm.s32 @p0 $0x1  }
0x13: {  	[smem:$0x3FAA] =	sst s0;
	s0 =	simm.s32 @!p1 $0x0  }
0x14: {  	s2 =	sld [smem:$0x3F8E];
	s0 =	simm.s32 @p1 $0x1  }
0x15: {  	[smem:$0x3FAB] =	sst s0;
	s0 =	simm.s32 @!p2 $0x0  }
0x16: {  	s3 =	sld [smem:$0x3FDB];
	s0 =	simm.s32 @p2 $0x1  }
0x17: {  	s4 =	simm.s32 $0x1BF5;
	[smem:$0x3FAD] =	sst s0  }
0x18: {  	s0 =	sld [smem:$0x3F90];
	_ =	swait.ge [sflag:s4], $0x0  }
0x19: {  	s7 =	sld [smem:$0x3F91]  }
0x1a: {  	s8 =	sadd.s32 $0xFFFFE003, lr  }
0x1b: {  	s9 =	sadd.s32 $0xFFFFFEF7, lr;
	s5 =	simm.s32 $0xFFFFFFFF;
	p2 =	slt.u32 s8, $0xFFFFF086  }
0x1c: {  	p1 =	slt.u32 s9, $0xF7A;
	s5 =	simm.s32 @!p2 $0x0  }
0x1d: {  	s5 =	simm.s32 @p1 $0x1;
	p0 =	seq.s32 s7, s2  }
0x1e: {  	s7 =	smul.u32 @!p0 $0xF7A, s2;
	p2 =	seq.s32 @!p0 s5, $0x0  }
0x1f: {  	s9 =	smul.u32 $0xF7A, s1;
	s8 =	simm.s32 @!p0 $0x1BF5;
	p2 =	por !p2, p0  }
0x20: {  	[sflag:s8] =	ssyncset.s32 @!p0 $0xFFFFF086;
	s6 =	sadd.s32 @!p0 s3, s7;
	s7 =	simm.s32 @!p0 $0x108  }
0x21: {  	s3 =	sadd.s32 s3, s9;
	s6 =	sadd.s32 @!p0 $0x88, s6;
	s7 =	simm.s32 @p2 $0x1082  }
0x22: {  	[simem:s7], [sflag:s8] =	dma.local @!p0 [hbm:s6], $0xF7A  }
0x23: {  	s9 =	sor.u32 $0xD0000000, s2;
	s6 =	simm.s32 $0x108;
	_ =	swait.ge @!p0 [sflag:s8], $0x0  }
0x24: {  	s3 =	sadd.s32 $0x88, s3;
	s6 =	simm.s32 @!p1 $0x1082;
	[sflag:s4] =	ssyncset.s32 $0xFFFFF086  }
0x25: {  	[simem:s6], [sflag:s4] =	dma.local [hbm:s3], $0xF7A  }
0x26: {  	[smem:$0x3F91] =	sst s1;
	(tag) =	ssettag s2;
	_ =	strace s9  }
0x27: {  	s1 =	sld [smem:$0x3FA1]  }
0x28: {  	s2 =	sld [smem:$0x3FA2]  }
0x29: {  	s4 =	sld [smem:$0x3FA4]  }
0x2a: {  	p0 =	seq.s32 s5, $0x0;
	s5 =	sld [smem:$0x3FA5]  }
0x2b: {  	s6 =	sld [smem:$0x3FA6]  }
0x2c: {  	s7 =	sld [smem:$0x3FA7]  }
0x2d: {  	s3 =	simm.s32 $0x108;
	s8 =	sld [smem:$0x3FA8]  }
0x2e: {  	s3 =	simm.s32 @!p0 $0x1082;
	s9 =	sld [smem:$0x3FA9]  }
0x2f: {  	lr =	sadd.s32 s0, s3;
	s0 =	sld [smem:$0x3FA0]  }
0x30: {  	s3 =	sld [smem:$0x3FA3]  }
0x31: {  	[smem:$0x3FAC] =	sst s10  }
0x32: {  	s10 =	sld [smem:$0x3FAA];
	_ =	sdelay $0x3  }
0x33: {  	p0 =	seq.s32 s10, $0x1;
	s10 =	sld [smem:$0x3FAC];
	_ =	sdelay $0x3  }
0x34: {  	[smem:$0x3FAC] =	sst s10  }
0x35: {  	s10 =	sld [smem:$0x3FAB];
	_ =	sdelay $0x3  }
0x36: {  	p1 =	seq.s32 s10, $0x1;
	s10 =	sld [smem:$0x3FAC];
	_ =	sdelay $0x3  }
0x37: {  	[smem:$0x3FAC] =	sst s10  }
0x38: {  	s10 =	sld [smem:$0x3FAD]  }
0x39: {  	_ = 	snop;
	(pc) =	sbr.ind lr, $3  }
0x3a: {  	_ = 	snop  }
0x3b: {  	_ = 	snop  }
0x3c: {  	p2 =	seq.s32 s10, $0x1;
	s10 =	sld [smem:$0x3FAC]  }
0x3d: {  	_ =	shalt  }
0x3e: {  	_ =	shalt  }
0x3f: {  	_ =	shalt  }
0x40: {  	_ =	shalt  }
0x41: {  	_ =	shalt  }
0x42: {  	_ =	shalt  }
0x43: {  	_ =	shalt  }
0x44: {  	_ =	shalt  }
0x45: {  	_ =	shalt  }
0x46: {  	_ =	shalt  }
0x47: {  	_ =	shalt  }
0x48: {  	_ =	shalt  }
0x49: {  	_ =	shalt  }
0x4a: {  	_ =	shalt  }
0x4b: {  	_ =	shalt  }
0x4c: {  	_ =	shalt  }
0x4d: {  	_ =	shalt  }
0x4e: {  	_ =	shalt  }
0x4f: {  	_ =	shalt  }
0x50: {  	_ =	shalt  }
0x51: {  	_ =	shalt  }
0x52: {  	_ =	shalt  }
0x53: {  	_ =	shalt  }
0x54: {  	_ =	shalt  }
0x55: {  	_ =	shalt  }
0x56: {  	_ =	shalt  }
0x57: {  	_ =	shalt  }
0x58: {  	_ =	shalt  }
0x59: {  	_ =	shalt  }
0x5a: {  	_ =	shalt  }
0x5b: {  	_ =	shalt  }
0x5c: {  	_ =	shalt  }
0x5d: {  	_ =	shalt  }
0x5e: {  	_ =	shalt  }
0x5f: {  	_ =	shalt  }
0x60: {  	_ =	shalt  }
0x61: {  	_ =	shalt  }
0x62: {  	_ =	shalt  }
0x63: {  	_ =	shalt  }
0x64: {  	_ =	shalt  }
0x65: {  	_ =	shalt  }
0x66: {  	_ =	shalt  }
0x67: {  	_ =	shalt  }
0x68: {  	_ =	shalt  }
0x69: {  	_ =	shalt  }
0x6a: {  	_ =	shalt  }
0x6b: {  	_ =	shalt  }
0x6c: {  	_ =	shalt  }
0x6d: {  	_ =	shalt  }
0x6e: {  	_ =	shalt  }
0x6f: {  	_ =	shalt  }
0x70: {  	_ =	shalt  }
0x71: {  	_ =	shalt  }
0x72: {  	_ =	shalt  }
0x73: {  	_ =	shalt  }
0x74: {  	_ =	shalt  }
0x75: {  	_ =	shalt  }
0x76: {  	_ =	shalt  }
0x77: {  	_ =	shalt  }
0x78: {  	_ =	shalt  }
0x79: {  	_ =	shalt  }
0x7a: {  	_ =	shalt  }
0x7b: {  	_ =	shalt  }
0x7c: {  	_ =	shalt  }
0x7d: {  	_ =	shalt  }
0x7e: {  	_ =	shalt  }
0x7f: {  	_ =	shalt  }
0x80: {  	_ =	shalt  }
0x81: {  	_ =	shalt  }
0x82: {  	_ =	shalt  }
0x83: {  	_ =	shalt  }
0x84: {  	_ =	shalt  }
0x85: {  	_ =	shalt  }
0x86: {  	_ =	shalt  }
0x87: {  	_ =	shalt  }
.Lfunc_end0:
.L_simem_size_0:
called_computation.2_lowered:
.L_overlay_start_0:
0x88: {  	s2 =	sld [smem:$0x3FD9]  }
0x89: {  	s3 =	sld [smem:$0x3FFE];
	_ =	sdelay $0x1  }
0x8a: {  	s1 =	srdreg.scid  }
0x8b: {  	s0 =	sand.u32 $0x1, s1  }
0x8c: {  	s17 =	sshll.u32 s0, $0xA;
	s2 =	sadd.s32 s3, s2  }
0x8d: {  	s2 =	sadd.s32 s2, s17  }
0x8e: {  	[smem:$0x3FB8] =	sst s2  }
0x8f: {  	_ = 	snop  }
0x90: {  	s2 =	sld [smem:$0x3FD0];
	(tm) =	ssettm $0x1  }
0x91: {  	s18 =	sld [smem:$0x3FFB];
	_ =	sdelay $0x3  }
0x92: {  	_ =	strace s18  }
0x93: {  	s3 =	sld [smem:$0x3FFC];
	_ =	sdelay $0x3  }
0x94: {  	_ =	strace s3  }
0x95: {  	s3 =	sld [smem:$0x3FFD];
	_ =	sdelay $0x3  }
0x96: {  	_ =	strace s3  }
0x97: {  	_ =	strace $0x8FFFFFFF  }
0x98: {  	s19 =	sld [smem:$0x3FDB];
	_ =	sdelay $0x1  }
0x99: {  	s4 =	simm.s32 $_scs_section_size  }
0x9a: {  	s5 =	simm.s32 $_size__tile_overlayer_lowered;
	s6 =	simm.s32 $_tile_overlayer_lowered  }
0x9b: {  	s22 =	simm.s32 $0x1BFF;
	s21 =	sshll.u32 s6, $0x1;
	s3 =	sadd.s32 s4, s19  }
0x9c: {  	s7 =	simm.s32 $0x0;
	s20 =	sshll.u32 s5, $0x1;
	s5 =	sadd.s32 s21, s3  }
0x9d: {  	[timem:s7], [sflag:s22] =	dma.local [hbm:s5], s20  }
0x9e: {  	_ =	swait.ge [sflag:s22], s20  }
0x9f: {  	s4 =	ssub.s32 $0x0, s20;
	[sflag:s22] =	ssyncset.done $0x0  }
0xa0: {  	[sflag:s22] =	ssyncadd.s32 s4;
	_ =	sdelay $0x1  }
0xa1: {  	s23 =	simm.s32 $0x1B8B  }
0xa2: {  	_ =	swait.ge [sflag:s23], $0x1  }
0xa3: {  	[sflag:s23] =	ssyncset.done $0x0  }
0xa4: {  	s25 =	simm.s32 $0x1B8E;
	s24 =	sld [smem:$0x3FFE];
	[sflag:s23] =	ssyncadd.s32 $0xFFFFFFFF  }
0xa5: {  	s26 =	simm.s32 $execute0_lowered;
	[smem:$0x3FD2] =	sst s25  }
0xa6: {  	s5 =	sshll.u32 s26, $0x1;
	_ =	strace $0x8000004C;
	[dreg:$0x1] =	wrdreg $0xFFFFFFFF  }
0xa7: {  	s28 =	simm.s32 $_size_execute0_lowered;
	s3 =	sadd.s32 s3, s5;
	[dreg:$0x0] =	wrdreg $0x0  }
0xa8: {  	s5 =	sshll.u32 s28, $0x1;
	[dreg:$0x2] =	wrdreg s3  }
0xa9: {  	[dreg:$0x3] =	wrdreg s5  }
0xaa: {  	[dreg:$0x4] =	wrdreg $0xC0  }
0xab: {  	_ =	task [dreg:s7], $0x5FFFF  }
0xac: {  	[dreg:$0x1] =	wrdreg $0xFFFFFFFF  }
0xad: {  	[dreg:$0x0] =	wrdreg $0x60  }
0xae: {  	[dreg:$0x2] =	wrdreg s24  }
0xaf: {  	[dreg:$0x3] =	wrdreg s2  }
0xb0: {  	[dreg:$0x4] =	wrdreg $0x150000  }
0xb1: {  	[dreg:$0x5] =	wrdreg $0x9  }
0xb2: {  	_ =	task.clear_ibuf [dreg:s7], $0x6FFFF;
	_ =	strace $0x9000004C  }
0xb3: {  	s29 =	simm.s32 $0x9;
	_ =	strace $0x8000004E  }
0xb4: {  	_ =	swait.ge [sflag:s29], $0x1  }
0xb5: {  	[sflag:s29] =	ssyncadd.s32 $0xFFFFFFFF  }
0xb6: {  	_ =	strace $0x9000004E  }
0xb7: {  	_ =	sfence  }
0xb8: {  	s30 =	sld [smem:$0x0];
	_ =	sdelay $0x2  }
0xb9: {  	s31 =	sshll.u32 s1, $0xD;
	s1 =	sshrl.u32 s1, $0x2  }
0xba: {  	s3 =	sand.u32 $0x4000, s31;
	s1 =	sadd.s32 s1, s30  }
0xbb: {  	s0 =	sor.u32 s3, s0;
	s1 =	sshll.u32 s1, $0x11  }
0xbc: {  	s0 =	sor.u32 s1, s0  }
0xbd: {  	s0 =	sadd.s32 $0x8F2B, s0  }
0xbe: {  	[sflag:s0] =	ssyncadd.remote.s32 $0x1  }
0xbf: {  	_ =	sfence.sel $0xFFFF  }
0xc0: {  	[dreg:$0x0] =	wrdreg $0xFFFFFFFF;
	(pc) =	sbr.abs _section_cstart, $3  }
0xc1: {  	[dreg:$0x1] =	wrdreg $0xFFFFFFFF  }
0xc2: {  	_ =	task.clear_ibuf [dreg:s7], $0x2FFFF;
	_ =	strace $0x9FFFFFFF  }
0xc3: {  	(tm) =	ssettm $0x7FFFFFFF  }
tec
execute0_lowered:
.L_overlay_start_1:
0x0: {  	(tag) =	ssettag $0x1  }
0x1: {  	s4 =	rddreg [dreg:$0x0]  }
0x2: {  	s9 =	rddreg [dreg:$0x1]  }
0x3: {  	s1 =	rddreg [dreg:$0x2]  }
0x4: {  	s0 =	rddreg [dreg:$0x3]  }
0x5: {  	s3 =	simm.s32 $0x0;
	s5 =	srdreg.scid;
	s2 =	stileid.u32  }
0x6: {  	s18 =	simm.s32 $0x50;
	s19 =	simm.s32 $0x10000;
	s20 =	simm.s32 $0x1  }
0x7: {  	s21 =	simm.s32 $0x12800;
	s22 =	simm.s32 $0x7C80;
	s23 =	simm.s32 $0xFC00  }
0x8: {  	s26 =	simm.s32 $0x0;
	[smem:$0x7FF] =	sst s3;
	s10 =	smul.u32 $0x27000, s2  }
0x9: {  	s5 =	sand.u32 $0x1, s5;
	s24 =	sshll.u32 s2, $0xC;
	s31 =	smul.u32 $0x9C00, s2  }
0xa: {  	s14 =	sadd.s32 $0x92400, s1;
	s25 =	sadd.s32 $0x10000, s9;
	p0 =	seq.s32 s2, $0xF  }
0xb: {  	_ =	strace $0x8000004D;
	s6 =	smul.u32 $0x28000, s5;
	s5 =	ssub.s32 $0x2, s5  }
0xc: {  	s7 =	sadd.s32 s24, s4;
	s14 =	sshrl.u32 @p0 s14, $0x3;
	s16 =	sshll.u32 @!p0 s2, $0x6  }
0xd: {  	s8 =	sshrl.u32 s5, $0x1;
	s30 =	sshrl.u32 s10, $0x2;
	s10 =	sshrl.u32 s31, $0x3  }
0xe: {  	s16 =	sor.u32 @!p0 $0x1C02, s16;
	s11 =	sadd.s32 s6, s4;
	s12 =	ssub.s32 s5, s8  }
0xf: {  	s4 =	sadd.s32 $0x3000, s7;
	s5 =	sadd.s32 s9, s24;
	s17 =	sadd.s32 s30, s1  }
0x10: {  	s7 =	smul.u32 $0x1380, s2;
	s9 =	sadd.s32 $0x13980, s10;
	s24 =	sadd.s32 s24, s25  }
0x11: {  	s25 =	simm.s32 $0xFC80;
	s6 =	sadd.s32 $0x13000, s11;
	s8 =	sadd.s32 $0x63000, s11  }
0x12: {  	s10 =	smax.u32 s12, $0x1;
	s11 =	simm.s32 $0x2;
	s12 =	simm.s32 $0x8000  }
0x13: {  	s17 =	sshrl.u32 @!p0 s17, $0x3;
	s13 =	sadd.s32 @p0 $0x12480, s6;
	s15 =	sadd.s32 @!p0 s7, s6  }
.LBB2_1:
0x14: {  	[tilespmem:s3], [sflag:$0x2] =	stream.linear.gather [hbm4b:s4+s3], $0x7D00, $0x38;
	[tilespmem:$0x1ED00] =	vst v63  }
0x15: {  	_ =	swait.ge [sflag:s11], $0x7D00  }
0x16: {  	[sflag:s11] =	ssyncset.done $0x0  }
0x17: {  	[sflag:s11] =	ssyncadd.s32 $0xFFFF8300  }
0x18: {  	[tilespmem:s12], [sflag:$0x2] =	stream.linear.gather [hbm4b:s5+s3], $0x7D00, $0x38;
	[tilespmem:$0x1ED00] =	vst v63  }
0x19: {  	_ =	swait.ge [sflag:s11], $0x7D00  }
0x1a: {  	[sflag:s11] =	ssyncset.done $0x0  }
0x1b: {  	s28 =	simm.s32 @p0 $0x1FC2;
	[sflag:s11] =	ssyncadd.s32 $0xFFFF8300  }
0x1c: {  	[spmem:s14], [sflag:s28] =	dma.local @p0 [hbm:s13], $0x1580  }
0x1d: {  	s28 =	simm.s32 @p0 $0x2  }
0x1e: {  	_ =	swait.ge @p0 [sflag:s28], $0x1580  }
0x1f: {  	[sflag:s28] =	ssyncset.done @p0 $0x0  }
0x20: {  	[sflag:s28] =	ssyncadd.s32 @p0 $0xFFFFEA80;
	s28 =	simm.s32 @!p0 $0x2  }
0x21: {  	[spmem:s17], [sflag:s16] =	dma.local @!p0 [hbm:s15], $0x1380  }
0x22: {  	_ =	swait.ge @!p0 [sflag:s28], $0x1380  }
0x23: {  	[sflag:s28] =	ssyncset.done @!p0 $0x0  }
0x24: {  	[sflag:s28] =	ssyncadd.s32 @!p0 $0xFFFFEC80  }
0x25: {  	[bflag:$0x0] =	sbarrier.arrive $0xFFFF  }
0x26: {  	[tilespmem:s19], [sflag:$0x1] =	stream.indirect.gather [hbm4b:s6+s18], $0x80, s3, s18, $0xb8;
	[tilespmem:$0x1ED00] =	vst v63  }
0x27: {  	_ =	swait.ge [sflag:s20], $0x2800  }
0x28: {  	[sflag:s20] =	ssyncset.done $0x0  }
0x29: {  	s28 =	simm.s32 $0x80;
	[sflag:s20] =	ssyncadd.s32 $0xFFFFD800  }
0x2a: {  	[tilespmem:s21], [sflag:$0x1] =	stream.indirect.gather [hbm4b:s6+s18], $0x80, s28, s18, $0xb8;
	[tilespmem:$0x1ED00] =	vst v63  }
0x2b: {  	s28 =	simm.s32 $0x8000  }
0x2c: {  	[spmem:s1] =	stream.indirect.scatter.add.f32 [tilespmem:s19], [sflag:$0x2], $0x80, s28, s18, $0xb8;
	[tilespmem:$0x1ED00] =	vst v63  }
0x2d: {  	_ =	swait.ge [sflag:s11], $0x2800  }
0x2e: {  	[sflag:s11] =	ssyncset.done $0x0  }
0x2f: {  	[sflag:s11] =	ssyncadd.s32 $0xFFFFD800  }
0x30: {  	_ =	swait.ge [sflag:s20], $0x2800  }
0x31: {  	[sflag:s20] =	ssyncset.done $0x0  }
0x32: {  	s28 =	simm.s32 $0x100;
	[sflag:s20] =	ssyncadd.s32 $0xFFFFD800  }
0x33: {  	[tilespmem:s19], [sflag:$0x1] =	stream.indirect.gather [hbm4b:s6+s18], $0x80, s28, s18, $0xb8;
	[tilespmem:$0x1ED00] =	vst v63  }
0x34: {  	s28 =	simm.s32 $0x8080  }
0x35: {  	[spmem:s1] =	stream.indirect.scatter.add.f32 [tilespmem:s21], [sflag:$0x2], $0x80, s28, s18, $0xb8;
	[tilespmem:$0x1ED00] =	vst v63  }
0x36: {  	_ =	swait.ge [sflag:s11], $0x2800  }
0x37: {  	s28 =	simm.s32 $0x400;
	[sflag:s11] =	ssyncset.done $0x0  }
.LBB2_2:
0x38: {  	p1 =	sne.s32 s28, $0x1EC00  }
0x39: {  	[sflag:s11] =	ssyncadd.s32 $0xFFFFD800;
	s29 =	smov.u32 s28;
	s28 =	sadd.s32 $0x400, s28  }
0x3a: {  	_ = 	snop  }
0x3b: {  	_ =	swait.ge [sflag:s20], $0x2800  }
0x3c: {  	s29 =	sshra.s32 s29, $0x2;
	[sflag:s20] =	ssyncset.done $0x0  }
0x3d: {  	s30 =	sadd.s32 $0x80, s29;
	[sflag:s20] =	ssyncadd.s32 $0xFFFFD800  }
0x3e: {  	[tilespmem:s21], [sflag:$0x1] =	stream.indirect.gather [hbm4b:s6+s18], $0x80, s30, s18, $0xb8;
	[tilespmem:$0x1ED00] =	vst v63  }
0x3f: {  	s30 =	sadd.s32 $0x8000, s29  }
0x40: {  	[spmem:s1] =	stream.indirect.scatter.add.f32 [tilespmem:s19], [sflag:$0x2], $0x80, s30, s18, $0xb8;
	[tilespmem:$0x1ED00] =	vst v63  }
0x41: {  	_ =	swait.ge [sflag:s11], $0x2800  }
0x42: {  	[sflag:s11] =	ssyncset.done $0x0  }
0x43: {  	[sflag:s11] =	ssyncadd.s32 $0xFFFFD800  }
0x44: {  	_ =	swait.ge [sflag:s20], $0x2800  }
0x45: {  	[sflag:s20] =	ssyncset.done $0x0  }
0x46: {  	s30 =	sadd.s32 $0x100, s29;
	[sflag:s20] =	ssyncadd.s32 $0xFFFFD800  }
0x47: {  	[tilespmem:s19], [sflag:$0x1] =	stream.indirect.gather [hbm4b:s6+s18], $0x80, s30, s18, $0xb8;
	[tilespmem:$0x1ED00] =	vst v63  }
.Ltmp0:
0x48: {  	_ = 	snop;
	(pc) =	sbr.rel @p1 .LBB2_2-.Ltmp0, $4  }
0x49: {  	s29 =	sadd.s32 $0x8080, s29  }
0x4a: {  	[spmem:s1] =	stream.indirect.scatter.add.f32 [tilespmem:s21], [sflag:$0x2], $0x80, s29, s18, $0xb8;
	[tilespmem:$0x1ED00] =	vst v63  }
0x4b: {  	_ =	swait.ge [sflag:s11], $0x2800  }
0x4c: {  	[sflag:s11] =	ssyncset.done $0x0  }
0x4d: {  	[sflag:s11] =	ssyncadd.s32 $0xFFFFD800  }
0x4e: {  	_ =	swait.ge [sflag:s20], $0x2800  }
0x4f: {  	[sflag:s20] =	ssyncset.done $0x0  }
0x50: {  	[sflag:s20] =	ssyncadd.s32 $0xFFFFD800  }
0x51: {  	[tilespmem:s21], [sflag:$0x1] =	stream.indirect.gather [hbm4b:s6+s18], $0x80, s22, s18, $0xb8;
	[tilespmem:$0x1ED00] =	vst v63  }
0x52: {  	_ = 	snop  }
0x53: {  	[spmem:s1] =	stream.indirect.scatter.add.f32 [tilespmem:s19], [sflag:$0x2], $0x80, s23, s18, $0xb8;
	[tilespmem:$0x1ED00] =	vst v63  }
0x54: {  	_ =	swait.ge [sflag:s11], $0x2800  }
0x55: {  	[sflag:s11] =	ssyncset.done $0x0  }
0x56: {  	[sflag:s11] =	ssyncadd.s32 $0xFFFFD800  }
0x57: {  	_ =	swait.ge [sflag:s20], $0x2800  }
0x58: {  	[sflag:s20] =	ssyncset.done $0x0  }
0x59: {  	[sflag:s20] =	ssyncadd.s32 $0xFFFFD800  }
0x5a: {  	[spmem:s1] =	stream.indirect.scatter.add.f32 [tilespmem:s21], [sflag:$0x2], $0x80, s25, s18, $0xb8;
	[tilespmem:$0x1ED00] =	vst v63  }
0x5b: {  	_ =	swait.ge [sflag:s11], $0x2800  }
0x5c: {  	[sflag:s11] =	ssyncset.done $0x0  }
0x5d: {  	[sflag:s11] =	ssyncadd.s32 $0xFFFFD800  }
0x5e: {  	s28 =	sadd.s32 @p0 $0x12480, s8;
	s29 =	simm.s32 @p0 $0x1FC2;
	[bflag:$0x0] =	sbarrier.arrive $0xFFFF  }
0x5f: {  	[hbm:s28], [sflag:s29] =	dma.local @p0 [spmem:s14], $0x1500  }
0x60: {  	s28 =	simm.s32 @p0 $0x2  }
0x61: {  	_ =	swait.ge @p0 [sflag:s28], $0x1500  }
0x62: {  	[sflag:s28] =	ssyncset.done @p0 $0x0  }
0x63: {  	s30 =	sadd.s32 @!p0 s7, s8;
	[sflag:s28] =	ssyncadd.s32 @p0 $0xFFFFEB00  }
0x64: {  	[hbm:s30], [sflag:s16] =	dma.local @!p0 [spmem:s17], $0x1380  }
0x65: {  	s30 =	simm.s32 @!p0 $0x2  }
0x66: {  	_ =	swait.ge @!p0 [sflag:s30], $0x1380  }
0x67: {  	[sflag:s30] =	ssyncset.done @!p0 $0x0  }
0x68: {  	[sflag:s30] =	ssyncadd.s32 @!p0 $0xFFFFEC80  }
0x69: {  	[bflag:$0x0] =	sbarrier.arrive $0xFFFF  }
0x6a: {  	[tilespmem:s12], [sflag:$0x2] =	stream.linear.gather [hbm4b:s24+s3], $0x7D00, $0x38;
	[tilespmem:$0x1ED00] =	vst v63  }
0x6b: {  	_ =	swait.ge [sflag:s11], $0x7D00  }
0x6c: {  	[sflag:s11] =	ssyncset.done $0x0  }
0x6d: {  	s31 =	sadd.s32 @p0 $0x25E00, s6;
	[sflag:s11] =	ssyncadd.s32 $0xFFFF8300  }
0x6e: {  	[spmem:s14], [sflag:s29] =	dma.local @p0 [hbm:s31], $0x1580  }
0x6f: {  	_ =	swait.ge @p0 [sflag:s28], $0x1580  }
0x70: {  	[sflag:s28] =	ssyncset.done @p0 $0x0  }
0x71: {  	[sflag:s28] =	ssyncadd.s32 @p0 $0xFFFFEA80;
	s28 =	sadd.s32 @!p0 s9, s6  }
0x72: {  	[spmem:s17], [sflag:s16] =	dma.local @!p0 [hbm:s28], $0x1380  }
0x73: {  	_ =	swait.ge @!p0 [sflag:s30], $0x1380  }
0x74: {  	[sflag:s30] =	ssyncset.done @!p0 $0x0  }
0x75: {  	[sflag:s30] =	ssyncadd.s32 @!p0 $0xFFFFEC80  }
0x76: {  	s28 =	simm.s32 $0x0;
	[bflag:$0x0] =	sbarrier.arrive $0xFFFF  }
0x77: {  	[tilespmem:s19], [sflag:$0x1] =	stream.indirect.gather [hbm4b:s6+s18], $0x80, s28, s18, $0xb8;
	[tilespmem:$0x1ED00] =	vst v63  }
0x78: {  	_ =	swait.ge [sflag:s20], $0x2800  }
0x79: {  	[sflag:s20] =	ssyncset.done $0x0  }
0x7a: {  	s28 =	simm.s32 $0x80;
	[sflag:s20] =	ssyncadd.s32 $0xFFFFD800  }
0x7b: {  	[tilespmem:s21], [sflag:$0x1] =	stream.indirect.gather [hbm4b:s6+s18], $0x80, s28, s18, $0xb8;
	[tilespmem:$0x1ED00] =	vst v63  }
0x7c: {  	s28 =	simm.s32 $0x8000  }
0x7d: {  	[spmem:s1] =	stream.indirect.scatter.add.f32 [tilespmem:s19], [sflag:$0x2], $0x80, s28, s18, $0xb8;
	[tilespmem:$0x1ED00] =	vst v63  }
0x7e: {  	_ =	swait.ge [sflag:s11], $0x2800  }
0x7f: {  	[sflag:s11] =	ssyncset.done $0x0  }
0x80: {  	[sflag:s11] =	ssyncadd.s32 $0xFFFFD800  }
0x81: {  	_ =	swait.ge [sflag:s20], $0x2800  }
0x82: {  	[sflag:s20] =	ssyncset.done $0x0  }
0x83: {  	s28 =	simm.s32 $0x100;
	[sflag:s20] =	ssyncadd.s32 $0xFFFFD800  }
0x84: {  	[tilespmem:s19], [sflag:$0x1] =	stream.indirect.gather [hbm4b:s6+s18], $0x80, s28, s18, $0xb8;
	[tilespmem:$0x1ED00] =	vst v63  }
0x85: {  	s28 =	simm.s32 $0x8080  }
0x86: {  	[spmem:s1] =	stream.indirect.scatter.add.f32 [tilespmem:s21], [sflag:$0x2], $0x80, s28, s18, $0xb8;
	[tilespmem:$0x1ED00] =	vst v63  }
0x87: {  	_ =	swait.ge [sflag:s11], $0x2800  }
0x88: {  	s28 =	simm.s32 $0x400;
	[sflag:s11] =	ssyncset.done $0x0  }
.LBB2_4:
0x89: {  	p1 =	sne.s32 s28, $0x1EC00  }
0x8a: {  	[sflag:s11] =	ssyncadd.s32 $0xFFFFD800;
	s29 =	smov.u32 s28;
	s28 =	sadd.s32 $0x400, s28  }
0x8b: {  	_ = 	snop  }
0x8c: {  	_ =	swait.ge [sflag:s20], $0x2800  }
0x8d: {  	s29 =	sshra.s32 s29, $0x2;
	[sflag:s20] =	ssyncset.done $0x0  }
0x8e: {  	s30 =	sadd.s32 $0x80, s29;
	[sflag:s20] =	ssyncadd.s32 $0xFFFFD800  }
0x8f: {  	[tilespmem:s21], [sflag:$0x1] =	stream.indirect.gather [hbm4b:s6+s18], $0x80, s30, s18, $0xb8;
	[tilespmem:$0x1ED00] =	vst v63  }
0x90: {  	s30 =	sadd.s32 $0x8000, s29  }
0x91: {  	[spmem:s1] =	stream.indirect.scatter.add.f32 [tilespmem:s19], [sflag:$0x2], $0x80, s30, s18, $0xb8;
	[tilespmem:$0x1ED00] =	vst v63  }
0x92: {  	_ =	swait.ge [sflag:s11], $0x2800  }
0x93: {  	[sflag:s11] =	ssyncset.done $0x0  }
0x94: {  	[sflag:s11] =	ssyncadd.s32 $0xFFFFD800  }
0x95: {  	_ =	swait.ge [sflag:s20], $0x2800  }
0x96: {  	[sflag:s20] =	ssyncset.done $0x0  }
0x97: {  	s30 =	sadd.s32 $0x100, s29;
	[sflag:s20] =	ssyncadd.s32 $0xFFFFD800  }
0x98: {  	[tilespmem:s19], [sflag:$0x1] =	stream.indirect.gather [hbm4b:s6+s18], $0x80, s30, s18, $0xb8;
	[tilespmem:$0x1ED00] =	vst v63  }
.Ltmp1:
0x99: {  	_ = 	snop;
	(pc) =	sbr.rel @p1 .LBB2_4-.Ltmp1, $4  }
0x9a: {  	s29 =	sadd.s32 $0x8080, s29  }
0x9b: {  	[spmem:s1] =	stream.indirect.scatter.add.f32 [tilespmem:s21], [sflag:$0x2], $0x80, s29, s18, $0xb8;
	[tilespmem:$0x1ED00] =	vst v63  }
0x9c: {  	_ =	swait.ge [sflag:s11], $0x2800  }
0x9d: {  	[sflag:s11] =	ssyncset.done $0x0  }
0x9e: {  	[sflag:s11] =	ssyncadd.s32 $0xFFFFD800  }
0x9f: {  	_ =	swait.ge [sflag:s20], $0x2800  }
0xa0: {  	[sflag:s20] =	ssyncset.done $0x0  }
0xa1: {  	[sflag:s20] =	ssyncadd.s32 $0xFFFFD800  }
0xa2: {  	[tilespmem:s21], [sflag:$0x1] =	stream.indirect.gather [hbm4b:s6+s18], $0x80, s22, s18, $0xb8;
	[tilespmem:$0x1ED00] =	vst v63  }
0xa3: {  	_ = 	snop  }
0xa4: {  	[spmem:s1] =	stream.indirect.scatter.add.f32 [tilespmem:s19], [sflag:$0x2], $0x80, s23, s18, $0xb8;
	[tilespmem:$0x1ED00] =	vst v63  }
0xa5: {  	_ =	swait.ge [sflag:s11], $0x2800  }
0xa6: {  	[sflag:s11] =	ssyncset.done $0x0  }
0xa7: {  	[sflag:s11] =	ssyncadd.s32 $0xFFFFD800  }
0xa8: {  	_ =	swait.ge [sflag:s20], $0x2800  }
0xa9: {  	[sflag:s20] =	ssyncset.done $0x0  }
0xaa: {  	[sflag:s20] =	ssyncadd.s32 $0xFFFFD800  }
0xab: {  	[spmem:s1] =	stream.indirect.scatter.add.f32 [tilespmem:s21], [sflag:$0x2], $0x80, s25, s18, $0xb8;
	[tilespmem:$0x1ED00] =	vst v63  }
0xac: {  	_ =	swait.ge [sflag:s11], $0x2800  }
0xad: {  	[sflag:s11] =	ssyncset.done $0x0  }
0xae: {  	[sflag:s11] =	ssyncadd.s32 $0xFFFFD800  }
0xaf: {  	s28 =	sadd.s32 @p0 $0x25E00, s8;
	s29 =	simm.s32 @p0 $0x1FC2;
	[bflag:$0x0] =	sbarrier.arrive $0xFFFF  }
0xb0: {  	[hbm:s28], [sflag:s29] =	dma.local @p0 [spmem:s14], $0x1500  }
0xb1: {  	s28 =	simm.s32 @p0 $0x2  }
0xb2: {  	_ =	swait.ge @p0 [sflag:s28], $0x1500  }
0xb3: {  	[sflag:s28] =	ssyncset.done @p0 $0x0  }
0xb4: {  	s26 =	sadd.s32 $0x1, s26;
	[sflag:s28] =	ssyncadd.s32 @p0 $0xFFFFEB00;
	s28 =	sadd.s32 @!p0 s9, s8  }
0xb5: {  	[hbm:s28], [sflag:s16] =	dma.local @!p0 [spmem:s17], $0x1380  }
0xb6: {  	p1 =	sne.s32 s26, s10;
	s28 =	simm.s32 @!p0 $0x2  }
.Ltmp2:
0xb7: {  	_ =	swait.ge @!p0 [sflag:s28], $0x1380;
	(pc) =	sbr.rel @p1 .LBB2_1-.Ltmp2, $3  }
0xb8: {  	[sflag:s28] =	ssyncset.done @!p0 $0x0  }
0xb9: {  	[sflag:s28] =	ssyncadd.s32 @!p0 $0xFFFFEC80  }
0xba: {  	[bflag:$0x0] =	sbarrier.arrive $0xFFFF;
	_ =	sdelay $0x1  }
0xbb: {  	_ =	sfence.sel $0x180000  }
0xbc: {  	[bflag:$0x0] =	sbarrier.arrive $0xFFFF  }
0xbd: {  	p0 =	sne.s32 s2, $0x0;
	_ =	strace $0x9000004D  }
0xbe: {  	s0 =	sadd.s32 @!p0 $0x100000, s0;
	[bflag:$0x2] =	sbarrier.arrive $0xFFFF  }
0xbf: {  	[sflag:s0] =	ssyncadd.tile.s32 @!p0 $0x1;
	_ =	shalt  }
.Lfunc_end2:
_tile_overlayer_lowered:
.L_overlay_start_2:
0xc0: {  	(tag) =	ssettag $0x2  }
0xc1: {  	s0 =	rddreg [dreg:$0x0];
	s2 =	stileid.u32  }
0xc2: {  	s1 =	rddreg [dreg:$0x1];
	p0 =	sne.s32 s2, $0x0  }
0xc3: {  	s3 =	rddreg [dreg:$0x2];
	[bflag:$0x3] =	sbarrier.arrive $0xFFFF;
	s2 =	simm.s32 @!p0 $0x1C02  }
0xc4: {  	[timem:s3], [sflag:s2] =	dma.local @!p0 [hbm:s0], s1  }
0xc5: {  	s0 =	simm.s32 @!p0 $0x2  }
0xc6: {  	_ =	swait.ge @!p0 [sflag:s0], s1  }
0xc7: {  	s1 =	ssub.s32 @!p0 $0x0, s1;
	[sflag:s0] =	ssyncset.done @!p0 $0x0  }
0xc8: {  	[sflag:s0] =	ssyncadd.s32 @!p0 s1  }
0xc9: {  	[bflag:$0x3] =	sbarrier.arrive $0xFFFF  }
0xca: {  	_ =	shalt  }

// kernel: kernel.9.cloned.1.call-start
scs
__scs_entry_jumppad:
0x0: {  	(pc) =	sbr.rel $0x88, $3  }
0x1: {  	(tag) =	ssettag $0x0;
	lr =	simm.s32 $0x1  }
0x2: {  	[smem:$0x3F91] =	sst lr;
	_ =	strace $0xD0000000  }
0x3: {  	_ = 	snop  }
0x4: {  	_ = 	snop  }
0x5: {  	_ = 	snop  }
0x6: {  	_ = 	snop  }
0x7: {  	_ = 	snop  }
__scs_overlays_trampoline_lowered:
0x8: {  	[smem:$0x3FA0] =	sst s0  }
0x9: {  	[smem:$0x3FA1] =	sst s1  }
0xa: {  	[smem:$0x3FA2] =	sst s2  }
0xb: {  	[smem:$0x3FA3] =	sst s3  }
0xc: {  	[smem:$0x3FA4] =	sst s4  }
0xd: {  	[smem:$0x3FA5] =	sst s5  }
0xe: {  	[smem:$0x3FA6] =	sst s6  }
0xf: {  	[smem:$0x3FA7] =	sst s7  }
0x10: {  	[smem:$0x3FA8] =	sst s8  }
0x11: {  	[smem:$0x3FA9] =	sst s9;
	s0 =	simm.s32 @!p0 $0x0  }
0x12: {  	s1 =	sld [smem:$0x3F8F];
	s0 =	simm.s32 @p0 $0x1  }
0x13: {  	[smem:$0x3FAA] =	sst s0;
	s0 =	simm.s32 @!p1 $0x0  }
0x14: {  	s2 =	sld [smem:$0x3F8E];
	s0 =	simm.s32 @p1 $0x1  }
0x15: {  	[smem:$0x3FAB] =	sst s0;
	s0 =	simm.s32 @!p2 $0x0  }
0x16: {  	s3 =	sld [smem:$0x3FDB];
	s0 =	simm.s32 @p2 $0x1  }
0x17: {  	s4 =	simm.s32 $0x1BF5;
	[smem:$0x3FAD] =	sst s0  }
0x18: {  	s0 =	sld [smem:$0x3F90];
	_ =	swait.ge [sflag:s4], $0x0  }
0x19: {  	s7 =	sld [smem:$0x3F91]  }
0x1a: {  	s8 =	sadd.s32 $0xFFFFE003, lr  }
0x1b: {  	s9 =	sadd.s32 $0xFFFFFEF7, lr;
	s5 =	simm.s32 $0xFFFFFFFF;
	p2 =	slt.u32 s8, $0xFFFFF086  }
0x1c: {  	p1 =	slt.u32 s9, $0xF7A;
	s5 =	simm.s32 @!p2 $0x0  }
0x1d: {  	s5 =	simm.s32 @p1 $0x1;
	p0 =	seq.s32 s7, s2  }
0x1e: {  	s7 =	smul.u32 @!p0 $0xF7A, s2;
	p2 =	seq.s32 @!p0 s5, $0x0  }
0x1f: {  	s9 =	smul.u32 $0xF7A, s1;
	s8 =	simm.s32 @!p0 $0x1BF5;
	p2 =	por !p2, p0  }
0x20: {  	[sflag:s8] =	ssyncset.s32 @!p0 $0xFFFFF086;
	s6 =	sadd.s32 @!p0 s3, s7;
	s7 =	simm.s32 @!p0 $0x108  }
0x21: {  	s3 =	sadd.s32 s3, s9;
	s6 =	sadd.s32 @!p0 $0x88, s6;
	s7 =	simm.s32 @p2 $0x1082  }
0x22: {  	[simem:s7], [sflag:s8] =	dma.local @!p0 [hbm:s6], $0xF7A  }
0x23: {  	s9 =	sor.u32 $0xD0000000, s2;
	s6 =	simm.s32 $0x108;
	_ =	swait.ge @!p0 [sflag:s8], $0x0  }
0x24: {  	s3 =	sadd.s32 $0x88, s3;
	s6 =	simm.s32 @!p1 $0x1082;
	[sflag:s4] =	ssyncset.s32 $0xFFFFF086  }
0x25: {  	[simem:s6], [sflag:s4] =	dma.local [hbm:s3], $0xF7A  }
0x26: {  	[smem:$0x3F91] =	sst s1;
	(tag) =	ssettag s2;
	_ =	strace s9  }
0x27: {  	s1 =	sld [smem:$0x3FA1]  }
0x28: {  	s2 =	sld [smem:$0x3FA2]  }
0x29: {  	s4 =	sld [smem:$0x3FA4]  }
0x2a: {  	p0 =	seq.s32 s5, $0x0;
	s5 =	sld [smem:$0x3FA5]  }
0x2b: {  	s6 =	sld [smem:$0x3FA6]  }
0x2c: {  	s7 =	sld [smem:$0x3FA7]  }
0x2d: {  	s3 =	simm.s32 $0x108;
	s8 =	sld [smem:$0x3FA8]  }
0x2e: {  	s3 =	simm.s32 @!p0 $0x1082;
	s9 =	sld [smem:$0x3FA9]  }
0x2f: {  	lr =	sadd.s32 s0, s3;
	s0 =	sld [smem:$0x3FA0]  }
0x30: {  	s3 =	sld [smem:$0x3FA3]  }
0x31: {  	[smem:$0x3FAC] =	sst s10  }
0x32: {  	s10 =	sld [smem:$0x3FAA];
	_ =	sdelay $0x3  }
0x33: {  	p0 =	seq.s32 s10, $0x1;
	s10 =	sld [smem:$0x3FAC];
	_ =	sdelay $0x3  }
0x34: {  	[smem:$0x3FAC] =	sst s10  }
0x35: {  	s10 =	sld [smem:$0x3FAB];
	_ =	sdelay $0x3  }
0x36: {  	p1 =	seq.s32 s10, $0x1;
	s10 =	sld [smem:$0x3FAC];
	_ =	sdelay $0x3  }
0x37: {  	[smem:$0x3FAC] =	sst s10  }
0x38: {  	s10 =	sld [smem:$0x3FAD]  }
0x39: {  	_ = 	snop;
	(pc) =	sbr.ind lr, $3  }
0x3a: {  	_ = 	snop  }
0x3b: {  	_ = 	snop  }
0x3c: {  	p2 =	seq.s32 s10, $0x1;
	s10 =	sld [smem:$0x3FAC]  }
0x3d: {  	_ =	shalt  }
0x3e: {  	_ =	shalt  }
0x3f: {  	_ =	shalt  }
0x40: {  	_ =	shalt  }
0x41: {  	_ =	shalt  }
0x42: {  	_ =	shalt  }
0x43: {  	_ =	shalt  }
0x44: {  	_ =	shalt  }
0x45: {  	_ =	shalt  }
0x46: {  	_ =	shalt  }
0x47: {  	_ =	shalt  }
0x48: {  	_ =	shalt  }
0x49: {  	_ =	shalt  }
0x4a: {  	_ =	shalt  }
0x4b: {  	_ =	shalt  }
0x4c: {  	_ =	shalt  }
0x4d: {  	_ =	shalt  }
0x4e: {  	_ =	shalt  }
0x4f: {  	_ =	shalt  }
0x50: {  	_ =	shalt  }
0x51: {  	_ =	shalt  }
0x52: {  	_ =	shalt  }
0x53: {  	_ =	shalt  }
0x54: {  	_ =	shalt  }
0x55: {  	_ =	shalt  }
0x56: {  	_ =	shalt  }
0x57: {  	_ =	shalt  }
0x58: {  	_ =	shalt  }
0x59: {  	_ =	shalt  }
0x5a: {  	_ =	shalt  }
0x5b: {  	_ =	shalt  }
0x5c: {  	_ =	shalt  }
0x5d: {  	_ =	shalt  }
0x5e: {  	_ =	shalt  }
0x5f: {  	_ =	shalt  }
0x60: {  	_ =	shalt  }
0x61: {  	_ =	shalt  }
0x62: {  	_ =	shalt  }
0x63: {  	_ =	shalt  }
0x64: {  	_ =	shalt  }
0x65: {  	_ =	shalt  }
0x66: {  	_ =	shalt  }
0x67: {  	_ =	shalt  }
0x68: {  	_ =	shalt  }
0x69: {  	_ =	shalt  }
0x6a: {  	_ =	shalt  }
0x6b: {  	_ =	shalt  }
0x6c: {  	_ =	shalt  }
0x6d: {  	_ =	shalt  }
0x6e: {  	_ =	shalt  }
0x6f: {  	_ =	shalt  }
0x70: {  	_ =	shalt  }
0x71: {  	_ =	shalt  }
0x72: {  	_ =	shalt  }
0x73: {  	_ =	shalt  }
0x74: {  	_ =	shalt  }
0x75: {  	_ =	shalt  }
0x76: {  	_ =	shalt  }
0x77: {  	_ =	shalt  }
0x78: {  	_ =	shalt  }
0x79: {  	_ =	shalt  }
0x7a: {  	_ =	shalt  }
0x7b: {  	_ =	shalt  }
0x7c: {  	_ =	shalt  }
0x7d: {  	_ =	shalt  }
0x7e: {  	_ =	shalt  }
0x7f: {  	_ =	shalt  }
0x80: {  	_ =	shalt  }
0x81: {  	_ =	shalt  }
0x82: {  	_ =	shalt  }
0x83: {  	_ =	shalt  }
0x84: {  	_ =	shalt  }
0x85: {  	_ =	shalt  }
0x86: {  	_ =	shalt  }
0x87: {  	_ =	shalt  }
.Lfunc_end0:
.L_simem_size_0:
called_computation_lowered:
.L_overlay_start_0:
0x88: {  	s2 =	sld [smem:$0x3FD9]  }
0x89: {  	s3 =	sld [smem:$0x3FFE];
	_ =	sdelay $0x1  }
0x8a: {  	s1 =	srdreg.scid  }
0x8b: {  	s0 =	sand.u32 $0x1, s1  }
0x8c: {  	s17 =	sshll.u32 s0, $0xA;
	s2 =	sadd.s32 s3, s2  }
0x8d: {  	s2 =	sadd.s32 s2, s17  }
0x8e: {  	[smem:$0x3FB8] =	sst s2  }
0x8f: {  	_ = 	snop  }
0x90: {  	s2 =	sld [smem:$0x3FD0];
	(tm) =	ssettm $0x1  }
0x91: {  	s18 =	sld [smem:$0x3FFB];
	_ =	sdelay $0x3  }
0x92: {  	_ =	strace s18  }
0x93: {  	s3 =	sld [smem:$0x3FFC];
	_ =	sdelay $0x3  }
0x94: {  	_ =	strace s3  }
0x95: {  	s3 =	sld [smem:$0x3FFD];
	_ =	sdelay $0x3  }
0x96: {  	_ =	strace s3  }
0x97: {  	_ =	strace $0x8FFFFFFF  }
0x98: {  	s19 =	sld [smem:$0x3FDB];
	_ =	sdelay $0x1  }
0x99: {  	s4 =	simm.s32 $_scs_section_size  }
0x9a: {  	s5 =	simm.s32 $_size__tile_overlayer_lowered;
	s6 =	simm.s32 $_tile_overlayer_lowered  }
0x9b: {  	s22 =	simm.s32 $0x1BFF;
	s21 =	sshll.u32 s6, $0x1;
	s3 =	sadd.s32 s4, s19  }
0x9c: {  	s7 =	simm.s32 $0x0;
	s20 =	sshll.u32 s5, $0x1;
	s5 =	sadd.s32 s21, s3  }
0x9d: {  	[timem:s7], [sflag:s22] =	dma.local [hbm:s5], s20  }
0x9e: {  	_ =	swait.ge [sflag:s22], s20  }
0x9f: {  	s4 =	ssub.s32 $0x0, s20;
	[sflag:s22] =	ssyncset.done $0x0  }
0xa0: {  	[sflag:s22] =	ssyncadd.s32 s4;
	_ =	sdelay $0x1  }
0xa1: {  	s23 =	simm.s32 $0x1B8B  }
0xa2: {  	_ =	swait.ge [sflag:s23], $0x1  }
0xa3: {  	[sflag:s23] =	ssyncset.done $0x0  }
0xa4: {  	s25 =	simm.s32 $0x1B8E;
	s24 =	sld [smem:$0x3FFE];
	[sflag:s23] =	ssyncadd.s32 $0xFFFFFFFF  }
0xa5: {  	s26 =	simm.s32 $execute0_lowered;
	[smem:$0x3FD2] =	sst s25  }
0xa6: {  	s5 =	sshll.u32 s26, $0x1;
	_ =	strace $0x80000046;
	[dreg:$0x1] =	wrdreg $0xFFFFFFFF  }
0xa7: {  	s28 =	simm.s32 $_size_execute0_lowered;
	s3 =	sadd.s32 s3, s5;
	[dreg:$0x0] =	wrdreg $0x0  }
0xa8: {  	s5 =	sshll.u32 s28, $0x1;
	[dreg:$0x2] =	wrdreg s3  }
0xa9: {  	[dreg:$0x3] =	wrdreg s5  }
0xaa: {  	[dreg:$0x4] =	wrdreg $0xC0  }
0xab: {  	_ =	task [dreg:s7], $0x5FFFF  }
0xac: {  	[dreg:$0x1] =	wrdreg $0xFFFFFFFF  }
0xad: {  	[dreg:$0x0] =	wrdreg $0x60  }
0xae: {  	[dreg:$0x2] =	wrdreg s24  }
0xaf: {  	[dreg:$0x3] =	wrdreg s2  }
0xb0: {  	[dreg:$0x4] =	wrdreg $0x150000  }
0xb1: {  	[dreg:$0x5] =	wrdreg $0x9  }
0xb2: {  	_ =	task.clear_ibuf [dreg:s7], $0x6FFFF;
	_ =	strace $0x90000046  }
0xb3: {  	s29 =	simm.s32 $0x9;
	_ =	strace $0x80000048  }
0xb4: {  	_ =	swait.ge [sflag:s29], $0x1  }
0xb5: {  	[sflag:s29] =	ssyncadd.s32 $0xFFFFFFFF  }
0xb6: {  	_ =	strace $0x90000048  }
0xb7: {  	_ =	sfence  }
0xb8: {  	s30 =	sld [smem:$0x0];
	_ =	sdelay $0x2  }
0xb9: {  	s31 =	sshll.u32 s1, $0xD;
	s1 =	sshrl.u32 s1, $0x2  }
0xba: {  	s3 =	sand.u32 $0x4000, s31;
	s1 =	sadd.s32 s1, s30  }
0xbb: {  	s0 =	sor.u32 s3, s0;
	s1 =	sshll.u32 s1, $0x11  }
0xbc: {  	s0 =	sor.u32 s1, s0  }
0xbd: {  	s0 =	sadd.s32 $0x8F2B, s0  }
0xbe: {  	[sflag:s0] =	ssyncadd.remote.s32 $0x1  }
0xbf: {  	_ =	sfence.sel $0xFFFF  }
0xc0: {  	[dreg:$0x0] =	wrdreg $0xFFFFFFFF;
	(pc) =	sbr.abs _section_cstart, $3  }
0xc1: {  	[dreg:$0x1] =	wrdreg $0xFFFFFFFF  }
0xc2: {  	_ =	task.clear_ibuf [dreg:s7], $0x2FFFF;
	_ =	strace $0x9FFFFFFF  }
0xc3: {  	(tm) =	ssettm $0x7FFFFFFF  }
tec
execute0_lowered:
.L_overlay_start_1:
0x0: {  	(tag) =	ssettag $0x1  }
0x1: {  	s4 =	rddreg [dreg:$0x0]  }
0x2: {  	s9 =	rddreg [dreg:$0x1]  }
0x3: {  	s1 =	rddreg [dreg:$0x2]  }
0x4: {  	s0 =	rddreg [dreg:$0x3]  }
0x5: {  	s3 =	simm.s32 $0x0;
	s5 =	srdreg.scid;
	s2 =	stileid.u32  }
0x6: {  	s18 =	simm.s32 $0x50;
	s19 =	simm.s32 $0x10000;
	s20 =	simm.s32 $0x1  }
0x7: {  	s21 =	simm.s32 $0x12800;
	s22 =	simm.s32 $0x7C80;
	s23 =	simm.s32 $0xFC00  }
0x8: {  	s26 =	simm.s32 $0x0;
	[smem:$0x7FF] =	sst s3;
	s10 =	smul.u32 $0x27000, s2  }
0x9: {  	s5 =	sand.u32 $0x1, s5;
	s24 =	sshll.u32 s2, $0xC;
	s31 =	smul.u32 $0x9C00, s2  }
0xa: {  	s14 =	sadd.s32 $0x92400, s1;
	s25 =	sadd.s32 $0x10000, s9;
	p0 =	seq.s32 s2, $0xF  }
0xb: {  	_ =	strace $0x80000047;
	s6 =	smul.u32 $0x28000, s5;
	s5 =	ssub.s32 $0x2, s5  }
0xc: {  	s7 =	sadd.s32 s24, s4;
	s14 =	sshrl.u32 @p0 s14, $0x3;
	s16 =	sshll.u32 @!p0 s2, $0x6  }
0xd: {  	s8 =	sshrl.u32 s5, $0x1;
	s30 =	sshrl.u32 s10, $0x2;
	s10 =	sshrl.u32 s31, $0x3  }
0xe: {  	s16 =	sor.u32 @!p0 $0x1C02, s16;
	s11 =	sadd.s32 s6, s4;
	s12 =	ssub.s32 s5, s8  }
0xf: {  	s4 =	sadd.s32 $0x3000, s7;
	s5 =	sadd.s32 s9, s24;
	s17 =	sadd.s32 s30, s1  }
0x10: {  	s7 =	smul.u32 $0x1380, s2;
	s9 =	sadd.s32 $0x13980, s10;
	s24 =	sadd.s32 s24, s25  }
0x11: {  	s25 =	simm.s32 $0xFC80;
	s6 =	sadd.s32 $0x13000, s11;
	s8 =	sadd.s32 $0x63000, s11  }
0x12: {  	s10 =	smax.u32 s12, $0x1;
	s11 =	simm.s32 $0x2;
	s12 =	simm.s32 $0x8000  }
0x13: {  	s17 =	sshrl.u32 @!p0 s17, $0x3;
	s13 =	sadd.s32 @p0 $0x12480, s6;
	s15 =	sadd.s32 @!p0 s7, s6  }
.LBB2_1:
0x14: {  	[tilespmem:s3], [sflag:$0x2] =	stream.linear.gather [hbm4b:s4+s3], $0x7D00, $0x38;
	[tilespmem:$0x1ED00] =	vst v63  }
0x15: {  	_ =	swait.ge [sflag:s11], $0x7D00  }
0x16: {  	[sflag:s11] =	ssyncset.done $0x0  }
0x17: {  	[sflag:s11] =	ssyncadd.s32 $0xFFFF8300  }
0x18: {  	[tilespmem:s12], [sflag:$0x2] =	stream.linear.gather [hbm4b:s5+s3], $0x7D00, $0x38;
	[tilespmem:$0x1ED00] =	vst v63  }
0x19: {  	_ =	swait.ge [sflag:s11], $0x7D00  }
0x1a: {  	[sflag:s11] =	ssyncset.done $0x0  }
0x1b: {  	s28 =	simm.s32 @p0 $0x1FC2;
	[sflag:s11] =	ssyncadd.s32 $0xFFFF8300  }
0x1c: {  	[spmem:s14], [sflag:s28] =	dma.local @p0 [hbm:s13], $0x1580  }
0x1d: {  	s28 =	simm.s32 @p0 $0x2  }
0x1e: {  	_ =	swait.ge @p0 [sflag:s28], $0x1580  }
0x1f: {  	[sflag:s28] =	ssyncset.done @p0 $0x0  }
0x20: {  	[sflag:s28] =	ssyncadd.s32 @p0 $0xFFFFEA80;
	s28 =	simm.s32 @!p0 $0x2  }
0x21: {  	[spmem:s17], [sflag:s16] =	dma.local @!p0 [hbm:s15], $0x1380  }
0x22: {  	_ =	swait.ge @!p0 [sflag:s28], $0x1380  }
0x23: {  	[sflag:s28] =	ssyncset.done @!p0 $0x0  }
0x24: {  	[sflag:s28] =	ssyncadd.s32 @!p0 $0xFFFFEC80  }
0x25: {  	[bflag:$0x0] =	sbarrier.arrive $0xFFFF  }
0x26: {  	[tilespmem:s19], [sflag:$0x1] =	stream.indirect.gather [hbm4b:s6+s18], $0x80, s3, s18, $0xb8;
	[tilespmem:$0x1ED00] =	vst v63  }
0x27: {  	_ =	swait.ge [sflag:s20], $0x2800  }
0x28: {  	[sflag:s20] =	ssyncset.done $0x0  }
0x29: {  	s28 =	simm.s32 $0x80;
	[sflag:s20] =	ssyncadd.s32 $0xFFFFD800  }
0x2a: {  	[tilespmem:s21], [sflag:$0x1] =	stream.indirect.gather [hbm4b:s6+s18], $0x80, s28, s18, $0xb8;
	[tilespmem:$0x1ED00] =	vst v63  }
0x2b: {  	s28 =	simm.s32 $0x8000  }
0x2c: {  	[spmem:s1] =	stream.indirect.scatter.add.f32 [tilespmem:s19], [sflag:$0x2], $0x80, s28, s18, $0xb8;
	[tilespmem:$0x1ED00] =	vst v63  }
0x2d: {  	_ =	swait.ge [sflag:s11], $0x2800  }
0x2e: {  	[sflag:s11] =	ssyncset.done $0x0  }
0x2f: {  	[sflag:s11] =	ssyncadd.s32 $0xFFFFD800  }
0x30: {  	_ =	swait.ge [sflag:s20], $0x2800  }
0x31: {  	[sflag:s20] =	ssyncset.done $0x0  }
0x32: {  	s28 =	simm.s32 $0x100;
	[sflag:s20] =	ssyncadd.s32 $0xFFFFD800  }
0x33: {  	[tilespmem:s19], [sflag:$0x1] =	stream.indirect.gather [hbm4b:s6+s18], $0x80, s28, s18, $0xb8;
	[tilespmem:$0x1ED00] =	vst v63  }
0x34: {  	s28 =	simm.s32 $0x8080  }
0x35: {  	[spmem:s1] =	stream.indirect.scatter.add.f32 [tilespmem:s21], [sflag:$0x2], $0x80, s28, s18, $0xb8;
	[tilespmem:$0x1ED00] =	vst v63  }
0x36: {  	_ =	swait.ge [sflag:s11], $0x2800  }
0x37: {  	s28 =	simm.s32 $0x400;
	[sflag:s11] =	ssyncset.done $0x0  }
.LBB2_2:
0x38: {  	p1 =	sne.s32 s28, $0x1EC00  }
0x39: {  	[sflag:s11] =	ssyncadd.s32 $0xFFFFD800;
	s29 =	smov.u32 s28;
	s28 =	sadd.s32 $0x400, s28  }
0x3a: {  	_ = 	snop  }
0x3b: {  	_ =	swait.ge [sflag:s20], $0x2800  }
0x3c: {  	s29 =	sshra.s32 s29, $0x2;
	[sflag:s20] =	ssyncset.done $0x0  }
0x3d: {  	s30 =	sadd.s32 $0x80, s29;
	[sflag:s20] =	ssyncadd.s32 $0xFFFFD800  }
0x3e: {  	[tilespmem:s21], [sflag:$0x1] =	stream.indirect.gather [hbm4b:s6+s18], $0x80, s30, s18, $0xb8;
	[tilespmem:$0x1ED00] =	vst v63  }
0x3f: {  	s30 =	sadd.s32 $0x8000, s29  }
0x40: {  	[spmem:s1] =	stream.indirect.scatter.add.f32 [tilespmem:s19], [sflag:$0x2], $0x80, s30, s18, $0xb8;
	[tilespmem:$0x1ED00] =	vst v63  }
0x41: {  	_ =	swait.ge [sflag:s11], $0x2800  }
0x42: {  	[sflag:s11] =	ssyncset.done $0x0  }
0x43: {  	[sflag:s11] =	ssyncadd.s32 $0xFFFFD800  }
0x44: {  	_ =	swait.ge [sflag:s20], $0x2800  }
0x45: {  	[sflag:s20] =	ssyncset.done $0x0  }
0x46: {  	s30 =	sadd.s32 $0x100, s29;
	[sflag:s20] =	ssyncadd.s32 $0xFFFFD800  }
0x47: {  	[tilespmem:s19], [sflag:$0x1] =	stream.indirect.gather [hbm4b:s6+s18], $0x80, s30, s18, $0xb8;
	[tilespmem:$0x1ED00] =	vst v63  }
.Ltmp0:
0x48: {  	_ = 	snop;
	(pc) =	sbr.rel @p1 .LBB2_2-.Ltmp0, $4  }
0x49: {  	s29 =	sadd.s32 $0x8080, s29  }
0x4a: {  	[spmem:s1] =	stream.indirect.scatter.add.f32 [tilespmem:s21], [sflag:$0x2], $0x80, s29, s18, $0xb8;
	[tilespmem:$0x1ED00] =	vst v63  }
0x4b: {  	_ =	swait.ge [sflag:s11], $0x2800  }
0x4c: {  	[sflag:s11] =	ssyncset.done $0x0  }
0x4d: {  	[sflag:s11] =	ssyncadd.s32 $0xFFFFD800  }
0x4e: {  	_ =	swait.ge [sflag:s20], $0x2800  }
0x4f: {  	[sflag:s20] =	ssyncset.done $0x0  }
0x50: {  	[sflag:s20] =	ssyncadd.s32 $0xFFFFD800  }
0x51: {  	[tilespmem:s21], [sflag:$0x1] =	stream.indirect.gather [hbm4b:s6+s18], $0x80, s22, s18, $0xb8;
	[tilespmem:$0x1ED00] =	vst v63  }
0x52: {  	_ = 	snop  }
0x53: {  	[spmem:s1] =	stream.indirect.scatter.add.f32 [tilespmem:s19], [sflag:$0x2], $0x80, s23, s18, $0xb8;
	[tilespmem:$0x1ED00] =	vst v63  }
0x54: {  	_ =	swait.ge [sflag:s11], $0x2800  }
0x55: {  	[sflag:s11] =	ssyncset.done $0x0  }
0x56: {  	[sflag:s11] =	ssyncadd.s32 $0xFFFFD800  }
0x57: {  	_ =	swait.ge [sflag:s20], $0x2800  }
0x58: {  	[sflag:s20] =	ssyncset.done $0x0  }
0x59: {  	[sflag:s20] =	ssyncadd.s32 $0xFFFFD800  }
0x5a: {  	[spmem:s1] =	stream.indirect.scatter.add.f32 [tilespmem:s21], [sflag:$0x2], $0x80, s25, s18, $0xb8;
	[tilespmem:$0x1ED00] =	vst v63  }
0x5b: {  	_ =	swait.ge [sflag:s11], $0x2800  }
0x5c: {  	[sflag:s11] =	ssyncset.done $0x0  }
0x5d: {  	[sflag:s11] =	ssyncadd.s32 $0xFFFFD800  }
0x5e: {  	s28 =	sadd.s32 @p0 $0x12480, s8;
	s29 =	simm.s32 @p0 $0x1FC2;
	[bflag:$0x0] =	sbarrier.arrive $0xFFFF  }
0x5f: {  	[hbm:s28], [sflag:s29] =	dma.local @p0 [spmem:s14], $0x1500  }
0x60: {  	s28 =	simm.s32 @p0 $0x2  }
0x61: {  	_ =	swait.ge @p0 [sflag:s28], $0x1500  }
0x62: {  	[sflag:s28] =	ssyncset.done @p0 $0x0  }
0x63: {  	s30 =	sadd.s32 @!p0 s7, s8;
	[sflag:s28] =	ssyncadd.s32 @p0 $0xFFFFEB00  }
0x64: {  	[hbm:s30], [sflag:s16] =	dma.local @!p0 [spmem:s17], $0x1380  }
0x65: {  	s30 =	simm.s32 @!p0 $0x2  }
0x66: {  	_ =	swait.ge @!p0 [sflag:s30], $0x1380  }
0x67: {  	[sflag:s30] =	ssyncset.done @!p0 $0x0  }
0x68: {  	[sflag:s30] =	ssyncadd.s32 @!p0 $0xFFFFEC80  }
0x69: {  	[bflag:$0x0] =	sbarrier.arrive $0xFFFF  }
0x6a: {  	[tilespmem:s12], [sflag:$0x2] =	stream.linear.gather [hbm4b:s24+s3], $0x7D00, $0x38;
	[tilespmem:$0x1ED00] =	vst v63  }
0x6b: {  	_ =	swait.ge [sflag:s11], $0x7D00  }
0x6c: {  	[sflag:s11] =	ssyncset.done $0x0  }
0x6d: {  	s31 =	sadd.s32 @p0 $0x25E00, s6;
	[sflag:s11] =	ssyncadd.s32 $0xFFFF8300  }
0x6e: {  	[spmem:s14], [sflag:s29] =	dma.local @p0 [hbm:s31], $0x1580  }
0x6f: {  	_ =	swait.ge @p0 [sflag:s28], $0x1580  }
0x70: {  	[sflag:s28] =	ssyncset.done @p0 $0x0  }
0x71: {  	[sflag:s28] =	ssyncadd.s32 @p0 $0xFFFFEA80;
	s28 =	sadd.s32 @!p0 s9, s6  }
0x72: {  	[spmem:s17], [sflag:s16] =	dma.local @!p0 [hbm:s28], $0x1380  }
0x73: {  	_ =	swait.ge @!p0 [sflag:s30], $0x1380  }
0x74: {  	[sflag:s30] =	ssyncset.done @!p0 $0x0  }
0x75: {  	[sflag:s30] =	ssyncadd.s32 @!p0 $0xFFFFEC80  }
0x76: {  	s28 =	simm.s32 $0x0;
	[bflag:$0x0] =	sbarrier.arrive $0xFFFF  }
0x77: {  	[tilespmem:s19], [sflag:$0x1] =	stream.indirect.gather [hbm4b:s6+s18], $0x80, s28, s18, $0xb8;
	[tilespmem:$0x1ED00] =	vst v63  }
0x78: {  	_ =	swait.ge [sflag:s20], $0x2800  }
0x79: {  	[sflag:s20] =	ssyncset.done $0x0  }
0x7a: {  	s28 =	simm.s32 $0x80;
	[sflag:s20] =	ssyncadd.s32 $0xFFFFD800  }
0x7b: {  	[tilespmem:s21], [sflag:$0x1] =	stream.indirect.gather [hbm4b:s6+s18], $0x80, s28, s18, $0xb8;
	[tilespmem:$0x1ED00] =	vst v63  }
0x7c: {  	s28 =	simm.s32 $0x8000  }
0x7d: {  	[spmem:s1] =	stream.indirect.scatter.add.f32 [tilespmem:s19], [sflag:$0x2], $0x80, s28, s18, $0xb8;
	[tilespmem:$0x1ED00] =	vst v63  }
0x7e: {  	_ =	swait.ge [sflag:s11], $0x2800  }
0x7f: {  	[sflag:s11] =	ssyncset.done $0x0  }
0x80: {  	[sflag:s11] =	ssyncadd.s32 $0xFFFFD800  }
0x81: {  	_ =	swait.ge [sflag:s20], $0x2800  }
0x82: {  	[sflag:s20] =	ssyncset.done $0x0  }
0x83: {  	s28 =	simm.s32 $0x100;
	[sflag:s20] =	ssyncadd.s32 $0xFFFFD800  }
0x84: {  	[tilespmem:s19], [sflag:$0x1] =	stream.indirect.gather [hbm4b:s6+s18], $0x80, s28, s18, $0xb8;
	[tilespmem:$0x1ED00] =	vst v63  }
0x85: {  	s28 =	simm.s32 $0x8080  }
0x86: {  	[spmem:s1] =	stream.indirect.scatter.add.f32 [tilespmem:s21], [sflag:$0x2], $0x80, s28, s18, $0xb8;
	[tilespmem:$0x1ED00] =	vst v63  }
0x87: {  	_ =	swait.ge [sflag:s11], $0x2800  }
0x88: {  	s28 =	simm.s32 $0x400;
	[sflag:s11] =	ssyncset.done $0x0  }
.LBB2_4:
0x89: {  	p1 =	sne.s32 s28, $0x1EC00  }
0x8a: {  	[sflag:s11] =	ssyncadd.s32 $0xFFFFD800;
	s29 =	smov.u32 s28;
	s28 =	sadd.s32 $0x400, s28  }
0x8b: {  	_ = 	snop  }
0x8c: {  	_ =	swait.ge [sflag:s20], $0x2800  }
0x8d: {  	s29 =	sshra.s32 s29, $0x2;
	[sflag:s20] =	ssyncset.done $0x0  }
0x8e: {  	s30 =	sadd.s32 $0x80, s29;
	[sflag:s20] =	ssyncadd.s32 $0xFFFFD800  }
0x8f: {  	[tilespmem:s21], [sflag:$0x1] =	stream.indirect.gather [hbm4b:s6+s18], $0x80, s30, s18, $0xb8;
	[tilespmem:$0x1ED00] =	vst v63  }
0x90: {  	s30 =	sadd.s32 $0x8000, s29  }
0x91: {  	[spmem:s1] =	stream.indirect.scatter.add.f32 [tilespmem:s19], [sflag:$0x2], $0x80, s30, s18, $0xb8;
	[tilespmem:$0x1ED00] =	vst v63  }
0x92: {  	_ =	swait.ge [sflag:s11], $0x2800  }
0x93: {  	[sflag:s11] =	ssyncset.done $0x0  }
0x94: {  	[sflag:s11] =	ssyncadd.s32 $0xFFFFD800  }
0x95: {  	_ =	swait.ge [sflag:s20], $0x2800  }
0x96: {  	[sflag:s20] =	ssyncset.done $0x0  }
0x97: {  	s30 =	sadd.s32 $0x100, s29;
	[sflag:s20] =	ssyncadd.s32 $0xFFFFD800  }
0x98: {  	[tilespmem:s19], [sflag:$0x1] =	stream.indirect.gather [hbm4b:s6+s18], $0x80, s30, s18, $0xb8;
	[tilespmem:$0x1ED00] =	vst v63  }
.Ltmp1:
0x99: {  	_ = 	snop;
	(pc) =	sbr.rel @p1 .LBB2_4-.Ltmp1, $4  }
0x9a: {  	s29 =	sadd.s32 $0x8080, s29  }
0x9b: {  	[spmem:s1] =	stream.indirect.scatter.add.f32 [tilespmem:s21], [sflag:$0x2], $0x80, s29, s18, $0xb8;
	[tilespmem:$0x1ED00] =	vst v63  }
0x9c: {  	_ =	swait.ge [sflag:s11], $0x2800  }
0x9d: {  	[sflag:s11] =	ssyncset.done $0x0  }
0x9e: {  	[sflag:s11] =	ssyncadd.s32 $0xFFFFD800  }
0x9f: {  	_ =	swait.ge [sflag:s20], $0x2800  }
0xa0: {  	[sflag:s20] =	ssyncset.done $0x0  }
0xa1: {  	[sflag:s20] =	ssyncadd.s32 $0xFFFFD800  }
0xa2: {  	[tilespmem:s21], [sflag:$0x1] =	stream.indirect.gather [hbm4b:s6+s18], $0x80, s22, s18, $0xb8;
	[tilespmem:$0x1ED00] =	vst v63  }
0xa3: {  	_ = 	snop  }
0xa4: {  	[spmem:s1] =	stream.indirect.scatter.add.f32 [tilespmem:s19], [sflag:$0x2], $0x80, s23, s18, $0xb8;
	[tilespmem:$0x1ED00] =	vst v63  }
0xa5: {  	_ =	swait.ge [sflag:s11], $0x2800  }
0xa6: {  	[sflag:s11] =	ssyncset.done $0x0  }
0xa7: {  	[sflag:s11] =	ssyncadd.s32 $0xFFFFD800  }
0xa8: {  	_ =	swait.ge [sflag:s20], $0x2800  }
0xa9: {  	[sflag:s20] =	ssyncset.done $0x0  }
0xaa: {  	[sflag:s20] =	ssyncadd.s32 $0xFFFFD800  }
0xab: {  	[spmem:s1] =	stream.indirect.scatter.add.f32 [tilespmem:s21], [sflag:$0x2], $0x80, s25, s18, $0xb8;
	[tilespmem:$0x1ED00] =	vst v63  }
0xac: {  	_ =	swait.ge [sflag:s11], $0x2800  }
0xad: {  	[sflag:s11] =	ssyncset.done $0x0  }
0xae: {  	[sflag:s11] =	ssyncadd.s32 $0xFFFFD800  }
0xaf: {  	s28 =	sadd.s32 @p0 $0x25E00, s8;
	s29 =	simm.s32 @p0 $0x1FC2;
	[bflag:$0x0] =	sbarrier.arrive $0xFFFF  }
0xb0: {  	[hbm:s28], [sflag:s29] =	dma.local @p0 [spmem:s14], $0x1500  }
0xb1: {  	s28 =	simm.s32 @p0 $0x2  }
0xb2: {  	_ =	swait.ge @p0 [sflag:s28], $0x1500  }
0xb3: {  	[sflag:s28] =	ssyncset.done @p0 $0x0  }
0xb4: {  	s26 =	sadd.s32 $0x1, s26;
	[sflag:s28] =	ssyncadd.s32 @p0 $0xFFFFEB00;
	s28 =	sadd.s32 @!p0 s9, s8  }
0xb5: {  	[hbm:s28], [sflag:s16] =	dma.local @!p0 [spmem:s17], $0x1380  }
0xb6: {  	p1 =	sne.s32 s26, s10;
	s28 =	simm.s32 @!p0 $0x2  }
.Ltmp2:
0xb7: {  	_ =	swait.ge @!p0 [sflag:s28], $0x1380;
	(pc) =	sbr.rel @p1 .LBB2_1-.Ltmp2, $3  }
0xb8: {  	[sflag:s28] =	ssyncset.done @!p0 $0x0  }
0xb9: {  	[sflag:s28] =	ssyncadd.s32 @!p0 $0xFFFFEC80  }
0xba: {  	[bflag:$0x0] =	sbarrier.arrive $0xFFFF;
	_ =	sdelay $0x1  }
0xbb: {  	_ =	sfence.sel $0x180000  }
0xbc: {  	[bflag:$0x0] =	sbarrier.arrive $0xFFFF  }
0xbd: {  	p0 =	sne.s32 s2, $0x0;
	_ =	strace $0x90000047  }
0xbe: {  	s0 =	sadd.s32 @!p0 $0x100000, s0;
	[bflag:$0x2] =	sbarrier.arrive $0xFFFF  }
0xbf: {  	[sflag:s0] =	ssyncadd.tile.s32 @!p0 $0x1;
	_ =	shalt  }
.Lfunc_end2:
_tile_overlayer_lowered:
.L_overlay_start_2:
0xc0: {  	(tag) =	ssettag $0x2  }
0xc1: {  	s0 =	rddreg [dreg:$0x0];
	s2 =	stileid.u32  }
0xc2: {  	s1 =	rddreg [dreg:$0x1];
	p0 =	sne.s32 s2, $0x0  }
0xc3: {  	s3 =	rddreg [dreg:$0x2];
	[bflag:$0x3] =	sbarrier.arrive $0xFFFF;
	s2 =	simm.s32 @!p0 $0x1C02  }
0xc4: {  	[timem:s3], [sflag:s2] =	dma.local @!p0 [hbm:s0], s1  }
0xc5: {  	s0 =	simm.s32 @!p0 $0x2  }
0xc6: {  	_ =	swait.ge @!p0 [sflag:s0], s1  }
0xc7: {  	s1 =	ssub.s32 @!p0 $0x0, s1;
	[sflag:s0] =	ssyncset.done @!p0 $0x0  }
0xc8: {  	[sflag:s0] =	ssyncadd.s32 @!p0 s1  }
0xc9: {  	[bflag:$0x3] =	sbarrier.arrive $0xFFFF  }
0xca: {  	_ =	shalt  }

</sc_bundles>
